<compile_context>
chip_gen: v7x
topology: tpu7x:2x2x1
jax: 0.10.2.dev20260603
libtpu: 0.0.44.dev20260713+nightly
codegen_flags: <defaults>
</compile_context>

<pallas_src>
import functools

import jax
import jax.numpy as jnp
from jax import lax
from jax.experimental import pallas as pl
from jax.experimental.pallas import tpu as pltpu
from jax.experimental.pallas import tpu_sc as plsc

B, T, D = 4, 8192, 768
PAD = 100000
NC, NS = 2, 16
NW = NC * NS
PW = T // NW
C = 32
NCH = PW // C
KV = D // 16
NIT = NCH * B

_DN = lax.GatherDimensionNumbers(
    offset_dims=(), collapsed_slice_dims=(0,), start_index_map=(0,))

_mesh = plsc.VectorSubcoreMesh(core_axis_name="c", subcore_axis_name="s")


@functools.partial(
    pl.kernel,
    out_type=jax.ShapeDtypeStruct((B * T, D), jnp.float32),
    mesh=_mesh,
    scratch_types=[
        pltpu.VMEM((B, PW), jnp.int32),
        pltpu.VMEM((4, C), jnp.int32),
        pltpu.VMEM((4, C), jnp.float32),
        pltpu.VMEM((C, D), jnp.float32),
        pltpu.VMEM((4, C, D), jnp.float32),
        pltpu.SemaphoreType.DMA,
        pltpu.SemaphoreType.DMA((4,)),
        pltpu.SemaphoreType.DMA((4,)),
        pltpu.SemaphoreType.DMA,
    ],
)
def _emb_lookup(x_hbm, emb_hbm, pos_hbm, out_hbm,
                idxall, idxs4, mask4, pbuf, ebuf, isem, gsem, osem, psem):
    wid = lax.axis_index("s") * NC + lax.axis_index("c")
    pos_base = wid * PW

    def prep(it, slot):
        b, pc = it % B, it // B
        padv = jnp.zeros((16,), jnp.int32)
        for k in range(C // 16):
            sl = pl.ds(k * 16, 16)
            v = idxall[b, pl.ds(pc * C + k * 16, 16)]
            ispad = v == PAD
            idxs4[slot, sl] = jnp.where(ispad, 0, v)
            mask4[slot, sl] = jnp.where(ispad, 1.0, 0.0)
            padv = padv | jnp.where(ispad, 1, 0)
        lanes = lax.iota(jnp.int32, 16)
        for sh in (8, 4, 2, 1):
            perm = ((lanes + sh) & 15)[:, None]
            padv = padv | lax.gather(
                padv, perm, _DN, (1,),
                mode=lax.GatherScatterMode.PROMISE_IN_BOUNDS)
        return padv[0]

    def start_gather(slot):
        pltpu.async_copy(emb_hbm.at[idxs4.at[slot]], ebuf.at[slot],
                         gsem.at[slot])

    def wait_gather(slot):
        pltpu.make_async_copy(emb_hbm.at[idxs4.at[slot]], ebuf.at[slot],
                              gsem.at[slot]).wait()

    def start_pos(pc):
        pltpu.async_copy(pos_hbm.at[pl.ds(pos_base + pc * C, C)], pbuf, psem)

    def wait_pos():
        pltpu.make_async_copy(pos_hbm.at[pl.ds(0, C)], pbuf, psem).wait()

    def start_out(it, slot):
        flat0 = (it % B) * T + pos_base + (it // B) * C
        pltpu.async_copy(ebuf.at[slot], out_hbm.at[pl.ds(flat0, C)],
                         osem.at[slot])

    def wait_out(slot):
        pltpu.make_async_copy(ebuf.at[slot], out_hbm.at[pl.ds(0, C)],
                              osem.at[slot]).wait()

    def rare_fix(slot, anypad):
        @pl.when(anypad != 0)
        def _():
            def rrow(r, c2):
                g16 = pl.multiple_of((r // 16) * 16, 16)
                mv = mask4[slot, pl.ds(g16, 16)]
                m = lax.gather(
                    mv, jnp.full((16, 1), r % 16, jnp.int32), _DN, (1,),
                    mode=lax.GatherScatterMode.PROMISE_IN_BOUNDS)
                km = 1.0 - m

                def rk(k, c3):
                    sl = pl.ds(pl.multiple_of(k * 16, 16), 16)
                    ebuf[slot, r, sl] = (km * ebuf[slot, r, sl]
                                         + m * pbuf[r, sl])
                    return c3

                lax.fori_loop(0, KV, rk, 0)
                return c2

            lax.fori_loop(0, C, rrow, 0)

    def fused_compute(slotA, slotB, apA, apB):
        @plsc.parallel_loop(0, C, 1)
        def crow(r):
            for k in range(KV):
                sl = pl.ds(k * 16, 16)
                v = pbuf[r, sl]
                plsc.addupdate(ebuf.at[slotA, r, sl], v)
                plsc.addupdate(ebuf.at[slotB, r, sl], v)

        rare_fix(slotA, apA)
        rare_fix(slotB, apB)

    for b in range(B):
        pltpu.async_copy(x_hbm.at[pl.ds(b * T + pos_base, PW)],
                         idxall.at[b], isem)
    for b in range(B):
        pltpu.make_async_copy(x_hbm.at[pl.ds(b * T + pos_base, PW)],
                              idxall.at[b], isem).wait()
    start_pos(0)
    apA0 = prep(0, 0)
    start_gather(0)
    apA1 = prep(1, 1)
    start_gather(1)

    def body(s, carry):
        a0, a1 = carry
        it0 = 4 * s

        wait_pos()
        wait_gather(0)
        wait_gather(1)

        @pl.when(s > 0)
        def _():
            wait_out(2)
            wait_out(3)

        a2 = prep(it0 + 2, 2)
        a3 = prep(it0 + 3, 3)
        start_gather(2)
        start_gather(3)

        fused_compute(0, 1, a0, a1)
        start_out(it0, 0)
        start_out(it0 + 1, 1)

        an0 = prep(jnp.minimum(it0 + 4, NIT - 1), 0)
        an1 = prep(jnp.minimum(it0 + 5, NIT - 1), 1)

        @pl.when(s < NCH - 1)
        def _():
            wait_out(0)
            wait_out(1)
            start_gather(0)
            start_gather(1)

        wait_gather(2)
        wait_gather(3)
        fused_compute(2, 3, a2, a3)
        start_out(it0 + 2, 2)
        start_out(it0 + 3, 3)

        @pl.when(s < NCH - 1)
        def _():
            start_pos(s + 1)

        return (an0, an1)

    lax.fori_loop(0, NCH, body, (apA0, apA1))

    wait_out(0)
    wait_out(1)
    wait_out(2)
    wait_out(3)


def kernel(x, emb_table, pos_table):
    out = _emb_lookup(x.reshape(-1).astype(jnp.int32), emb_table, pos_table)
    return out.reshape(B, T, D)

# --- scband reference (transcript-rebuilt; emitter-appended) ---
"""Pipeline reference for scband-transformer-2800318677736 (READ-ONLY COPY).

The authoritative reference and input builder live on the scoring server;
editing this copy changes nothing except your own understanding.
"""

import jax, jax.numpy as jnp
import numpy as np

VOCAB = 100000
D_MODEL = 768
BLOCK = 8192
PAD_IDX = 100000
B, T = 4, 8192


def setup_inputs(seed: int = 0) -> dict:
    key = jax.random.key(seed)
    k1, k2, k3 = jax.random.split(key, 3)
    # token indices in [0, VOCAB], where value == PAD_IDX (=VOCAB) marks padding
    x = jax.random.randint(k1, (B, T), 0, PAD_IDX + 1, dtype=jnp.int64 if jax.config.jax_enable_x64 else jnp.int32)
    emb_table = jax.random.normal(k2, (VOCAB, D_MODEL), dtype=jnp.float32) * 0.02
    pos_table = jax.random.normal(k3, (BLOCK, D_MODEL), dtype=jnp.float32) * 0.02
    return {"x": x, "emb_table": emb_table, "pos_table": pos_table}


def reference(x, emb_table, pos_table):
    # EmbeddingWithPadding.calc_embeddings: indices == pad_idx -> zero vector
    pad_mask = (x == PAD_IDX)
    safe_indices = jnp.where(pad_mask, 0, x)
    tok_emb = jnp.take(emb_table, safe_indices, axis=0)  # gather -> (B, T, D)
    tok_emb = jnp.where(pad_mask[..., None], jnp.zeros_like(tok_emb), tok_emb)
    # learned positional embedding: pos = arange(T); pos_emb = pos_table[pos]
    t = x.shape[1]
    pos = jnp.arange(0, t)
    pos_emb = jnp.take(pos_table, pos, axis=0)  # (T, D)
    out = tok_emb + pos_emb[None, :, :]
    # dropout p=0.0 is identity in eval/train
    return out

if __name__ == "__main__":
    import jax
    _d = setup_inputs()
    print(jax.jit(kernel)(*tuple(_d.values())))

</pallas_src>

<mosaic_0001>
#map = affine_map<(d0, d1) -> (0)>
#map1 = affine_map<(d0, d1) -> (0, 0)>
module attributes {stable_mosaic.version = 14 : i64} {
  func.func @_emb_lookup(%arg0: i32, %arg1: i32, %arg2: memref<32768xi32, #tpu.memory_space<hbm>>, %arg3: memref<100000x768xf32, #tpu.memory_space<hbm>>, %arg4: memref<8192x768xf32, #tpu.memory_space<hbm>>, %arg5: memref<32768x768xf32, #tpu.memory_space<hbm>>, %arg6: memref<4x256xi32, #tpu.memory_space<vmem>>, %arg7: memref<4x32xi32, #tpu.memory_space<vmem>>, %arg8: memref<4x32xf32, #tpu.memory_space<vmem>>, %arg9: memref<32x768xf32, #tpu.memory_space<vmem>>, %arg10: memref<4x32x768xf32, #tpu.memory_space<vmem>>, %arg11: memref<!tpu.dma_semaphore, #tpu.memory_space<semaphore_mem>>, %arg12: memref<4x!tpu.dma_semaphore, #tpu.memory_space<semaphore_mem>>, %arg13: memref<4x!tpu.dma_semaphore, #tpu.memory_space<semaphore_mem>>, %arg14: memref<!tpu.dma_semaphore, #tpu.memory_space<semaphore_mem>>) attributes {dimension_semantics = [#tpu.dimension_semantics<core_parallel>, #tpu.dimension_semantics<subcore_parallel>], iteration_bounds = array<i64: 2, 16>, scalar_prefetch = 0 : i64, scratch_operands = 9 : i64, tpu.core_type = #tpu.core_type<sc_vector_subcore>, window_params = [{transform_indices = #map}, {transform_indices = #map1}, {transform_indices = #map1}, {transform_indices = #map1}]} {
    %mul3A = arith.constant 2 : i32
    %mul3A_0 = arith.muli %arg1, %mul3A : i32
    %add3A = arith.addi %mul3A_0, %arg0 : i32
    %mul3A_1 = arith.constant 256 : i32
    %mul3A_2 = arith.muli %add3A, %mul3A_1 : i32
    %add3A_3 = arith.constant 0 : i32
    %add3A_4 = arith.addi %add3A_3, %mul3A_2 : i32
    %dma_start3A = arith.constant 0 : i32
    %dma_start3A_5 = arith.constant 0 : i32
    %dma_start3A_6 = tpu.memref_slice %arg6[%dma_start3A, %dma_start3A_5] : memref<4x256xi32, #tpu.memory_space<vmem>> -> memref<1x256xi32, #tpu.memory_space<vmem>>
    %dma_start3A_7 = tpu.memref_squeeze %dma_start3A_6 : memref<1x256xi32, #tpu.memory_space<vmem>> -> memref<256xi32, #tpu.memory_space<vmem>>
    %dma_start3A_8 = tpu.memref_slice %arg2[%add3A_4] : memref<32768xi32, #tpu.memory_space<hbm>> -> memref<256xi32, #tpu.memory_space<hbm>>
    %dma_start3A_9 = arith.constant 0 : i32
    %dma_start3A_10 = tpu.memref_slice %arg6[%dma_start3A, %dma_start3A_9] : memref<4x256xi32, #tpu.memory_space<vmem>> -> memref<1x256xi32, #tpu.memory_space<vmem>>
    %dma_start3A_11 = tpu.memref_squeeze %dma_start3A_10 : memref<1x256xi32, #tpu.memory_space<vmem>> -> memref<256xi32, #tpu.memory_space<vmem>>
    %dma_start3A_12 = tpu.memref_slice %arg2[%add3A_4] : memref<32768xi32, #tpu.memory_space<hbm>> -> memref<256xi32, #tpu.memory_space<hbm>>
    tpu.enqueue_dma source(%dma_start3A_12 : memref<256xi32, #tpu.memory_space<hbm>>) target(%dma_start3A_11 : memref<256xi32, #tpu.memory_space<vmem>>) target_semaphore(%arg11 : memref<!tpu.dma_semaphore, #tpu.memory_space<semaphore_mem>>)
    %add3A_13 = arith.constant 8192 : i32
    %add3A_14 = arith.addi %add3A_13, %mul3A_2 : i32
    %dma_start3A_15 = arith.constant 1 : i32
    %dma_start3A_16 = arith.constant 0 : i32
    %dma_start3A_17 = tpu.memref_slice %arg6[%dma_start3A_15, %dma_start3A_16] : memref<4x256xi32, #tpu.memory_space<vmem>> -> memref<1x256xi32, #tpu.memory_space<vmem>>
    %dma_start3A_18 = tpu.memref_squeeze %dma_start3A_17 : memref<1x256xi32, #tpu.memory_space<vmem>> -> memref<256xi32, #tpu.memory_space<vmem>>
    %dma_start3A_19 = tpu.memref_slice %arg2[%add3A_14] : memref<32768xi32, #tpu.memory_space<hbm>> -> memref<256xi32, #tpu.memory_space<hbm>>
    %dma_start3A_20 = arith.constant 0 : i32
    %dma_start3A_21 = tpu.memref_slice %arg6[%dma_start3A_15, %dma_start3A_20] : memref<4x256xi32, #tpu.memory_space<vmem>> -> memref<1x256xi32, #tpu.memory_space<vmem>>
    %dma_start3A_22 = tpu.memref_squeeze %dma_start3A_21 : memref<1x256xi32, #tpu.memory_space<vmem>> -> memref<256xi32, #tpu.memory_space<vmem>>
    %dma_start3A_23 = tpu.memref_slice %arg2[%add3A_14] : memref<32768xi32, #tpu.memory_space<hbm>> -> memref<256xi32, #tpu.memory_space<hbm>>
    tpu.enqueue_dma source(%dma_start3A_23 : memref<256xi32, #tpu.memory_space<hbm>>) target(%dma_start3A_22 : memref<256xi32, #tpu.memory_space<vmem>>) target_semaphore(%arg11 : memref<!tpu.dma_semaphore, #tpu.memory_space<semaphore_mem>>)
    %add3A_24 = arith.constant 16384 : i32
    %add3A_25 = arith.addi %add3A_24, %mul3A_2 : i32
    %dma_start3A_26 = arith.constant 2 : i32
    %dma_start3A_27 = arith.constant 0 : i32
    %dma_start3A_28 = tpu.memref_slice %arg6[%dma_start3A_26, %dma_start3A_27] : memref<4x256xi32, #tpu.memory_space<vmem>> -> memref<1x256xi32, #tpu.memory_space<vmem>>
    %dma_start3A_29 = tpu.memref_squeeze %dma_start3A_28 : memref<1x256xi32, #tpu.memory_space<vmem>> -> memref<256xi32, #tpu.memory_space<vmem>>
    %dma_start3A_30 = tpu.memref_slice %arg2[%add3A_25] : memref<32768xi32, #tpu.memory_space<hbm>> -> memref<256xi32, #tpu.memory_space<hbm>>
    %dma_start3A_31 = arith.constant 0 : i32
    %dma_start3A_32 = tpu.memref_slice %arg6[%dma_start3A_26, %dma_start3A_31] : memref<4x256xi32, #tpu.memory_space<vmem>> -> memref<1x256xi32, #tpu.memory_space<vmem>>
    %dma_start3A_33 = tpu.memref_squeeze %dma_start3A_32 : memref<1x256xi32, #tpu.memory_space<vmem>> -> memref<256xi32, #tpu.memory_space<vmem>>
    %dma_start3A_34 = tpu.memref_slice %arg2[%add3A_25] : memref<32768xi32, #tpu.memory_space<hbm>> -> memref<256xi32, #tpu.memory_space<hbm>>
    tpu.enqueue_dma source(%dma_start3A_34 : memref<256xi32, #tpu.memory_space<hbm>>) target(%dma_start3A_33 : memref<256xi32, #tpu.memory_space<vmem>>) target_semaphore(%arg11 : memref<!tpu.dma_semaphore, #tpu.memory_space<semaphore_mem>>)
    %add3A_35 = arith.constant 24576 : i32
    %add3A_36 = arith.addi %add3A_35, %mul3A_2 : i32
    %dma_start3A_37 = arith.constant 3 : i32
    %dma_start3A_38 = arith.constant 0 : i32
    %dma_start3A_39 = tpu.memref_slice %arg6[%dma_start3A_37, %dma_start3A_38] : memref<4x256xi32, #tpu.memory_space<vmem>> -> memref<1x256xi32, #tpu.memory_space<vmem>>
    %dma_start3A_40 = tpu.memref_squeeze %dma_start3A_39 : memref<1x256xi32, #tpu.memory_space<vmem>> -> memref<256xi32, #tpu.memory_space<vmem>>
    %dma_start3A_41 = tpu.memref_slice %arg2[%add3A_36] : memref<32768xi32, #tpu.memory_space<hbm>> -> memref<256xi32, #tpu.memory_space<hbm>>
    %dma_start3A_42 = arith.constant 0 : i32
    %dma_start3A_43 = tpu.memref_slice %arg6[%dma_start3A_37, %dma_start3A_42] : memref<4x256xi32, #tpu.memory_space<vmem>> -> memref<1x256xi32, #tpu.memory_space<vmem>>
    %dma_start3A_44 = tpu.memref_squeeze %dma_start3A_43 : memref<1x256xi32, #tpu.memory_space<vmem>> -> memref<256xi32, #tpu.memory_space<vmem>>
    %dma_start3A_45 = tpu.memref_slice %arg2[%add3A_36] : memref<32768xi32, #tpu.memory_space<hbm>> -> memref<256xi32, #tpu.memory_space<hbm>>
    tpu.enqueue_dma source(%dma_start3A_45 : memref<256xi32, #tpu.memory_space<hbm>>) target(%dma_start3A_44 : memref<256xi32, #tpu.memory_space<vmem>>) target_semaphore(%arg11 : memref<!tpu.dma_semaphore, #tpu.memory_space<semaphore_mem>>)
    %add3A_46 = arith.constant 0 : i32
    %add3A_47 = arith.addi %add3A_46, %mul3A_2 : i32
    %dma_wait3A = arith.constant 0 : i32
    %dma_wait3A_48 = arith.constant 0 : i32
    %dma_wait3A_49 = tpu.memref_slice %arg6[%dma_wait3A, %dma_wait3A_48] : memref<4x256xi32, #tpu.memory_space<vmem>> -> memref<1x256xi32, #tpu.memory_space<vmem>>
    %dma_wait3A_50 = tpu.memref_squeeze %dma_wait3A_49 : memref<1x256xi32, #tpu.memory_space<vmem>> -> memref<256xi32, #tpu.memory_space<vmem>>
    %dma_wait3A_51 = tpu.memref_slice %arg2[%add3A_47] : memref<32768xi32, #tpu.memory_space<hbm>> -> memref<256xi32, #tpu.memory_space<hbm>>
    %dma_wait3A_52 = arith.constant 0 : i32
    %dma_wait3A_53 = tpu.memref_slice %arg6[%dma_wait3A, %dma_wait3A_52] : memref<4x256xi32, #tpu.memory_space<vmem>> -> memref<1x256xi32, #tpu.memory_space<vmem>>
    %dma_wait3A_54 = tpu.memref_squeeze %dma_wait3A_53 : memref<1x256xi32, #tpu.memory_space<vmem>> -> memref<256xi32, #tpu.memory_space<vmem>>
    %dma_wait3A_55 = tpu.memref_slice %arg2[%add3A_47] : memref<32768xi32, #tpu.memory_space<hbm>> -> memref<256xi32, #tpu.memory_space<hbm>>
    tpu.wait_dma2 semaphore(%arg11 : memref<!tpu.dma_semaphore, #tpu.memory_space<semaphore_mem>>) src(%dma_wait3A_55 : memref<256xi32, #tpu.memory_space<hbm>>) dst(%dma_wait3A_54 : memref<256xi32, #tpu.memory_space<vmem>>)
    %add3A_56 = arith.constant 8192 : i32
    %add3A_57 = arith.addi %add3A_56, %mul3A_2 : i32
    %dma_wait3A_58 = arith.constant 1 : i32
    %dma_wait3A_59 = arith.constant 0 : i32
    %dma_wait3A_60 = tpu.memref_slice %arg6[%dma_wait3A_58, %dma_wait3A_59] : memref<4x256xi32, #tpu.memory_space<vmem>> -> memref<1x256xi32, #tpu.memory_space<vmem>>
    %dma_wait3A_61 = tpu.memref_squeeze %dma_wait3A_60 : memref<1x256xi32, #tpu.memory_space<vmem>> -> memref<256xi32, #tpu.memory_space<vmem>>
    %dma_wait3A_62 = tpu.memref_slice %arg2[%add3A_57] : memref<32768xi32, #tpu.memory_space<hbm>> -> memref<256xi32, #tpu.memory_space<hbm>>
    %dma_wait3A_63 = arith.constant 0 : i32
    %dma_wait3A_64 = tpu.memref_slice %arg6[%dma_wait3A_58, %dma_wait3A_63] : memref<4x256xi32, #tpu.memory_space<vmem>> -> memref<1x256xi32, #tpu.memory_space<vmem>>
    %dma_wait3A_65 = tpu.memref_squeeze %dma_wait3A_64 : memref<1x256xi32, #tpu.memory_space<vmem>> -> memref<256xi32, #tpu.memory_space<vmem>>
    %dma_wait3A_66 = tpu.memref_slice %arg2[%add3A_57] : memref<32768xi32, #tpu.memory_space<hbm>> -> memref<256xi32, #tpu.memory_space<hbm>>
    tpu.wait_dma2 semaphore(%arg11 : memref<!tpu.dma_semaphore, #tpu.memory_space<semaphore_mem>>) src(%dma_wait3A_66 : memref<256xi32, #tpu.memory_space<hbm>>) dst(%dma_wait3A_65 : memref<256xi32, #tpu.memory_space<vmem>>)
    %add3A_67 = arith.constant 16384 : i32
    %add3A_68 = arith.addi %add3A_67, %mul3A_2 : i32
    %dma_wait3A_69 = arith.constant 2 : i32
    %dma_wait3A_70 = arith.constant 0 : i32
    %dma_wait3A_71 = tpu.memref_slice %arg6[%dma_wait3A_69, %dma_wait3A_70] : memref<4x256xi32, #tpu.memory_space<vmem>> -> memref<1x256xi32, #tpu.memory_space<vmem>>
    %dma_wait3A_72 = tpu.memref_squeeze %dma_wait3A_71 : memref<1x256xi32, #tpu.memory_space<vmem>> -> memref<256xi32, #tpu.memory_space<vmem>>
    %dma_wait3A_73 = tpu.memref_slice %arg2[%add3A_68] : memref<32768xi32, #tpu.memory_space<hbm>> -> memref<256xi32, #tpu.memory_space<hbm>>
    %dma_wait3A_74 = arith.constant 0 : i32
    %dma_wait3A_75 = tpu.memref_slice %arg6[%dma_wait3A_69, %dma_wait3A_74] : memref<4x256xi32, #tpu.memory_space<vmem>> -> memref<1x256xi32, #tpu.memory_space<vmem>>
    %dma_wait3A_76 = tpu.memref_squeeze %dma_wait3A_75 : memref<1x256xi32, #tpu.memory_space<vmem>> -> memref<256xi32, #tpu.memory_space<vmem>>
    %dma_wait3A_77 = tpu.memref_slice %arg2[%add3A_68] : memref<32768xi32, #tpu.memory_space<hbm>> -> memref<256xi32, #tpu.memory_space<hbm>>
    tpu.wait_dma2 semaphore(%arg11 : memref<!tpu.dma_semaphore, #tpu.memory_space<semaphore_mem>>) src(%dma_wait3A_77 : memref<256xi32, #tpu.memory_space<hbm>>) dst(%dma_wait3A_76 : memref<256xi32, #tpu.memory_space<vmem>>)
    %add3A_78 = arith.constant 24576 : i32
    %add3A_79 = arith.addi %add3A_78, %mul3A_2 : i32
    %dma_wait3A_80 = arith.constant 3 : i32
    %dma_wait3A_81 = arith.constant 0 : i32
    %dma_wait3A_82 = tpu.memref_slice %arg6[%dma_wait3A_80, %dma_wait3A_81] : memref<4x256xi32, #tpu.memory_space<vmem>> -> memref<1x256xi32, #tpu.memory_space<vmem>>
    %dma_wait3A_83 = tpu.memref_squeeze %dma_wait3A_82 : memref<1x256xi32, #tpu.memory_space<vmem>> -> memref<256xi32, #tpu.memory_space<vmem>>
    %dma_wait3A_84 = tpu.memref_slice %arg2[%add3A_79] : memref<32768xi32, #tpu.memory_space<hbm>> -> memref<256xi32, #tpu.memory_space<hbm>>
    %dma_wait3A_85 = arith.constant 0 : i32
    %dma_wait3A_86 = tpu.memref_slice %arg6[%dma_wait3A_80, %dma_wait3A_85] : memref<4x256xi32, #tpu.memory_space<vmem>> -> memref<1x256xi32, #tpu.memory_space<vmem>>
    %dma_wait3A_87 = tpu.memref_squeeze %dma_wait3A_86 : memref<1x256xi32, #tpu.memory_space<vmem>> -> memref<256xi32, #tpu.memory_space<vmem>>
    %dma_wait3A_88 = tpu.memref_slice %arg2[%add3A_79] : memref<32768xi32, #tpu.memory_space<hbm>> -> memref<256xi32, #tpu.memory_space<hbm>>
    tpu.wait_dma2 semaphore(%arg11 : memref<!tpu.dma_semaphore, #tpu.memory_space<semaphore_mem>>) src(%dma_wait3A_88 : memref<256xi32, #tpu.memory_space<hbm>>) dst(%dma_wait3A_87 : memref<256xi32, #tpu.memory_space<vmem>>)
    %add3A_89 = arith.constant 0 : i32
    %add3A_90 = arith.addi %mul3A_2, %add3A_89 : i32
    %dma_start3A_91 = arith.constant 0 : i32
    %dma_start3A_92 = tpu.memref_slice %arg4[%add3A_90, %dma_start3A_91] : memref<8192x768xf32, #tpu.memory_space<hbm>> -> memref<32x768xf32, #tpu.memory_space<hbm>>
    %dma_start3A_93 = arith.constant 0 : i32
    %dma_start3A_94 = tpu.memref_slice %arg4[%add3A_90, %dma_start3A_93] : memref<8192x768xf32, #tpu.memory_space<hbm>> -> memref<32x768xf32, #tpu.memory_space<hbm>>
    tpu.enqueue_dma source(%dma_start3A_94 : memref<32x768xf32, #tpu.memory_space<hbm>>) target(%arg9 : memref<32x768xf32, #tpu.memory_space<vmem>>) target_semaphore(%arg14 : memref<!tpu.dma_semaphore, #tpu.memory_space<semaphore_mem>>)
    %broadcast_in_dim3A = arith.constant 0 : i32
    %broadcast_in_dim3A_95 = vector.broadcast %broadcast_in_dim3A : i32 to vector<16xi32>
    %get3A = arith.constant 0 : i32
    %get3A_96 = arith.index_cast %get3A : i32 to index
    %get3A_97 = arith.constant 0 : index
    %get3A_98 = tpu.vector_load %arg6[%get3A_96, %get3A_97] {strides = array<i32>} : memref<4x256xi32, #tpu.memory_space<vmem>>, vector<1x16xi32>,
    %get3A_99 = vector.shape_cast %get3A_98 : vector<1x16xi32> to vector<16xi32>
    %eq3A = arith.constant 100000 : i32
    %eq3A_100 = vector.broadcast %eq3A : i32 to vector<16xi32>
    %eq3A_101 = arith.cmpi eq, %get3A_99, %eq3A_100 : vector<16xi32>
    %jit3A = arith.constant 0 : i32
    %broadcast_in_dim3A_102 = vector.broadcast %jit3A : i32 to vector<16xi32>
    %select_n3A = arith.select %eq3A_101, %broadcast_in_dim3A_102, %get3A_99 : vector<16xi1>, vector<16xi32>
    %swap3A = arith.constant 0 : i32
    %swap3A_103 = arith.index_cast %swap3A : i32 to index
    %swap3A_104 = arith.constant 0 : index
    %swap3A_105 = tpu.vector_load %arg7[%swap3A_103, %swap3A_104] {strides = array<i32>} : memref<4x32xi32, #tpu.memory_space<vmem>>, vector<1x16xi32>,
    %swap3A_106 = vector.shape_cast %swap3A_105 : vector<1x16xi32> to vector<16xi32>
    %swap3A_107 = vector.shape_cast %select_n3A : vector<16xi32> to vector<1x16xi32>
    tpu.vector_store %arg7[%swap3A_103, %swap3A_104], %swap3A_107 {strides = array<i32>} : memref<4x32xi32, #tpu.memory_space<vmem>>, vector<1x16xi32>,
    %jit3A_108 = arith.constant 1.000000e+00 : f32
    %jit3A_109 = arith.constant 0.000000e+00 : f32
    %broadcast_in_dim3A_110 = vector.broadcast %jit3A_108 : f32 to vector<16xf32>
    %broadcast_in_dim3A_111 = vector.broadcast %jit3A_109 : f32 to vector<16xf32>
    %select_n3A_112 = arith.select %eq3A_101, %broadcast_in_dim3A_110, %broadcast_in_dim3A_111 : vector<16xi1>, vector<16xf32>
    %swap3A_113 = arith.constant 0 : i32
    %swap3A_114 = arith.index_cast %swap3A_113 : i32 to index
    %swap3A_115 = arith.constant 0 : index
    %swap3A_116 = tpu.vector_load %arg8[%swap3A_114, %swap3A_115] {strides = array<i32>} : memref<4x32xf32, #tpu.memory_space<vmem>>, vector<1x16xf32>,
    %swap3A_117 = vector.shape_cast %swap3A_116 : vector<1x16xf32> to vector<16xf32>
    %swap3A_118 = vector.shape_cast %select_n3A_112 : vector<16xf32> to vector<1x16xf32>
    tpu.vector_store %arg8[%swap3A_114, %swap3A_115], %swap3A_118 {strides = array<i32>} : memref<4x32xf32, #tpu.memory_space<vmem>>, vector<1x16xf32>,
    %jit3A_119 = arith.constant 1 : i32
    %jit3A_120 = arith.constant 0 : i32
    %broadcast_in_dim3A_121 = vector.broadcast %jit3A_119 : i32 to vector<16xi32>
    %broadcast_in_dim3A_122 = vector.broadcast %jit3A_120 : i32 to vector<16xi32>
    %select_n3A_123 = arith.select %eq3A_101, %broadcast_in_dim3A_121, %broadcast_in_dim3A_122 : vector<16xi1>, vector<16xi32>
    %or3A = arith.ori %broadcast_in_dim3A_95, %select_n3A_123 : vector<16xi32>
    %get3A_124 = arith.constant 0 : i32
    %get3A_125 = arith.index_cast %get3A_124 : i32 to index
    %get3A_126 = arith.constant 16 : index
    %get3A_127 = tpu.vector_load %arg6[%get3A_125, %get3A_126] {strides = array<i32>} : memref<4x256xi32, #tpu.memory_space<vmem>>, vector<1x16xi32>,
    %get3A_128 = vector.shape_cast %get3A_127 : vector<1x16xi32> to vector<16xi32>
    %eq3A_129 = arith.constant 100000 : i32
    %eq3A_130 = vector.broadcast %eq3A_129 : i32 to vector<16xi32>
    %eq3A_131 = arith.cmpi eq, %get3A_128, %eq3A_130 : vector<16xi32>
    %jit3A_132 = arith.constant 0 : i32
    %broadcast_in_dim3A_133 = vector.broadcast %jit3A_132 : i32 to vector<16xi32>
    %select_n3A_134 = arith.select %eq3A_131, %broadcast_in_dim3A_133, %get3A_128 : vector<16xi1>, vector<16xi32>
    %swap3A_135 = arith.constant 0 : i32
    %swap3A_136 = arith.index_cast %swap3A_135 : i32 to index
    %swap3A_137 = arith.constant 16 : index
    %swap3A_138 = tpu.vector_load %arg7[%swap3A_136, %swap3A_137] {strides = array<i32>} : memref<4x32xi32, #tpu.memory_space<vmem>>, vector<1x16xi32>,
    %swap3A_139 = vector.shape_cast %swap3A_138 : vector<1x16xi32> to vector<16xi32>
    %swap3A_140 = vector.shape_cast %select_n3A_134 : vector<16xi32> to vector<1x16xi32>
    tpu.vector_store %arg7[%swap3A_136, %swap3A_137], %swap3A_140 {strides = array<i32>} : memref<4x32xi32, #tpu.memory_space<vmem>>, vector<1x16xi32>,
    %jit3A_141 = arith.constant 1.000000e+00 : f32
    %jit3A_142 = arith.constant 0.000000e+00 : f32
    %broadcast_in_dim3A_143 = vector.broadcast %jit3A_141 : f32 to vector<16xf32>
    %broadcast_in_dim3A_144 = vector.broadcast %jit3A_142 : f32 to vector<16xf32>
    %select_n3A_145 = arith.select %eq3A_131, %broadcast_in_dim3A_143, %broadcast_in_dim3A_144 : vector<16xi1>, vector<16xf32>
    %swap3A_146 = arith.constant 0 : i32
    %swap3A_147 = arith.index_cast %swap3A_146 : i32 to index
    %swap3A_148 = arith.constant 16 : index
    %swap3A_149 = tpu.vector_load %arg8[%swap3A_147, %swap3A_148] {strides = array<i32>} : memref<4x32xf32, #tpu.memory_space<vmem>>, vector<1x16xf32>,
    %swap3A_150 = vector.shape_cast %swap3A_149 : vector<1x16xf32> to vector<16xf32>
    %swap3A_151 = vector.shape_cast %select_n3A_145 : vector<16xf32> to vector<1x16xf32>
    tpu.vector_store %arg8[%swap3A_147, %swap3A_148], %swap3A_151 {strides = array<i32>} : memref<4x32xf32, #tpu.memory_space<vmem>>, vector<1x16xf32>,
    %jit3A_152 = arith.constant 1 : i32
    %jit3A_153 = arith.constant 0 : i32
    %broadcast_in_dim3A_154 = vector.broadcast %jit3A_152 : i32 to vector<16xi32>
    %broadcast_in_dim3A_155 = vector.broadcast %jit3A_153 : i32 to vector<16xi32>
    %select_n3A_156 = arith.select %eq3A_131, %broadcast_in_dim3A_154, %broadcast_in_dim3A_155 : vector<16xi1>, vector<16xi32>
    %or3A_157 = arith.ori %or3A, %select_n3A_156 : vector<16xi32>
    %iota3A = tpu.iota {dimensions = array<i32: 0>} : vector<16xi32>
    %add3A_158 = arith.constant 8 : i32
    %add3A_159 = vector.broadcast %add3A_158 : i32 to vector<16xi32>
    %add3A_160 = arith.addi %iota3A, %add3A_159 : vector<16xi32>
    %and3A = arith.constant 15 : i32
    %and3A_161 = vector.broadcast %and3A : i32 to vector<16xi32>
    %and3A_162 = arith.andi %add3A_160, %and3A_161 : vector<16xi32>
    %broadcast_in_dim3A_163 = vector.shape_cast %and3A_162 : vector<16xi32> to vector<16x1xi32>
    %gather3A = vector.shape_cast %broadcast_in_dim3A_163 : vector<16x1xi32> to vector<16xi32>
    %gather3A_164 = tpu.dynamic_gather %or3A_157[%gather3A] in [0] : vector<16xi32>, vector<16xi32> -> vector<16xi32>
    %or3A_165 = arith.ori %or3A_157, %gather3A_164 : vector<16xi32>
    %add3A_166 = arith.constant 4 : i32
    %add3A_167 = vector.broadcast %add3A_166 : i32 to vector<16xi32>
    %add3A_168 = arith.addi %iota3A, %add3A_167 : vector<16xi32>
    %and3A_169 = arith.constant 15 : i32
    %and3A_170 = vector.broadcast %and3A_169 : i32 to vector<16xi32>
    %and3A_171 = arith.andi %add3A_168, %and3A_170 : vector<16xi32>
    %broadcast_in_dim3A_172 = vector.shape_cast %and3A_171 : vector<16xi32> to vector<16x1xi32>
    %gather3A_173 = vector.shape_cast %broadcast_in_dim3A_172 : vector<16x1xi32> to vector<16xi32>
    %gather3A_174 = tpu.dynamic_gather %or3A_165[%gather3A_173] in [0] : vector<16xi32>, vector<16xi32> -> vector<16xi32>
    %or3A_175 = arith.ori %or3A_165, %gather3A_174 : vector<16xi32>
    %add3A_176 = arith.constant 2 : i32
    %add3A_177 = vector.broadcast %add3A_176 : i32 to vector<16xi32>
    %add3A_178 = arith.addi %iota3A, %add3A_177 : vector<16xi32>
    %and3A_179 = arith.constant 15 : i32
    %and3A_180 = vector.broadcast %and3A_179 : i32 to vector<16xi32>
    %and3A_181 = arith.andi %add3A_178, %and3A_180 : vector<16xi32>
    %broadcast_in_dim3A_182 = vector.shape_cast %and3A_181 : vector<16xi32> to vector<16x1xi32>
    %gather3A_183 = vector.shape_cast %broadcast_in_dim3A_182 : vector<16x1xi32> to vector<16xi32>
    %gather3A_184 = tpu.dynamic_gather %or3A_175[%gather3A_183] in [0] : vector<16xi32>, vector<16xi32> -> vector<16xi32>
    %or3A_185 = arith.ori %or3A_175, %gather3A_184 : vector<16xi32>
    %add3A_186 = arith.constant 1 : i32
    %add3A_187 = vector.broadcast %add3A_186 : i32 to vector<16xi32>
    %add3A_188 = arith.addi %iota3A, %add3A_187 : vector<16xi32>
    %and3A_189 = arith.constant 15 : i32
    %and3A_190 = vector.broadcast %and3A_189 : i32 to vector<16xi32>
    %and3A_191 = arith.andi %add3A_188, %and3A_190 : vector<16xi32>
    %broadcast_in_dim3A_192 = vector.shape_cast %and3A_191 : vector<16xi32> to vector<16x1xi32>
    %gather3A_193 = vector.shape_cast %broadcast_in_dim3A_192 : vector<16x1xi32> to vector<16xi32>
    %gather3A_194 = tpu.dynamic_gather %or3A_185[%gather3A_193] in [0] : vector<16xi32>, vector<16xi32> -> vector<16xi32>
    %or3A_195 = arith.ori %or3A_185, %gather3A_194 : vector<16xi32>
    %slice3A = vector.extract_strided_slice %or3A_195 {offsets = [0], sizes = [1], strides = [1]} : vector<16xi32> to vector<1xi32>
    %squeeze3A = vector.extract %slice3A[0] : i32 from vector<1xi32>
    %dma_start3A_196 = arith.constant 0 : i32
    %dma_start3A_197 = arith.constant 0 : i32
    %dma_start3A_198 = arith.constant 0 : i32
    %dma_start3A_199 = arith.constant 0 : i32
    %dma_start3A_200 = arith.constant 0 : i32
    %dma_start3A_201 = tpu.memref_slice %arg10[%dma_start3A_197, %dma_start3A_199, %dma_start3A_200] : memref<4x32x768xf32, #tpu.memory_space<vmem>> -> memref<1x32x768xf32, #tpu.memory_space<vmem>>
    %dma_start3A_202 = tpu.memref_squeeze %dma_start3A_201 : memref<1x32x768xf32, #tpu.memory_space<vmem>> -> memref<32x768xf32, #tpu.memory_space<vmem>>
    %dma_start3A_203 = arith.constant 0 : i32
    %dma_start3A_204 = tpu.memref_slice %arg7[%dma_start3A_196, %dma_start3A_203] : memref<4x32xi32, #tpu.memory_space<vmem>> -> memref<1x32xi32, #tpu.memory_space<vmem>>
    %dma_start3A_205 = tpu.memref_squeeze %dma_start3A_204 : memref<1x32xi32, #tpu.memory_space<vmem>> -> memref<32xi32, #tpu.memory_space<vmem>>
    %dma_start3A_206 = arith.constant 0 : i32
    %dma_start3A_207 = arith.constant 0 : i32
    %dma_start3A_208 = tpu.memref_slice %arg3[%dma_start3A_206, %dma_start3A_207] : memref<100000x768xf32, #tpu.memory_space<hbm>> -> memref<100000x768xf32, #tpu.memory_space<hbm>>
    %dma_start3A_209 = tpu.memref_slice %arg12[%dma_start3A_198] : memref<4x!tpu.dma_semaphore, #tpu.memory_space<semaphore_mem>> -> memref<1x!tpu.dma_semaphore, #tpu.memory_space<semaphore_mem>>
    %dma_start3A_210 = tpu.memref_squeeze %dma_start3A_209 : memref<1x!tpu.dma_semaphore, #tpu.memory_space<semaphore_mem>> -> memref<!tpu.dma_semaphore, #tpu.memory_space<semaphore_mem>>
    tpu.enqueue_indirect_dma source(%dma_start3A_208 : memref<100000x768xf32, #tpu.memory_space<hbm>>) target(%dma_start3A_202 : memref<32x768xf32, #tpu.memory_space<vmem>>) offsets(%dma_start3A_205 : memref<32xi32, #tpu.memory_space<vmem>>) semaphore(%dma_start3A_210 : memref<!tpu.dma_semaphore, #tpu.memory_space<semaphore_mem>>)
    %broadcast_in_dim3A_211 = arith.constant 0 : i32
    %broadcast_in_dim3A_212 = vector.broadcast %broadcast_in_dim3A_211 : i32 to vector<16xi32>
    %get3A_213 = arith.constant 1 : i32
    %get3A_214 = arith.index_cast %get3A_213 : i32 to index
    %get3A_215 = arith.constant 0 : index
    %get3A_216 = tpu.vector_load %arg6[%get3A_214, %get3A_215] {strides = array<i32>} : memref<4x256xi32, #tpu.memory_space<vmem>>, vector<1x16xi32>,
    %get3A_217 = vector.shape_cast %get3A_216 : vector<1x16xi32> to vector<16xi32>
    %eq3A_218 = arith.constant 100000 : i32
    %eq3A_219 = vector.broadcast %eq3A_218 : i32 to vector<16xi32>
    %eq3A_220 = arith.cmpi eq, %get3A_217, %eq3A_219 : vector<16xi32>
    %jit3A_221 = arith.constant 0 : i32
    %broadcast_in_dim3A_222 = vector.broadcast %jit3A_221 : i32 to vector<16xi32>
    %select_n3A_223 = arith.select %eq3A_220, %broadcast_in_dim3A_222, %get3A_217 : vector<16xi1>, vector<16xi32>
    %swap3A_224 = arith.constant 1 : i32
    %swap3A_225 = arith.index_cast %swap3A_224 : i32 to index
    %swap3A_226 = arith.constant 0 : index
    %swap3A_227 = tpu.vector_load %arg7[%swap3A_225, %swap3A_226] {strides = array<i32>} : memref<4x32xi32, #tpu.memory_space<vmem>>, vector<1x16xi32>,
    %swap3A_228 = vector.shape_cast %swap3A_227 : vector<1x16xi32> to vector<16xi32>
    %swap3A_229 = vector.shape_cast %select_n3A_223 : vector<16xi32> to vector<1x16xi32>
    tpu.vector_store %arg7[%swap3A_225, %swap3A_226], %swap3A_229 {strides = array<i32>} : memref<4x32xi32, #tpu.memory_space<vmem>>, vector<1x16xi32>,
    %jit3A_230 = arith.constant 1.000000e+00 : f32
    %jit3A_231 = arith.constant 0.000000e+00 : f32
    %broadcast_in_dim3A_232 = vector.broadcast %jit3A_230 : f32 to vector<16xf32>
    %broadcast_in_dim3A_233 = vector.broadcast %jit3A_231 : f32 to vector<16xf32>
    %select_n3A_234 = arith.select %eq3A_220, %broadcast_in_dim3A_232, %broadcast_in_dim3A_233 : vector<16xi1>, vector<16xf32>
    %swap3A_235 = arith.constant 1 : i32
    %swap3A_236 = arith.index_cast %swap3A_235 : i32 to index
    %swap3A_237 = arith.constant 0 : index
    %swap3A_238 = tpu.vector_load %arg8[%swap3A_236, %swap3A_237] {strides = array<i32>} : memref<4x32xf32, #tpu.memory_space<vmem>>, vector<1x16xf32>,
    %swap3A_239 = vector.shape_cast %swap3A_238 : vector<1x16xf32> to vector<16xf32>
    %swap3A_240 = vector.shape_cast %select_n3A_234 : vector<16xf32> to vector<1x16xf32>
    tpu.vector_store %arg8[%swap3A_236, %swap3A_237], %swap3A_240 {strides = array<i32>} : memref<4x32xf32, #tpu.memory_space<vmem>>, vector<1x16xf32>,
    %jit3A_241 = arith.constant 1 : i32
    %jit3A_242 = arith.constant 0 : i32
    %broadcast_in_dim3A_243 = vector.broadcast %jit3A_241 : i32 to vector<16xi32>
    %broadcast_in_dim3A_244 = vector.broadcast %jit3A_242 : i32 to vector<16xi32>
    %select_n3A_245 = arith.select %eq3A_220, %broadcast_in_dim3A_243, %broadcast_in_dim3A_244 : vector<16xi1>, vector<16xi32>
    %or3A_246 = arith.ori %broadcast_in_dim3A_212, %select_n3A_245 : vector<16xi32>
    %get3A_247 = arith.constant 1 : i32
    %get3A_248 = arith.index_cast %get3A_247 : i32 to index
    %get3A_249 = arith.constant 16 : index
    %get3A_250 = tpu.vector_load %arg6[%get3A_248, %get3A_249] {strides = array<i32>} : memref<4x256xi32, #tpu.memory_space<vmem>>, vector<1x16xi32>,
    %get3A_251 = vector.shape_cast %get3A_250 : vector<1x16xi32> to vector<16xi32>
    %eq3A_252 = arith.constant 100000 : i32
    %eq3A_253 = vector.broadcast %eq3A_252 : i32 to vector<16xi32>
    %eq3A_254 = arith.cmpi eq, %get3A_251, %eq3A_253 : vector<16xi32>
    %jit3A_255 = arith.constant 0 : i32
    %broadcast_in_dim3A_256 = vector.broadcast %jit3A_255 : i32 to vector<16xi32>
    %select_n3A_257 = arith.select %eq3A_254, %broadcast_in_dim3A_256, %get3A_251 : vector<16xi1>, vector<16xi32>
    %swap3A_258 = arith.constant 1 : i32
    %swap3A_259 = arith.index_cast %swap3A_258 : i32 to index
    %swap3A_260 = arith.constant 16 : index
    %swap3A_261 = tpu.vector_load %arg7[%swap3A_259, %swap3A_260] {strides = array<i32>} : memref<4x32xi32, #tpu.memory_space<vmem>>, vector<1x16xi32>,
    %swap3A_262 = vector.shape_cast %swap3A_261 : vector<1x16xi32> to vector<16xi32>
    %swap3A_263 = vector.shape_cast %select_n3A_257 : vector<16xi32> to vector<1x16xi32>
    tpu.vector_store %arg7[%swap3A_259, %swap3A_260], %swap3A_263 {strides = array<i32>} : memref<4x32xi32, #tpu.memory_space<vmem>>, vector<1x16xi32>,
    %jit3A_264 = arith.constant 1.000000e+00 : f32
    %jit3A_265 = arith.constant 0.000000e+00 : f32
    %broadcast_in_dim3A_266 = vector.broadcast %jit3A_264 : f32 to vector<16xf32>
    %broadcast_in_dim3A_267 = vector.broadcast %jit3A_265 : f32 to vector<16xf32>
    %select_n3A_268 = arith.select %eq3A_254, %broadcast_in_dim3A_266, %broadcast_in_dim3A_267 : vector<16xi1>, vector<16xf32>
    %swap3A_269 = arith.constant 1 : i32
    %swap3A_270 = arith.index_cast %swap3A_269 : i32 to index
    %swap3A_271 = arith.constant 16 : index
    %swap3A_272 = tpu.vector_load %arg8[%swap3A_270, %swap3A_271] {strides = array<i32>} : memref<4x32xf32, #tpu.memory_space<vmem>>, vector<1x16xf32>,
    %swap3A_273 = vector.shape_cast %swap3A_272 : vector<1x16xf32> to vector<16xf32>
    %swap3A_274 = vector.shape_cast %select_n3A_268 : vector<16xf32> to vector<1x16xf32>
    tpu.vector_store %arg8[%swap3A_270, %swap3A_271], %swap3A_274 {strides = array<i32>} : memref<4x32xf32, #tpu.memory_space<vmem>>, vector<1x16xf32>,
    %jit3A_275 = arith.constant 1 : i32
    %jit3A_276 = arith.constant 0 : i32
    %broadcast_in_dim3A_277 = vector.broadcast %jit3A_275 : i32 to vector<16xi32>
    %broadcast_in_dim3A_278 = vector.broadcast %jit3A_276 : i32 to vector<16xi32>
    %select_n3A_279 = arith.select %eq3A_254, %broadcast_in_dim3A_277, %broadcast_in_dim3A_278 : vector<16xi1>, vector<16xi32>
    %or3A_280 = arith.ori %or3A_246, %select_n3A_279 : vector<16xi32>
    %iota3A_281 = tpu.iota {dimensions = array<i32: 0>} : vector<16xi32>
    %add3A_282 = arith.constant 8 : i32
    %add3A_283 = vector.broadcast %add3A_282 : i32 to vector<16xi32>
    %add3A_284 = arith.addi %iota3A_281, %add3A_283 : vector<16xi32>
    %and3A_285 = arith.constant 15 : i32
    %and3A_286 = vector.broadcast %and3A_285 : i32 to vector<16xi32>
    %and3A_287 = arith.andi %add3A_284, %and3A_286 : vector<16xi32>
    %broadcast_in_dim3A_288 = vector.shape_cast %and3A_287 : vector<16xi32> to vector<16x1xi32>
    %gather3A_289 = vector.shape_cast %broadcast_in_dim3A_288 : vector<16x1xi32> to vector<16xi32>
    %gather3A_290 = tpu.dynamic_gather %or3A_280[%gather3A_289] in [0] : vector<16xi32>, vector<16xi32> -> vector<16xi32>
    %or3A_291 = arith.ori %or3A_280, %gather3A_290 : vector<16xi32>
    %add3A_292 = arith.constant 4 : i32
    %add3A_293 = vector.broadcast %add3A_292 : i32 to vector<16xi32>
    %add3A_294 = arith.addi %iota3A_281, %add3A_293 : vector<16xi32>
    %and3A_295 = arith.constant 15 : i32
    %and3A_296 = vector.broadcast %and3A_295 : i32 to vector<16xi32>
    %and3A_297 = arith.andi %add3A_294, %and3A_296 : vector<16xi32>
    %broadcast_in_dim3A_298 = vector.shape_cast %and3A_297 : vector<16xi32> to vector<16x1xi32>
    %gather3A_299 = vector.shape_cast %broadcast_in_dim3A_298 : vector<16x1xi32> to vector<16xi32>
    %gather3A_300 = tpu.dynamic_gather %or3A_291[%gather3A_299] in [0] : vector<16xi32>, vector<16xi32> -> vector<16xi32>
    %or3A_301 = arith.ori %or3A_291, %gather3A_300 : vector<16xi32>
    %add3A_302 = arith.constant 2 : i32
    %add3A_303 = vector.broadcast %add3A_302 : i32 to vector<16xi32>
    %add3A_304 = arith.addi %iota3A_281, %add3A_303 : vector<16xi32>
    %and3A_305 = arith.constant 15 : i32
    %and3A_306 = vector.broadcast %and3A_305 : i32 to vector<16xi32>
    %and3A_307 = arith.andi %add3A_304, %and3A_306 : vector<16xi32>
    %broadcast_in_dim3A_308 = vector.shape_cast %and3A_307 : vector<16xi32> to vector<16x1xi32>
    %gather3A_309 = vector.shape_cast %broadcast_in_dim3A_308 : vector<16x1xi32> to vector<16xi32>
    %gather3A_310 = tpu.dynamic_gather %or3A_301[%gather3A_309] in [0] : vector<16xi32>, vector<16xi32> -> vector<16xi32>
    %or3A_311 = arith.ori %or3A_301, %gather3A_310 : vector<16xi32>
    %add3A_312 = arith.constant 1 : i32
    %add3A_313 = vector.broadcast %add3A_312 : i32 to vector<16xi32>
    %add3A_314 = arith.addi %iota3A_281, %add3A_313 : vector<16xi32>
    %and3A_315 = arith.constant 15 : i32
    %and3A_316 = vector.broadcast %and3A_315 : i32 to vector<16xi32>
    %and3A_317 = arith.andi %add3A_314, %and3A_316 : vector<16xi32>
    %broadcast_in_dim3A_318 = vector.shape_cast %and3A_317 : vector<16xi32> to vector<16x1xi32>
    %gather3A_319 = vector.shape_cast %broadcast_in_dim3A_318 : vector<16x1xi32> to vector<16xi32>
    %gather3A_320 = tpu.dynamic_gather %or3A_311[%gather3A_319] in [0] : vector<16xi32>, vector<16xi32> -> vector<16xi32>
    %or3A_321 = arith.ori %or3A_311, %gather3A_320 : vector<16xi32>
    %slice3A_322 = vector.extract_strided_slice %or3A_321 {offsets = [0], sizes = [1], strides = [1]} : vector<16xi32> to vector<1xi32>
    %squeeze3A_323 = vector.extract %slice3A_322[0] : i32 from vector<1xi32>
    %dma_start3A_324 = arith.constant 1 : i32
    %dma_start3A_325 = arith.constant 1 : i32
    %dma_start3A_326 = arith.constant 1 : i32
    %dma_start3A_327 = arith.constant 0 : i32
    %dma_start3A_328 = arith.constant 0 : i32
    %dma_start3A_329 = tpu.memref_slice %arg10[%dma_start3A_325, %dma_start3A_327, %dma_start3A_328] : memref<4x32x768xf32, #tpu.memory_space<vmem>> -> memref<1x32x768xf32, #tpu.memory_space<vmem>>
    %dma_start3A_330 = tpu.memref_squeeze %dma_start3A_329 : memref<1x32x768xf32, #tpu.memory_space<vmem>> -> memref<32x768xf32, #tpu.memory_space<vmem>>
    %dma_start3A_331 = arith.constant 0 : i32
    %dma_start3A_332 = tpu.memref_slice %arg7[%dma_start3A_324, %dma_start3A_331] : memref<4x32xi32, #tpu.memory_space<vmem>> -> memref<1x32xi32, #tpu.memory_space<vmem>>
    %dma_start3A_333 = tpu.memref_squeeze %dma_start3A_332 : memref<1x32xi32, #tpu.memory_space<vmem>> -> memref<32xi32, #tpu.memory_space<vmem>>
    %dma_start3A_334 = arith.constant 0 : i32
    %dma_start3A_335 = arith.constant 0 : i32
    %dma_start3A_336 = tpu.memref_slice %arg3[%dma_start3A_334, %dma_start3A_335] : memref<100000x768xf32, #tpu.memory_space<hbm>> -> memref<100000x768xf32, #tpu.memory_space<hbm>>
    %dma_start3A_337 = tpu.memref_slice %arg12[%dma_start3A_326] : memref<4x!tpu.dma_semaphore, #tpu.memory_space<semaphore_mem>> -> memref<1x!tpu.dma_semaphore, #tpu.memory_space<semaphore_mem>>
    %dma_start3A_338 = tpu.memref_squeeze %dma_start3A_337 : memref<1x!tpu.dma_semaphore, #tpu.memory_space<semaphore_mem>> -> memref<!tpu.dma_semaphore, #tpu.memory_space<semaphore_mem>>
    tpu.enqueue_indirect_dma source(%dma_start3A_336 : memref<100000x768xf32, #tpu.memory_space<hbm>>) target(%dma_start3A_330 : memref<32x768xf32, #tpu.memory_space<vmem>>) offsets(%dma_start3A_333 : memref<32xi32, #tpu.memory_space<vmem>>) semaphore(%dma_start3A_338 : memref<!tpu.dma_semaphore, #tpu.memory_space<semaphore_mem>>)
    %scan3A = arith.constant 0 : i32
    %scan3A_339 = arith.constant 8 : i32
    %scan3A_340 = arith.addi %scan3A, %scan3A_339 : i32
    %scan3A_341 = arith.constant 1 : i32
    %scan3A_342:2 = scf.for %scan3A_416 = %scan3A to %scan3A_340 step %scan3A_341 iter_args(%scan3A_417 = %squeeze3A, %scan3A_418 = %squeeze3A_323) -> (i32, i32)  : i32 {
      %mul3A_419 = arith.constant 4 : i32
      %mul3A_420 = arith.muli %mul3A_419, %scan3A_416 : i32
      %dma_wait3A_421 = arith.constant 0 : i32
      %dma_wait3A_422 = arith.constant 0 : i32
      %dma_wait3A_423 = tpu.memref_slice %arg4[%dma_wait3A_421, %dma_wait3A_422] : memref<8192x768xf32, #tpu.memory_space<hbm>> -> memref<32x768xf32, #tpu.memory_space<hbm>>
      %dma_wait3A_424 = arith.constant 0 : i32
      %dma_wait3A_425 = arith.constant 0 : i32
      %dma_wait3A_426 = tpu.memref_slice %arg4[%dma_wait3A_424, %dma_wait3A_425] : memref<8192x768xf32, #tpu.memory_space<hbm>> -> memref<32x768xf32, #tpu.memory_space<hbm>>
      tpu.wait_dma2 semaphore(%arg14 : memref<!tpu.dma_semaphore, #tpu.memory_space<semaphore_mem>>) src(%dma_wait3A_426 : memref<32x768xf32, #tpu.memory_space<hbm>>) dst(%arg9 : memref<32x768xf32, #tpu.memory_space<vmem>>)
      %dma_wait3A_427 = arith.constant 0 : i32
      %dma_wait3A_428 = arith.constant 0 : i32
      %dma_wait3A_429 = arith.constant 0 : i32
      %dma_wait3A_430 = arith.constant 0 : i32
      %dma_wait3A_431 = arith.constant 0 : i32
      %dma_wait3A_432 = tpu.memref_slice %arg10[%dma_wait3A_428, %dma_wait3A_430, %dma_wait3A_431] : memref<4x32x768xf32, #tpu.memory_space<vmem>> -> memref<1x32x768xf32, #tpu.memory_space<vmem>>
      %dma_wait3A_433 = tpu.memref_squeeze %dma_wait3A_432 : memref<1x32x768xf32, #tpu.memory_space<vmem>> -> memref<32x768xf32, #tpu.memory_space<vmem>>
      %dma_wait3A_434 = arith.constant 0 : i32
      %dma_wait3A_435 = tpu.memref_slice %arg7[%dma_wait3A_427, %dma_wait3A_434] : memref<4x32xi32, #tpu.memory_space<vmem>> -> memref<1x32xi32, #tpu.memory_space<vmem>>
      %dma_wait3A_436 = tpu.memref_squeeze %dma_wait3A_435 : memref<1x32xi32, #tpu.memory_space<vmem>> -> memref<32xi32, #tpu.memory_space<vmem>>
      %dma_wait3A_437 = arith.constant 0 : i32
      %dma_wait3A_438 = arith.constant 0 : i32
      %dma_wait3A_439 = tpu.memref_slice %arg3[%dma_wait3A_437, %dma_wait3A_438] : memref<100000x768xf32, #tpu.memory_space<hbm>> -> memref<100000x768xf32, #tpu.memory_space<hbm>>
      %dma_wait3A_440 = tpu.memref_slice %arg12[%dma_wait3A_429] : memref<4x!tpu.dma_semaphore, #tpu.memory_space<semaphore_mem>> -> memref<1x!tpu.dma_semaphore, #tpu.memory_space<semaphore_mem>>
      %dma_wait3A_441 = tpu.memref_squeeze %dma_wait3A_440 : memref<1x!tpu.dma_semaphore, #tpu.memory_space<semaphore_mem>> -> memref<!tpu.dma_semaphore, #tpu.memory_space<semaphore_mem>>
      tpu.wait_indirect_dma semaphore(%dma_wait3A_441 : memref<!tpu.dma_semaphore, #tpu.memory_space<semaphore_mem>>) src(%dma_wait3A_439 : memref<100000x768xf32, #tpu.memory_space<hbm>>) dst(%dma_wait3A_433 : memref<32x768xf32, #tpu.memory_space<vmem>>)
      %dma_wait3A_442 = arith.constant 1 : i32
      %dma_wait3A_443 = arith.constant 1 : i32
      %dma_wait3A_444 = arith.constant 1 : i32
      %dma_wait3A_445 = arith.constant 0 : i32
      %dma_wait3A_446 = arith.constant 0 : i32
      %dma_wait3A_447 = tpu.memref_slice %arg10[%dma_wait3A_443, %dma_wait3A_445, %dma_wait3A_446] : memref<4x32x768xf32, #tpu.memory_space<vmem>> -> memref<1x32x768xf32, #tpu.memory_space<vmem>>
      %dma_wait3A_448 = tpu.memref_squeeze %dma_wait3A_447 : memref<1x32x768xf32, #tpu.memory_space<vmem>> -> memref<32x768xf32, #tpu.memory_space<vmem>>
      %dma_wait3A_449 = arith.constant 0 : i32
      %dma_wait3A_450 = tpu.memref_slice %arg7[%dma_wait3A_442, %dma_wait3A_449] : memref<4x32xi32, #tpu.memory_space<vmem>> -> memref<1x32xi32, #tpu.memory_space<vmem>>
      %dma_wait3A_451 = tpu.memref_squeeze %dma_wait3A_450 : memref<1x32xi32, #tpu.memory_space<vmem>> -> memref<32xi32, #tpu.memory_space<vmem>>
      %dma_wait3A_452 = arith.constant 0 : i32
      %dma_wait3A_453 = arith.constant 0 : i32
      %dma_wait3A_454 = tpu.memref_slice %arg3[%dma_wait3A_452, %dma_wait3A_453] : memref<100000x768xf32, #tpu.memory_space<hbm>> -> memref<100000x768xf32, #tpu.memory_space<hbm>>
      %dma_wait3A_455 = tpu.memref_slice %arg12[%dma_wait3A_444] : memref<4x!tpu.dma_semaphore, #tpu.memory_space<semaphore_mem>> -> memref<1x!tpu.dma_semaphore, #tpu.memory_space<semaphore_mem>>
      %dma_wait3A_456 = tpu.memref_squeeze %dma_wait3A_455 : memref<1x!tpu.dma_semaphore, #tpu.memory_space<semaphore_mem>> -> memref<!tpu.dma_semaphore, #tpu.memory_space<semaphore_mem>>
      tpu.wait_indirect_dma semaphore(%dma_wait3A_456 : memref<!tpu.dma_semaphore, #tpu.memory_space<semaphore_mem>>) src(%dma_wait3A_454 : memref<100000x768xf32, #tpu.memory_space<hbm>>) dst(%dma_wait3A_448 : memref<32x768xf32, #tpu.memory_space<vmem>>)
      %gt3A = arith.constant 0 : i32
      %gt3A_457 = arith.cmpi sgt, %scan3A_416, %gt3A : i32
      %convert_element_type3A = arith.extui %gt3A_457 : i1 to i32
      %cond3A = arith.constant 0 : i32
      %cond3A_458 = arith.cmpi ne, %convert_element_type3A, %cond3A : i32
      scf.if %cond3A_458 {
        %dma_wait3A_1449 = arith.constant 2 : i32
        %dma_wait3A_1450 = arith.constant 2 : i32
        %dma_wait3A_1451 = arith.constant 0 : i32
        %dma_wait3A_1452 = arith.constant 0 : i32
        %dma_wait3A_1453 = tpu.memref_slice %arg10[%dma_wait3A_1449, %dma_wait3A_1451, %dma_wait3A_1452] : memref<4x32x768xf32, #tpu.memory_space<vmem>> -> memref<1x32x768xf32, #tpu.memory_space<vmem>>
        %dma_wait3A_1454 = tpu.memref_squeeze %dma_wait3A_1453 : memref<1x32x768xf32, #tpu.memory_space<vmem>> -> memref<32x768xf32, #tpu.memory_space<vmem>>
        %dma_wait3A_1455 = arith.constant 0 : i32
        %dma_wait3A_1456 = arith.constant 0 : i32
        %dma_wait3A_1457 = tpu.memref_slice %arg5[%dma_wait3A_1455, %dma_wait3A_1456] : memref<32768x768xf32, #tpu.memory_space<hbm>> -> memref<32x768xf32, #tpu.memory_space<hbm>>
        %dma_wait3A_1458 = tpu.memref_slice %arg13[%dma_wait3A_1450] : memref<4x!tpu.dma_semaphore, #tpu.memory_space<semaphore_mem>> -> memref<1x!tpu.dma_semaphore, #tpu.memory_space<semaphore_mem>>
        %dma_wait3A_1459 = tpu.memref_squeeze %dma_wait3A_1458 : memref<1x!tpu.dma_semaphore, #tpu.memory_space<semaphore_mem>> -> memref<!tpu.dma_semaphore, #tpu.memory_space<semaphore_mem>>
        %dma_wait3A_1460 = arith.constant 0 : i32
        %dma_wait3A_1461 = arith.constant 0 : i32
        %dma_wait3A_1462 = tpu.memref_slice %arg5[%dma_wait3A_1460, %dma_wait3A_1461] : memref<32768x768xf32, #tpu.memory_space<hbm>> -> memref<32x768xf32, #tpu.memory_space<hbm>>
        %dma_wait3A_1463 = arith.constant 0 : i32
        %dma_wait3A_1464 = arith.constant 0 : i32
        %dma_wait3A_1465 = tpu.memref_slice %arg10[%dma_wait3A_1449, %dma_wait3A_1463, %dma_wait3A_1464] : memref<4x32x768xf32, #tpu.memory_space<vmem>> -> memref<1x32x768xf32, #tpu.memory_space<vmem>>
        %dma_wait3A_1466 = tpu.memref_squeeze %dma_wait3A_1465 : memref<1x32x768xf32, #tpu.memory_space<vmem>> -> memref<32x768xf32, #tpu.memory_space<vmem>>
        tpu.wait_dma2 semaphore(%dma_wait3A_1459 : memref<!tpu.dma_semaphore, #tpu.memory_space<semaphore_mem>>) src(%dma_wait3A_1466 : memref<32x768xf32, #tpu.memory_space<vmem>>) dst(%dma_wait3A_1462 : memref<32x768xf32, #tpu.memory_space<hbm>>)
        %dma_wait3A_1467 = arith.constant 3 : i32
        %dma_wait3A_1468 = arith.constant 3 : i32
        %dma_wait3A_1469 = arith.constant 0 : i32
        %dma_wait3A_1470 = arith.constant 0 : i32
        %dma_wait3A_1471 = tpu.memref_slice %arg10[%dma_wait3A_1467, %dma_wait3A_1469, %dma_wait3A_1470] : memref<4x32x768xf32, #tpu.memory_space<vmem>> -> memref<1x32x768xf32, #tpu.memory_space<vmem>>
        %dma_wait3A_1472 = tpu.memref_squeeze %dma_wait3A_1471 : memref<1x32x768xf32, #tpu.memory_space<vmem>> -> memref<32x768xf32, #tpu.memory_space<vmem>>
        %dma_wait3A_1473 = arith.constant 0 : i32
        %dma_wait3A_1474 = arith.constant 0 : i32
        %dma_wait3A_1475 = tpu.memref_slice %arg5[%dma_wait3A_1473, %dma_wait3A_1474] : memref<32768x768xf32, #tpu.memory_space<hbm>> -> memref<32x768xf32, #tpu.memory_space<hbm>>
        %dma_wait3A_1476 = tpu.memref_slice %arg13[%dma_wait3A_1468] : memref<4x!tpu.dma_semaphore, #tpu.memory_space<semaphore_mem>> -> memref<1x!tpu.dma_semaphore, #tpu.memory_space<semaphore_mem>>
        %dma_wait3A_1477 = tpu.memref_squeeze %dma_wait3A_1476 : memref<1x!tpu.dma_semaphore, #tpu.memory_space<semaphore_mem>> -> memref<!tpu.dma_semaphore, #tpu.memory_space<semaphore_mem>>
        %dma_wait3A_1478 = arith.constant 0 : i32
        %dma_wait3A_1479 = arith.constant 0 : i32
        %dma_wait3A_1480 = tpu.memref_slice %arg5[%dma_wait3A_1478, %dma_wait3A_1479] : memref<32768x768xf32, #tpu.memory_space<hbm>> -> memref<32x768xf32, #tpu.memory_space<hbm>>
        %dma_wait3A_1481 = arith.constant 0 : i32
        %dma_wait3A_1482 = arith.constant 0 : i32
        %dma_wait3A_1483 = tpu.memref_slice %arg10[%dma_wait3A_1467, %dma_wait3A_1481, %dma_wait3A_1482] : memref<4x32x768xf32, #tpu.memory_space<vmem>> -> memref<1x32x768xf32, #tpu.memory_space<vmem>>
        %dma_wait3A_1484 = tpu.memref_squeeze %dma_wait3A_1483 : memref<1x32x768xf32, #tpu.memory_space<vmem>> -> memref<32x768xf32, #tpu.memory_space<vmem>>
        tpu.wait_dma2 semaphore(%dma_wait3A_1477 : memref<!tpu.dma_semaphore, #tpu.memory_space<semaphore_mem>>) src(%dma_wait3A_1484 : memref<32x768xf32, #tpu.memory_space<vmem>>) dst(%dma_wait3A_1480 : memref<32x768xf32, #tpu.memory_space<hbm>>)
      } else {
      }
      %add3A_459 = arith.constant 2 : i32
      %add3A_460 = arith.addi %mul3A_420, %add3A_459 : i32
      %jit3A_461 = arith.constant 4 : i32
      %eq3A_462 = arith.constant 0 : i32
      %eq3A_463 = arith.cmpi eq, %jit3A_461, %eq3A_462 : i32
      %jit3A_464 = arith.constant 1 : i32
      %select_n3A_465 = arith.select %eq3A_463, %jit3A_464, %jit3A_461 : i32
      %rem3A = arith.remsi %add3A_460, %select_n3A_465 : i32
      %ne3A = arith.constant 0 : i32
      %ne3A_466 = arith.cmpi ne, %rem3A, %ne3A : i32
      %lt3A = arith.constant 0 : i32
      %lt3A_467 = arith.cmpi slt, %rem3A, %lt3A : i32
      %lt3A_468 = arith.constant 0 : i32
      %lt3A_469 = arith.cmpi slt, %select_n3A_465, %lt3A_468 : i32
      %ne3A_470 = arith.xori %lt3A_467, %lt3A_469 : i1
      %and3A_471 = arith.andi %ne3A_470, %ne3A_466 : i1
      %add3A_472 = arith.addi %rem3A, %select_n3A_465 : i32
      %select_n3A_473 = arith.select %and3A_471, %add3A_472, %rem3A : i32
      %jit3A_474 = arith.constant 4 : i32
      %div3A = arith.divsi %add3A_460, %jit3A_474 : i32
      %sign3A = arith.constant 0 : i32
      %sign3A_475 = arith.cmpi sgt, %add3A_460, %sign3A : i32
      %sign3A_476 = arith.extui %sign3A_475 : i1 to i32
      %sign3A_477 = arith.constant 0 : i32
      %sign3A_478 = arith.cmpi slt, %add3A_460, %sign3A_477 : i32
      %sign3A_479 = arith.extui %sign3A_478 : i1 to i32
      %sign3A_480 = arith.subi %sign3A_476, %sign3A_479 : i32
      %sign3A_481 = arith.constant 0 : i32
      %sign3A_482 = arith.cmpi sgt, %jit3A_474, %sign3A_481 : i32
      %sign3A_483 = arith.extui %sign3A_482 : i1 to i32
      %sign3A_484 = arith.constant 0 : i32
      %sign3A_485 = arith.cmpi slt, %jit3A_474, %sign3A_484 : i32
      %sign3A_486 = arith.extui %sign3A_485 : i1 to i32
      %sign3A_487 = arith.subi %sign3A_483, %sign3A_486 : i32
      %ne3A_488 = arith.cmpi ne, %sign3A_480, %sign3A_487 : i32
      %rem3A_489 = arith.remsi %add3A_460, %jit3A_474 : i32
      %ne3A_490 = arith.constant 0 : i32
      %ne3A_491 = arith.cmpi ne, %rem3A_489, %ne3A_490 : i32
      %and3A_492 = arith.andi %ne3A_488, %ne3A_491 : i1
      %sub3A = arith.constant 1 : i32
      %sub3A_493 = arith.subi %div3A, %sub3A : i32
      %select_n3A_494 = arith.select %and3A_492, %sub3A_493, %div3A : i32
      %broadcast_in_dim3A_495 = arith.constant 0 : i32
      %broadcast_in_dim3A_496 = vector.broadcast %broadcast_in_dim3A_495 : i32 to vector<16xi32>
      %mul3A_497 = arith.constant 32 : i32
      %mul3A_498 = arith.muli %select_n3A_494, %mul3A_497 : i32
      %add3A_499 = arith.constant 0 : i32
      %add3A_500 = arith.addi %mul3A_498, %add3A_499 : i32
      %get3A_501 = arith.index_cast %select_n3A_473 : i32 to index
      %get3A_502 = arith.index_cast %add3A_500 : i32 to index
      %get3A_503 = tpu.vector_load %arg6[%get3A_501, %get3A_502] {strides = array<i32>} : memref<4x256xi32, #tpu.memory_space<vmem>>, vector<1x16xi32>,
      %get3A_504 = vector.shape_cast %get3A_503 : vector<1x16xi32> to vector<16xi32>
      %eq3A_505 = arith.constant 100000 : i32
      %eq3A_506 = vector.broadcast %eq3A_505 : i32 to vector<16xi32>
      %eq3A_507 = arith.cmpi eq, %get3A_504, %eq3A_506 : vector<16xi32>
      %jit3A_508 = arith.constant 0 : i32
      %broadcast_in_dim3A_509 = vector.broadcast %jit3A_508 : i32 to vector<16xi32>
      %select_n3A_510 = arith.select %eq3A_507, %broadcast_in_dim3A_509, %get3A_504 : vector<16xi1>, vector<16xi32>
      %swap3A_511 = arith.constant 2 : i32
      %swap3A_512 = arith.index_cast %swap3A_511 : i32 to index
      %swap3A_513 = arith.constant 0 : index
      %swap3A_514 = tpu.vector_load %arg7[%swap3A_512, %swap3A_513] {strides = array<i32>} : memref<4x32xi32, #tpu.memory_space<vmem>>, vector<1x16xi32>,
      %swap3A_515 = vector.shape_cast %swap3A_514 : vector<1x16xi32> to vector<16xi32>
      %swap3A_516 = vector.shape_cast %select_n3A_510 : vector<16xi32> to vector<1x16xi32>
      tpu.vector_store %arg7[%swap3A_512, %swap3A_513], %swap3A_516 {strides = array<i32>} : memref<4x32xi32, #tpu.memory_space<vmem>>, vector<1x16xi32>,
      %jit3A_517 = arith.constant 1.000000e+00 : f32
      %jit3A_518 = arith.constant 0.000000e+00 : f32
      %broadcast_in_dim3A_519 = vector.broadcast %jit3A_517 : f32 to vector<16xf32>
      %broadcast_in_dim3A_520 = vector.broadcast %jit3A_518 : f32 to vector<16xf32>
      %select_n3A_521 = arith.select %eq3A_507, %broadcast_in_dim3A_519, %broadcast_in_dim3A_520 : vector<16xi1>, vector<16xf32>
      %swap3A_522 = arith.constant 2 : i32
      %swap3A_523 = arith.index_cast %swap3A_522 : i32 to index
      %swap3A_524 = arith.constant 0 : index
      %swap3A_525 = tpu.vector_load %arg8[%swap3A_523, %swap3A_524] {strides = array<i32>} : memref<4x32xf32, #tpu.memory_space<vmem>>, vector<1x16xf32>,
      %swap3A_526 = vector.shape_cast %swap3A_525 : vector<1x16xf32> to vector<16xf32>
      %swap3A_527 = vector.shape_cast %select_n3A_521 : vector<16xf32> to vector<1x16xf32>
      tpu.vector_store %arg8[%swap3A_523, %swap3A_524], %swap3A_527 {strides = array<i32>} : memref<4x32xf32, #tpu.memory_space<vmem>>, vector<1x16xf32>,
      %jit3A_528 = arith.constant 1 : i32
      %jit3A_529 = arith.constant 0 : i32
      %broadcast_in_dim3A_530 = vector.broadcast %jit3A_528 : i32 to vector<16xi32>
      %broadcast_in_dim3A_531 = vector.broadcast %jit3A_529 : i32 to vector<16xi32>
      %select_n3A_532 = arith.select %eq3A_507, %broadcast_in_dim3A_530, %broadcast_in_dim3A_531 : vector<16xi1>, vector<16xi32>
      %or3A_533 = arith.ori %broadcast_in_dim3A_496, %select_n3A_532 : vector<16xi32>
      %mul3A_534 = arith.constant 32 : i32
      %mul3A_535 = arith.muli %select_n3A_494, %mul3A_534 : i32
      %add3A_536 = arith.constant 16 : i32
      %add3A_537 = arith.addi %mul3A_535, %add3A_536 : i32
      %get3A_538 = arith.index_cast %select_n3A_473 : i32 to index
      %get3A_539 = arith.index_cast %add3A_537 : i32 to index
      %get3A_540 = tpu.vector_load %arg6[%get3A_538, %get3A_539] {strides = array<i32>} : memref<4x256xi32, #tpu.memory_space<vmem>>, vector<1x16xi32>,
      %get3A_541 = vector.shape_cast %get3A_540 : vector<1x16xi32> to vector<16xi32>
      %eq3A_542 = arith.constant 100000 : i32
      %eq3A_543 = vector.broadcast %eq3A_542 : i32 to vector<16xi32>
      %eq3A_544 = arith.cmpi eq, %get3A_541, %eq3A_543 : vector<16xi32>
      %jit3A_545 = arith.constant 0 : i32
      %broadcast_in_dim3A_546 = vector.broadcast %jit3A_545 : i32 to vector<16xi32>
      %select_n3A_547 = arith.select %eq3A_544, %broadcast_in_dim3A_546, %get3A_541 : vector<16xi1>, vector<16xi32>
      %swap3A_548 = arith.constant 2 : i32
      %swap3A_549 = arith.index_cast %swap3A_548 : i32 to index
      %swap3A_550 = arith.constant 16 : index
      %swap3A_551 = tpu.vector_load %arg7[%swap3A_549, %swap3A_550] {strides = array<i32>} : memref<4x32xi32, #tpu.memory_space<vmem>>, vector<1x16xi32>,
      %swap3A_552 = vector.shape_cast %swap3A_551 : vector<1x16xi32> to vector<16xi32>
      %swap3A_553 = vector.shape_cast %select_n3A_547 : vector<16xi32> to vector<1x16xi32>
      tpu.vector_store %arg7[%swap3A_549, %swap3A_550], %swap3A_553 {strides = array<i32>} : memref<4x32xi32, #tpu.memory_space<vmem>>, vector<1x16xi32>,
      %jit3A_554 = arith.constant 1.000000e+00 : f32
      %jit3A_555 = arith.constant 0.000000e+00 : f32
      %broadcast_in_dim3A_556 = vector.broadcast %jit3A_554 : f32 to vector<16xf32>
      %broadcast_in_dim3A_557 = vector.broadcast %jit3A_555 : f32 to vector<16xf32>
      %select_n3A_558 = arith.select %eq3A_544, %broadcast_in_dim3A_556, %broadcast_in_dim3A_557 : vector<16xi1>, vector<16xf32>
      %swap3A_559 = arith.constant 2 : i32
      %swap3A_560 = arith.index_cast %swap3A_559 : i32 to index
      %swap3A_561 = arith.constant 16 : index
      %swap3A_562 = tpu.vector_load %arg8[%swap3A_560, %swap3A_561] {strides = array<i32>} : memref<4x32xf32, #tpu.memory_space<vmem>>, vector<1x16xf32>,
      %swap3A_563 = vector.shape_cast %swap3A_562 : vector<1x16xf32> to vector<16xf32>
      %swap3A_564 = vector.shape_cast %select_n3A_558 : vector<16xf32> to vector<1x16xf32>
      tpu.vector_store %arg8[%swap3A_560, %swap3A_561], %swap3A_564 {strides = array<i32>} : memref<4x32xf32, #tpu.memory_space<vmem>>, vector<1x16xf32>,
      %jit3A_565 = arith.constant 1 : i32
      %jit3A_566 = arith.constant 0 : i32
      %broadcast_in_dim3A_567 = vector.broadcast %jit3A_565 : i32 to vector<16xi32>
      %broadcast_in_dim3A_568 = vector.broadcast %jit3A_566 : i32 to vector<16xi32>
      %select_n3A_569 = arith.select %eq3A_544, %broadcast_in_dim3A_567, %broadcast_in_dim3A_568 : vector<16xi1>, vector<16xi32>
      %or3A_570 = arith.ori %or3A_533, %select_n3A_569 : vector<16xi32>
      %iota3A_571 = tpu.iota {dimensions = array<i32: 0>} : vector<16xi32>
      %add3A_572 = arith.constant 8 : i32
      %add3A_573 = vector.broadcast %add3A_572 : i32 to vector<16xi32>
      %add3A_574 = arith.addi %iota3A_571, %add3A_573 : vector<16xi32>
      %and3A_575 = arith.constant 15 : i32
      %and3A_576 = vector.broadcast %and3A_575 : i32 to vector<16xi32>
      %and3A_577 = arith.andi %add3A_574, %and3A_576 : vector<16xi32>
      %broadcast_in_dim3A_578 = vector.shape_cast %and3A_577 : vector<16xi32> to vector<16x1xi32>
      %gather3A_579 = vector.shape_cast %broadcast_in_dim3A_578 : vector<16x1xi32> to vector<16xi32>
      %gather3A_580 = tpu.dynamic_gather %or3A_570[%gather3A_579] in [0] : vector<16xi32>, vector<16xi32> -> vector<16xi32>
      %or3A_581 = arith.ori %or3A_570, %gather3A_580 : vector<16xi32>
      %add3A_582 = arith.constant 4 : i32
      %add3A_583 = vector.broadcast %add3A_582 : i32 to vector<16xi32>
      %add3A_584 = arith.addi %iota3A_571, %add3A_583 : vector<16xi32>
      %and3A_585 = arith.constant 15 : i32
      %and3A_586 = vector.broadcast %and3A_585 : i32 to vector<16xi32>
      %and3A_587 = arith.andi %add3A_584, %and3A_586 : vector<16xi32>
      %broadcast_in_dim3A_588 = vector.shape_cast %and3A_587 : vector<16xi32> to vector<16x1xi32>
      %gather3A_589 = vector.shape_cast %broadcast_in_dim3A_588 : vector<16x1xi32> to vector<16xi32>
      %gather3A_590 = tpu.dynamic_gather %or3A_581[%gather3A_589] in [0] : vector<16xi32>, vector<16xi32> -> vector<16xi32>
      %or3A_591 = arith.ori %or3A_581, %gather3A_590 : vector<16xi32>
      %add3A_592 = arith.constant 2 : i32
      %add3A_593 = vector.broadcast %add3A_592 : i32 to vector<16xi32>
      %add3A_594 = arith.addi %iota3A_571, %add3A_593 : vector<16xi32>
      %and3A_595 = arith.constant 15 : i32
      %and3A_596 = vector.broadcast %and3A_595 : i32 to vector<16xi32>
      %and3A_597 = arith.andi %add3A_594, %and3A_596 : vector<16xi32>
      %broadcast_in_dim3A_598 = vector.shape_cast %and3A_597 : vector<16xi32> to vector<16x1xi32>
      %gather3A_599 = vector.shape_cast %broadcast_in_dim3A_598 : vector<16x1xi32> to vector<16xi32>
      %gather3A_600 = tpu.dynamic_gather %or3A_591[%gather3A_599] in [0] : vector<16xi32>, vector<16xi32> -> vector<16xi32>
      %or3A_601 = arith.ori %or3A_591, %gather3A_600 : vector<16xi32>
      %add3A_602 = arith.constant 1 : i32
      %add3A_603 = vector.broadcast %add3A_602 : i32 to vector<16xi32>
      %add3A_604 = arith.addi %iota3A_571, %add3A_603 : vector<16xi32>
      %and3A_605 = arith.constant 15 : i32
      %and3A_606 = vector.broadcast %and3A_605 : i32 to vector<16xi32>
      %and3A_607 = arith.andi %add3A_604, %and3A_606 : vector<16xi32>
      %broadcast_in_dim3A_608 = vector.shape_cast %and3A_607 : vector<16xi32> to vector<16x1xi32>
      %gather3A_609 = vector.shape_cast %broadcast_in_dim3A_608 : vector<16x1xi32> to vector<16xi32>
      %gather3A_610 = tpu.dynamic_gather %or3A_601[%gather3A_609] in [0] : vector<16xi32>, vector<16xi32> -> vector<16xi32>
      %or3A_611 = arith.ori %or3A_601, %gather3A_610 : vector<16xi32>
      %slice3A_612 = vector.extract_strided_slice %or3A_611 {offsets = [0], sizes = [1], strides = [1]} : vector<16xi32> to vector<1xi32>
      %squeeze3A_613 = vector.extract %slice3A_612[0] : i32 from vector<1xi32>
      %add3A_614 = arith.constant 3 : i32
      %add3A_615 = arith.addi %mul3A_420, %add3A_614 : i32
      %jit3A_616 = arith.constant 4 : i32
      %eq3A_617 = arith.constant 0 : i32
      %eq3A_618 = arith.cmpi eq, %jit3A_616, %eq3A_617 : i32
      %jit3A_619 = arith.constant 1 : i32
      %select_n3A_620 = arith.select %eq3A_618, %jit3A_619, %jit3A_616 : i32
      %rem3A_621 = arith.remsi %add3A_615, %select_n3A_620 : i32
      %ne3A_622 = arith.constant 0 : i32
      %ne3A_623 = arith.cmpi ne, %rem3A_621, %ne3A_622 : i32
      %lt3A_624 = arith.constant 0 : i32
      %lt3A_625 = arith.cmpi slt, %rem3A_621, %lt3A_624 : i32
      %lt3A_626 = arith.constant 0 : i32
      %lt3A_627 = arith.cmpi slt, %select_n3A_620, %lt3A_626 : i32
      %ne3A_628 = arith.xori %lt3A_625, %lt3A_627 : i1
      %and3A_629 = arith.andi %ne3A_628, %ne3A_623 : i1
      %add3A_630 = arith.addi %rem3A_621, %select_n3A_620 : i32
      %select_n3A_631 = arith.select %and3A_629, %add3A_630, %rem3A_621 : i32
      %jit3A_632 = arith.constant 4 : i32
      %div3A_633 = arith.divsi %add3A_615, %jit3A_632 : i32
      %sign3A_634 = arith.constant 0 : i32
      %sign3A_635 = arith.cmpi sgt, %add3A_615, %sign3A_634 : i32
      %sign3A_636 = arith.extui %sign3A_635 : i1 to i32
      %sign3A_637 = arith.constant 0 : i32
      %sign3A_638 = arith.cmpi slt, %add3A_615, %sign3A_637 : i32
      %sign3A_639 = arith.extui %sign3A_638 : i1 to i32
      %sign3A_640 = arith.subi %sign3A_636, %sign3A_639 : i32
      %sign3A_641 = arith.constant 0 : i32
      %sign3A_642 = arith.cmpi sgt, %jit3A_632, %sign3A_641 : i32
      %sign3A_643 = arith.extui %sign3A_642 : i1 to i32
      %sign3A_644 = arith.constant 0 : i32
      %sign3A_645 = arith.cmpi slt, %jit3A_632, %sign3A_644 : i32
      %sign3A_646 = arith.extui %sign3A_645 : i1 to i32
      %sign3A_647 = arith.subi %sign3A_643, %sign3A_646 : i32
      %ne3A_648 = arith.cmpi ne, %sign3A_640, %sign3A_647 : i32
      %rem3A_649 = arith.remsi %add3A_615, %jit3A_632 : i32
      %ne3A_650 = arith.constant 0 : i32
      %ne3A_651 = arith.cmpi ne, %rem3A_649, %ne3A_650 : i32
      %and3A_652 = arith.andi %ne3A_648, %ne3A_651 : i1
      %sub3A_653 = arith.constant 1 : i32
      %sub3A_654 = arith.subi %div3A_633, %sub3A_653 : i32
      %select_n3A_655 = arith.select %and3A_652, %sub3A_654, %div3A_633 : i32
      %broadcast_in_dim3A_656 = arith.constant 0 : i32
      %broadcast_in_dim3A_657 = vector.broadcast %broadcast_in_dim3A_656 : i32 to vector<16xi32>
      %mul3A_658 = arith.constant 32 : i32
      %mul3A_659 = arith.muli %select_n3A_655, %mul3A_658 : i32
      %add3A_660 = arith.constant 0 : i32
      %add3A_661 = arith.addi %mul3A_659, %add3A_660 : i32
      %get3A_662 = arith.index_cast %select_n3A_631 : i32 to index
      %get3A_663 = arith.index_cast %add3A_661 : i32 to index
      %get3A_664 = tpu.vector_load %arg6[%get3A_662, %get3A_663] {strides = array<i32>} : memref<4x256xi32, #tpu.memory_space<vmem>>, vector<1x16xi32>,
      %get3A_665 = vector.shape_cast %get3A_664 : vector<1x16xi32> to vector<16xi32>
      %eq3A_666 = arith.constant 100000 : i32
      %eq3A_667 = vector.broadcast %eq3A_666 : i32 to vector<16xi32>
      %eq3A_668 = arith.cmpi eq, %get3A_665, %eq3A_667 : vector<16xi32>
      %jit3A_669 = arith.constant 0 : i32
      %broadcast_in_dim3A_670 = vector.broadcast %jit3A_669 : i32 to vector<16xi32>
      %select_n3A_671 = arith.select %eq3A_668, %broadcast_in_dim3A_670, %get3A_665 : vector<16xi1>, vector<16xi32>
      %swap3A_672 = arith.constant 3 : i32
      %swap3A_673 = arith.index_cast %swap3A_672 : i32 to index
      %swap3A_674 = arith.constant 0 : index
      %swap3A_675 = tpu.vector_load %arg7[%swap3A_673, %swap3A_674] {strides = array<i32>} : memref<4x32xi32, #tpu.memory_space<vmem>>, vector<1x16xi32>,
      %swap3A_676 = vector.shape_cast %swap3A_675 : vector<1x16xi32> to vector<16xi32>
      %swap3A_677 = vector.shape_cast %select_n3A_671 : vector<16xi32> to vector<1x16xi32>
      tpu.vector_store %arg7[%swap3A_673, %swap3A_674], %swap3A_677 {strides = array<i32>} : memref<4x32xi32, #tpu.memory_space<vmem>>, vector<1x16xi32>,
      %jit3A_678 = arith.constant 1.000000e+00 : f32
      %jit3A_679 = arith.constant 0.000000e+00 : f32
      %broadcast_in_dim3A_680 = vector.broadcast %jit3A_678 : f32 to vector<16xf32>
      %broadcast_in_dim3A_681 = vector.broadcast %jit3A_679 : f32 to vector<16xf32>
      %select_n3A_682 = arith.select %eq3A_668, %broadcast_in_dim3A_680, %broadcast_in_dim3A_681 : vector<16xi1>, vector<16xf32>
      %swap3A_683 = arith.constant 3 : i32
      %swap3A_684 = arith.index_cast %swap3A_683 : i32 to index
      %swap3A_685 = arith.constant 0 : index
      %swap3A_686 = tpu.vector_load %arg8[%swap3A_684, %swap3A_685] {strides = array<i32>} : memref<4x32xf32, #tpu.memory_space<vmem>>, vector<1x16xf32>,
      %swap3A_687 = vector.shape_cast %swap3A_686 : vector<1x16xf32> to vector<16xf32>
      %swap3A_688 = vector.shape_cast %select_n3A_682 : vector<16xf32> to vector<1x16xf32>
      tpu.vector_store %arg8[%swap3A_684, %swap3A_685], %swap3A_688 {strides = array<i32>} : memref<4x32xf32, #tpu.memory_space<vmem>>, vector<1x16xf32>,
      %jit3A_689 = arith.constant 1 : i32
      %jit3A_690 = arith.constant 0 : i32
      %broadcast_in_dim3A_691 = vector.broadcast %jit3A_689 : i32 to vector<16xi32>
      %broadcast_in_dim3A_692 = vector.broadcast %jit3A_690 : i32 to vector<16xi32>
      %select_n3A_693 = arith.select %eq3A_668, %broadcast_in_dim3A_691, %broadcast_in_dim3A_692 : vector<16xi1>, vector<16xi32>
      %or3A_694 = arith.ori %broadcast_in_dim3A_657, %select_n3A_693 : vector<16xi32>
      %mul3A_695 = arith.constant 32 : i32
      %mul3A_696 = arith.muli %select_n3A_655, %mul3A_695 : i32
      %add3A_697 = arith.constant 16 : i32
      %add3A_698 = arith.addi %mul3A_696, %add3A_697 : i32
      %get3A_699 = arith.index_cast %select_n3A_631 : i32 to index
      %get3A_700 = arith.index_cast %add3A_698 : i32 to index
      %get3A_701 = tpu.vector_load %arg6[%get3A_699, %get3A_700] {strides = array<i32>} : memref<4x256xi32, #tpu.memory_space<vmem>>, vector<1x16xi32>,
      %get3A_702 = vector.shape_cast %get3A_701 : vector<1x16xi32> to vector<16xi32>
      %eq3A_703 = arith.constant 100000 : i32
      %eq3A_704 = vector.broadcast %eq3A_703 : i32 to vector<16xi32>
      %eq3A_705 = arith.cmpi eq, %get3A_702, %eq3A_704 : vector<16xi32>
      %jit3A_706 = arith.constant 0 : i32
      %broadcast_in_dim3A_707 = vector.broadcast %jit3A_706 : i32 to vector<16xi32>
      %select_n3A_708 = arith.select %eq3A_705, %broadcast_in_dim3A_707, %get3A_702 : vector<16xi1>, vector<16xi32>
      %swap3A_709 = arith.constant 3 : i32
      %swap3A_710 = arith.index_cast %swap3A_709 : i32 to index
      %swap3A_711 = arith.constant 16 : index
      %swap3A_712 = tpu.vector_load %arg7[%swap3A_710, %swap3A_711] {strides = array<i32>} : memref<4x32xi32, #tpu.memory_space<vmem>>, vector<1x16xi32>,
      %swap3A_713 = vector.shape_cast %swap3A_712 : vector<1x16xi32> to vector<16xi32>
      %swap3A_714 = vector.shape_cast %select_n3A_708 : vector<16xi32> to vector<1x16xi32>
      tpu.vector_store %arg7[%swap3A_710, %swap3A_711], %swap3A_714 {strides = array<i32>} : memref<4x32xi32, #tpu.memory_space<vmem>>, vector<1x16xi32>,
      %jit3A_715 = arith.constant 1.000000e+00 : f32
      %jit3A_716 = arith.constant 0.000000e+00 : f32
      %broadcast_in_dim3A_717 = vector.broadcast %jit3A_715 : f32 to vector<16xf32>
      %broadcast_in_dim3A_718 = vector.broadcast %jit3A_716 : f32 to vector<16xf32>
      %select_n3A_719 = arith.select %eq3A_705, %broadcast_in_dim3A_717, %broadcast_in_dim3A_718 : vector<16xi1>, vector<16xf32>
      %swap3A_720 = arith.constant 3 : i32
      %swap3A_721 = arith.index_cast %swap3A_720 : i32 to index
      %swap3A_722 = arith.constant 16 : index
      %swap3A_723 = tpu.vector_load %arg8[%swap3A_721, %swap3A_722] {strides = array<i32>} : memref<4x32xf32, #tpu.memory_space<vmem>>, vector<1x16xf32>,
      %swap3A_724 = vector.shape_cast %swap3A_723 : vector<1x16xf32> to vector<16xf32>
      %swap3A_725 = vector.shape_cast %select_n3A_719 : vector<16xf32> to vector<1x16xf32>
      tpu.vector_store %arg8[%swap3A_721, %swap3A_722], %swap3A_725 {strides = array<i32>} : memref<4x32xf32, #tpu.memory_space<vmem>>, vector<1x16xf32>,
      %jit3A_726 = arith.constant 1 : i32
      %jit3A_727 = arith.constant 0 : i32
      %broadcast_in_dim3A_728 = vector.broadcast %jit3A_726 : i32 to vector<16xi32>
      %broadcast_in_dim3A_729 = vector.broadcast %jit3A_727 : i32 to vector<16xi32>
      %select_n3A_730 = arith.select %eq3A_705, %broadcast_in_dim3A_728, %broadcast_in_dim3A_729 : vector<16xi1>, vector<16xi32>
      %or3A_731 = arith.ori %or3A_694, %select_n3A_730 : vector<16xi32>
      %iota3A_732 = tpu.iota {dimensions = array<i32: 0>} : vector<16xi32>
      %add3A_733 = arith.constant 8 : i32
      %add3A_734 = vector.broadcast %add3A_733 : i32 to vector<16xi32>
      %add3A_735 = arith.addi %iota3A_732, %add3A_734 : vector<16xi32>
      %and3A_736 = arith.constant 15 : i32
      %and3A_737 = vector.broadcast %and3A_736 : i32 to vector<16xi32>
      %and3A_738 = arith.andi %add3A_735, %and3A_737 : vector<16xi32>
      %broadcast_in_dim3A_739 = vector.shape_cast %and3A_738 : vector<16xi32> to vector<16x1xi32>
      %gather3A_740 = vector.shape_cast %broadcast_in_dim3A_739 : vector<16x1xi32> to vector<16xi32>
      %gather3A_741 = tpu.dynamic_gather %or3A_731[%gather3A_740] in [0] : vector<16xi32>, vector<16xi32> -> vector<16xi32>
      %or3A_742 = arith.ori %or3A_731, %gather3A_741 : vector<16xi32>
      %add3A_743 = arith.constant 4 : i32
      %add3A_744 = vector.broadcast %add3A_743 : i32 to vector<16xi32>
      %add3A_745 = arith.addi %iota3A_732, %add3A_744 : vector<16xi32>
      %and3A_746 = arith.constant 15 : i32
      %and3A_747 = vector.broadcast %and3A_746 : i32 to vector<16xi32>
      %and3A_748 = arith.andi %add3A_745, %and3A_747 : vector<16xi32>
      %broadcast_in_dim3A_749 = vector.shape_cast %and3A_748 : vector<16xi32> to vector<16x1xi32>
      %gather3A_750 = vector.shape_cast %broadcast_in_dim3A_749 : vector<16x1xi32> to vector<16xi32>
      %gather3A_751 = tpu.dynamic_gather %or3A_742[%gather3A_750] in [0] : vector<16xi32>, vector<16xi32> -> vector<16xi32>
      %or3A_752 = arith.ori %or3A_742, %gather3A_751 : vector<16xi32>
      %add3A_753 = arith.constant 2 : i32
      %add3A_754 = vector.broadcast %add3A_753 : i32 to vector<16xi32>
      %add3A_755 = arith.addi %iota3A_732, %add3A_754 : vector<16xi32>
      %and3A_756 = arith.constant 15 : i32
      %and3A_757 = vector.broadcast %and3A_756 : i32 to vector<16xi32>
      %and3A_758 = arith.andi %add3A_755, %and3A_757 : vector<16xi32>
      %broadcast_in_dim3A_759 = vector.shape_cast %and3A_758 : vector<16xi32> to vector<16x1xi32>
      %gather3A_760 = vector.shape_cast %broadcast_in_dim3A_759 : vector<16x1xi32> to vector<16xi32>
      %gather3A_761 = tpu.dynamic_gather %or3A_752[%gather3A_760] in [0] : vector<16xi32>, vector<16xi32> -> vector<16xi32>
      %or3A_762 = arith.ori %or3A_752, %gather3A_761 : vector<16xi32>
      %add3A_763 = arith.constant 1 : i32
      %add3A_764 = vector.broadcast %add3A_763 : i32 to vector<16xi32>
      %add3A_765 = arith.addi %iota3A_732, %add3A_764 : vector<16xi32>
      %and3A_766 = arith.constant 15 : i32
      %and3A_767 = vector.broadcast %and3A_766 : i32 to vector<16xi32>
      %and3A_768 = arith.andi %add3A_765, %and3A_767 : vector<16xi32>
      %broadcast_in_dim3A_769 = vector.shape_cast %and3A_768 : vector<16xi32> to vector<16x1xi32>
      %gather3A_770 = vector.shape_cast %broadcast_in_dim3A_769 : vector<16x1xi32> to vector<16xi32>
      %gather3A_771 = tpu.dynamic_gather %or3A_762[%gather3A_770] in [0] : vector<16xi32>, vector<16xi32> -> vector<16xi32>
      %or3A_772 = arith.ori %or3A_762, %gather3A_771 : vector<16xi32>
      %slice3A_773 = vector.extract_strided_slice %or3A_772 {offsets = [0], sizes = [1], strides = [1]} : vector<16xi32> to vector<1xi32>
      %squeeze3A_774 = vector.extract %slice3A_773[0] : i32 from vector<1xi32>
      %dma_start3A_775 = arith.constant 2 : i32
      %dma_start3A_776 = arith.constant 2 : i32
      %dma_start3A_777 = arith.constant 2 : i32
      %dma_start3A_778 = arith.constant 0 : i32
      %dma_start3A_779 = arith.constant 0 : i32
      %dma_start3A_780 = tpu.memref_slice %arg10[%dma_start3A_776, %dma_start3A_778, %dma_start3A_779] : memref<4x32x768xf32, #tpu.memory_space<vmem>> -> memref<1x32x768xf32, #tpu.memory_space<vmem>>
      %dma_start3A_781 = tpu.memref_squeeze %dma_start3A_780 : memref<1x32x768xf32, #tpu.memory_space<vmem>> -> memref<32x768xf32, #tpu.memory_space<vmem>>
      %dma_start3A_782 = arith.constant 0 : i32
      %dma_start3A_783 = tpu.memref_slice %arg7[%dma_start3A_775, %dma_start3A_782] : memref<4x32xi32, #tpu.memory_space<vmem>> -> memref<1x32xi32, #tpu.memory_space<vmem>>
      %dma_start3A_784 = tpu.memref_squeeze %dma_start3A_783 : memref<1x32xi32, #tpu.memory_space<vmem>> -> memref<32xi32, #tpu.memory_space<vmem>>
      %dma_start3A_785 = arith.constant 0 : i32
      %dma_start3A_786 = arith.constant 0 : i32
      %dma_start3A_787 = tpu.memref_slice %arg3[%dma_start3A_785, %dma_start3A_786] : memref<100000x768xf32, #tpu.memory_space<hbm>> -> memref<100000x768xf32, #tpu.memory_space<hbm>>
      %dma_start3A_788 = tpu.memref_slice %arg12[%dma_start3A_777] : memref<4x!tpu.dma_semaphore, #tpu.memory_space<semaphore_mem>> -> memref<1x!tpu.dma_semaphore, #tpu.memory_space<semaphore_mem>>
      %dma_start3A_789 = tpu.memref_squeeze %dma_start3A_788 : memref<1x!tpu.dma_semaphore, #tpu.memory_space<semaphore_mem>> -> memref<!tpu.dma_semaphore, #tpu.memory_space<semaphore_mem>>
      tpu.enqueue_indirect_dma source(%dma_start3A_787 : memref<100000x768xf32, #tpu.memory_space<hbm>>) target(%dma_start3A_781 : memref<32x768xf32, #tpu.memory_space<vmem>>) offsets(%dma_start3A_784 : memref<32xi32, #tpu.memory_space<vmem>>) semaphore(%dma_start3A_789 : memref<!tpu.dma_semaphore, #tpu.memory_space<semaphore_mem>>)
      %dma_start3A_790 = arith.constant 3 : i32
      %dma_start3A_791 = arith.constant 3 : i32
      %dma_start3A_792 = arith.constant 3 : i32
      %dma_start3A_793 = arith.constant 0 : i32
      %dma_start3A_794 = arith.constant 0 : i32
      %dma_start3A_795 = tpu.memref_slice %arg10[%dma_start3A_791, %dma_start3A_793, %dma_start3A_794] : memref<4x32x768xf32, #tpu.memory_space<vmem>> -> memref<1x32x768xf32, #tpu.memory_space<vmem>>
      %dma_start3A_796 = tpu.memref_squeeze %dma_start3A_795 : memref<1x32x768xf32, #tpu.memory_space<vmem>> -> memref<32x768xf32, #tpu.memory_space<vmem>>
      %dma_start3A_797 = arith.constant 0 : i32
      %dma_start3A_798 = tpu.memref_slice %arg7[%dma_start3A_790, %dma_start3A_797] : memref<4x32xi32, #tpu.memory_space<vmem>> -> memref<1x32xi32, #tpu.memory_space<vmem>>
      %dma_start3A_799 = tpu.memref_squeeze %dma_start3A_798 : memref<1x32xi32, #tpu.memory_space<vmem>> -> memref<32xi32, #tpu.memory_space<vmem>>
      %dma_start3A_800 = arith.constant 0 : i32
      %dma_start3A_801 = arith.constant 0 : i32
      %dma_start3A_802 = tpu.memref_slice %arg3[%dma_start3A_800, %dma_start3A_801] : memref<100000x768xf32, #tpu.memory_space<hbm>> -> memref<100000x768xf32, #tpu.memory_space<hbm>>
      %dma_start3A_803 = tpu.memref_slice %arg12[%dma_start3A_792] : memref<4x!tpu.dma_semaphore, #tpu.memory_space<semaphore_mem>> -> memref<1x!tpu.dma_semaphore, #tpu.memory_space<semaphore_mem>>
      %dma_start3A_804 = tpu.memref_squeeze %dma_start3A_803 : memref<1x!tpu.dma_semaphore, #tpu.memory_space<semaphore_mem>> -> memref<!tpu.dma_semaphore, #tpu.memory_space<semaphore_mem>>
      tpu.enqueue_indirect_dma source(%dma_start3A_802 : memref<100000x768xf32, #tpu.memory_space<hbm>>) target(%dma_start3A_796 : memref<32x768xf32, #tpu.memory_space<vmem>>) offsets(%dma_start3A_799 : memref<32xi32, #tpu.memory_space<vmem>>) semaphore(%dma_start3A_804 : memref<!tpu.dma_semaphore, #tpu.memory_space<semaphore_mem>>)
      %parallel_loop3A = arith.constant 0 : i32
      %parallel_loop3A_805 = arith.constant 32 : i32
      %parallel_loop3A_806 = arith.constant 1 : i32
      scf.for %parallel_loop3A_1449 = %parallel_loop3A to %parallel_loop3A_805 step %parallel_loop3A_806  : i32 {
        %parallel_loop3A_1450 = arith.index_cast %parallel_loop3A_1449 : i32 to index
        %parallel_loop3A_1451 = arith.constant 0 : index
        %parallel_loop3A_1452 = tpu.vector_load %arg9[%parallel_loop3A_1450, %parallel_loop3A_1451] {strides = array<i32>} : memref<32x768xf32, #tpu.memory_space<vmem>>, vector<1x16xf32>,
        %parallel_loop3A_1453 = vector.shape_cast %parallel_loop3A_1452 : vector<1x16xf32> to vector<16xf32>
        %parallel_loop3A_1454 = arith.constant 0 : i32
        %parallel_loop3A_1455 = arith.index_cast %parallel_loop3A_1454 : i32 to index
        %parallel_loop3A_1456 = arith.index_cast %parallel_loop3A_1449 : i32 to index
        %parallel_loop3A_1457 = arith.constant 0 : index
        %parallel_loop3A_1458 = tpu.vector_load %arg10[%parallel_loop3A_1455, %parallel_loop3A_1456, %parallel_loop3A_1457] {strides = array<i32>} : memref<4x32x768xf32, #tpu.memory_space<vmem>>, vector<1x1x16xf32>,
        %parallel_loop3A_1459 = vector.shape_cast %parallel_loop3A_1458 : vector<1x1x16xf32> to vector<16xf32>
        %parallel_loop3A_1460 = vector.shape_cast %parallel_loop3A_1453 : vector<16xf32> to vector<1x1x16xf32>
        tpu.vector_store %arg10[%parallel_loop3A_1455, %parallel_loop3A_1456, %parallel_loop3A_1457], %parallel_loop3A_1460 {add = true, strides = array<i32>} : memref<4x32x768xf32, #tpu.memory_space<vmem>>, vector<1x1x16xf32>,
        %parallel_loop3A_1461 = arith.constant 1 : i32
        %parallel_loop3A_1462 = arith.index_cast %parallel_loop3A_1461 : i32 to index
        %parallel_loop3A_1463 = arith.index_cast %parallel_loop3A_1449 : i32 to index
        %parallel_loop3A_1464 = arith.constant 0 : index
        %parallel_loop3A_1465 = tpu.vector_load %arg10[%parallel_loop3A_1462, %parallel_loop3A_1463, %parallel_loop3A_1464] {strides = array<i32>} : memref<4x32x768xf32, #tpu.memory_space<vmem>>, vector<1x1x16xf32>,
        %parallel_loop3A_1466 = vector.shape_cast %parallel_loop3A_1465 : vector<1x1x16xf32> to vector<16xf32>
        %parallel_loop3A_1467 = vector.shape_cast %parallel_loop3A_1453 : vector<16xf32> to vector<1x1x16xf32>
        tpu.vector_store %arg10[%parallel_loop3A_1462, %parallel_loop3A_1463, %parallel_loop3A_1464], %parallel_loop3A_1467 {add = true, strides = array<i32>} : memref<4x32x768xf32, #tpu.memory_space<vmem>>, vector<1x1x16xf32>,
        %parallel_loop3A_1468 = arith.index_cast %parallel_loop3A_1449 : i32 to index
        %parallel_loop3A_1469 = arith.constant 16 : index
        %parallel_loop3A_1470 = tpu.vector_load %arg9[%parallel_loop3A_1468, %parallel_loop3A_1469] {strides = array<i32>} : memref<32x768xf32, #tpu.memory_space<vmem>>, vector<1x16xf32>,
        %parallel_loop3A_1471 = vector.shape_cast %parallel_loop3A_1470 : vector<1x16xf32> to vector<16xf32>
        %parallel_loop3A_1472 = arith.constant 0 : i32
        %parallel_loop3A_1473 = arith.index_cast %parallel_loop3A_1472 : i32 to index
        %parallel_loop3A_1474 = arith.index_cast %parallel_loop3A_1449 : i32 to index
        %parallel_loop3A_1475 = arith.constant 16 : index
        %parallel_loop3A_1476 = tpu.vector_load %arg10[%parallel_loop3A_1473, %parallel_loop3A_1474, %parallel_loop3A_1475] {strides = array<i32>} : memref<4x32x768xf32, #tpu.memory_space<vmem>>, vector<1x1x16xf32>,
        %parallel_loop3A_1477 = vector.shape_cast %parallel_loop3A_1476 : vector<1x1x16xf32> to vector<16xf32>
        %parallel_loop3A_1478 = vector.shape_cast %parallel_loop3A_1471 : vector<16xf32> to vector<1x1x16xf32>
        tpu.vector_store %arg10[%parallel_loop3A_1473, %parallel_loop3A_1474, %parallel_loop3A_1475], %parallel_loop3A_1478 {add = true, strides = array<i32>} : memref<4x32x768xf32, #tpu.memory_space<vmem>>, vector<1x1x16xf32>,
        %parallel_loop3A_1479 = arith.constant 1 : i32
        %parallel_loop3A_1480 = arith.index_cast %parallel_loop3A_1479 : i32 to index
        %parallel_loop3A_1481 = arith.index_cast %parallel_loop3A_1449 : i32 to index
        %parallel_loop3A_1482 = arith.constant 16 : index
        %parallel_loop3A_1483 = tpu.vector_load %arg10[%parallel_loop3A_1480, %parallel_loop3A_1481, %parallel_loop3A_1482] {strides = array<i32>} : memref<4x32x768xf32, #tpu.memory_space<vmem>>, vector<1x1x16xf32>,
        %parallel_loop3A_1484 = vector.shape_cast %parallel_loop3A_1483 : vector<1x1x16xf32> to vector<16xf32>
        %parallel_loop3A_1485 = vector.shape_cast %parallel_loop3A_1471 : vector<16xf32> to vector<1x1x16xf32>
        tpu.vector_store %arg10[%parallel_loop3A_1480, %parallel_loop3A_1481, %parallel_loop3A_1482], %parallel_loop3A_1485 {add = true, strides = array<i32>} : memref<4x32x768xf32, #tpu.memory_space<vmem>>, vector<1x1x16xf32>,
        %parallel_loop3A_1486 = arith.index_cast %parallel_loop3A_1449 : i32 to index
        %parallel_loop3A_1487 = arith.constant 32 : index
        %parallel_loop3A_1488 = tpu.vector_load %arg9[%parallel_loop3A_1486, %parallel_loop3A_1487] {strides = array<i32>} : memref<32x768xf32, #tpu.memory_space<vmem>>, vector<1x16xf32>,
        %parallel_loop3A_1489 = vector.shape_cast %parallel_loop3A_1488 : vector<1x16xf32> to vector<16xf32>
        %parallel_loop3A_1490 = arith.constant 0 : i32
        %parallel_loop3A_1491 = arith.index_cast %parallel_loop3A_1490 : i32 to index
        %parallel_loop3A_1492 = arith.index_cast %parallel_loop3A_1449 : i32 to index
        %parallel_loop3A_1493 = arith.constant 32 : index
        %parallel_loop3A_1494 = tpu.vector_load %arg10[%parallel_loop3A_1491, %parallel_loop3A_1492, %parallel_loop3A_1493] {strides = array<i32>} : memref<4x32x768xf32, #tpu.memory_space<vmem>>, vector<1x1x16xf32>,
        %parallel_loop3A_1495 = vector.shape_cast %parallel_loop3A_1494 : vector<1x1x16xf32> to vector<16xf32>
        %parallel_loop3A_1496 = vector.shape_cast %parallel_loop3A_1489 : vector<16xf32> to vector<1x1x16xf32>
        tpu.vector_store %arg10[%parallel_loop3A_1491, %parallel_loop3A_1492, %parallel_loop3A_1493], %parallel_loop3A_1496 {add = true, strides = array<i32>} : memref<4x32x768xf32, #tpu.memory_space<vmem>>, vector<1x1x16xf32>,
        %parallel_loop3A_1497 = arith.constant 1 : i32
        %parallel_loop3A_1498 = arith.index_cast %parallel_loop3A_1497 : i32 to index
        %parallel_loop3A_1499 = arith.index_cast %parallel_loop3A_1449 : i32 to index
        %parallel_loop3A_1500 = arith.constant 32 : index
        %parallel_loop3A_1501 = tpu.vector_load %arg10[%parallel_loop3A_1498, %parallel_loop3A_1499, %parallel_loop3A_1500] {strides = array<i32>} : memref<4x32x768xf32, #tpu.memory_space<vmem>>, vector<1x1x16xf32>,
        %parallel_loop3A_1502 = vector.shape_cast %parallel_loop3A_1501 : vector<1x1x16xf32> to vector<16xf32>
        %parallel_loop3A_1503 = vector.shape_cast %parallel_loop3A_1489 : vector<16xf32> to vector<1x1x16xf32>
        tpu.vector_store %arg10[%parallel_loop3A_1498, %parallel_loop3A_1499, %parallel_loop3A_1500], %parallel_loop3A_1503 {add = true, strides = array<i32>} : memref<4x32x768xf32, #tpu.memory_space<vmem>>, vector<1x1x16xf32>,
        %parallel_loop3A_1504 = arith.index_cast %parallel_loop3A_1449 : i32 to index
        %parallel_loop3A_1505 = arith.constant 48 : index
        %parallel_loop3A_1506 = tpu.vector_load %arg9[%parallel_loop3A_1504, %parallel_loop3A_1505] {strides = array<i32>} : memref<32x768xf32, #tpu.memory_space<vmem>>, vector<1x16xf32>,
        %parallel_loop3A_1507 = vector.shape_cast %parallel_loop3A_1506 : vector<1x16xf32> to vector<16xf32>
        %parallel_loop3A_1508 = arith.constant 0 : i32
        %parallel_loop3A_1509 = arith.index_cast %parallel_loop3A_1508 : i32 to index
        %parallel_loop3A_1510 = arith.index_cast %parallel_loop3A_1449 : i32 to index
        %parallel_loop3A_1511 = arith.constant 48 : index
        %parallel_loop3A_1512 = tpu.vector_load %arg10[%parallel_loop3A_1509, %parallel_loop3A_1510, %parallel_loop3A_1511] {strides = array<i32>} : memref<4x32x768xf32, #tpu.memory_space<vmem>>, vector<1x1x16xf32>,
        %parallel_loop3A_1513 = vector.shape_cast %parallel_loop3A_1512 : vector<1x1x16xf32> to vector<16xf32>
        %parallel_loop3A_1514 = vector.shape_cast %parallel_loop3A_1507 : vector<16xf32> to vector<1x1x16xf32>
        tpu.vector_store %arg10[%parallel_loop3A_1509, %parallel_loop3A_1510, %parallel_loop3A_1511], %parallel_loop3A_1514 {add = true, strides = array<i32>} : memref<4x32x768xf32, #tpu.memory_space<vmem>>, vector<1x1x16xf32>,
        %parallel_loop3A_1515 = arith.constant 1 : i32
        %parallel_loop3A_1516 = arith.index_cast %parallel_loop3A_1515 : i32 to index
        %parallel_loop3A_1517 = arith.index_cast %parallel_loop3A_1449 : i32 to index
        %parallel_loop3A_1518 = arith.constant 48 : index
        %parallel_loop3A_1519 = tpu.vector_load %arg10[%parallel_loop3A_1516, %parallel_loop3A_1517, %parallel_loop3A_1518] {strides = array<i32>} : memref<4x32x768xf32, #tpu.memory_space<vmem>>, vector<1x1x16xf32>,
        %parallel_loop3A_1520 = vector.shape_cast %parallel_loop3A_1519 : vector<1x1x16xf32> to vector<16xf32>
        %parallel_loop3A_1521 = vector.shape_cast %parallel_loop3A_1507 : vector<16xf32> to vector<1x1x16xf32>
        tpu.vector_store %arg10[%parallel_loop3A_1516, %parallel_loop3A_1517, %parallel_loop3A_1518], %parallel_loop3A_1521 {add = true, strides = array<i32>} : memref<4x32x768xf32, #tpu.memory_space<vmem>>, vector<1x1x16xf32>,
        %parallel_loop3A_1522 = arith.index_cast %parallel_loop3A_1449 : i32 to index
        %parallel_loop3A_1523 = arith.constant 64 : index
        %parallel_loop3A_1524 = tpu.vector_load %arg9[%parallel_loop3A_1522, %parallel_loop3A_1523] {strides = array<i32>} : memref<32x768xf32, #tpu.memory_space<vmem>>, vector<1x16xf32>,
        %parallel_loop3A_1525 = vector.shape_cast %parallel_loop3A_1524 : vector<1x16xf32> to vector<16xf32>
        %parallel_loop3A_1526 = arith.constant 0 : i32
        %parallel_loop3A_1527 = arith.index_cast %parallel_loop3A_1526 : i32 to index
        %parallel_loop3A_1528 = arith.index_cast %parallel_loop3A_1449 : i32 to index
        %parallel_loop3A_1529 = arith.constant 64 : index
        %parallel_loop3A_1530 = tpu.vector_load %arg10[%parallel_loop3A_1527, %parallel_loop3A_1528, %parallel_loop3A_1529] {strides = array<i32>} : memref<4x32x768xf32, #tpu.memory_space<vmem>>, vector<1x1x16xf32>,
        %parallel_loop3A_1531 = vector.shape_cast %parallel_loop3A_1530 : vector<1x1x16xf32> to vector<16xf32>
        %parallel_loop3A_1532 = vector.shape_cast %parallel_loop3A_1525 : vector<16xf32> to vector<1x1x16xf32>
        tpu.vector_store %arg10[%parallel_loop3A_1527, %parallel_loop3A_1528, %parallel_loop3A_1529], %parallel_loop3A_1532 {add = true, strides = array<i32>} : memref<4x32x768xf32, #tpu.memory_space<vmem>>, vector<1x1x16xf32>,
        %parallel_loop3A_1533 = arith.constant 1 : i32
        %parallel_loop3A_1534 = arith.index_cast %parallel_loop3A_1533 : i32 to index
        %parallel_loop3A_1535 = arith.index_cast %parallel_loop3A_1449 : i32 to index
        %parallel_loop3A_1536 = arith.constant 64 : index
        %parallel_loop3A_1537 = tpu.vector_load %arg10[%parallel_loop3A_1534, %parallel_loop3A_1535, %parallel_loop3A_1536] {strides = array<i32>} : memref<4x32x768xf32, #tpu.memory_space<vmem>>, vector<1x1x16xf32>,
        %parallel_loop3A_1538 = vector.shape_cast %parallel_loop3A_1537 : vector<1x1x16xf32> to vector<16xf32>
        %parallel_loop3A_1539 = vector.shape_cast %parallel_loop3A_1525 : vector<16xf32> to vector<1x1x16xf32>
        tpu.vector_store %arg10[%parallel_loop3A_1534, %parallel_loop3A_1535, %parallel_loop3A_1536], %parallel_loop3A_1539 {add = true, strides = array<i32>} : memref<4x32x768xf32, #tpu.memory_space<vmem>>, vector<1x1x16xf32>,
        %parallel_loop3A_1540 = arith.index_cast %parallel_loop3A_1449 : i32 to index
        %parallel_loop3A_1541 = arith.constant 80 : index
        %parallel_loop3A_1542 = tpu.vector_load %arg9[%parallel_loop3A_1540, %parallel_loop3A_1541] {strides = array<i32>} : memref<32x768xf32, #tpu.memory_space<vmem>>, vector<1x16xf32>,
        %parallel_loop3A_1543 = vector.shape_cast %parallel_loop3A_1542 : vector<1x16xf32> to vector<16xf32>
        %parallel_loop3A_1544 = arith.constant 0 : i32
        %parallel_loop3A_1545 = arith.index_cast %parallel_loop3A_1544 : i32 to index
        %parallel_loop3A_1546 = arith.index_cast %parallel_loop3A_1449 : i32 to index
        %parallel_loop3A_1547 = arith.constant 80 : index
        %parallel_loop3A_1548 = tpu.vector_load %arg10[%parallel_loop3A_1545, %parallel_loop3A_1546, %parallel_loop3A_1547] {strides = array<i32>} : memref<4x32x768xf32, #tpu.memory_space<vmem>>, vector<1x1x16xf32>,
        %parallel_loop3A_1549 = vector.shape_cast %parallel_loop3A_1548 : vector<1x1x16xf32> to vector<16xf32>
        %parallel_loop3A_1550 = vector.shape_cast %parallel_loop3A_1543 : vector<16xf32> to vector<1x1x16xf32>
        tpu.vector_store %arg10[%parallel_loop3A_1545, %parallel_loop3A_1546, %parallel_loop3A_1547], %parallel_loop3A_1550 {add = true, strides = array<i32>} : memref<4x32x768xf32, #tpu.memory_space<vmem>>, vector<1x1x16xf32>,
        %parallel_loop3A_1551 = arith.constant 1 : i32
        %parallel_loop3A_1552 = arith.index_cast %parallel_loop3A_1551 : i32 to index
        %parallel_loop3A_1553 = arith.index_cast %parallel_loop3A_1449 : i32 to index
        %parallel_loop3A_1554 = arith.constant 80 : index
        %parallel_loop3A_1555 = tpu.vector_load %arg10[%parallel_loop3A_1552, %parallel_loop3A_1553, %parallel_loop3A_1554] {strides = array<i32>} : memref<4x32x768xf32, #tpu.memory_space<vmem>>, vector<1x1x16xf32>,
        %parallel_loop3A_1556 = vector.shape_cast %parallel_loop3A_1555 : vector<1x1x16xf32> to vector<16xf32>
        %parallel_loop3A_1557 = vector.shape_cast %parallel_loop3A_1543 : vector<16xf32> to vector<1x1x16xf32>
        tpu.vector_store %arg10[%parallel_loop3A_1552, %parallel_loop3A_1553, %parallel_loop3A_1554], %parallel_loop3A_1557 {add = true, strides = array<i32>} : memref<4x32x768xf32, #tpu.memory_space<vmem>>, vector<1x1x16xf32>,
        %parallel_loop3A_1558 = arith.index_cast %parallel_loop3A_1449 : i32 to index
        %parallel_loop3A_1559 = arith.constant 96 : index
        %parallel_loop3A_1560 = tpu.vector_load %arg9[%parallel_loop3A_1558, %parallel_loop3A_1559] {strides = array<i32>} : memref<32x768xf32, #tpu.memory_space<vmem>>, vector<1x16xf32>,
        %parallel_loop3A_1561 = vector.shape_cast %parallel_loop3A_1560 : vector<1x16xf32> to vector<16xf32>
        %parallel_loop3A_1562 = arith.constant 0 : i32
        %parallel_loop3A_1563 = arith.index_cast %parallel_loop3A_1562 : i32 to index
        %parallel_loop3A_1564 = arith.index_cast %parallel_loop3A_1449 : i32 to index
        %parallel_loop3A_1565 = arith.constant 96 : index
        %parallel_loop3A_1566 = tpu.vector_load %arg10[%parallel_loop3A_1563, %parallel_loop3A_1564, %parallel_loop3A_1565] {strides = array<i32>} : memref<4x32x768xf32, #tpu.memory_space<vmem>>, vector<1x1x16xf32>,
        %parallel_loop3A_1567 = vector.shape_cast %parallel_loop3A_1566 : vector<1x1x16xf32> to vector<16xf32>
        %parallel_loop3A_1568 = vector.shape_cast %parallel_loop3A_1561 : vector<16xf32> to vector<1x1x16xf32>
        tpu.vector_store %arg10[%parallel_loop3A_1563, %parallel_loop3A_1564, %parallel_loop3A_1565], %parallel_loop3A_1568 {add = true, strides = array<i32>} : memref<4x32x768xf32, #tpu.memory_space<vmem>>, vector<1x1x16xf32>,
        %parallel_loop3A_1569 = arith.constant 1 : i32
        %parallel_loop3A_1570 = arith.index_cast %parallel_loop3A_1569 : i32 to index
        %parallel_loop3A_1571 = arith.index_cast %parallel_loop3A_1449 : i32 to index
        %parallel_loop3A_1572 = arith.constant 96 : index
        %parallel_loop3A_1573 = tpu.vector_load %arg10[%parallel_loop3A_1570, %parallel_loop3A_1571, %parallel_loop3A_1572] {strides = array<i32>} : memref<4x32x768xf32, #tpu.memory_space<vmem>>, vector<1x1x16xf32>,
        %parallel_loop3A_1574 = vector.shape_cast %parallel_loop3A_1573 : vector<1x1x16xf32> to vector<16xf32>
        %parallel_loop3A_1575 = vector.shape_cast %parallel_loop3A_1561 : vector<16xf32> to vector<1x1x16xf32>
        tpu.vector_store %arg10[%parallel_loop3A_1570, %parallel_loop3A_1571, %parallel_loop3A_1572], %parallel_loop3A_1575 {add = true, strides = array<i32>} : memref<4x32x768xf32, #tpu.memory_space<vmem>>, vector<1x1x16xf32>,
        %parallel_loop3A_1576 = arith.index_cast %parallel_loop3A_1449 : i32 to index
        %parallel_loop3A_1577 = arith.constant 112 : index
        %parallel_loop3A_1578 = tpu.vector_load %arg9[%parallel_loop3A_1576, %parallel_loop3A_1577] {strides = array<i32>} : memref<32x768xf32, #tpu.memory_space<vmem>>, vector<1x16xf32>,
        %parallel_loop3A_1579 = vector.shape_cast %parallel_loop3A_1578 : vector<1x16xf32> to vector<16xf32>
        %parallel_loop3A_1580 = arith.constant 0 : i32
        %parallel_loop3A_1581 = arith.index_cast %parallel_loop3A_1580 : i32 to index
        %parallel_loop3A_1582 = arith.index_cast %parallel_loop3A_1449 : i32 to index
        %parallel_loop3A_1583 = arith.constant 112 : index
        %parallel_loop3A_1584 = tpu.vector_load %arg10[%parallel_loop3A_1581, %parallel_loop3A_1582, %parallel_loop3A_1583] {strides = array<i32>} : memref<4x32x768xf32, #tpu.memory_space<vmem>>, vector<1x1x16xf32>,
        %parallel_loop3A_1585 = vector.shape_cast %parallel_loop3A_1584 : vector<1x1x16xf32> to vector<16xf32>
        %parallel_loop3A_1586 = vector.shape_cast %parallel_loop3A_1579 : vector<16xf32> to vector<1x1x16xf32>
        tpu.vector_store %arg10[%parallel_loop3A_1581, %parallel_loop3A_1582, %parallel_loop3A_1583], %parallel_loop3A_1586 {add = true, strides = array<i32>} : memref<4x32x768xf32, #tpu.memory_space<vmem>>, vector<1x1x16xf32>,
        %parallel_loop3A_1587 = arith.constant 1 : i32
        %parallel_loop3A_1588 = arith.index_cast %parallel_loop3A_1587 : i32 to index
        %parallel_loop3A_1589 = arith.index_cast %parallel_loop3A_1449 : i32 to index
        %parallel_loop3A_1590 = arith.constant 112 : index
        %parallel_loop3A_1591 = tpu.vector_load %arg10[%parallel_loop3A_1588, %parallel_loop3A_1589, %parallel_loop3A_1590] {strides = array<i32>} : memref<4x32x768xf32, #tpu.memory_space<vmem>>, vector<1x1x16xf32>,
        %parallel_loop3A_1592 = vector.shape_cast %parallel_loop3A_1591 : vector<1x1x16xf32> to vector<16xf32>
        %parallel_loop3A_1593 = vector.shape_cast %parallel_loop3A_1579 : vector<16xf32> to vector<1x1x16xf32>
        tpu.vector_store %arg10[%parallel_loop3A_1588, %parallel_loop3A_1589, %parallel_loop3A_1590], %parallel_loop3A_1593 {add = true, strides = array<i32>} : memref<4x32x768xf32, #tpu.memory_space<vmem>>, vector<1x1x16xf32>,
        %parallel_loop3A_1594 = arith.index_cast %parallel_loop3A_1449 : i32 to index
        %parallel_loop3A_1595 = arith.constant 128 : index
        %parallel_loop3A_1596 = tpu.vector_load %arg9[%parallel_loop3A_1594, %parallel_loop3A_1595] {strides = array<i32>} : memref<32x768xf32, #tpu.memory_space<vmem>>, vector<1x16xf32>,
        %parallel_loop3A_1597 = vector.shape_cast %parallel_loop3A_1596 : vector<1x16xf32> to vector<16xf32>
        %parallel_loop3A_1598 = arith.constant 0 : i32
        %parallel_loop3A_1599 = arith.index_cast %parallel_loop3A_1598 : i32 to index
        %parallel_loop3A_1600 = arith.index_cast %parallel_loop3A_1449 : i32 to index
        %parallel_loop3A_1601 = arith.constant 128 : index
        %parallel_loop3A_1602 = tpu.vector_load %arg10[%parallel_loop3A_1599, %parallel_loop3A_1600, %parallel_loop3A_1601] {strides = array<i32>} : memref<4x32x768xf32, #tpu.memory_space<vmem>>, vector<1x1x16xf32>,
        %parallel_loop3A_1603 = vector.shape_cast %parallel_loop3A_1602 : vector<1x1x16xf32> to vector<16xf32>
        %parallel_loop3A_1604 = vector.shape_cast %parallel_loop3A_1597 : vector<16xf32> to vector<1x1x16xf32>
        tpu.vector_store %arg10[%parallel_loop3A_1599, %parallel_loop3A_1600, %parallel_loop3A_1601], %parallel_loop3A_1604 {add = true, strides = array<i32>} : memref<4x32x768xf32, #tpu.memory_space<vmem>>, vector<1x1x16xf32>,
        %parallel_loop3A_1605 = arith.constant 1 : i32
        %parallel_loop3A_1606 = arith.index_cast %parallel_loop3A_1605 : i32 to index
        %parallel_loop3A_1607 = arith.index_cast %parallel_loop3A_1449 : i32 to index
        %parallel_loop3A_1608 = arith.constant 128 : index
        %parallel_loop3A_1609 = tpu.vector_load %arg10[%parallel_loop3A_1606, %parallel_loop3A_1607, %parallel_loop3A_1608] {strides = array<i32>} : memref<4x32x768xf32, #tpu.memory_space<vmem>>, vector<1x1x16xf32>,
        %parallel_loop3A_1610 = vector.shape_cast %parallel_loop3A_1609 : vector<1x1x16xf32> to vector<16xf32>
        %parallel_loop3A_1611 = vector.shape_cast %parallel_loop3A_1597 : vector<16xf32> to vector<1x1x16xf32>
        tpu.vector_store %arg10[%parallel_loop3A_1606, %parallel_loop3A_1607, %parallel_loop3A_1608], %parallel_loop3A_1611 {add = true, strides = array<i32>} : memref<4x32x768xf32, #tpu.memory_space<vmem>>, vector<1x1x16xf32>,
        %parallel_loop3A_1612 = arith.index_cast %parallel_loop3A_1449 : i32 to index
        %parallel_loop3A_1613 = arith.constant 144 : index
        %parallel_loop3A_1614 = tpu.vector_load %arg9[%parallel_loop3A_1612, %parallel_loop3A_1613] {strides = array<i32>} : memref<32x768xf32, #tpu.memory_space<vmem>>, vector<1x16xf32>,
        %parallel_loop3A_1615 = vector.shape_cast %parallel_loop3A_1614 : vector<1x16xf32> to vector<16xf32>
        %parallel_loop3A_1616 = arith.constant 0 : i32
        %parallel_loop3A_1617 = arith.index_cast %parallel_loop3A_1616 : i32 to index
        %parallel_loop3A_1618 = arith.index_cast %parallel_loop3A_1449 : i32 to index
        %parallel_loop3A_1619 = arith.constant 144 : index
        %parallel_loop3A_1620 = tpu.vector_load %arg10[%parallel_loop3A_1617, %parallel_loop3A_1618, %parallel_loop3A_1619] {strides = array<i32>} : memref<4x32x768xf32, #tpu.memory_space<vmem>>, vector<1x1x16xf32>,
        %parallel_loop3A_1621 = vector.shape_cast %parallel_loop3A_1620 : vector<1x1x16xf32> to vector<16xf32>
        %parallel_loop3A_1622 = vector.shape_cast %parallel_loop3A_1615 : vector<16xf32> to vector<1x1x16xf32>
        tpu.vector_store %arg10[%parallel_loop3A_1617, %parallel_loop3A_1618, %parallel_loop3A_1619], %parallel_loop3A_1622 {add = true, strides = array<i32>} : memref<4x32x768xf32, #tpu.memory_space<vmem>>, vector<1x1x16xf32>,
        %parallel_loop3A_1623 = arith.constant 1 : i32
        %parallel_loop3A_1624 = arith.index_cast %parallel_loop3A_1623 : i32 to index
        %parallel_loop3A_1625 = arith.index_cast %parallel_loop3A_1449 : i32 to index
        %parallel_loop3A_1626 = arith.constant 144 : index
        %parallel_loop3A_1627 = tpu.vector_load %arg10[%parallel_loop3A_1624, %parallel_loop3A_1625, %parallel_loop3A_1626] {strides = array<i32>} : memref<4x32x768xf32, #tpu.memory_space<vmem>>, vector<1x1x16xf32>,
        %parallel_loop3A_1628 = vector.shape_cast %parallel_loop3A_1627 : vector<1x1x16xf32> to vector<16xf32>
        %parallel_loop3A_1629 = vector.shape_cast %parallel_loop3A_1615 : vector<16xf32> to vector<1x1x16xf32>
        tpu.vector_store %arg10[%parallel_loop3A_1624, %parallel_loop3A_1625, %parallel_loop3A_1626], %parallel_loop3A_1629 {add = true, strides = array<i32>} : memref<4x32x768xf32, #tpu.memory_space<vmem>>, vector<1x1x16xf32>,
        %parallel_loop3A_1630 = arith.index_cast %parallel_loop3A_1449 : i32 to index
        %parallel_loop3A_1631 = arith.constant 160 : index
        %parallel_loop3A_1632 = tpu.vector_load %arg9[%parallel_loop3A_1630, %parallel_loop3A_1631] {strides = array<i32>} : memref<32x768xf32, #tpu.memory_space<vmem>>, vector<1x16xf32>,
        %parallel_loop3A_1633 = vector.shape_cast %parallel_loop3A_1632 : vector<1x16xf32> to vector<16xf32>
        %parallel_loop3A_1634 = arith.constant 0 : i32
        %parallel_loop3A_1635 = arith.index_cast %parallel_loop3A_1634 : i32 to index
        %parallel_loop3A_1636 = arith.index_cast %parallel_loop3A_1449 : i32 to index
        %parallel_loop3A_1637 = arith.constant 160 : index
        %parallel_loop3A_1638 = tpu.vector_load %arg10[%parallel_loop3A_1635, %parallel_loop3A_1636, %parallel_loop3A_1637] {strides = array<i32>} : memref<4x32x768xf32, #tpu.memory_space<vmem>>, vector<1x1x16xf32>,
        %parallel_loop3A_1639 = vector.shape_cast %parallel_loop3A_1638 : vector<1x1x16xf32> to vector<16xf32>
        %parallel_loop3A_1640 = vector.shape_cast %parallel_loop3A_1633 : vector<16xf32> to vector<1x1x16xf32>
        tpu.vector_store %arg10[%parallel_loop3A_1635, %parallel_loop3A_1636, %parallel_loop3A_1637], %parallel_loop3A_1640 {add = true, strides = array<i32>} : memref<4x32x768xf32, #tpu.memory_space<vmem>>, vector<1x1x16xf32>,
        %parallel_loop3A_1641 = arith.constant 1 : i32
        %parallel_loop3A_1642 = arith.index_cast %parallel_loop3A_1641 : i32 to index
        %parallel_loop3A_1643 = arith.index_cast %parallel_loop3A_1449 : i32 to index
        %parallel_loop3A_1644 = arith.constant 160 : index
        %parallel_loop3A_1645 = tpu.vector_load %arg10[%parallel_loop3A_1642, %parallel_loop3A_1643, %parallel_loop3A_1644] {strides = array<i32>} : memref<4x32x768xf32, #tpu.memory_space<vmem>>, vector<1x1x16xf32>,
        %parallel_loop3A_1646 = vector.shape_cast %parallel_loop3A_1645 : vector<1x1x16xf32> to vector<16xf32>
        %parallel_loop3A_1647 = vector.shape_cast %parallel_loop3A_1633 : vector<16xf32> to vector<1x1x16xf32>
        tpu.vector_store %arg10[%parallel_loop3A_1642, %parallel_loop3A_1643, %parallel_loop3A_1644], %parallel_loop3A_1647 {add = true, strides = array<i32>} : memref<4x32x768xf32, #tpu.memory_space<vmem>>, vector<1x1x16xf32>,
        %parallel_loop3A_1648 = arith.index_cast %parallel_loop3A_1449 : i32 to index
        %parallel_loop3A_1649 = arith.constant 176 : index
        %parallel_loop3A_1650 = tpu.vector_load %arg9[%parallel_loop3A_1648, %parallel_loop3A_1649] {strides = array<i32>} : memref<32x768xf32, #tpu.memory_space<vmem>>, vector<1x16xf32>,
        %parallel_loop3A_1651 = vector.shape_cast %parallel_loop3A_1650 : vector<1x16xf32> to vector<16xf32>
        %parallel_loop3A_1652 = arith.constant 0 : i32
        %parallel_loop3A_1653 = arith.index_cast %parallel_loop3A_1652 : i32 to index
        %parallel_loop3A_1654 = arith.index_cast %parallel_loop3A_1449 : i32 to index
        %parallel_loop3A_1655 = arith.constant 176 : index
        %parallel_loop3A_1656 = tpu.vector_load %arg10[%parallel_loop3A_1653, %parallel_loop3A_1654, %parallel_loop3A_1655] {strides = array<i32>} : memref<4x32x768xf32, #tpu.memory_space<vmem>>, vector<1x1x16xf32>,
        %parallel_loop3A_1657 = vector.shape_cast %parallel_loop3A_1656 : vector<1x1x16xf32> to vector<16xf32>
        %parallel_loop3A_1658 = vector.shape_cast %parallel_loop3A_1651 : vector<16xf32> to vector<1x1x16xf32>
        tpu.vector_store %arg10[%parallel_loop3A_1653, %parallel_loop3A_1654, %parallel_loop3A_1655], %parallel_loop3A_1658 {add = true, strides = array<i32>} : memref<4x32x768xf32, #tpu.memory_space<vmem>>, vector<1x1x16xf32>,
        %parallel_loop3A_1659 = arith.constant 1 : i32
        %parallel_loop3A_1660 = arith.index_cast %parallel_loop3A_1659 : i32 to index
        %parallel_loop3A_1661 = arith.index_cast %parallel_loop3A_1449 : i32 to index
        %parallel_loop3A_1662 = arith.constant 176 : index
        %parallel_loop3A_1663 = tpu.vector_load %arg10[%parallel_loop3A_1660, %parallel_loop3A_1661, %parallel_loop3A_1662] {strides = array<i32>} : memref<4x32x768xf32, #tpu.memory_space<vmem>>, vector<1x1x16xf32>,
        %parallel_loop3A_1664 = vector.shape_cast %parallel_loop3A_1663 : vector<1x1x16xf32> to vector<16xf32>
        %parallel_loop3A_1665 = vector.shape_cast %parallel_loop3A_1651 : vector<16xf32> to vector<1x1x16xf32>
        tpu.vector_store %arg10[%parallel_loop3A_1660, %parallel_loop3A_1661, %parallel_loop3A_1662], %parallel_loop3A_1665 {add = true, strides = array<i32>} : memref<4x32x768xf32, #tpu.memory_space<vmem>>, vector<1x1x16xf32>,
        %parallel_loop3A_1666 = arith.index_cast %parallel_loop3A_1449 : i32 to index
        %parallel_loop3A_1667 = arith.constant 192 : index
        %parallel_loop3A_1668 = tpu.vector_load %arg9[%parallel_loop3A_1666, %parallel_loop3A_1667] {strides = array<i32>} : memref<32x768xf32, #tpu.memory_space<vmem>>, vector<1x16xf32>,
        %parallel_loop3A_1669 = vector.shape_cast %parallel_loop3A_1668 : vector<1x16xf32> to vector<16xf32>
        %parallel_loop3A_1670 = arith.constant 0 : i32
        %parallel_loop3A_1671 = arith.index_cast %parallel_loop3A_1670 : i32 to index
        %parallel_loop3A_1672 = arith.index_cast %parallel_loop3A_1449 : i32 to index
        %parallel_loop3A_1673 = arith.constant 192 : index
        %parallel_loop3A_1674 = tpu.vector_load %arg10[%parallel_loop3A_1671, %parallel_loop3A_1672, %parallel_loop3A_1673] {strides = array<i32>} : memref<4x32x768xf32, #tpu.memory_space<vmem>>, vector<1x1x16xf32>,
        %parallel_loop3A_1675 = vector.shape_cast %parallel_loop3A_1674 : vector<1x1x16xf32> to vector<16xf32>
        %parallel_loop3A_1676 = vector.shape_cast %parallel_loop3A_1669 : vector<16xf32> to vector<1x1x16xf32>
        tpu.vector_store %arg10[%parallel_loop3A_1671, %parallel_loop3A_1672, %parallel_loop3A_1673], %parallel_loop3A_1676 {add = true, strides = array<i32>} : memref<4x32x768xf32, #tpu.memory_space<vmem>>, vector<1x1x16xf32>,
        %parallel_loop3A_1677 = arith.constant 1 : i32
        %parallel_loop3A_1678 = arith.index_cast %parallel_loop3A_1677 : i32 to index
        %parallel_loop3A_1679 = arith.index_cast %parallel_loop3A_1449 : i32 to index
        %parallel_loop3A_1680 = arith.constant 192 : index
        %parallel_loop3A_1681 = tpu.vector_load %arg10[%parallel_loop3A_1678, %parallel_loop3A_1679, %parallel_loop3A_1680] {strides = array<i32>} : memref<4x32x768xf32, #tpu.memory_space<vmem>>, vector<1x1x16xf32>,
        %parallel_loop3A_1682 = vector.shape_cast %parallel_loop3A_1681 : vector<1x1x16xf32> to vector<16xf32>
        %parallel_loop3A_1683 = vector.shape_cast %parallel_loop3A_1669 : vector<16xf32> to vector<1x1x16xf32>
        tpu.vector_store %arg10[%parallel_loop3A_1678, %parallel_loop3A_1679, %parallel_loop3A_1680], %parallel_loop3A_1683 {add = true, strides = array<i32>} : memref<4x32x768xf32, #tpu.memory_space<vmem>>, vector<1x1x16xf32>,
        %parallel_loop3A_1684 = arith.index_cast %parallel_loop3A_1449 : i32 to index
        %parallel_loop3A_1685 = arith.constant 208 : index
        %parallel_loop3A_1686 = tpu.vector_load %arg9[%parallel_loop3A_1684, %parallel_loop3A_1685] {strides = array<i32>} : memref<32x768xf32, #tpu.memory_space<vmem>>, vector<1x16xf32>,
        %parallel_loop3A_1687 = vector.shape_cast %parallel_loop3A_1686 : vector<1x16xf32> to vector<16xf32>
        %parallel_loop3A_1688 = arith.constant 0 : i32
        %parallel_loop3A_1689 = arith.index_cast %parallel_loop3A_1688 : i32 to index
        %parallel_loop3A_1690 = arith.index_cast %parallel_loop3A_1449 : i32 to index
        %parallel_loop3A_1691 = arith.constant 208 : index
        %parallel_loop3A_1692 = tpu.vector_load %arg10[%parallel_loop3A_1689, %parallel_loop3A_1690, %parallel_loop3A_1691] {strides = array<i32>} : memref<4x32x768xf32, #tpu.memory_space<vmem>>, vector<1x1x16xf32>,
        %parallel_loop3A_1693 = vector.shape_cast %parallel_loop3A_1692 : vector<1x1x16xf32> to vector<16xf32>
        %parallel_loop3A_1694 = vector.shape_cast %parallel_loop3A_1687 : vector<16xf32> to vector<1x1x16xf32>
        tpu.vector_store %arg10[%parallel_loop3A_1689, %parallel_loop3A_1690, %parallel_loop3A_1691], %parallel_loop3A_1694 {add = true, strides = array<i32>} : memref<4x32x768xf32, #tpu.memory_space<vmem>>, vector<1x1x16xf32>,
        %parallel_loop3A_1695 = arith.constant 1 : i32
        %parallel_loop3A_1696 = arith.index_cast %parallel_loop3A_1695 : i32 to index
        %parallel_loop3A_1697 = arith.index_cast %parallel_loop3A_1449 : i32 to index
        %parallel_loop3A_1698 = arith.constant 208 : index
        %parallel_loop3A_1699 = tpu.vector_load %arg10[%parallel_loop3A_1696, %parallel_loop3A_1697, %parallel_loop3A_1698] {strides = array<i32>} : memref<4x32x768xf32, #tpu.memory_space<vmem>>, vector<1x1x16xf32>,
        %parallel_loop3A_1700 = vector.shape_cast %parallel_loop3A_1699 : vector<1x1x16xf32> to vector<16xf32>
        %parallel_loop3A_1701 = vector.shape_cast %parallel_loop3A_1687 : vector<16xf32> to vector<1x1x16xf32>
        tpu.vector_store %arg10[%parallel_loop3A_1696, %parallel_loop3A_1697, %parallel_loop3A_1698], %parallel_loop3A_1701 {add = true, strides = array<i32>} : memref<4x32x768xf32, #tpu.memory_space<vmem>>, vector<1x1x16xf32>,
        %parallel_loop3A_1702 = arith.index_cast %parallel_loop3A_1449 : i32 to index
        %parallel_loop3A_1703 = arith.constant 224 : index
        %parallel_loop3A_1704 = tpu.vector_load %arg9[%parallel_loop3A_1702, %parallel_loop3A_1703] {strides = array<i32>} : memref<32x768xf32, #tpu.memory_space<vmem>>, vector<1x16xf32>,
        %parallel_loop3A_1705 = vector.shape_cast %parallel_loop3A_1704 : vector<1x16xf32> to vector<16xf32>
        %parallel_loop3A_1706 = arith.constant 0 : i32
        %parallel_loop3A_1707 = arith.index_cast %parallel_loop3A_1706 : i32 to index
        %parallel_loop3A_1708 = arith.index_cast %parallel_loop3A_1449 : i32 to index
        %parallel_loop3A_1709 = arith.constant 224 : index
        %parallel_loop3A_1710 = tpu.vector_load %arg10[%parallel_loop3A_1707, %parallel_loop3A_1708, %parallel_loop3A_1709] {strides = array<i32>} : memref<4x32x768xf32, #tpu.memory_space<vmem>>, vector<1x1x16xf32>,
        %parallel_loop3A_1711 = vector.shape_cast %parallel_loop3A_1710 : vector<1x1x16xf32> to vector<16xf32>
        %parallel_loop3A_1712 = vector.shape_cast %parallel_loop3A_1705 : vector<16xf32> to vector<1x1x16xf32>
        tpu.vector_store %arg10[%parallel_loop3A_1707, %parallel_loop3A_1708, %parallel_loop3A_1709], %parallel_loop3A_1712 {add = true, strides = array<i32>} : memref<4x32x768xf32, #tpu.memory_space<vmem>>, vector<1x1x16xf32>,
        %parallel_loop3A_1713 = arith.constant 1 : i32
        %parallel_loop3A_1714 = arith.index_cast %parallel_loop3A_1713 : i32 to index
        %parallel_loop3A_1715 = arith.index_cast %parallel_loop3A_1449 : i32 to index
        %parallel_loop3A_1716 = arith.constant 224 : index
        %parallel_loop3A_1717 = tpu.vector_load %arg10[%parallel_loop3A_1714, %parallel_loop3A_1715, %parallel_loop3A_1716] {strides = array<i32>} : memref<4x32x768xf32, #tpu.memory_space<vmem>>, vector<1x1x16xf32>,
        %parallel_loop3A_1718 = vector.shape_cast %parallel_loop3A_1717 : vector<1x1x16xf32> to vector<16xf32>
        %parallel_loop3A_1719 = vector.shape_cast %parallel_loop3A_1705 : vector<16xf32> to vector<1x1x16xf32>
        tpu.vector_store %arg10[%parallel_loop3A_1714, %parallel_loop3A_1715, %parallel_loop3A_1716], %parallel_loop3A_1719 {add = true, strides = array<i32>} : memref<4x32x768xf32, #tpu.memory_space<vmem>>, vector<1x1x16xf32>,
        %parallel_loop3A_1720 = arith.index_cast %parallel_loop3A_1449 : i32 to index
        %parallel_loop3A_1721 = arith.constant 240 : index
        %parallel_loop3A_1722 = tpu.vector_load %arg9[%parallel_loop3A_1720, %parallel_loop3A_1721] {strides = array<i32>} : memref<32x768xf32, #tpu.memory_space<vmem>>, vector<1x16xf32>,
        %parallel_loop3A_1723 = vector.shape_cast %parallel_loop3A_1722 : vector<1x16xf32> to vector<16xf32>
        %parallel_loop3A_1724 = arith.constant 0 : i32
        %parallel_loop3A_1725 = arith.index_cast %parallel_loop3A_1724 : i32 to index
        %parallel_loop3A_1726 = arith.index_cast %parallel_loop3A_1449 : i32 to index
        %parallel_loop3A_1727 = arith.constant 240 : index
        %parallel_loop3A_1728 = tpu.vector_load %arg10[%parallel_loop3A_1725, %parallel_loop3A_1726, %parallel_loop3A_1727] {strides = array<i32>} : memref<4x32x768xf32, #tpu.memory_space<vmem>>, vector<1x1x16xf32>,
        %parallel_loop3A_1729 = vector.shape_cast %parallel_loop3A_1728 : vector<1x1x16xf32> to vector<16xf32>
        %parallel_loop3A_1730 = vector.shape_cast %parallel_loop3A_1723 : vector<16xf32> to vector<1x1x16xf32>
        tpu.vector_store %arg10[%parallel_loop3A_1725, %parallel_loop3A_1726, %parallel_loop3A_1727], %parallel_loop3A_1730 {add = true, strides = array<i32>} : memref<4x32x768xf32, #tpu.memory_space<vmem>>, vector<1x1x16xf32>,
        %parallel_loop3A_1731 = arith.constant 1 : i32
        %parallel_loop3A_1732 = arith.index_cast %parallel_loop3A_1731 : i32 to index
        %parallel_loop3A_1733 = arith.index_cast %parallel_loop3A_1449 : i32 to index
        %parallel_loop3A_1734 = arith.constant 240 : index
        %parallel_loop3A_1735 = tpu.vector_load %arg10[%parallel_loop3A_1732, %parallel_loop3A_1733, %parallel_loop3A_1734] {strides = array<i32>} : memref<4x32x768xf32, #tpu.memory_space<vmem>>, vector<1x1x16xf32>,
        %parallel_loop3A_1736 = vector.shape_cast %parallel_loop3A_1735 : vector<1x1x16xf32> to vector<16xf32>
        %parallel_loop3A_1737 = vector.shape_cast %parallel_loop3A_1723 : vector<16xf32> to vector<1x1x16xf32>
        tpu.vector_store %arg10[%parallel_loop3A_1732, %parallel_loop3A_1733, %parallel_loop3A_1734], %parallel_loop3A_1737 {add = true, strides = array<i32>} : memref<4x32x768xf32, #tpu.memory_space<vmem>>, vector<1x1x16xf32>,
        %parallel_loop3A_1738 = arith.index_cast %parallel_loop3A_1449 : i32 to index
        %parallel_loop3A_1739 = arith.constant 256 : index
        %parallel_loop3A_1740 = tpu.vector_load %arg9[%parallel_loop3A_1738, %parallel_loop3A_1739] {strides = array<i32>} : memref<32x768xf32, #tpu.memory_space<vmem>>, vector<1x16xf32>,
        %parallel_loop3A_1741 = vector.shape_cast %parallel_loop3A_1740 : vector<1x16xf32> to vector<16xf32>
        %parallel_loop3A_1742 = arith.constant 0 : i32
        %parallel_loop3A_1743 = arith.index_cast %parallel_loop3A_1742 : i32 to index
        %parallel_loop3A_1744 = arith.index_cast %parallel_loop3A_1449 : i32 to index
        %parallel_loop3A_1745 = arith.constant 256 : index
        %parallel_loop3A_1746 = tpu.vector_load %arg10[%parallel_loop3A_1743, %parallel_loop3A_1744, %parallel_loop3A_1745] {strides = array<i32>} : memref<4x32x768xf32, #tpu.memory_space<vmem>>, vector<1x1x16xf32>,
        %parallel_loop3A_1747 = vector.shape_cast %parallel_loop3A_1746 : vector<1x1x16xf32> to vector<16xf32>
        %parallel_loop3A_1748 = vector.shape_cast %parallel_loop3A_1741 : vector<16xf32> to vector<1x1x16xf32>
        tpu.vector_store %arg10[%parallel_loop3A_1743, %parallel_loop3A_1744, %parallel_loop3A_1745], %parallel_loop3A_1748 {add = true, strides = array<i32>} : memref<4x32x768xf32, #tpu.memory_space<vmem>>, vector<1x1x16xf32>,
        %parallel_loop3A_1749 = arith.constant 1 : i32
        %parallel_loop3A_1750 = arith.index_cast %parallel_loop3A_1749 : i32 to index
        %parallel_loop3A_1751 = arith.index_cast %parallel_loop3A_1449 : i32 to index
        %parallel_loop3A_1752 = arith.constant 256 : index
        %parallel_loop3A_1753 = tpu.vector_load %arg10[%parallel_loop3A_1750, %parallel_loop3A_1751, %parallel_loop3A_1752] {strides = array<i32>} : memref<4x32x768xf32, #tpu.memory_space<vmem>>, vector<1x1x16xf32>,
        %parallel_loop3A_1754 = vector.shape_cast %parallel_loop3A_1753 : vector<1x1x16xf32> to vector<16xf32>
        %parallel_loop3A_1755 = vector.shape_cast %parallel_loop3A_1741 : vector<16xf32> to vector<1x1x16xf32>
        tpu.vector_store %arg10[%parallel_loop3A_1750, %parallel_loop3A_1751, %parallel_loop3A_1752], %parallel_loop3A_1755 {add = true, strides = array<i32>} : memref<4x32x768xf32, #tpu.memory_space<vmem>>, vector<1x1x16xf32>,
        %parallel_loop3A_1756 = arith.index_cast %parallel_loop3A_1449 : i32 to index
        %parallel_loop3A_1757 = arith.constant 272 : index
        %parallel_loop3A_1758 = tpu.vector_load %arg9[%parallel_loop3A_1756, %parallel_loop3A_1757] {strides = array<i32>} : memref<32x768xf32, #tpu.memory_space<vmem>>, vector<1x16xf32>,
        %parallel_loop3A_1759 = vector.shape_cast %parallel_loop3A_1758 : vector<1x16xf32> to vector<16xf32>
        %parallel_loop3A_1760 = arith.constant 0 : i32
        %parallel_loop3A_1761 = arith.index_cast %parallel_loop3A_1760 : i32 to index
        %parallel_loop3A_1762 = arith.index_cast %parallel_loop3A_1449 : i32 to index
        %parallel_loop3A_1763 = arith.constant 272 : index
        %parallel_loop3A_1764 = tpu.vector_load %arg10[%parallel_loop3A_1761, %parallel_loop3A_1762, %parallel_loop3A_1763] {strides = array<i32>} : memref<4x32x768xf32, #tpu.memory_space<vmem>>, vector<1x1x16xf32>,
        %parallel_loop3A_1765 = vector.shape_cast %parallel_loop3A_1764 : vector<1x1x16xf32> to vector<16xf32>
        %parallel_loop3A_1766 = vector.shape_cast %parallel_loop3A_1759 : vector<16xf32> to vector<1x1x16xf32>
        tpu.vector_store %arg10[%parallel_loop3A_1761, %parallel_loop3A_1762, %parallel_loop3A_1763], %parallel_loop3A_1766 {add = true, strides = array<i32>} : memref<4x32x768xf32, #tpu.memory_space<vmem>>, vector<1x1x16xf32>,
        %parallel_loop3A_1767 = arith.constant 1 : i32
        %parallel_loop3A_1768 = arith.index_cast %parallel_loop3A_1767 : i32 to index
        %parallel_loop3A_1769 = arith.index_cast %parallel_loop3A_1449 : i32 to index
        %parallel_loop3A_1770 = arith.constant 272 : index
        %parallel_loop3A_1771 = tpu.vector_load %arg10[%parallel_loop3A_1768, %parallel_loop3A_1769, %parallel_loop3A_1770] {strides = array<i32>} : memref<4x32x768xf32, #tpu.memory_space<vmem>>, vector<1x1x16xf32>,
        %parallel_loop3A_1772 = vector.shape_cast %parallel_loop3A_1771 : vector<1x1x16xf32> to vector<16xf32>
        %parallel_loop3A_1773 = vector.shape_cast %parallel_loop3A_1759 : vector<16xf32> to vector<1x1x16xf32>
        tpu.vector_store %arg10[%parallel_loop3A_1768, %parallel_loop3A_1769, %parallel_loop3A_1770], %parallel_loop3A_1773 {add = true, strides = array<i32>} : memref<4x32x768xf32, #tpu.memory_space<vmem>>, vector<1x1x16xf32>,
        %parallel_loop3A_1774 = arith.index_cast %parallel_loop3A_1449 : i32 to index
        %parallel_loop3A_1775 = arith.constant 288 : index
        %parallel_loop3A_1776 = tpu.vector_load %arg9[%parallel_loop3A_1774, %parallel_loop3A_1775] {strides = array<i32>} : memref<32x768xf32, #tpu.memory_space<vmem>>, vector<1x16xf32>,
        %parallel_loop3A_1777 = vector.shape_cast %parallel_loop3A_1776 : vector<1x16xf32> to vector<16xf32>
        %parallel_loop3A_1778 = arith.constant 0 : i32
        %parallel_loop3A_1779 = arith.index_cast %parallel_loop3A_1778 : i32 to index
        %parallel_loop3A_1780 = arith.index_cast %parallel_loop3A_1449 : i32 to index
        %parallel_loop3A_1781 = arith.constant 288 : index
        %parallel_loop3A_1782 = tpu.vector_load %arg10[%parallel_loop3A_1779, %parallel_loop3A_1780, %parallel_loop3A_1781] {strides = array<i32>} : memref<4x32x768xf32, #tpu.memory_space<vmem>>, vector<1x1x16xf32>,
        %parallel_loop3A_1783 = vector.shape_cast %parallel_loop3A_1782 : vector<1x1x16xf32> to vector<16xf32>
        %parallel_loop3A_1784 = vector.shape_cast %parallel_loop3A_1777 : vector<16xf32> to vector<1x1x16xf32>
        tpu.vector_store %arg10[%parallel_loop3A_1779, %parallel_loop3A_1780, %parallel_loop3A_1781], %parallel_loop3A_1784 {add = true, strides = array<i32>} : memref<4x32x768xf32, #tpu.memory_space<vmem>>, vector<1x1x16xf32>,
        %parallel_loop3A_1785 = arith.constant 1 : i32
        %parallel_loop3A_1786 = arith.index_cast %parallel_loop3A_1785 : i32 to index
        %parallel_loop3A_1787 = arith.index_cast %parallel_loop3A_1449 : i32 to index
        %parallel_loop3A_1788 = arith.constant 288 : index
        %parallel_loop3A_1789 = tpu.vector_load %arg10[%parallel_loop3A_1786, %parallel_loop3A_1787, %parallel_loop3A_1788] {strides = array<i32>} : memref<4x32x768xf32, #tpu.memory_space<vmem>>, vector<1x1x16xf32>,
        %parallel_loop3A_1790 = vector.shape_cast %parallel_loop3A_1789 : vector<1x1x16xf32> to vector<16xf32>
        %parallel_loop3A_1791 = vector.shape_cast %parallel_loop3A_1777 : vector<16xf32> to vector<1x1x16xf32>
        tpu.vector_store %arg10[%parallel_loop3A_1786, %parallel_loop3A_1787, %parallel_loop3A_1788], %parallel_loop3A_1791 {add = true, strides = array<i32>} : memref<4x32x768xf32, #tpu.memory_space<vmem>>, vector<1x1x16xf32>,
        %parallel_loop3A_1792 = arith.index_cast %parallel_loop3A_1449 : i32 to index
        %parallel_loop3A_1793 = arith.constant 304 : index
        %parallel_loop3A_1794 = tpu.vector_load %arg9[%parallel_loop3A_1792, %parallel_loop3A_1793] {strides = array<i32>} : memref<32x768xf32, #tpu.memory_space<vmem>>, vector<1x16xf32>,
        %parallel_loop3A_1795 = vector.shape_cast %parallel_loop3A_1794 : vector<1x16xf32> to vector<16xf32>
        %parallel_loop3A_1796 = arith.constant 0 : i32
        %parallel_loop3A_1797 = arith.index_cast %parallel_loop3A_1796 : i32 to index
        %parallel_loop3A_1798 = arith.index_cast %parallel_loop3A_1449 : i32 to index
        %parallel_loop3A_1799 = arith.constant 304 : index
        %parallel_loop3A_1800 = tpu.vector_load %arg10[%parallel_loop3A_1797, %parallel_loop3A_1798, %parallel_loop3A_1799] {strides = array<i32>} : memref<4x32x768xf32, #tpu.memory_space<vmem>>, vector<1x1x16xf32>,
        %parallel_loop3A_1801 = vector.shape_cast %parallel_loop3A_1800 : vector<1x1x16xf32> to vector<16xf32>
        %parallel_loop3A_1802 = vector.shape_cast %parallel_loop3A_1795 : vector<16xf32> to vector<1x1x16xf32>
        tpu.vector_store %arg10[%parallel_loop3A_1797, %parallel_loop3A_1798, %parallel_loop3A_1799], %parallel_loop3A_1802 {add = true, strides = array<i32>} : memref<4x32x768xf32, #tpu.memory_space<vmem>>, vector<1x1x16xf32>,
        %parallel_loop3A_1803 = arith.constant 1 : i32
        %parallel_loop3A_1804 = arith.index_cast %parallel_loop3A_1803 : i32 to index
        %parallel_loop3A_1805 = arith.index_cast %parallel_loop3A_1449 : i32 to index
        %parallel_loop3A_1806 = arith.constant 304 : index
        %parallel_loop3A_1807 = tpu.vector_load %arg10[%parallel_loop3A_1804, %parallel_loop3A_1805, %parallel_loop3A_1806] {strides = array<i32>} : memref<4x32x768xf32, #tpu.memory_space<vmem>>, vector<1x1x16xf32>,
        %parallel_loop3A_1808 = vector.shape_cast %parallel_loop3A_1807 : vector<1x1x16xf32> to vector<16xf32>
        %parallel_loop3A_1809 = vector.shape_cast %parallel_loop3A_1795 : vector<16xf32> to vector<1x1x16xf32>
        tpu.vector_store %arg10[%parallel_loop3A_1804, %parallel_loop3A_1805, %parallel_loop3A_1806], %parallel_loop3A_1809 {add = true, strides = array<i32>} : memref<4x32x768xf32, #tpu.memory_space<vmem>>, vector<1x1x16xf32>,
        %parallel_loop3A_1810 = arith.index_cast %parallel_loop3A_1449 : i32 to index
        %parallel_loop3A_1811 = arith.constant 320 : index
        %parallel_loop3A_1812 = tpu.vector_load %arg9[%parallel_loop3A_1810, %parallel_loop3A_1811] {strides = array<i32>} : memref<32x768xf32, #tpu.memory_space<vmem>>, vector<1x16xf32>,
        %parallel_loop3A_1813 = vector.shape_cast %parallel_loop3A_1812 : vector<1x16xf32> to vector<16xf32>
        %parallel_loop3A_1814 = arith.constant 0 : i32
        %parallel_loop3A_1815 = arith.index_cast %parallel_loop3A_1814 : i32 to index
        %parallel_loop3A_1816 = arith.index_cast %parallel_loop3A_1449 : i32 to index
        %parallel_loop3A_1817 = arith.constant 320 : index
        %parallel_loop3A_1818 = tpu.vector_load %arg10[%parallel_loop3A_1815, %parallel_loop3A_1816, %parallel_loop3A_1817] {strides = array<i32>} : memref<4x32x768xf32, #tpu.memory_space<vmem>>, vector<1x1x16xf32>,
        %parallel_loop3A_1819 = vector.shape_cast %parallel_loop3A_1818 : vector<1x1x16xf32> to vector<16xf32>
        %parallel_loop3A_1820 = vector.shape_cast %parallel_loop3A_1813 : vector<16xf32> to vector<1x1x16xf32>
        tpu.vector_store %arg10[%parallel_loop3A_1815, %parallel_loop3A_1816, %parallel_loop3A_1817], %parallel_loop3A_1820 {add = true, strides = array<i32>} : memref<4x32x768xf32, #tpu.memory_space<vmem>>, vector<1x1x16xf32>,
        %parallel_loop3A_1821 = arith.constant 1 : i32
        %parallel_loop3A_1822 = arith.index_cast %parallel_loop3A_1821 : i32 to index
        %parallel_loop3A_1823 = arith.index_cast %parallel_loop3A_1449 : i32 to index
        %parallel_loop3A_1824 = arith.constant 320 : index
        %parallel_loop3A_1825 = tpu.vector_load %arg10[%parallel_loop3A_1822, %parallel_loop3A_1823, %parallel_loop3A_1824] {strides = array<i32>} : memref<4x32x768xf32, #tpu.memory_space<vmem>>, vector<1x1x16xf32>,
        %parallel_loop3A_1826 = vector.shape_cast %parallel_loop3A_1825 : vector<1x1x16xf32> to vector<16xf32>
        %parallel_loop3A_1827 = vector.shape_cast %parallel_loop3A_1813 : vector<16xf32> to vector<1x1x16xf32>
        tpu.vector_store %arg10[%parallel_loop3A_1822, %parallel_loop3A_1823, %parallel_loop3A_1824], %parallel_loop3A_1827 {add = true, strides = array<i32>} : memref<4x32x768xf32, #tpu.memory_space<vmem>>, vector<1x1x16xf32>,
        %parallel_loop3A_1828 = arith.index_cast %parallel_loop3A_1449 : i32 to index
        %parallel_loop3A_1829 = arith.constant 336 : index
        %parallel_loop3A_1830 = tpu.vector_load %arg9[%parallel_loop3A_1828, %parallel_loop3A_1829] {strides = array<i32>} : memref<32x768xf32, #tpu.memory_space<vmem>>, vector<1x16xf32>,
        %parallel_loop3A_1831 = vector.shape_cast %parallel_loop3A_1830 : vector<1x16xf32> to vector<16xf32>
        %parallel_loop3A_1832 = arith.constant 0 : i32
        %parallel_loop3A_1833 = arith.index_cast %parallel_loop3A_1832 : i32 to index
        %parallel_loop3A_1834 = arith.index_cast %parallel_loop3A_1449 : i32 to index
        %parallel_loop3A_1835 = arith.constant 336 : index
        %parallel_loop3A_1836 = tpu.vector_load %arg10[%parallel_loop3A_1833, %parallel_loop3A_1834, %parallel_loop3A_1835] {strides = array<i32>} : memref<4x32x768xf32, #tpu.memory_space<vmem>>, vector<1x1x16xf32>,
        %parallel_loop3A_1837 = vector.shape_cast %parallel_loop3A_1836 : vector<1x1x16xf32> to vector<16xf32>
        %parallel_loop3A_1838 = vector.shape_cast %parallel_loop3A_1831 : vector<16xf32> to vector<1x1x16xf32>
        tpu.vector_store %arg10[%parallel_loop3A_1833, %parallel_loop3A_1834, %parallel_loop3A_1835], %parallel_loop3A_1838 {add = true, strides = array<i32>} : memref<4x32x768xf32, #tpu.memory_space<vmem>>, vector<1x1x16xf32>,
        %parallel_loop3A_1839 = arith.constant 1 : i32
        %parallel_loop3A_1840 = arith.index_cast %parallel_loop3A_1839 : i32 to index
        %parallel_loop3A_1841 = arith.index_cast %parallel_loop3A_1449 : i32 to index
        %parallel_loop3A_1842 = arith.constant 336 : index
        %parallel_loop3A_1843 = tpu.vector_load %arg10[%parallel_loop3A_1840, %parallel_loop3A_1841, %parallel_loop3A_1842] {strides = array<i32>} : memref<4x32x768xf32, #tpu.memory_space<vmem>>, vector<1x1x16xf32>,
        %parallel_loop3A_1844 = vector.shape_cast %parallel_loop3A_1843 : vector<1x1x16xf32> to vector<16xf32>
        %parallel_loop3A_1845 = vector.shape_cast %parallel_loop3A_1831 : vector<16xf32> to vector<1x1x16xf32>
        tpu.vector_store %arg10[%parallel_loop3A_1840, %parallel_loop3A_1841, %parallel_loop3A_1842], %parallel_loop3A_1845 {add = true, strides = array<i32>} : memref<4x32x768xf32, #tpu.memory_space<vmem>>, vector<1x1x16xf32>,
        %parallel_loop3A_1846 = arith.index_cast %parallel_loop3A_1449 : i32 to index
        %parallel_loop3A_1847 = arith.constant 352 : index
        %parallel_loop3A_1848 = tpu.vector_load %arg9[%parallel_loop3A_1846, %parallel_loop3A_1847] {strides = array<i32>} : memref<32x768xf32, #tpu.memory_space<vmem>>, vector<1x16xf32>,
        %parallel_loop3A_1849 = vector.shape_cast %parallel_loop3A_1848 : vector<1x16xf32> to vector<16xf32>
        %parallel_loop3A_1850 = arith.constant 0 : i32
        %parallel_loop3A_1851 = arith.index_cast %parallel_loop3A_1850 : i32 to index
        %parallel_loop3A_1852 = arith.index_cast %parallel_loop3A_1449 : i32 to index
        %parallel_loop3A_1853 = arith.constant 352 : index
        %parallel_loop3A_1854 = tpu.vector_load %arg10[%parallel_loop3A_1851, %parallel_loop3A_1852, %parallel_loop3A_1853] {strides = array<i32>} : memref<4x32x768xf32, #tpu.memory_space<vmem>>, vector<1x1x16xf32>,
        %parallel_loop3A_1855 = vector.shape_cast %parallel_loop3A_1854 : vector<1x1x16xf32> to vector<16xf32>
        %parallel_loop3A_1856 = vector.shape_cast %parallel_loop3A_1849 : vector<16xf32> to vector<1x1x16xf32>
        tpu.vector_store %arg10[%parallel_loop3A_1851, %parallel_loop3A_1852, %parallel_loop3A_1853], %parallel_loop3A_1856 {add = true, strides = array<i32>} : memref<4x32x768xf32, #tpu.memory_space<vmem>>, vector<1x1x16xf32>,
        %parallel_loop3A_1857 = arith.constant 1 : i32
        %parallel_loop3A_1858 = arith.index_cast %parallel_loop3A_1857 : i32 to index
        %parallel_loop3A_1859 = arith.index_cast %parallel_loop3A_1449 : i32 to index
        %parallel_loop3A_1860 = arith.constant 352 : index
        %parallel_loop3A_1861 = tpu.vector_load %arg10[%parallel_loop3A_1858, %parallel_loop3A_1859, %parallel_loop3A_1860] {strides = array<i32>} : memref<4x32x768xf32, #tpu.memory_space<vmem>>, vector<1x1x16xf32>,
        %parallel_loop3A_1862 = vector.shape_cast %parallel_loop3A_1861 : vector<1x1x16xf32> to vector<16xf32>
        %parallel_loop3A_1863 = vector.shape_cast %parallel_loop3A_1849 : vector<16xf32> to vector<1x1x16xf32>
        tpu.vector_store %arg10[%parallel_loop3A_1858, %parallel_loop3A_1859, %parallel_loop3A_1860], %parallel_loop3A_1863 {add = true, strides = array<i32>} : memref<4x32x768xf32, #tpu.memory_space<vmem>>, vector<1x1x16xf32>,
        %parallel_loop3A_1864 = arith.index_cast %parallel_loop3A_1449 : i32 to index
        %parallel_loop3A_1865 = arith.constant 368 : index
        %parallel_loop3A_1866 = tpu.vector_load %arg9[%parallel_loop3A_1864, %parallel_loop3A_1865] {strides = array<i32>} : memref<32x768xf32, #tpu.memory_space<vmem>>, vector<1x16xf32>,
        %parallel_loop3A_1867 = vector.shape_cast %parallel_loop3A_1866 : vector<1x16xf32> to vector<16xf32>
        %parallel_loop3A_1868 = arith.constant 0 : i32
        %parallel_loop3A_1869 = arith.index_cast %parallel_loop3A_1868 : i32 to index
        %parallel_loop3A_1870 = arith.index_cast %parallel_loop3A_1449 : i32 to index
        %parallel_loop3A_1871 = arith.constant 368 : index
        %parallel_loop3A_1872 = tpu.vector_load %arg10[%parallel_loop3A_1869, %parallel_loop3A_1870, %parallel_loop3A_1871] {strides = array<i32>} : memref<4x32x768xf32, #tpu.memory_space<vmem>>, vector<1x1x16xf32>,
        %parallel_loop3A_1873 = vector.shape_cast %parallel_loop3A_1872 : vector<1x1x16xf32> to vector<16xf32>
        %parallel_loop3A_1874 = vector.shape_cast %parallel_loop3A_1867 : vector<16xf32> to vector<1x1x16xf32>
        tpu.vector_store %arg10[%parallel_loop3A_1869, %parallel_loop3A_1870, %parallel_loop3A_1871], %parallel_loop3A_1874 {add = true, strides = array<i32>} : memref<4x32x768xf32, #tpu.memory_space<vmem>>, vector<1x1x16xf32>,
        %parallel_loop3A_1875 = arith.constant 1 : i32
        %parallel_loop3A_1876 = arith.index_cast %parallel_loop3A_1875 : i32 to index
        %parallel_loop3A_1877 = arith.index_cast %parallel_loop3A_1449 : i32 to index
        %parallel_loop3A_1878 = arith.constant 368 : index
        %parallel_loop3A_1879 = tpu.vector_load %arg10[%parallel_loop3A_1876, %parallel_loop3A_1877, %parallel_loop3A_1878] {strides = array<i32>} : memref<4x32x768xf32, #tpu.memory_space<vmem>>, vector<1x1x16xf32>,
        %parallel_loop3A_1880 = vector.shape_cast %parallel_loop3A_1879 : vector<1x1x16xf32> to vector<16xf32>
        %parallel_loop3A_1881 = vector.shape_cast %parallel_loop3A_1867 : vector<16xf32> to vector<1x1x16xf32>
        tpu.vector_store %arg10[%parallel_loop3A_1876, %parallel_loop3A_1877, %parallel_loop3A_1878], %parallel_loop3A_1881 {add = true, strides = array<i32>} : memref<4x32x768xf32, #tpu.memory_space<vmem>>, vector<1x1x16xf32>,
        %parallel_loop3A_1882 = arith.index_cast %parallel_loop3A_1449 : i32 to index
        %parallel_loop3A_1883 = arith.constant 384 : index
        %parallel_loop3A_1884 = tpu.vector_load %arg9[%parallel_loop3A_1882, %parallel_loop3A_1883] {strides = array<i32>} : memref<32x768xf32, #tpu.memory_space<vmem>>, vector<1x16xf32>,
        %parallel_loop3A_1885 = vector.shape_cast %parallel_loop3A_1884 : vector<1x16xf32> to vector<16xf32>
        %parallel_loop3A_1886 = arith.constant 0 : i32
        %parallel_loop3A_1887 = arith.index_cast %parallel_loop3A_1886 : i32 to index
        %parallel_loop3A_1888 = arith.index_cast %parallel_loop3A_1449 : i32 to index
        %parallel_loop3A_1889 = arith.constant 384 : index
        %parallel_loop3A_1890 = tpu.vector_load %arg10[%parallel_loop3A_1887, %parallel_loop3A_1888, %parallel_loop3A_1889] {strides = array<i32>} : memref<4x32x768xf32, #tpu.memory_space<vmem>>, vector<1x1x16xf32>,
        %parallel_loop3A_1891 = vector.shape_cast %parallel_loop3A_1890 : vector<1x1x16xf32> to vector<16xf32>
        %parallel_loop3A_1892 = vector.shape_cast %parallel_loop3A_1885 : vector<16xf32> to vector<1x1x16xf32>
        tpu.vector_store %arg10[%parallel_loop3A_1887, %parallel_loop3A_1888, %parallel_loop3A_1889], %parallel_loop3A_1892 {add = true, strides = array<i32>} : memref<4x32x768xf32, #tpu.memory_space<vmem>>, vector<1x1x16xf32>,
        %parallel_loop3A_1893 = arith.constant 1 : i32
        %parallel_loop3A_1894 = arith.index_cast %parallel_loop3A_1893 : i32 to index
        %parallel_loop3A_1895 = arith.index_cast %parallel_loop3A_1449 : i32 to index
        %parallel_loop3A_1896 = arith.constant 384 : index
        %parallel_loop3A_1897 = tpu.vector_load %arg10[%parallel_loop3A_1894, %parallel_loop3A_1895, %parallel_loop3A_1896] {strides = array<i32>} : memref<4x32x768xf32, #tpu.memory_space<vmem>>, vector<1x1x16xf32>,
        %parallel_loop3A_1898 = vector.shape_cast %parallel_loop3A_1897 : vector<1x1x16xf32> to vector<16xf32>
        %parallel_loop3A_1899 = vector.shape_cast %parallel_loop3A_1885 : vector<16xf32> to vector<1x1x16xf32>
        tpu.vector_store %arg10[%parallel_loop3A_1894, %parallel_loop3A_1895, %parallel_loop3A_1896], %parallel_loop3A_1899 {add = true, strides = array<i32>} : memref<4x32x768xf32, #tpu.memory_space<vmem>>, vector<1x1x16xf32>,
        %parallel_loop3A_1900 = arith.index_cast %parallel_loop3A_1449 : i32 to index
        %parallel_loop3A_1901 = arith.constant 400 : index
        %parallel_loop3A_1902 = tpu.vector_load %arg9[%parallel_loop3A_1900, %parallel_loop3A_1901] {strides = array<i32>} : memref<32x768xf32, #tpu.memory_space<vmem>>, vector<1x16xf32>,
        %parallel_loop3A_1903 = vector.shape_cast %parallel_loop3A_1902 : vector<1x16xf32> to vector<16xf32>
        %parallel_loop3A_1904 = arith.constant 0 : i32
        %parallel_loop3A_1905 = arith.index_cast %parallel_loop3A_1904 : i32 to index
        %parallel_loop3A_1906 = arith.index_cast %parallel_loop3A_1449 : i32 to index
        %parallel_loop3A_1907 = arith.constant 400 : index
        %parallel_loop3A_1908 = tpu.vector_load %arg10[%parallel_loop3A_1905, %parallel_loop3A_1906, %parallel_loop3A_1907] {strides = array<i32>} : memref<4x32x768xf32, #tpu.memory_space<vmem>>, vector<1x1x16xf32>,
        %parallel_loop3A_1909 = vector.shape_cast %parallel_loop3A_1908 : vector<1x1x16xf32> to vector<16xf32>
        %parallel_loop3A_1910 = vector.shape_cast %parallel_loop3A_1903 : vector<16xf32> to vector<1x1x16xf32>
        tpu.vector_store %arg10[%parallel_loop3A_1905, %parallel_loop3A_1906, %parallel_loop3A_1907], %parallel_loop3A_1910 {add = true, strides = array<i32>} : memref<4x32x768xf32, #tpu.memory_space<vmem>>, vector<1x1x16xf32>,
        %parallel_loop3A_1911 = arith.constant 1 : i32
        %parallel_loop3A_1912 = arith.index_cast %parallel_loop3A_1911 : i32 to index
        %parallel_loop3A_1913 = arith.index_cast %parallel_loop3A_1449 : i32 to index
        %parallel_loop3A_1914 = arith.constant 400 : index
        %parallel_loop3A_1915 = tpu.vector_load %arg10[%parallel_loop3A_1912, %parallel_loop3A_1913, %parallel_loop3A_1914] {strides = array<i32>} : memref<4x32x768xf32, #tpu.memory_space<vmem>>, vector<1x1x16xf32>,
        %parallel_loop3A_1916 = vector.shape_cast %parallel_loop3A_1915 : vector<1x1x16xf32> to vector<16xf32>
        %parallel_loop3A_1917 = vector.shape_cast %parallel_loop3A_1903 : vector<16xf32> to vector<1x1x16xf32>
        tpu.vector_store %arg10[%parallel_loop3A_1912, %parallel_loop3A_1913, %parallel_loop3A_1914], %parallel_loop3A_1917 {add = true, strides = array<i32>} : memref<4x32x768xf32, #tpu.memory_space<vmem>>, vector<1x1x16xf32>,
        %parallel_loop3A_1918 = arith.index_cast %parallel_loop3A_1449 : i32 to index
        %parallel_loop3A_1919 = arith.constant 416 : index
        %parallel_loop3A_1920 = tpu.vector_load %arg9[%parallel_loop3A_1918, %parallel_loop3A_1919] {strides = array<i32>} : memref<32x768xf32, #tpu.memory_space<vmem>>, vector<1x16xf32>,
        %parallel_loop3A_1921 = vector.shape_cast %parallel_loop3A_1920 : vector<1x16xf32> to vector<16xf32>
        %parallel_loop3A_1922 = arith.constant 0 : i32
        %parallel_loop3A_1923 = arith.index_cast %parallel_loop3A_1922 : i32 to index
        %parallel_loop3A_1924 = arith.index_cast %parallel_loop3A_1449 : i32 to index
        %parallel_loop3A_1925 = arith.constant 416 : index
        %parallel_loop3A_1926 = tpu.vector_load %arg10[%parallel_loop3A_1923, %parallel_loop3A_1924, %parallel_loop3A_1925] {strides = array<i32>} : memref<4x32x768xf32, #tpu.memory_space<vmem>>, vector<1x1x16xf32>,
        %parallel_loop3A_1927 = vector.shape_cast %parallel_loop3A_1926 : vector<1x1x16xf32> to vector<16xf32>
        %parallel_loop3A_1928 = vector.shape_cast %parallel_loop3A_1921 : vector<16xf32> to vector<1x1x16xf32>
        tpu.vector_store %arg10[%parallel_loop3A_1923, %parallel_loop3A_1924, %parallel_loop3A_1925], %parallel_loop3A_1928 {add = true, strides = array<i32>} : memref<4x32x768xf32, #tpu.memory_space<vmem>>, vector<1x1x16xf32>,
        %parallel_loop3A_1929 = arith.constant 1 : i32
        %parallel_loop3A_1930 = arith.index_cast %parallel_loop3A_1929 : i32 to index
        %parallel_loop3A_1931 = arith.index_cast %parallel_loop3A_1449 : i32 to index
        %parallel_loop3A_1932 = arith.constant 416 : index
        %parallel_loop3A_1933 = tpu.vector_load %arg10[%parallel_loop3A_1930, %parallel_loop3A_1931, %parallel_loop3A_1932] {strides = array<i32>} : memref<4x32x768xf32, #tpu.memory_space<vmem>>, vector<1x1x16xf32>,
        %parallel_loop3A_1934 = vector.shape_cast %parallel_loop3A_1933 : vector<1x1x16xf32> to vector<16xf32>
        %parallel_loop3A_1935 = vector.shape_cast %parallel_loop3A_1921 : vector<16xf32> to vector<1x1x16xf32>
        tpu.vector_store %arg10[%parallel_loop3A_1930, %parallel_loop3A_1931, %parallel_loop3A_1932], %parallel_loop3A_1935 {add = true, strides = array<i32>} : memref<4x32x768xf32, #tpu.memory_space<vmem>>, vector<1x1x16xf32>,
        %parallel_loop3A_1936 = arith.index_cast %parallel_loop3A_1449 : i32 to index
        %parallel_loop3A_1937 = arith.constant 432 : index
        %parallel_loop3A_1938 = tpu.vector_load %arg9[%parallel_loop3A_1936, %parallel_loop3A_1937] {strides = array<i32>} : memref<32x768xf32, #tpu.memory_space<vmem>>, vector<1x16xf32>,
        %parallel_loop3A_1939 = vector.shape_cast %parallel_loop3A_1938 : vector<1x16xf32> to vector<16xf32>
        %parallel_loop3A_1940 = arith.constant 0 : i32
        %parallel_loop3A_1941 = arith.index_cast %parallel_loop3A_1940 : i32 to index
        %parallel_loop3A_1942 = arith.index_cast %parallel_loop3A_1449 : i32 to index
        %parallel_loop3A_1943 = arith.constant 432 : index
        %parallel_loop3A_1944 = tpu.vector_load %arg10[%parallel_loop3A_1941, %parallel_loop3A_1942, %parallel_loop3A_1943] {strides = array<i32>} : memref<4x32x768xf32, #tpu.memory_space<vmem>>, vector<1x1x16xf32>,
        %parallel_loop3A_1945 = vector.shape_cast %parallel_loop3A_1944 : vector<1x1x16xf32> to vector<16xf32>
        %parallel_loop3A_1946 = vector.shape_cast %parallel_loop3A_1939 : vector<16xf32> to vector<1x1x16xf32>
        tpu.vector_store %arg10[%parallel_loop3A_1941, %parallel_loop3A_1942, %parallel_loop3A_1943], %parallel_loop3A_1946 {add = true, strides = array<i32>} : memref<4x32x768xf32, #tpu.memory_space<vmem>>, vector<1x1x16xf32>,
        %parallel_loop3A_1947 = arith.constant 1 : i32
        %parallel_loop3A_1948 = arith.index_cast %parallel_loop3A_1947 : i32 to index
        %parallel_loop3A_1949 = arith.index_cast %parallel_loop3A_1449 : i32 to index
        %parallel_loop3A_1950 = arith.constant 432 : index
        %parallel_loop3A_1951 = tpu.vector_load %arg10[%parallel_loop3A_1948, %parallel_loop3A_1949, %parallel_loop3A_1950] {strides = array<i32>} : memref<4x32x768xf32, #tpu.memory_space<vmem>>, vector<1x1x16xf32>,
        %parallel_loop3A_1952 = vector.shape_cast %parallel_loop3A_1951 : vector<1x1x16xf32> to vector<16xf32>
        %parallel_loop3A_1953 = vector.shape_cast %parallel_loop3A_1939 : vector<16xf32> to vector<1x1x16xf32>
        tpu.vector_store %arg10[%parallel_loop3A_1948, %parallel_loop3A_1949, %parallel_loop3A_1950], %parallel_loop3A_1953 {add = true, strides = array<i32>} : memref<4x32x768xf32, #tpu.memory_space<vmem>>, vector<1x1x16xf32>,
        %parallel_loop3A_1954 = arith.index_cast %parallel_loop3A_1449 : i32 to index
        %parallel_loop3A_1955 = arith.constant 448 : index
        %parallel_loop3A_1956 = tpu.vector_load %arg9[%parallel_loop3A_1954, %parallel_loop3A_1955] {strides = array<i32>} : memref<32x768xf32, #tpu.memory_space<vmem>>, vector<1x16xf32>,
        %parallel_loop3A_1957 = vector.shape_cast %parallel_loop3A_1956 : vector<1x16xf32> to vector<16xf32>
        %parallel_loop3A_1958 = arith.constant 0 : i32
        %parallel_loop3A_1959 = arith.index_cast %parallel_loop3A_1958 : i32 to index
        %parallel_loop3A_1960 = arith.index_cast %parallel_loop3A_1449 : i32 to index
        %parallel_loop3A_1961 = arith.constant 448 : index
        %parallel_loop3A_1962 = tpu.vector_load %arg10[%parallel_loop3A_1959, %parallel_loop3A_1960, %parallel_loop3A_1961] {strides = array<i32>} : memref<4x32x768xf32, #tpu.memory_space<vmem>>, vector<1x1x16xf32>,
        %parallel_loop3A_1963 = vector.shape_cast %parallel_loop3A_1962 : vector<1x1x16xf32> to vector<16xf32>
        %parallel_loop3A_1964 = vector.shape_cast %parallel_loop3A_1957 : vector<16xf32> to vector<1x1x16xf32>
        tpu.vector_store %arg10[%parallel_loop3A_1959, %parallel_loop3A_1960, %parallel_loop3A_1961], %parallel_loop3A_1964 {add = true, strides = array<i32>} : memref<4x32x768xf32, #tpu.memory_space<vmem>>, vector<1x1x16xf32>,
        %parallel_loop3A_1965 = arith.constant 1 : i32
        %parallel_loop3A_1966 = arith.index_cast %parallel_loop3A_1965 : i32 to index
        %parallel_loop3A_1967 = arith.index_cast %parallel_loop3A_1449 : i32 to index
        %parallel_loop3A_1968 = arith.constant 448 : index
        %parallel_loop3A_1969 = tpu.vector_load %arg10[%parallel_loop3A_1966, %parallel_loop3A_1967, %parallel_loop3A_1968] {strides = array<i32>} : memref<4x32x768xf32, #tpu.memory_space<vmem>>, vector<1x1x16xf32>,
        %parallel_loop3A_1970 = vector.shape_cast %parallel_loop3A_1969 : vector<1x1x16xf32> to vector<16xf32>
        %parallel_loop3A_1971 = vector.shape_cast %parallel_loop3A_1957 : vector<16xf32> to vector<1x1x16xf32>
        tpu.vector_store %arg10[%parallel_loop3A_1966, %parallel_loop3A_1967, %parallel_loop3A_1968], %parallel_loop3A_1971 {add = true, strides = array<i32>} : memref<4x32x768xf32, #tpu.memory_space<vmem>>, vector<1x1x16xf32>,
        %parallel_loop3A_1972 = arith.index_cast %parallel_loop3A_1449 : i32 to index
        %parallel_loop3A_1973 = arith.constant 464 : index
        %parallel_loop3A_1974 = tpu.vector_load %arg9[%parallel_loop3A_1972, %parallel_loop3A_1973] {strides = array<i32>} : memref<32x768xf32, #tpu.memory_space<vmem>>, vector<1x16xf32>,
        %parallel_loop3A_1975 = vector.shape_cast %parallel_loop3A_1974 : vector<1x16xf32> to vector<16xf32>
        %parallel_loop3A_1976 = arith.constant 0 : i32
        %parallel_loop3A_1977 = arith.index_cast %parallel_loop3A_1976 : i32 to index
        %parallel_loop3A_1978 = arith.index_cast %parallel_loop3A_1449 : i32 to index
        %parallel_loop3A_1979 = arith.constant 464 : index
        %parallel_loop3A_1980 = tpu.vector_load %arg10[%parallel_loop3A_1977, %parallel_loop3A_1978, %parallel_loop3A_1979] {strides = array<i32>} : memref<4x32x768xf32, #tpu.memory_space<vmem>>, vector<1x1x16xf32>,
        %parallel_loop3A_1981 = vector.shape_cast %parallel_loop3A_1980 : vector<1x1x16xf32> to vector<16xf32>
        %parallel_loop3A_1982 = vector.shape_cast %parallel_loop3A_1975 : vector<16xf32> to vector<1x1x16xf32>
        tpu.vector_store %arg10[%parallel_loop3A_1977, %parallel_loop3A_1978, %parallel_loop3A_1979], %parallel_loop3A_1982 {add = true, strides = array<i32>} : memref<4x32x768xf32, #tpu.memory_space<vmem>>, vector<1x1x16xf32>,
        %parallel_loop3A_1983 = arith.constant 1 : i32
        %parallel_loop3A_1984 = arith.index_cast %parallel_loop3A_1983 : i32 to index
        %parallel_loop3A_1985 = arith.index_cast %parallel_loop3A_1449 : i32 to index
        %parallel_loop3A_1986 = arith.constant 464 : index
        %parallel_loop3A_1987 = tpu.vector_load %arg10[%parallel_loop3A_1984, %parallel_loop3A_1985, %parallel_loop3A_1986] {strides = array<i32>} : memref<4x32x768xf32, #tpu.memory_space<vmem>>, vector<1x1x16xf32>,
        %parallel_loop3A_1988 = vector.shape_cast %parallel_loop3A_1987 : vector<1x1x16xf32> to vector<16xf32>
        %parallel_loop3A_1989 = vector.shape_cast %parallel_loop3A_1975 : vector<16xf32> to vector<1x1x16xf32>
        tpu.vector_store %arg10[%parallel_loop3A_1984, %parallel_loop3A_1985, %parallel_loop3A_1986], %parallel_loop3A_1989 {add = true, strides = array<i32>} : memref<4x32x768xf32, #tpu.memory_space<vmem>>, vector<1x1x16xf32>,
        %parallel_loop3A_1990 = arith.index_cast %parallel_loop3A_1449 : i32 to index
        %parallel_loop3A_1991 = arith.constant 480 : index
        %parallel_loop3A_1992 = tpu.vector_load %arg9[%parallel_loop3A_1990, %parallel_loop3A_1991] {strides = array<i32>} : memref<32x768xf32, #tpu.memory_space<vmem>>, vector<1x16xf32>,
        %parallel_loop3A_1993 = vector.shape_cast %parallel_loop3A_1992 : vector<1x16xf32> to vector<16xf32>
        %parallel_loop3A_1994 = arith.constant 0 : i32
        %parallel_loop3A_1995 = arith.index_cast %parallel_loop3A_1994 : i32 to index
        %parallel_loop3A_1996 = arith.index_cast %parallel_loop3A_1449 : i32 to index
        %parallel_loop3A_1997 = arith.constant 480 : index
        %parallel_loop3A_1998 = tpu.vector_load %arg10[%parallel_loop3A_1995, %parallel_loop3A_1996, %parallel_loop3A_1997] {strides = array<i32>} : memref<4x32x768xf32, #tpu.memory_space<vmem>>, vector<1x1x16xf32>,
        %parallel_loop3A_1999 = vector.shape_cast %parallel_loop3A_1998 : vector<1x1x16xf32> to vector<16xf32>
        %parallel_loop3A_2000 = vector.shape_cast %parallel_loop3A_1993 : vector<16xf32> to vector<1x1x16xf32>
        tpu.vector_store %arg10[%parallel_loop3A_1995, %parallel_loop3A_1996, %parallel_loop3A_1997], %parallel_loop3A_2000 {add = true, strides = array<i32>} : memref<4x32x768xf32, #tpu.memory_space<vmem>>, vector<1x1x16xf32>,
        %parallel_loop3A_2001 = arith.constant 1 : i32
        %parallel_loop3A_2002 = arith.index_cast %parallel_loop3A_2001 : i32 to index
        %parallel_loop3A_2003 = arith.index_cast %parallel_loop3A_1449 : i32 to index
        %parallel_loop3A_2004 = arith.constant 480 : index
        %parallel_loop3A_2005 = tpu.vector_load %arg10[%parallel_loop3A_2002, %parallel_loop3A_2003, %parallel_loop3A_2004] {strides = array<i32>} : memref<4x32x768xf32, #tpu.memory_space<vmem>>, vector<1x1x16xf32>,
        %parallel_loop3A_2006 = vector.shape_cast %parallel_loop3A_2005 : vector<1x1x16xf32> to vector<16xf32>
        %parallel_loop3A_2007 = vector.shape_cast %parallel_loop3A_1993 : vector<16xf32> to vector<1x1x16xf32>
        tpu.vector_store %arg10[%parallel_loop3A_2002, %parallel_loop3A_2003, %parallel_loop3A_2004], %parallel_loop3A_2007 {add = true, strides = array<i32>} : memref<4x32x768xf32, #tpu.memory_space<vmem>>, vector<1x1x16xf32>,
        %parallel_loop3A_2008 = arith.index_cast %parallel_loop3A_1449 : i32 to index
        %parallel_loop3A_2009 = arith.constant 496 : index
        %parallel_loop3A_2010 = tpu.vector_load %arg9[%parallel_loop3A_2008, %parallel_loop3A_2009] {strides = array<i32>} : memref<32x768xf32, #tpu.memory_space<vmem>>, vector<1x16xf32>,
        %parallel_loop3A_2011 = vector.shape_cast %parallel_loop3A_2010 : vector<1x16xf32> to vector<16xf32>
        %parallel_loop3A_2012 = arith.constant 0 : i32
        %parallel_loop3A_2013 = arith.index_cast %parallel_loop3A_2012 : i32 to index
        %parallel_loop3A_2014 = arith.index_cast %parallel_loop3A_1449 : i32 to index
        %parallel_loop3A_2015 = arith.constant 496 : index
        %parallel_loop3A_2016 = tpu.vector_load %arg10[%parallel_loop3A_2013, %parallel_loop3A_2014, %parallel_loop3A_2015] {strides = array<i32>} : memref<4x32x768xf32, #tpu.memory_space<vmem>>, vector<1x1x16xf32>,
        %parallel_loop3A_2017 = vector.shape_cast %parallel_loop3A_2016 : vector<1x1x16xf32> to vector<16xf32>
        %parallel_loop3A_2018 = vector.shape_cast %parallel_loop3A_2011 : vector<16xf32> to vector<1x1x16xf32>
        tpu.vector_store %arg10[%parallel_loop3A_2013, %parallel_loop3A_2014, %parallel_loop3A_2015], %parallel_loop3A_2018 {add = true, strides = array<i32>} : memref<4x32x768xf32, #tpu.memory_space<vmem>>, vector<1x1x16xf32>,
        %parallel_loop3A_2019 = arith.constant 1 : i32
        %parallel_loop3A_2020 = arith.index_cast %parallel_loop3A_2019 : i32 to index
        %parallel_loop3A_2021 = arith.index_cast %parallel_loop3A_1449 : i32 to index
        %parallel_loop3A_2022 = arith.constant 496 : index
        %parallel_loop3A_2023 = tpu.vector_load %arg10[%parallel_loop3A_2020, %parallel_loop3A_2021, %parallel_loop3A_2022] {strides = array<i32>} : memref<4x32x768xf32, #tpu.memory_space<vmem>>, vector<1x1x16xf32>,
        %parallel_loop3A_2024 = vector.shape_cast %parallel_loop3A_2023 : vector<1x1x16xf32> to vector<16xf32>
        %parallel_loop3A_2025 = vector.shape_cast %parallel_loop3A_2011 : vector<16xf32> to vector<1x1x16xf32>
        tpu.vector_store %arg10[%parallel_loop3A_2020, %parallel_loop3A_2021, %parallel_loop3A_2022], %parallel_loop3A_2025 {add = true, strides = array<i32>} : memref<4x32x768xf32, #tpu.memory_space<vmem>>, vector<1x1x16xf32>,
        %parallel_loop3A_2026 = arith.index_cast %parallel_loop3A_1449 : i32 to index
        %parallel_loop3A_2027 = arith.constant 512 : index
        %parallel_loop3A_2028 = tpu.vector_load %arg9[%parallel_loop3A_2026, %parallel_loop3A_2027] {strides = array<i32>} : memref<32x768xf32, #tpu.memory_space<vmem>>, vector<1x16xf32>,
        %parallel_loop3A_2029 = vector.shape_cast %parallel_loop3A_2028 : vector<1x16xf32> to vector<16xf32>
        %parallel_loop3A_2030 = arith.constant 0 : i32
        %parallel_loop3A_2031 = arith.index_cast %parallel_loop3A_2030 : i32 to index
        %parallel_loop3A_2032 = arith.index_cast %parallel_loop3A_1449 : i32 to index
        %parallel_loop3A_2033 = arith.constant 512 : index
        %parallel_loop3A_2034 = tpu.vector_load %arg10[%parallel_loop3A_2031, %parallel_loop3A_2032, %parallel_loop3A_2033] {strides = array<i32>} : memref<4x32x768xf32, #tpu.memory_space<vmem>>, vector<1x1x16xf32>,
        %parallel_loop3A_2035 = vector.shape_cast %parallel_loop3A_2034 : vector<1x1x16xf32> to vector<16xf32>
        %parallel_loop3A_2036 = vector.shape_cast %parallel_loop3A_2029 : vector<16xf32> to vector<1x1x16xf32>
        tpu.vector_store %arg10[%parallel_loop3A_2031, %parallel_loop3A_2032, %parallel_loop3A_2033], %parallel_loop3A_2036 {add = true, strides = array<i32>} : memref<4x32x768xf32, #tpu.memory_space<vmem>>, vector<1x1x16xf32>,
        %parallel_loop3A_2037 = arith.constant 1 : i32
        %parallel_loop3A_2038 = arith.index_cast %parallel_loop3A_2037 : i32 to index
        %parallel_loop3A_2039 = arith.index_cast %parallel_loop3A_1449 : i32 to index
        %parallel_loop3A_2040 = arith.constant 512 : index
        %parallel_loop3A_2041 = tpu.vector_load %arg10[%parallel_loop3A_2038, %parallel_loop3A_2039, %parallel_loop3A_2040] {strides = array<i32>} : memref<4x32x768xf32, #tpu.memory_space<vmem>>, vector<1x1x16xf32>,
        %parallel_loop3A_2042 = vector.shape_cast %parallel_loop3A_2041 : vector<1x1x16xf32> to vector<16xf32>
        %parallel_loop3A_2043 = vector.shape_cast %parallel_loop3A_2029 : vector<16xf32> to vector<1x1x16xf32>
        tpu.vector_store %arg10[%parallel_loop3A_2038, %parallel_loop3A_2039, %parallel_loop3A_2040], %parallel_loop3A_2043 {add = true, strides = array<i32>} : memref<4x32x768xf32, #tpu.memory_space<vmem>>, vector<1x1x16xf32>,
        %parallel_loop3A_2044 = arith.index_cast %parallel_loop3A_1449 : i32 to index
        %parallel_loop3A_2045 = arith.constant 528 : index
        %parallel_loop3A_2046 = tpu.vector_load %arg9[%parallel_loop3A_2044, %parallel_loop3A_2045] {strides = array<i32>} : memref<32x768xf32, #tpu.memory_space<vmem>>, vector<1x16xf32>,
        %parallel_loop3A_2047 = vector.shape_cast %parallel_loop3A_2046 : vector<1x16xf32> to vector<16xf32>
        %parallel_loop3A_2048 = arith.constant 0 : i32
        %parallel_loop3A_2049 = arith.index_cast %parallel_loop3A_2048 : i32 to index
        %parallel_loop3A_2050 = arith.index_cast %parallel_loop3A_1449 : i32 to index
        %parallel_loop3A_2051 = arith.constant 528 : index
        %parallel_loop3A_2052 = tpu.vector_load %arg10[%parallel_loop3A_2049, %parallel_loop3A_2050, %parallel_loop3A_2051] {strides = array<i32>} : memref<4x32x768xf32, #tpu.memory_space<vmem>>, vector<1x1x16xf32>,
        %parallel_loop3A_2053 = vector.shape_cast %parallel_loop3A_2052 : vector<1x1x16xf32> to vector<16xf32>
        %parallel_loop3A_2054 = vector.shape_cast %parallel_loop3A_2047 : vector<16xf32> to vector<1x1x16xf32>
        tpu.vector_store %arg10[%parallel_loop3A_2049, %parallel_loop3A_2050, %parallel_loop3A_2051], %parallel_loop3A_2054 {add = true, strides = array<i32>} : memref<4x32x768xf32, #tpu.memory_space<vmem>>, vector<1x1x16xf32>,
        %parallel_loop3A_2055 = arith.constant 1 : i32
        %parallel_loop3A_2056 = arith.index_cast %parallel_loop3A_2055 : i32 to index
        %parallel_loop3A_2057 = arith.index_cast %parallel_loop3A_1449 : i32 to index
        %parallel_loop3A_2058 = arith.constant 528 : index
        %parallel_loop3A_2059 = tpu.vector_load %arg10[%parallel_loop3A_2056, %parallel_loop3A_2057, %parallel_loop3A_2058] {strides = array<i32>} : memref<4x32x768xf32, #tpu.memory_space<vmem>>, vector<1x1x16xf32>,
        %parallel_loop3A_2060 = vector.shape_cast %parallel_loop3A_2059 : vector<1x1x16xf32> to vector<16xf32>
        %parallel_loop3A_2061 = vector.shape_cast %parallel_loop3A_2047 : vector<16xf32> to vector<1x1x16xf32>
        tpu.vector_store %arg10[%parallel_loop3A_2056, %parallel_loop3A_2057, %parallel_loop3A_2058], %parallel_loop3A_2061 {add = true, strides = array<i32>} : memref<4x32x768xf32, #tpu.memory_space<vmem>>, vector<1x1x16xf32>,
        %parallel_loop3A_2062 = arith.index_cast %parallel_loop3A_1449 : i32 to index
        %parallel_loop3A_2063 = arith.constant 544 : index
        %parallel_loop3A_2064 = tpu.vector_load %arg9[%parallel_loop3A_2062, %parallel_loop3A_2063] {strides = array<i32>} : memref<32x768xf32, #tpu.memory_space<vmem>>, vector<1x16xf32>,
        %parallel_loop3A_2065 = vector.shape_cast %parallel_loop3A_2064 : vector<1x16xf32> to vector<16xf32>
        %parallel_loop3A_2066 = arith.constant 0 : i32
        %parallel_loop3A_2067 = arith.index_cast %parallel_loop3A_2066 : i32 to index
        %parallel_loop3A_2068 = arith.index_cast %parallel_loop3A_1449 : i32 to index
        %parallel_loop3A_2069 = arith.constant 544 : index
        %parallel_loop3A_2070 = tpu.vector_load %arg10[%parallel_loop3A_2067, %parallel_loop3A_2068, %parallel_loop3A_2069] {strides = array<i32>} : memref<4x32x768xf32, #tpu.memory_space<vmem>>, vector<1x1x16xf32>,
        %parallel_loop3A_2071 = vector.shape_cast %parallel_loop3A_2070 : vector<1x1x16xf32> to vector<16xf32>
        %parallel_loop3A_2072 = vector.shape_cast %parallel_loop3A_2065 : vector<16xf32> to vector<1x1x16xf32>
        tpu.vector_store %arg10[%parallel_loop3A_2067, %parallel_loop3A_2068, %parallel_loop3A_2069], %parallel_loop3A_2072 {add = true, strides = array<i32>} : memref<4x32x768xf32, #tpu.memory_space<vmem>>, vector<1x1x16xf32>,
        %parallel_loop3A_2073 = arith.constant 1 : i32
        %parallel_loop3A_2074 = arith.index_cast %parallel_loop3A_2073 : i32 to index
        %parallel_loop3A_2075 = arith.index_cast %parallel_loop3A_1449 : i32 to index
        %parallel_loop3A_2076 = arith.constant 544 : index
        %parallel_loop3A_2077 = tpu.vector_load %arg10[%parallel_loop3A_2074, %parallel_loop3A_2075, %parallel_loop3A_2076] {strides = array<i32>} : memref<4x32x768xf32, #tpu.memory_space<vmem>>, vector<1x1x16xf32>,
        %parallel_loop3A_2078 = vector.shape_cast %parallel_loop3A_2077 : vector<1x1x16xf32> to vector<16xf32>
        %parallel_loop3A_2079 = vector.shape_cast %parallel_loop3A_2065 : vector<16xf32> to vector<1x1x16xf32>
        tpu.vector_store %arg10[%parallel_loop3A_2074, %parallel_loop3A_2075, %parallel_loop3A_2076], %parallel_loop3A_2079 {add = true, strides = array<i32>} : memref<4x32x768xf32, #tpu.memory_space<vmem>>, vector<1x1x16xf32>,
        %parallel_loop3A_2080 = arith.index_cast %parallel_loop3A_1449 : i32 to index
        %parallel_loop3A_2081 = arith.constant 560 : index
        %parallel_loop3A_2082 = tpu.vector_load %arg9[%parallel_loop3A_2080, %parallel_loop3A_2081] {strides = array<i32>} : memref<32x768xf32, #tpu.memory_space<vmem>>, vector<1x16xf32>,
        %parallel_loop3A_2083 = vector.shape_cast %parallel_loop3A_2082 : vector<1x16xf32> to vector<16xf32>
        %parallel_loop3A_2084 = arith.constant 0 : i32
        %parallel_loop3A_2085 = arith.index_cast %parallel_loop3A_2084 : i32 to index
        %parallel_loop3A_2086 = arith.index_cast %parallel_loop3A_1449 : i32 to index
        %parallel_loop3A_2087 = arith.constant 560 : index
        %parallel_loop3A_2088 = tpu.vector_load %arg10[%parallel_loop3A_2085, %parallel_loop3A_2086, %parallel_loop3A_2087] {strides = array<i32>} : memref<4x32x768xf32, #tpu.memory_space<vmem>>, vector<1x1x16xf32>,
        %parallel_loop3A_2089 = vector.shape_cast %parallel_loop3A_2088 : vector<1x1x16xf32> to vector<16xf32>
        %parallel_loop3A_2090 = vector.shape_cast %parallel_loop3A_2083 : vector<16xf32> to vector<1x1x16xf32>
        tpu.vector_store %arg10[%parallel_loop3A_2085, %parallel_loop3A_2086, %parallel_loop3A_2087], %parallel_loop3A_2090 {add = true, strides = array<i32>} : memref<4x32x768xf32, #tpu.memory_space<vmem>>, vector<1x1x16xf32>,
        %parallel_loop3A_2091 = arith.constant 1 : i32
        %parallel_loop3A_2092 = arith.index_cast %parallel_loop3A_2091 : i32 to index
        %parallel_loop3A_2093 = arith.index_cast %parallel_loop3A_1449 : i32 to index
        %parallel_loop3A_2094 = arith.constant 560 : index
        %parallel_loop3A_2095 = tpu.vector_load %arg10[%parallel_loop3A_2092, %parallel_loop3A_2093, %parallel_loop3A_2094] {strides = array<i32>} : memref<4x32x768xf32, #tpu.memory_space<vmem>>, vector<1x1x16xf32>,
        %parallel_loop3A_2096 = vector.shape_cast %parallel_loop3A_2095 : vector<1x1x16xf32> to vector<16xf32>
        %parallel_loop3A_2097 = vector.shape_cast %parallel_loop3A_2083 : vector<16xf32> to vector<1x1x16xf32>
        tpu.vector_store %arg10[%parallel_loop3A_2092, %parallel_loop3A_2093, %parallel_loop3A_2094], %parallel_loop3A_2097 {add = true, strides = array<i32>} : memref<4x32x768xf32, #tpu.memory_space<vmem>>, vector<1x1x16xf32>,
        %parallel_loop3A_2098 = arith.index_cast %parallel_loop3A_1449 : i32 to index
        %parallel_loop3A_2099 = arith.constant 576 : index
        %parallel_loop3A_2100 = tpu.vector_load %arg9[%parallel_loop3A_2098, %parallel_loop3A_2099] {strides = array<i32>} : memref<32x768xf32, #tpu.memory_space<vmem>>, vector<1x16xf32>,
        %parallel_loop3A_2101 = vector.shape_cast %parallel_loop3A_2100 : vector<1x16xf32> to vector<16xf32>
        %parallel_loop3A_2102 = arith.constant 0 : i32
        %parallel_loop3A_2103 = arith.index_cast %parallel_loop3A_2102 : i32 to index
        %parallel_loop3A_2104 = arith.index_cast %parallel_loop3A_1449 : i32 to index
        %parallel_loop3A_2105 = arith.constant 576 : index
        %parallel_loop3A_2106 = tpu.vector_load %arg10[%parallel_loop3A_2103, %parallel_loop3A_2104, %parallel_loop3A_2105] {strides = array<i32>} : memref<4x32x768xf32, #tpu.memory_space<vmem>>, vector<1x1x16xf32>,
        %parallel_loop3A_2107 = vector.shape_cast %parallel_loop3A_2106 : vector<1x1x16xf32> to vector<16xf32>
        %parallel_loop3A_2108 = vector.shape_cast %parallel_loop3A_2101 : vector<16xf32> to vector<1x1x16xf32>
        tpu.vector_store %arg10[%parallel_loop3A_2103, %parallel_loop3A_2104, %parallel_loop3A_2105], %parallel_loop3A_2108 {add = true, strides = array<i32>} : memref<4x32x768xf32, #tpu.memory_space<vmem>>, vector<1x1x16xf32>,
        %parallel_loop3A_2109 = arith.constant 1 : i32
        %parallel_loop3A_2110 = arith.index_cast %parallel_loop3A_2109 : i32 to index
        %parallel_loop3A_2111 = arith.index_cast %parallel_loop3A_1449 : i32 to index
        %parallel_loop3A_2112 = arith.constant 576 : index
        %parallel_loop3A_2113 = tpu.vector_load %arg10[%parallel_loop3A_2110, %parallel_loop3A_2111, %parallel_loop3A_2112] {strides = array<i32>} : memref<4x32x768xf32, #tpu.memory_space<vmem>>, vector<1x1x16xf32>,
        %parallel_loop3A_2114 = vector.shape_cast %parallel_loop3A_2113 : vector<1x1x16xf32> to vector<16xf32>
        %parallel_loop3A_2115 = vector.shape_cast %parallel_loop3A_2101 : vector<16xf32> to vector<1x1x16xf32>
        tpu.vector_store %arg10[%parallel_loop3A_2110, %parallel_loop3A_2111, %parallel_loop3A_2112], %parallel_loop3A_2115 {add = true, strides = array<i32>} : memref<4x32x768xf32, #tpu.memory_space<vmem>>, vector<1x1x16xf32>,
        %parallel_loop3A_2116 = arith.index_cast %parallel_loop3A_1449 : i32 to index
        %parallel_loop3A_2117 = arith.constant 592 : index
        %parallel_loop3A_2118 = tpu.vector_load %arg9[%parallel_loop3A_2116, %parallel_loop3A_2117] {strides = array<i32>} : memref<32x768xf32, #tpu.memory_space<vmem>>, vector<1x16xf32>,
        %parallel_loop3A_2119 = vector.shape_cast %parallel_loop3A_2118 : vector<1x16xf32> to vector<16xf32>
        %parallel_loop3A_2120 = arith.constant 0 : i32
        %parallel_loop3A_2121 = arith.index_cast %parallel_loop3A_2120 : i32 to index
        %parallel_loop3A_2122 = arith.index_cast %parallel_loop3A_1449 : i32 to index
        %parallel_loop3A_2123 = arith.constant 592 : index
        %parallel_loop3A_2124 = tpu.vector_load %arg10[%parallel_loop3A_2121, %parallel_loop3A_2122, %parallel_loop3A_2123] {strides = array<i32>} : memref<4x32x768xf32, #tpu.memory_space<vmem>>, vector<1x1x16xf32>,
        %parallel_loop3A_2125 = vector.shape_cast %parallel_loop3A_2124 : vector<1x1x16xf32> to vector<16xf32>
        %parallel_loop3A_2126 = vector.shape_cast %parallel_loop3A_2119 : vector<16xf32> to vector<1x1x16xf32>
        tpu.vector_store %arg10[%parallel_loop3A_2121, %parallel_loop3A_2122, %parallel_loop3A_2123], %parallel_loop3A_2126 {add = true, strides = array<i32>} : memref<4x32x768xf32, #tpu.memory_space<vmem>>, vector<1x1x16xf32>,
        %parallel_loop3A_2127 = arith.constant 1 : i32
        %parallel_loop3A_2128 = arith.index_cast %parallel_loop3A_2127 : i32 to index
        %parallel_loop3A_2129 = arith.index_cast %parallel_loop3A_1449 : i32 to index
        %parallel_loop3A_2130 = arith.constant 592 : index
        %parallel_loop3A_2131 = tpu.vector_load %arg10[%parallel_loop3A_2128, %parallel_loop3A_2129, %parallel_loop3A_2130] {strides = array<i32>} : memref<4x32x768xf32, #tpu.memory_space<vmem>>, vector<1x1x16xf32>,
        %parallel_loop3A_2132 = vector.shape_cast %parallel_loop3A_2131 : vector<1x1x16xf32> to vector<16xf32>
        %parallel_loop3A_2133 = vector.shape_cast %parallel_loop3A_2119 : vector<16xf32> to vector<1x1x16xf32>
        tpu.vector_store %arg10[%parallel_loop3A_2128, %parallel_loop3A_2129, %parallel_loop3A_2130], %parallel_loop3A_2133 {add = true, strides = array<i32>} : memref<4x32x768xf32, #tpu.memory_space<vmem>>, vector<1x1x16xf32>,
        %parallel_loop3A_2134 = arith.index_cast %parallel_loop3A_1449 : i32 to index
        %parallel_loop3A_2135 = arith.constant 608 : index
        %parallel_loop3A_2136 = tpu.vector_load %arg9[%parallel_loop3A_2134, %parallel_loop3A_2135] {strides = array<i32>} : memref<32x768xf32, #tpu.memory_space<vmem>>, vector<1x16xf32>,
        %parallel_loop3A_2137 = vector.shape_cast %parallel_loop3A_2136 : vector<1x16xf32> to vector<16xf32>
        %parallel_loop3A_2138 = arith.constant 0 : i32
        %parallel_loop3A_2139 = arith.index_cast %parallel_loop3A_2138 : i32 to index
        %parallel_loop3A_2140 = arith.index_cast %parallel_loop3A_1449 : i32 to index
        %parallel_loop3A_2141 = arith.constant 608 : index
        %parallel_loop3A_2142 = tpu.vector_load %arg10[%parallel_loop3A_2139, %parallel_loop3A_2140, %parallel_loop3A_2141] {strides = array<i32>} : memref<4x32x768xf32, #tpu.memory_space<vmem>>, vector<1x1x16xf32>,
        %parallel_loop3A_2143 = vector.shape_cast %parallel_loop3A_2142 : vector<1x1x16xf32> to vector<16xf32>
        %parallel_loop3A_2144 = vector.shape_cast %parallel_loop3A_2137 : vector<16xf32> to vector<1x1x16xf32>
        tpu.vector_store %arg10[%parallel_loop3A_2139, %parallel_loop3A_2140, %parallel_loop3A_2141], %parallel_loop3A_2144 {add = true, strides = array<i32>} : memref<4x32x768xf32, #tpu.memory_space<vmem>>, vector<1x1x16xf32>,
        %parallel_loop3A_2145 = arith.constant 1 : i32
        %parallel_loop3A_2146 = arith.index_cast %parallel_loop3A_2145 : i32 to index
        %parallel_loop3A_2147 = arith.index_cast %parallel_loop3A_1449 : i32 to index
        %parallel_loop3A_2148 = arith.constant 608 : index
        %parallel_loop3A_2149 = tpu.vector_load %arg10[%parallel_loop3A_2146, %parallel_loop3A_2147, %parallel_loop3A_2148] {strides = array<i32>} : memref<4x32x768xf32, #tpu.memory_space<vmem>>, vector<1x1x16xf32>,
        %parallel_loop3A_2150 = vector.shape_cast %parallel_loop3A_2149 : vector<1x1x16xf32> to vector<16xf32>
        %parallel_loop3A_2151 = vector.shape_cast %parallel_loop3A_2137 : vector<16xf32> to vector<1x1x16xf32>
        tpu.vector_store %arg10[%parallel_loop3A_2146, %parallel_loop3A_2147, %parallel_loop3A_2148], %parallel_loop3A_2151 {add = true, strides = array<i32>} : memref<4x32x768xf32, #tpu.memory_space<vmem>>, vector<1x1x16xf32>,
        %parallel_loop3A_2152 = arith.index_cast %parallel_loop3A_1449 : i32 to index
        %parallel_loop3A_2153 = arith.constant 624 : index
        %parallel_loop3A_2154 = tpu.vector_load %arg9[%parallel_loop3A_2152, %parallel_loop3A_2153] {strides = array<i32>} : memref<32x768xf32, #tpu.memory_space<vmem>>, vector<1x16xf32>,
        %parallel_loop3A_2155 = vector.shape_cast %parallel_loop3A_2154 : vector<1x16xf32> to vector<16xf32>
        %parallel_loop3A_2156 = arith.constant 0 : i32
        %parallel_loop3A_2157 = arith.index_cast %parallel_loop3A_2156 : i32 to index
        %parallel_loop3A_2158 = arith.index_cast %parallel_loop3A_1449 : i32 to index
        %parallel_loop3A_2159 = arith.constant 624 : index
        %parallel_loop3A_2160 = tpu.vector_load %arg10[%parallel_loop3A_2157, %parallel_loop3A_2158, %parallel_loop3A_2159] {strides = array<i32>} : memref<4x32x768xf32, #tpu.memory_space<vmem>>, vector<1x1x16xf32>,
        %parallel_loop3A_2161 = vector.shape_cast %parallel_loop3A_2160 : vector<1x1x16xf32> to vector<16xf32>
        %parallel_loop3A_2162 = vector.shape_cast %parallel_loop3A_2155 : vector<16xf32> to vector<1x1x16xf32>
        tpu.vector_store %arg10[%parallel_loop3A_2157, %parallel_loop3A_2158, %parallel_loop3A_2159], %parallel_loop3A_2162 {add = true, strides = array<i32>} : memref<4x32x768xf32, #tpu.memory_space<vmem>>, vector<1x1x16xf32>,
        %parallel_loop3A_2163 = arith.constant 1 : i32
        %parallel_loop3A_2164 = arith.index_cast %parallel_loop3A_2163 : i32 to index
        %parallel_loop3A_2165 = arith.index_cast %parallel_loop3A_1449 : i32 to index
        %parallel_loop3A_2166 = arith.constant 624 : index
        %parallel_loop3A_2167 = tpu.vector_load %arg10[%parallel_loop3A_2164, %parallel_loop3A_2165, %parallel_loop3A_2166] {strides = array<i32>} : memref<4x32x768xf32, #tpu.memory_space<vmem>>, vector<1x1x16xf32>,
        %parallel_loop3A_2168 = vector.shape_cast %parallel_loop3A_2167 : vector<1x1x16xf32> to vector<16xf32>
        %parallel_loop3A_2169 = vector.shape_cast %parallel_loop3A_2155 : vector<16xf32> to vector<1x1x16xf32>
        tpu.vector_store %arg10[%parallel_loop3A_2164, %parallel_loop3A_2165, %parallel_loop3A_2166], %parallel_loop3A_2169 {add = true, strides = array<i32>} : memref<4x32x768xf32, #tpu.memory_space<vmem>>, vector<1x1x16xf32>,
        %parallel_loop3A_2170 = arith.index_cast %parallel_loop3A_1449 : i32 to index
        %parallel_loop3A_2171 = arith.constant 640 : index
        %parallel_loop3A_2172 = tpu.vector_load %arg9[%parallel_loop3A_2170, %parallel_loop3A_2171] {strides = array<i32>} : memref<32x768xf32, #tpu.memory_space<vmem>>, vector<1x16xf32>,
        %parallel_loop3A_2173 = vector.shape_cast %parallel_loop3A_2172 : vector<1x16xf32> to vector<16xf32>
        %parallel_loop3A_2174 = arith.constant 0 : i32
        %parallel_loop3A_2175 = arith.index_cast %parallel_loop3A_2174 : i32 to index
        %parallel_loop3A_2176 = arith.index_cast %parallel_loop3A_1449 : i32 to index
        %parallel_loop3A_2177 = arith.constant 640 : index
        %parallel_loop3A_2178 = tpu.vector_load %arg10[%parallel_loop3A_2175, %parallel_loop3A_2176, %parallel_loop3A_2177] {strides = array<i32>} : memref<4x32x768xf32, #tpu.memory_space<vmem>>, vector<1x1x16xf32>,
        %parallel_loop3A_2179 = vector.shape_cast %parallel_loop3A_2178 : vector<1x1x16xf32> to vector<16xf32>
        %parallel_loop3A_2180 = vector.shape_cast %parallel_loop3A_2173 : vector<16xf32> to vector<1x1x16xf32>
        tpu.vector_store %arg10[%parallel_loop3A_2175, %parallel_loop3A_2176, %parallel_loop3A_2177], %parallel_loop3A_2180 {add = true, strides = array<i32>} : memref<4x32x768xf32, #tpu.memory_space<vmem>>, vector<1x1x16xf32>,
        %parallel_loop3A_2181 = arith.constant 1 : i32
        %parallel_loop3A_2182 = arith.index_cast %parallel_loop3A_2181 : i32 to index
        %parallel_loop3A_2183 = arith.index_cast %parallel_loop3A_1449 : i32 to index
        %parallel_loop3A_2184 = arith.constant 640 : index
        %parallel_loop3A_2185 = tpu.vector_load %arg10[%parallel_loop3A_2182, %parallel_loop3A_2183, %parallel_loop3A_2184] {strides = array<i32>} : memref<4x32x768xf32, #tpu.memory_space<vmem>>, vector<1x1x16xf32>,
        %parallel_loop3A_2186 = vector.shape_cast %parallel_loop3A_2185 : vector<1x1x16xf32> to vector<16xf32>
        %parallel_loop3A_2187 = vector.shape_cast %parallel_loop3A_2173 : vector<16xf32> to vector<1x1x16xf32>
        tpu.vector_store %arg10[%parallel_loop3A_2182, %parallel_loop3A_2183, %parallel_loop3A_2184], %parallel_loop3A_2187 {add = true, strides = array<i32>} : memref<4x32x768xf32, #tpu.memory_space<vmem>>, vector<1x1x16xf32>,
        %parallel_loop3A_2188 = arith.index_cast %parallel_loop3A_1449 : i32 to index
        %parallel_loop3A_2189 = arith.constant 656 : index
        %parallel_loop3A_2190 = tpu.vector_load %arg9[%parallel_loop3A_2188, %parallel_loop3A_2189] {strides = array<i32>} : memref<32x768xf32, #tpu.memory_space<vmem>>, vector<1x16xf32>,
        %parallel_loop3A_2191 = vector.shape_cast %parallel_loop3A_2190 : vector<1x16xf32> to vector<16xf32>
        %parallel_loop3A_2192 = arith.constant 0 : i32
        %parallel_loop3A_2193 = arith.index_cast %parallel_loop3A_2192 : i32 to index
        %parallel_loop3A_2194 = arith.index_cast %parallel_loop3A_1449 : i32 to index
        %parallel_loop3A_2195 = arith.constant 656 : index
        %parallel_loop3A_2196 = tpu.vector_load %arg10[%parallel_loop3A_2193, %parallel_loop3A_2194, %parallel_loop3A_2195] {strides = array<i32>} : memref<4x32x768xf32, #tpu.memory_space<vmem>>, vector<1x1x16xf32>,
        %parallel_loop3A_2197 = vector.shape_cast %parallel_loop3A_2196 : vector<1x1x16xf32> to vector<16xf32>
        %parallel_loop3A_2198 = vector.shape_cast %parallel_loop3A_2191 : vector<16xf32> to vector<1x1x16xf32>
        tpu.vector_store %arg10[%parallel_loop3A_2193, %parallel_loop3A_2194, %parallel_loop3A_2195], %parallel_loop3A_2198 {add = true, strides = array<i32>} : memref<4x32x768xf32, #tpu.memory_space<vmem>>, vector<1x1x16xf32>,
        %parallel_loop3A_2199 = arith.constant 1 : i32
        %parallel_loop3A_2200 = arith.index_cast %parallel_loop3A_2199 : i32 to index
        %parallel_loop3A_2201 = arith.index_cast %parallel_loop3A_1449 : i32 to index
        %parallel_loop3A_2202 = arith.constant 656 : index
        %parallel_loop3A_2203 = tpu.vector_load %arg10[%parallel_loop3A_2200, %parallel_loop3A_2201, %parallel_loop3A_2202] {strides = array<i32>} : memref<4x32x768xf32, #tpu.memory_space<vmem>>, vector<1x1x16xf32>,
        %parallel_loop3A_2204 = vector.shape_cast %parallel_loop3A_2203 : vector<1x1x16xf32> to vector<16xf32>
        %parallel_loop3A_2205 = vector.shape_cast %parallel_loop3A_2191 : vector<16xf32> to vector<1x1x16xf32>
        tpu.vector_store %arg10[%parallel_loop3A_2200, %parallel_loop3A_2201, %parallel_loop3A_2202], %parallel_loop3A_2205 {add = true, strides = array<i32>} : memref<4x32x768xf32, #tpu.memory_space<vmem>>, vector<1x1x16xf32>,
        %parallel_loop3A_2206 = arith.index_cast %parallel_loop3A_1449 : i32 to index
        %parallel_loop3A_2207 = arith.constant 672 : index
        %parallel_loop3A_2208 = tpu.vector_load %arg9[%parallel_loop3A_2206, %parallel_loop3A_2207] {strides = array<i32>} : memref<32x768xf32, #tpu.memory_space<vmem>>, vector<1x16xf32>,
        %parallel_loop3A_2209 = vector.shape_cast %parallel_loop3A_2208 : vector<1x16xf32> to vector<16xf32>
        %parallel_loop3A_2210 = arith.constant 0 : i32
        %parallel_loop3A_2211 = arith.index_cast %parallel_loop3A_2210 : i32 to index
        %parallel_loop3A_2212 = arith.index_cast %parallel_loop3A_1449 : i32 to index
        %parallel_loop3A_2213 = arith.constant 672 : index
        %parallel_loop3A_2214 = tpu.vector_load %arg10[%parallel_loop3A_2211, %parallel_loop3A_2212, %parallel_loop3A_2213] {strides = array<i32>} : memref<4x32x768xf32, #tpu.memory_space<vmem>>, vector<1x1x16xf32>,
        %parallel_loop3A_2215 = vector.shape_cast %parallel_loop3A_2214 : vector<1x1x16xf32> to vector<16xf32>
        %parallel_loop3A_2216 = vector.shape_cast %parallel_loop3A_2209 : vector<16xf32> to vector<1x1x16xf32>
        tpu.vector_store %arg10[%parallel_loop3A_2211, %parallel_loop3A_2212, %parallel_loop3A_2213], %parallel_loop3A_2216 {add = true, strides = array<i32>} : memref<4x32x768xf32, #tpu.memory_space<vmem>>, vector<1x1x16xf32>,
        %parallel_loop3A_2217 = arith.constant 1 : i32
        %parallel_loop3A_2218 = arith.index_cast %parallel_loop3A_2217 : i32 to index
        %parallel_loop3A_2219 = arith.index_cast %parallel_loop3A_1449 : i32 to index
        %parallel_loop3A_2220 = arith.constant 672 : index
        %parallel_loop3A_2221 = tpu.vector_load %arg10[%parallel_loop3A_2218, %parallel_loop3A_2219, %parallel_loop3A_2220] {strides = array<i32>} : memref<4x32x768xf32, #tpu.memory_space<vmem>>, vector<1x1x16xf32>,
        %parallel_loop3A_2222 = vector.shape_cast %parallel_loop3A_2221 : vector<1x1x16xf32> to vector<16xf32>
        %parallel_loop3A_2223 = vector.shape_cast %parallel_loop3A_2209 : vector<16xf32> to vector<1x1x16xf32>
        tpu.vector_store %arg10[%parallel_loop3A_2218, %parallel_loop3A_2219, %parallel_loop3A_2220], %parallel_loop3A_2223 {add = true, strides = array<i32>} : memref<4x32x768xf32, #tpu.memory_space<vmem>>, vector<1x1x16xf32>,
        %parallel_loop3A_2224 = arith.index_cast %parallel_loop3A_1449 : i32 to index
        %parallel_loop3A_2225 = arith.constant 688 : index
        %parallel_loop3A_2226 = tpu.vector_load %arg9[%parallel_loop3A_2224, %parallel_loop3A_2225] {strides = array<i32>} : memref<32x768xf32, #tpu.memory_space<vmem>>, vector<1x16xf32>,
        %parallel_loop3A_2227 = vector.shape_cast %parallel_loop3A_2226 : vector<1x16xf32> to vector<16xf32>
        %parallel_loop3A_2228 = arith.constant 0 : i32
        %parallel_loop3A_2229 = arith.index_cast %parallel_loop3A_2228 : i32 to index
        %parallel_loop3A_2230 = arith.index_cast %parallel_loop3A_1449 : i32 to index
        %parallel_loop3A_2231 = arith.constant 688 : index
        %parallel_loop3A_2232 = tpu.vector_load %arg10[%parallel_loop3A_2229, %parallel_loop3A_2230, %parallel_loop3A_2231] {strides = array<i32>} : memref<4x32x768xf32, #tpu.memory_space<vmem>>, vector<1x1x16xf32>,
        %parallel_loop3A_2233 = vector.shape_cast %parallel_loop3A_2232 : vector<1x1x16xf32> to vector<16xf32>
        %parallel_loop3A_2234 = vector.shape_cast %parallel_loop3A_2227 : vector<16xf32> to vector<1x1x16xf32>
        tpu.vector_store %arg10[%parallel_loop3A_2229, %parallel_loop3A_2230, %parallel_loop3A_2231], %parallel_loop3A_2234 {add = true, strides = array<i32>} : memref<4x32x768xf32, #tpu.memory_space<vmem>>, vector<1x1x16xf32>,
        %parallel_loop3A_2235 = arith.constant 1 : i32
        %parallel_loop3A_2236 = arith.index_cast %parallel_loop3A_2235 : i32 to index
        %parallel_loop3A_2237 = arith.index_cast %parallel_loop3A_1449 : i32 to index
        %parallel_loop3A_2238 = arith.constant 688 : index
        %parallel_loop3A_2239 = tpu.vector_load %arg10[%parallel_loop3A_2236, %parallel_loop3A_2237, %parallel_loop3A_2238] {strides = array<i32>} : memref<4x32x768xf32, #tpu.memory_space<vmem>>, vector<1x1x16xf32>,
        %parallel_loop3A_2240 = vector.shape_cast %parallel_loop3A_2239 : vector<1x1x16xf32> to vector<16xf32>
        %parallel_loop3A_2241 = vector.shape_cast %parallel_loop3A_2227 : vector<16xf32> to vector<1x1x16xf32>
        tpu.vector_store %arg10[%parallel_loop3A_2236, %parallel_loop3A_2237, %parallel_loop3A_2238], %parallel_loop3A_2241 {add = true, strides = array<i32>} : memref<4x32x768xf32, #tpu.memory_space<vmem>>, vector<1x1x16xf32>,
        %parallel_loop3A_2242 = arith.index_cast %parallel_loop3A_1449 : i32 to index
        %parallel_loop3A_2243 = arith.constant 704 : index
        %parallel_loop3A_2244 = tpu.vector_load %arg9[%parallel_loop3A_2242, %parallel_loop3A_2243] {strides = array<i32>} : memref<32x768xf32, #tpu.memory_space<vmem>>, vector<1x16xf32>,
        %parallel_loop3A_2245 = vector.shape_cast %parallel_loop3A_2244 : vector<1x16xf32> to vector<16xf32>
        %parallel_loop3A_2246 = arith.constant 0 : i32
        %parallel_loop3A_2247 = arith.index_cast %parallel_loop3A_2246 : i32 to index
        %parallel_loop3A_2248 = arith.index_cast %parallel_loop3A_1449 : i32 to index
        %parallel_loop3A_2249 = arith.constant 704 : index
        %parallel_loop3A_2250 = tpu.vector_load %arg10[%parallel_loop3A_2247, %parallel_loop3A_2248, %parallel_loop3A_2249] {strides = array<i32>} : memref<4x32x768xf32, #tpu.memory_space<vmem>>, vector<1x1x16xf32>,
        %parallel_loop3A_2251 = vector.shape_cast %parallel_loop3A_2250 : vector<1x1x16xf32> to vector<16xf32>
        %parallel_loop3A_2252 = vector.shape_cast %parallel_loop3A_2245 : vector<16xf32> to vector<1x1x16xf32>
        tpu.vector_store %arg10[%parallel_loop3A_2247, %parallel_loop3A_2248, %parallel_loop3A_2249], %parallel_loop3A_2252 {add = true, strides = array<i32>} : memref<4x32x768xf32, #tpu.memory_space<vmem>>, vector<1x1x16xf32>,
        %parallel_loop3A_2253 = arith.constant 1 : i32
        %parallel_loop3A_2254 = arith.index_cast %parallel_loop3A_2253 : i32 to index
        %parallel_loop3A_2255 = arith.index_cast %parallel_loop3A_1449 : i32 to index
        %parallel_loop3A_2256 = arith.constant 704 : index
        %parallel_loop3A_2257 = tpu.vector_load %arg10[%parallel_loop3A_2254, %parallel_loop3A_2255, %parallel_loop3A_2256] {strides = array<i32>} : memref<4x32x768xf32, #tpu.memory_space<vmem>>, vector<1x1x16xf32>,
        %parallel_loop3A_2258 = vector.shape_cast %parallel_loop3A_2257 : vector<1x1x16xf32> to vector<16xf32>
        %parallel_loop3A_2259 = vector.shape_cast %parallel_loop3A_2245 : vector<16xf32> to vector<1x1x16xf32>
        tpu.vector_store %arg10[%parallel_loop3A_2254, %parallel_loop3A_2255, %parallel_loop3A_2256], %parallel_loop3A_2259 {add = true, strides = array<i32>} : memref<4x32x768xf32, #tpu.memory_space<vmem>>, vector<1x1x16xf32>,
        %parallel_loop3A_2260 = arith.index_cast %parallel_loop3A_1449 : i32 to index
        %parallel_loop3A_2261 = arith.constant 720 : index
        %parallel_loop3A_2262 = tpu.vector_load %arg9[%parallel_loop3A_2260, %parallel_loop3A_2261] {strides = array<i32>} : memref<32x768xf32, #tpu.memory_space<vmem>>, vector<1x16xf32>,
        %parallel_loop3A_2263 = vector.shape_cast %parallel_loop3A_2262 : vector<1x16xf32> to vector<16xf32>
        %parallel_loop3A_2264 = arith.constant 0 : i32
        %parallel_loop3A_2265 = arith.index_cast %parallel_loop3A_2264 : i32 to index
        %parallel_loop3A_2266 = arith.index_cast %parallel_loop3A_1449 : i32 to index
        %parallel_loop3A_2267 = arith.constant 720 : index
        %parallel_loop3A_2268 = tpu.vector_load %arg10[%parallel_loop3A_2265, %parallel_loop3A_2266, %parallel_loop3A_2267] {strides = array<i32>} : memref<4x32x768xf32, #tpu.memory_space<vmem>>, vector<1x1x16xf32>,
        %parallel_loop3A_2269 = vector.shape_cast %parallel_loop3A_2268 : vector<1x1x16xf32> to vector<16xf32>
        %parallel_loop3A_2270 = vector.shape_cast %parallel_loop3A_2263 : vector<16xf32> to vector<1x1x16xf32>
        tpu.vector_store %arg10[%parallel_loop3A_2265, %parallel_loop3A_2266, %parallel_loop3A_2267], %parallel_loop3A_2270 {add = true, strides = array<i32>} : memref<4x32x768xf32, #tpu.memory_space<vmem>>, vector<1x1x16xf32>,
        %parallel_loop3A_2271 = arith.constant 1 : i32
        %parallel_loop3A_2272 = arith.index_cast %parallel_loop3A_2271 : i32 to index
        %parallel_loop3A_2273 = arith.index_cast %parallel_loop3A_1449 : i32 to index
        %parallel_loop3A_2274 = arith.constant 720 : index
        %parallel_loop3A_2275 = tpu.vector_load %arg10[%parallel_loop3A_2272, %parallel_loop3A_2273, %parallel_loop3A_2274] {strides = array<i32>} : memref<4x32x768xf32, #tpu.memory_space<vmem>>, vector<1x1x16xf32>,
        %parallel_loop3A_2276 = vector.shape_cast %parallel_loop3A_2275 : vector<1x1x16xf32> to vector<16xf32>
        %parallel_loop3A_2277 = vector.shape_cast %parallel_loop3A_2263 : vector<16xf32> to vector<1x1x16xf32>
        tpu.vector_store %arg10[%parallel_loop3A_2272, %parallel_loop3A_2273, %parallel_loop3A_2274], %parallel_loop3A_2277 {add = true, strides = array<i32>} : memref<4x32x768xf32, #tpu.memory_space<vmem>>, vector<1x1x16xf32>,
        %parallel_loop3A_2278 = arith.index_cast %parallel_loop3A_1449 : i32 to index
        %parallel_loop3A_2279 = arith.constant 736 : index
        %parallel_loop3A_2280 = tpu.vector_load %arg9[%parallel_loop3A_2278, %parallel_loop3A_2279] {strides = array<i32>} : memref<32x768xf32, #tpu.memory_space<vmem>>, vector<1x16xf32>,
        %parallel_loop3A_2281 = vector.shape_cast %parallel_loop3A_2280 : vector<1x16xf32> to vector<16xf32>
        %parallel_loop3A_2282 = arith.constant 0 : i32
        %parallel_loop3A_2283 = arith.index_cast %parallel_loop3A_2282 : i32 to index
        %parallel_loop3A_2284 = arith.index_cast %parallel_loop3A_1449 : i32 to index
        %parallel_loop3A_2285 = arith.constant 736 : index
        %parallel_loop3A_2286 = tpu.vector_load %arg10[%parallel_loop3A_2283, %parallel_loop3A_2284, %parallel_loop3A_2285] {strides = array<i32>} : memref<4x32x768xf32, #tpu.memory_space<vmem>>, vector<1x1x16xf32>,
        %parallel_loop3A_2287 = vector.shape_cast %parallel_loop3A_2286 : vector<1x1x16xf32> to vector<16xf32>
        %parallel_loop3A_2288 = vector.shape_cast %parallel_loop3A_2281 : vector<16xf32> to vector<1x1x16xf32>
        tpu.vector_store %arg10[%parallel_loop3A_2283, %parallel_loop3A_2284, %parallel_loop3A_2285], %parallel_loop3A_2288 {add = true, strides = array<i32>} : memref<4x32x768xf32, #tpu.memory_space<vmem>>, vector<1x1x16xf32>,
        %parallel_loop3A_2289 = arith.constant 1 : i32
        %parallel_loop3A_2290 = arith.index_cast %parallel_loop3A_2289 : i32 to index
        %parallel_loop3A_2291 = arith.index_cast %parallel_loop3A_1449 : i32 to index
        %parallel_loop3A_2292 = arith.constant 736 : index
        %parallel_loop3A_2293 = tpu.vector_load %arg10[%parallel_loop3A_2290, %parallel_loop3A_2291, %parallel_loop3A_2292] {strides = array<i32>} : memref<4x32x768xf32, #tpu.memory_space<vmem>>, vector<1x1x16xf32>,
        %parallel_loop3A_2294 = vector.shape_cast %parallel_loop3A_2293 : vector<1x1x16xf32> to vector<16xf32>
        %parallel_loop3A_2295 = vector.shape_cast %parallel_loop3A_2281 : vector<16xf32> to vector<1x1x16xf32>
        tpu.vector_store %arg10[%parallel_loop3A_2290, %parallel_loop3A_2291, %parallel_loop3A_2292], %parallel_loop3A_2295 {add = true, strides = array<i32>} : memref<4x32x768xf32, #tpu.memory_space<vmem>>, vector<1x1x16xf32>,
        %parallel_loop3A_2296 = arith.index_cast %parallel_loop3A_1449 : i32 to index
        %parallel_loop3A_2297 = arith.constant 752 : index
        %parallel_loop3A_2298 = tpu.vector_load %arg9[%parallel_loop3A_2296, %parallel_loop3A_2297] {strides = array<i32>} : memref<32x768xf32, #tpu.memory_space<vmem>>, vector<1x16xf32>,
        %parallel_loop3A_2299 = vector.shape_cast %parallel_loop3A_2298 : vector<1x16xf32> to vector<16xf32>
        %parallel_loop3A_2300 = arith.constant 0 : i32
        %parallel_loop3A_2301 = arith.index_cast %parallel_loop3A_2300 : i32 to index
        %parallel_loop3A_2302 = arith.index_cast %parallel_loop3A_1449 : i32 to index
        %parallel_loop3A_2303 = arith.constant 752 : index
        %parallel_loop3A_2304 = tpu.vector_load %arg10[%parallel_loop3A_2301, %parallel_loop3A_2302, %parallel_loop3A_2303] {strides = array<i32>} : memref<4x32x768xf32, #tpu.memory_space<vmem>>, vector<1x1x16xf32>,
        %parallel_loop3A_2305 = vector.shape_cast %parallel_loop3A_2304 : vector<1x1x16xf32> to vector<16xf32>
        %parallel_loop3A_2306 = vector.shape_cast %parallel_loop3A_2299 : vector<16xf32> to vector<1x1x16xf32>
        tpu.vector_store %arg10[%parallel_loop3A_2301, %parallel_loop3A_2302, %parallel_loop3A_2303], %parallel_loop3A_2306 {add = true, strides = array<i32>} : memref<4x32x768xf32, #tpu.memory_space<vmem>>, vector<1x1x16xf32>,
        %parallel_loop3A_2307 = arith.constant 1 : i32
        %parallel_loop3A_2308 = arith.index_cast %parallel_loop3A_2307 : i32 to index
        %parallel_loop3A_2309 = arith.index_cast %parallel_loop3A_1449 : i32 to index
        %parallel_loop3A_2310 = arith.constant 752 : index
        %parallel_loop3A_2311 = tpu.vector_load %arg10[%parallel_loop3A_2308, %parallel_loop3A_2309, %parallel_loop3A_2310] {strides = array<i32>} : memref<4x32x768xf32, #tpu.memory_space<vmem>>, vector<1x1x16xf32>,
        %parallel_loop3A_2312 = vector.shape_cast %parallel_loop3A_2311 : vector<1x1x16xf32> to vector<16xf32>
        %parallel_loop3A_2313 = vector.shape_cast %parallel_loop3A_2299 : vector<16xf32> to vector<1x1x16xf32>
        tpu.vector_store %arg10[%parallel_loop3A_2308, %parallel_loop3A_2309, %parallel_loop3A_2310], %parallel_loop3A_2313 {add = true, strides = array<i32>} : memref<4x32x768xf32, #tpu.memory_space<vmem>>, vector<1x1x16xf32>,
      } {sc.loop_unroll_factor = 1 : i64, sc.parallel_access}
      %ne3A_807 = arith.constant 0 : i32
      %ne3A_808 = arith.cmpi ne, %scan3A_417, %ne3A_807 : i32
      %convert_element_type3A_809 = arith.extui %ne3A_808 : i1 to i32
      %cond3A_810 = arith.constant 0 : i32
      %cond3A_811 = arith.cmpi ne, %convert_element_type3A_809, %cond3A_810 : i32
      scf.if %cond3A_811 {
        %scan3A_1449 = arith.constant 0 : i32
        %scan3A_1450 = arith.constant 0 : i32
        %scan3A_1451 = arith.constant 32 : i32
        %scan3A_1452 = arith.addi %scan3A_1450, %scan3A_1451 : i32
        %scan3A_1453 = arith.constant 1 : i32
        scf.for %scan3A_1455 = %scan3A_1450 to %scan3A_1452 step %scan3A_1453  : i32 {
          %jit3A_1456 = arith.constant 16 : i32
          %div3A_1457 = arith.divsi %scan3A_1455, %jit3A_1456 : i32
          %sign3A_1458 = arith.constant 0 : i32
          %sign3A_1459 = arith.cmpi sgt, %scan3A_1455, %sign3A_1458 : i32
          %sign3A_1460 = arith.extui %sign3A_1459 : i1 to i32
          %sign3A_1461 = arith.constant 0 : i32
          %sign3A_1462 = arith.cmpi slt, %scan3A_1455, %sign3A_1461 : i32
          %sign3A_1463 = arith.extui %sign3A_1462 : i1 to i32
          %sign3A_1464 = arith.subi %sign3A_1460, %sign3A_1463 : i32
          %sign3A_1465 = arith.constant 0 : i32
          %sign3A_1466 = arith.cmpi sgt, %jit3A_1456, %sign3A_1465 : i32
          %sign3A_1467 = arith.extui %sign3A_1466 : i1 to i32
          %sign3A_1468 = arith.constant 0 : i32
          %sign3A_1469 = arith.cmpi slt, %jit3A_1456, %sign3A_1468 : i32
          %sign3A_1470 = arith.extui %sign3A_1469 : i1 to i32
          %sign3A_1471 = arith.subi %sign3A_1467, %sign3A_1470 : i32
          %ne3A_1472 = arith.cmpi ne, %sign3A_1464, %sign3A_1471 : i32
          %rem3A_1473 = arith.remsi %scan3A_1455, %jit3A_1456 : i32
          %ne3A_1474 = arith.constant 0 : i32
          %ne3A_1475 = arith.cmpi ne, %rem3A_1473, %ne3A_1474 : i32
          %and3A_1476 = arith.andi %ne3A_1472, %ne3A_1475 : i1
          %sub3A_1477 = arith.constant 1 : i32
          %sub3A_1478 = arith.subi %div3A_1457, %sub3A_1477 : i32
          %select_n3A_1479 = arith.select %and3A_1476, %sub3A_1478, %div3A_1457 : i32
          %mul3A_1480 = arith.constant 16 : i32
          %mul3A_1481 = arith.muli %select_n3A_1479, %mul3A_1480 : i32
          %multiple_of3A = tpu.assume_multiple %mul3A_1481, 16 : i32
          %get3A_1482 = arith.constant 0 : i32
          %get3A_1483 = arith.index_cast %get3A_1482 : i32 to index
          %get3A_1484 = arith.index_cast %multiple_of3A : i32 to index
          %get3A_1485 = tpu.vector_load %arg8[%get3A_1483, %get3A_1484] {strides = array<i32>} : memref<4x32xf32, #tpu.memory_space<vmem>>, vector<1x16xf32>,
          %get3A_1486 = vector.shape_cast %get3A_1485 : vector<1x16xf32> to vector<16xf32>
          %jit3A_1487 = arith.constant 16 : i32
          %eq3A_1488 = arith.constant 0 : i32
          %eq3A_1489 = arith.cmpi eq, %jit3A_1487, %eq3A_1488 : i32
          %jit3A_1490 = arith.constant 1 : i32
          %select_n3A_1491 = arith.select %eq3A_1489, %jit3A_1490, %jit3A_1487 : i32
          %rem3A_1492 = arith.remsi %scan3A_1455, %select_n3A_1491 : i32
          %ne3A_1493 = arith.constant 0 : i32
          %ne3A_1494 = arith.cmpi ne, %rem3A_1492, %ne3A_1493 : i32
          %lt3A_1495 = arith.constant 0 : i32
          %lt3A_1496 = arith.cmpi slt, %rem3A_1492, %lt3A_1495 : i32
          %lt3A_1497 = arith.constant 0 : i32
          %lt3A_1498 = arith.cmpi slt, %select_n3A_1491, %lt3A_1497 : i32
          %ne3A_1499 = arith.xori %lt3A_1496, %lt3A_1498 : i1
          %and3A_1500 = arith.andi %ne3A_1499, %ne3A_1494 : i1
          %add3A_1501 = arith.addi %rem3A_1492, %select_n3A_1491 : i32
          %select_n3A_1502 = arith.select %and3A_1500, %add3A_1501, %rem3A_1492 : i32
          %broadcast_in_dim3A_1503 = vector.broadcast %select_n3A_1502 : i32 to vector<16x1xi32>
          %gather3A_1504 = vector.shape_cast %broadcast_in_dim3A_1503 : vector<16x1xi32> to vector<16xi32>
          %gather3A_1505 = tpu.dynamic_gather %get3A_1486[%gather3A_1504] in [0] : vector<16xf32>, vector<16xi32> -> vector<16xf32>
          %sub3A_1506 = arith.constant 1.000000e+00 : f32
          %sub3A_1507 = vector.broadcast %sub3A_1506 : f32 to vector<16xf32>
          %sub3A_1508 = arith.subf %sub3A_1507, %gather3A_1505 : vector<16xf32>
          %scan3A_1509 = arith.constant 0 : i32
          %scan3A_1510 = arith.constant 0 : i32
          %scan3A_1511 = arith.constant 48 : i32
          %scan3A_1512 = arith.addi %scan3A_1510, %scan3A_1511 : i32
          %scan3A_1513 = arith.constant 1 : i32
          scf.for %scan3A_1515 = %scan3A_1510 to %scan3A_1512 step %scan3A_1513  : i32 {
            %mul3A_1516 = arith.constant 16 : i32
            %mul3A_1517 = arith.muli %scan3A_1515, %mul3A_1516 : i32
            %multiple_of3A_1518 = tpu.assume_multiple %mul3A_1517, 16 : i32
            %get3A_1519 = arith.constant 0 : i32
            %get3A_1520 = arith.index_cast %get3A_1519 : i32 to index
            %get3A_1521 = arith.index_cast %scan3A_1455 : i32 to index
            %get3A_1522 = arith.index_cast %multiple_of3A_1518 : i32 to index
            %get3A_1523 = tpu.vector_load %arg10[%get3A_1520, %get3A_1521, %get3A_1522] {strides = array<i32>} : memref<4x32x768xf32, #tpu.memory_space<vmem>>, vector<1x1x16xf32>,
            %get3A_1524 = vector.shape_cast %get3A_1523 : vector<1x1x16xf32> to vector<16xf32>
            %mul3A_1525 = arith.mulf %sub3A_1508, %get3A_1524 : vector<16xf32>
            %get3A_1526 = arith.index_cast %scan3A_1455 : i32 to index
            %get3A_1527 = arith.index_cast %multiple_of3A_1518 : i32 to index
            %get3A_1528 = tpu.vector_load %arg9[%get3A_1526, %get3A_1527] {strides = array<i32>} : memref<32x768xf32, #tpu.memory_space<vmem>>, vector<1x16xf32>,
            %get3A_1529 = vector.shape_cast %get3A_1528 : vector<1x16xf32> to vector<16xf32>
            %mul3A_1530 = arith.mulf %gather3A_1505, %get3A_1529 : vector<16xf32>
            %add3A_1531 = arith.addf %mul3A_1525, %mul3A_1530 : vector<16xf32>
            %swap3A_1532 = arith.constant 0 : i32
            %swap3A_1533 = arith.index_cast %swap3A_1532 : i32 to index
            %swap3A_1534 = arith.index_cast %scan3A_1455 : i32 to index
            %swap3A_1535 = arith.index_cast %multiple_of3A_1518 : i32 to index
            %swap3A_1536 = tpu.vector_load %arg10[%swap3A_1533, %swap3A_1534, %swap3A_1535] {strides = array<i32>} : memref<4x32x768xf32, #tpu.memory_space<vmem>>, vector<1x1x16xf32>,
            %swap3A_1537 = vector.shape_cast %swap3A_1536 : vector<1x1x16xf32> to vector<16xf32>
            %swap3A_1538 = vector.shape_cast %add3A_1531 : vector<16xf32> to vector<1x1x16xf32>
            tpu.vector_store %arg10[%swap3A_1533, %swap3A_1534, %swap3A_1535], %swap3A_1538 {strides = array<i32>} : memref<4x32x768xf32, #tpu.memory_space<vmem>>, vector<1x1x16xf32>,
          }
          %scan3A_1514 = arith.constant 48 : i32
        }
        %scan3A_1454 = arith.constant 32 : i32
      } else {
      }
      %ne3A_812 = arith.constant 0 : i32
      %ne3A_813 = arith.cmpi ne, %scan3A_418, %ne3A_812 : i32
      %convert_element_type3A_814 = arith.extui %ne3A_813 : i1 to i32
      %cond3A_815 = arith.constant 0 : i32
      %cond3A_816 = arith.cmpi ne, %convert_element_type3A_814, %cond3A_815 : i32
      scf.if %cond3A_816 {
        %scan3A_1449 = arith.constant 0 : i32
        %scan3A_1450 = arith.constant 0 : i32
        %scan3A_1451 = arith.constant 32 : i32
        %scan3A_1452 = arith.addi %scan3A_1450, %scan3A_1451 : i32
        %scan3A_1453 = arith.constant 1 : i32
        scf.for %scan3A_1455 = %scan3A_1450 to %scan3A_1452 step %scan3A_1453  : i32 {
          %jit3A_1456 = arith.constant 16 : i32
          %div3A_1457 = arith.divsi %scan3A_1455, %jit3A_1456 : i32
          %sign3A_1458 = arith.constant 0 : i32
          %sign3A_1459 = arith.cmpi sgt, %scan3A_1455, %sign3A_1458 : i32
          %sign3A_1460 = arith.extui %sign3A_1459 : i1 to i32
          %sign3A_1461 = arith.constant 0 : i32
          %sign3A_1462 = arith.cmpi slt, %scan3A_1455, %sign3A_1461 : i32
          %sign3A_1463 = arith.extui %sign3A_1462 : i1 to i32
          %sign3A_1464 = arith.subi %sign3A_1460, %sign3A_1463 : i32
          %sign3A_1465 = arith.constant 0 : i32
          %sign3A_1466 = arith.cmpi sgt, %jit3A_1456, %sign3A_1465 : i32
          %sign3A_1467 = arith.extui %sign3A_1466 : i1 to i32
          %sign3A_1468 = arith.constant 0 : i32
          %sign3A_1469 = arith.cmpi slt, %jit3A_1456, %sign3A_1468 : i32
          %sign3A_1470 = arith.extui %sign3A_1469 : i1 to i32
          %sign3A_1471 = arith.subi %sign3A_1467, %sign3A_1470 : i32
          %ne3A_1472 = arith.cmpi ne, %sign3A_1464, %sign3A_1471 : i32
          %rem3A_1473 = arith.remsi %scan3A_1455, %jit3A_1456 : i32
          %ne3A_1474 = arith.constant 0 : i32
          %ne3A_1475 = arith.cmpi ne, %rem3A_1473, %ne3A_1474 : i32
          %and3A_1476 = arith.andi %ne3A_1472, %ne3A_1475 : i1
          %sub3A_1477 = arith.constant 1 : i32
          %sub3A_1478 = arith.subi %div3A_1457, %sub3A_1477 : i32
          %select_n3A_1479 = arith.select %and3A_1476, %sub3A_1478, %div3A_1457 : i32
          %mul3A_1480 = arith.constant 16 : i32
          %mul3A_1481 = arith.muli %select_n3A_1479, %mul3A_1480 : i32
          %multiple_of3A = tpu.assume_multiple %mul3A_1481, 16 : i32
          %get3A_1482 = arith.constant 1 : i32
          %get3A_1483 = arith.index_cast %get3A_1482 : i32 to index
          %get3A_1484 = arith.index_cast %multiple_of3A : i32 to index
          %get3A_1485 = tpu.vector_load %arg8[%get3A_1483, %get3A_1484] {strides = array<i32>} : memref<4x32xf32, #tpu.memory_space<vmem>>, vector<1x16xf32>,
          %get3A_1486 = vector.shape_cast %get3A_1485 : vector<1x16xf32> to vector<16xf32>
          %jit3A_1487 = arith.constant 16 : i32
          %eq3A_1488 = arith.constant 0 : i32
          %eq3A_1489 = arith.cmpi eq, %jit3A_1487, %eq3A_1488 : i32
          %jit3A_1490 = arith.constant 1 : i32
          %select_n3A_1491 = arith.select %eq3A_1489, %jit3A_1490, %jit3A_1487 : i32
          %rem3A_1492 = arith.remsi %scan3A_1455, %select_n3A_1491 : i32
          %ne3A_1493 = arith.constant 0 : i32
          %ne3A_1494 = arith.cmpi ne, %rem3A_1492, %ne3A_1493 : i32
          %lt3A_1495 = arith.constant 0 : i32
          %lt3A_1496 = arith.cmpi slt, %rem3A_1492, %lt3A_1495 : i32
          %lt3A_1497 = arith.constant 0 : i32
          %lt3A_1498 = arith.cmpi slt, %select_n3A_1491, %lt3A_1497 : i32
          %ne3A_1499 = arith.xori %lt3A_1496, %lt3A_1498 : i1
          %and3A_1500 = arith.andi %ne3A_1499, %ne3A_1494 : i1
          %add3A_1501 = arith.addi %rem3A_1492, %select_n3A_1491 : i32
          %select_n3A_1502 = arith.select %and3A_1500, %add3A_1501, %rem3A_1492 : i32
          %broadcast_in_dim3A_1503 = vector.broadcast %select_n3A_1502 : i32 to vector<16x1xi32>
          %gather3A_1504 = vector.shape_cast %broadcast_in_dim3A_1503 : vector<16x1xi32> to vector<16xi32>
          %gather3A_1505 = tpu.dynamic_gather %get3A_1486[%gather3A_1504] in [0] : vector<16xf32>, vector<16xi32> -> vector<16xf32>
          %sub3A_1506 = arith.constant 1.000000e+00 : f32
          %sub3A_1507 = vector.broadcast %sub3A_1506 : f32 to vector<16xf32>
          %sub3A_1508 = arith.subf %sub3A_1507, %gather3A_1505 : vector<16xf32>
          %scan3A_1509 = arith.constant 0 : i32
          %scan3A_1510 = arith.constant 0 : i32
          %scan3A_1511 = arith.constant 48 : i32
          %scan3A_1512 = arith.addi %scan3A_1510, %scan3A_1511 : i32
          %scan3A_1513 = arith.constant 1 : i32
          scf.for %scan3A_1515 = %scan3A_1510 to %scan3A_1512 step %scan3A_1513  : i32 {
            %mul3A_1516 = arith.constant 16 : i32
            %mul3A_1517 = arith.muli %scan3A_1515, %mul3A_1516 : i32
            %multiple_of3A_1518 = tpu.assume_multiple %mul3A_1517, 16 : i32
            %get3A_1519 = arith.constant 1 : i32
            %get3A_1520 = arith.index_cast %get3A_1519 : i32 to index
            %get3A_1521 = arith.index_cast %scan3A_1455 : i32 to index
            %get3A_1522 = arith.index_cast %multiple_of3A_1518 : i32 to index
            %get3A_1523 = tpu.vector_load %arg10[%get3A_1520, %get3A_1521, %get3A_1522] {strides = array<i32>} : memref<4x32x768xf32, #tpu.memory_space<vmem>>, vector<1x1x16xf32>,
            %get3A_1524 = vector.shape_cast %get3A_1523 : vector<1x1x16xf32> to vector<16xf32>
            %mul3A_1525 = arith.mulf %sub3A_1508, %get3A_1524 : vector<16xf32>
            %get3A_1526 = arith.index_cast %scan3A_1455 : i32 to index
            %get3A_1527 = arith.index_cast %multiple_of3A_1518 : i32 to index
            %get3A_1528 = tpu.vector_load %arg9[%get3A_1526, %get3A_1527] {strides = array<i32>} : memref<32x768xf32, #tpu.memory_space<vmem>>, vector<1x16xf32>,
            %get3A_1529 = vector.shape_cast %get3A_1528 : vector<1x16xf32> to vector<16xf32>
            %mul3A_1530 = arith.mulf %gather3A_1505, %get3A_1529 : vector<16xf32>
            %add3A_1531 = arith.addf %mul3A_1525, %mul3A_1530 : vector<16xf32>
            %swap3A_1532 = arith.constant 1 : i32
            %swap3A_1533 = arith.index_cast %swap3A_1532 : i32 to index
            %swap3A_1534 = arith.index_cast %scan3A_1455 : i32 to index
            %swap3A_1535 = arith.index_cast %multiple_of3A_1518 : i32 to index
            %swap3A_1536 = tpu.vector_load %arg10[%swap3A_1533, %swap3A_1534, %swap3A_1535] {strides = array<i32>} : memref<4x32x768xf32, #tpu.memory_space<vmem>>, vector<1x1x16xf32>,
            %swap3A_1537 = vector.shape_cast %swap3A_1536 : vector<1x1x16xf32> to vector<16xf32>
            %swap3A_1538 = vector.shape_cast %add3A_1531 : vector<16xf32> to vector<1x1x16xf32>
            tpu.vector_store %arg10[%swap3A_1533, %swap3A_1534, %swap3A_1535], %swap3A_1538 {strides = array<i32>} : memref<4x32x768xf32, #tpu.memory_space<vmem>>, vector<1x1x16xf32>,
          }
          %scan3A_1514 = arith.constant 48 : i32
        }
        %scan3A_1454 = arith.constant 32 : i32
      } else {
      }
      %jit3A_817 = arith.constant 4 : i32
      %eq3A_818 = arith.constant 0 : i32
      %eq3A_819 = arith.cmpi eq, %jit3A_817, %eq3A_818 : i32
      %jit3A_820 = arith.constant 1 : i32
      %select_n3A_821 = arith.select %eq3A_819, %jit3A_820, %jit3A_817 : i32
      %rem3A_822 = arith.remsi %mul3A_420, %select_n3A_821 : i32
      %ne3A_823 = arith.constant 0 : i32
      %ne3A_824 = arith.cmpi ne, %rem3A_822, %ne3A_823 : i32
      %lt3A_825 = arith.constant 0 : i32
      %lt3A_826 = arith.cmpi slt, %rem3A_822, %lt3A_825 : i32
      %lt3A_827 = arith.constant 0 : i32
      %lt3A_828 = arith.cmpi slt, %select_n3A_821, %lt3A_827 : i32
      %ne3A_829 = arith.xori %lt3A_826, %lt3A_828 : i1
      %and3A_830 = arith.andi %ne3A_829, %ne3A_824 : i1
      %add3A_831 = arith.addi %rem3A_822, %select_n3A_821 : i32
      %select_n3A_832 = arith.select %and3A_830, %add3A_831, %rem3A_822 : i32
      %mul3A_833 = arith.constant 8192 : i32
      %mul3A_834 = arith.muli %select_n3A_832, %mul3A_833 : i32
      %add3A_835 = arith.addi %mul3A_834, %mul3A_2 : i32
      %jit3A_836 = arith.constant 4 : i32
      %div3A_837 = arith.divsi %mul3A_420, %jit3A_836 : i32
      %sign3A_838 = arith.constant 0 : i32
      %sign3A_839 = arith.cmpi sgt, %mul3A_420, %sign3A_838 : i32
      %sign3A_840 = arith.extui %sign3A_839 : i1 to i32
      %sign3A_841 = arith.constant 0 : i32
      %sign3A_842 = arith.cmpi slt, %mul3A_420, %sign3A_841 : i32
      %sign3A_843 = arith.extui %sign3A_842 : i1 to i32
      %sign3A_844 = arith.subi %sign3A_840, %sign3A_843 : i32
      %sign3A_845 = arith.constant 0 : i32
      %sign3A_846 = arith.cmpi sgt, %jit3A_836, %sign3A_845 : i32
      %sign3A_847 = arith.extui %sign3A_846 : i1 to i32
      %sign3A_848 = arith.constant 0 : i32
      %sign3A_849 = arith.cmpi slt, %jit3A_836, %sign3A_848 : i32
      %sign3A_850 = arith.extui %sign3A_849 : i1 to i32
      %sign3A_851 = arith.subi %sign3A_847, %sign3A_850 : i32
      %ne3A_852 = arith.cmpi ne, %sign3A_844, %sign3A_851 : i32
      %rem3A_853 = arith.remsi %mul3A_420, %jit3A_836 : i32
      %ne3A_854 = arith.constant 0 : i32
      %ne3A_855 = arith.cmpi ne, %rem3A_853, %ne3A_854 : i32
      %and3A_856 = arith.andi %ne3A_852, %ne3A_855 : i1
      %sub3A_857 = arith.constant 1 : i32
      %sub3A_858 = arith.subi %div3A_837, %sub3A_857 : i32
      %select_n3A_859 = arith.select %and3A_856, %sub3A_858, %div3A_837 : i32
      %mul3A_860 = arith.constant 32 : i32
      %mul3A_861 = arith.muli %select_n3A_859, %mul3A_860 : i32
      %add3A_862 = arith.addi %add3A_835, %mul3A_861 : i32
      %dma_start3A_863 = arith.constant 0 : i32
      %dma_start3A_864 = arith.constant 0 : i32
      %dma_start3A_865 = arith.constant 0 : i32
      %dma_start3A_866 = arith.constant 0 : i32
      %dma_start3A_867 = tpu.memref_slice %arg10[%dma_start3A_863, %dma_start3A_865, %dma_start3A_866] : memref<4x32x768xf32, #tpu.memory_space<vmem>> -> memref<1x32x768xf32, #tpu.memory_space<vmem>>
      %dma_start3A_868 = tpu.memref_squeeze %dma_start3A_867 : memref<1x32x768xf32, #tpu.memory_space<vmem>> -> memref<32x768xf32, #tpu.memory_space<vmem>>
      %dma_start3A_869 = arith.constant 0 : i32
      %dma_start3A_870 = tpu.memref_slice %arg5[%add3A_862, %dma_start3A_869] : memref<32768x768xf32, #tpu.memory_space<hbm>> -> memref<32x768xf32, #tpu.memory_space<hbm>>
      %dma_start3A_871 = tpu.memref_slice %arg13[%dma_start3A_864] : memref<4x!tpu.dma_semaphore, #tpu.memory_space<semaphore_mem>> -> memref<1x!tpu.dma_semaphore, #tpu.memory_space<semaphore_mem>>
      %dma_start3A_872 = tpu.memref_squeeze %dma_start3A_871 : memref<1x!tpu.dma_semaphore, #tpu.memory_space<semaphore_mem>> -> memref<!tpu.dma_semaphore, #tpu.memory_space<semaphore_mem>>
      %dma_start3A_873 = arith.constant 0 : i32
      %dma_start3A_874 = tpu.memref_slice %arg5[%add3A_862, %dma_start3A_873] : memref<32768x768xf32, #tpu.memory_space<hbm>> -> memref<32x768xf32, #tpu.memory_space<hbm>>
      %dma_start3A_875 = arith.constant 0 : i32
      %dma_start3A_876 = arith.constant 0 : i32
      %dma_start3A_877 = tpu.memref_slice %arg10[%dma_start3A_863, %dma_start3A_875, %dma_start3A_876] : memref<4x32x768xf32, #tpu.memory_space<vmem>> -> memref<1x32x768xf32, #tpu.memory_space<vmem>>
      %dma_start3A_878 = tpu.memref_squeeze %dma_start3A_877 : memref<1x32x768xf32, #tpu.memory_space<vmem>> -> memref<32x768xf32, #tpu.memory_space<vmem>>
      tpu.enqueue_dma source(%dma_start3A_878 : memref<32x768xf32, #tpu.memory_space<vmem>>) target(%dma_start3A_874 : memref<32x768xf32, #tpu.memory_space<hbm>>) target_semaphore(%dma_start3A_872 : memref<!tpu.dma_semaphore, #tpu.memory_space<semaphore_mem>>)
      %add3A_879 = arith.constant 1 : i32
      %add3A_880 = arith.addi %mul3A_420, %add3A_879 : i32
      %jit3A_881 = arith.constant 4 : i32
      %eq3A_882 = arith.constant 0 : i32
      %eq3A_883 = arith.cmpi eq, %jit3A_881, %eq3A_882 : i32
      %jit3A_884 = arith.constant 1 : i32
      %select_n3A_885 = arith.select %eq3A_883, %jit3A_884, %jit3A_881 : i32
      %rem3A_886 = arith.remsi %add3A_880, %select_n3A_885 : i32
      %ne3A_887 = arith.constant 0 : i32
      %ne3A_888 = arith.cmpi ne, %rem3A_886, %ne3A_887 : i32
      %lt3A_889 = arith.constant 0 : i32
      %lt3A_890 = arith.cmpi slt, %rem3A_886, %lt3A_889 : i32
      %lt3A_891 = arith.constant 0 : i32
      %lt3A_892 = arith.cmpi slt, %select_n3A_885, %lt3A_891 : i32
      %ne3A_893 = arith.xori %lt3A_890, %lt3A_892 : i1
      %and3A_894 = arith.andi %ne3A_893, %ne3A_888 : i1
      %add3A_895 = arith.addi %rem3A_886, %select_n3A_885 : i32
      %select_n3A_896 = arith.select %and3A_894, %add3A_895, %rem3A_886 : i32
      %mul3A_897 = arith.constant 8192 : i32
      %mul3A_898 = arith.muli %select_n3A_896, %mul3A_897 : i32
      %add3A_899 = arith.addi %mul3A_898, %mul3A_2 : i32
      %jit3A_900 = arith.constant 4 : i32
      %div3A_901 = arith.divsi %add3A_880, %jit3A_900 : i32
      %sign3A_902 = arith.constant 0 : i32
      %sign3A_903 = arith.cmpi sgt, %add3A_880, %sign3A_902 : i32
      %sign3A_904 = arith.extui %sign3A_903 : i1 to i32
      %sign3A_905 = arith.constant 0 : i32
      %sign3A_906 = arith.cmpi slt, %add3A_880, %sign3A_905 : i32
      %sign3A_907 = arith.extui %sign3A_906 : i1 to i32
      %sign3A_908 = arith.subi %sign3A_904, %sign3A_907 : i32
      %sign3A_909 = arith.constant 0 : i32
      %sign3A_910 = arith.cmpi sgt, %jit3A_900, %sign3A_909 : i32
      %sign3A_911 = arith.extui %sign3A_910 : i1 to i32
      %sign3A_912 = arith.constant 0 : i32
      %sign3A_913 = arith.cmpi slt, %jit3A_900, %sign3A_912 : i32
      %sign3A_914 = arith.extui %sign3A_913 : i1 to i32
      %sign3A_915 = arith.subi %sign3A_911, %sign3A_914 : i32
      %ne3A_916 = arith.cmpi ne, %sign3A_908, %sign3A_915 : i32
      %rem3A_917 = arith.remsi %add3A_880, %jit3A_900 : i32
      %ne3A_918 = arith.constant 0 : i32
      %ne3A_919 = arith.cmpi ne, %rem3A_917, %ne3A_918 : i32
      %and3A_920 = arith.andi %ne3A_916, %ne3A_919 : i1
      %sub3A_921 = arith.constant 1 : i32
      %sub3A_922 = arith.subi %div3A_901, %sub3A_921 : i32
      %select_n3A_923 = arith.select %and3A_920, %sub3A_922, %div3A_901 : i32
      %mul3A_924 = arith.constant 32 : i32
      %mul3A_925 = arith.muli %select_n3A_923, %mul3A_924 : i32
      %add3A_926 = arith.addi %add3A_899, %mul3A_925 : i32
      %dma_start3A_927 = arith.constant 1 : i32
      %dma_start3A_928 = arith.constant 1 : i32
      %dma_start3A_929 = arith.constant 0 : i32
      %dma_start3A_930 = arith.constant 0 : i32
      %dma_start3A_931 = tpu.memref_slice %arg10[%dma_start3A_927, %dma_start3A_929, %dma_start3A_930] : memref<4x32x768xf32, #tpu.memory_space<vmem>> -> memref<1x32x768xf32, #tpu.memory_space<vmem>>
      %dma_start3A_932 = tpu.memref_squeeze %dma_start3A_931 : memref<1x32x768xf32, #tpu.memory_space<vmem>> -> memref<32x768xf32, #tpu.memory_space<vmem>>
      %dma_start3A_933 = arith.constant 0 : i32
      %dma_start3A_934 = tpu.memref_slice %arg5[%add3A_926, %dma_start3A_933] : memref<32768x768xf32, #tpu.memory_space<hbm>> -> memref<32x768xf32, #tpu.memory_space<hbm>>
      %dma_start3A_935 = tpu.memref_slice %arg13[%dma_start3A_928] : memref<4x!tpu.dma_semaphore, #tpu.memory_space<semaphore_mem>> -> memref<1x!tpu.dma_semaphore, #tpu.memory_space<semaphore_mem>>
      %dma_start3A_936 = tpu.memref_squeeze %dma_start3A_935 : memref<1x!tpu.dma_semaphore, #tpu.memory_space<semaphore_mem>> -> memref<!tpu.dma_semaphore, #tpu.memory_space<semaphore_mem>>
      %dma_start3A_937 = arith.constant 0 : i32
      %dma_start3A_938 = tpu.memref_slice %arg5[%add3A_926, %dma_start3A_937] : memref<32768x768xf32, #tpu.memory_space<hbm>> -> memref<32x768xf32, #tpu.memory_space<hbm>>
      %dma_start3A_939 = arith.constant 0 : i32
      %dma_start3A_940 = arith.constant 0 : i32
      %dma_start3A_941 = tpu.memref_slice %arg10[%dma_start3A_927, %dma_start3A_939, %dma_start3A_940] : memref<4x32x768xf32, #tpu.memory_space<vmem>> -> memref<1x32x768xf32, #tpu.memory_space<vmem>>
      %dma_start3A_942 = tpu.memref_squeeze %dma_start3A_941 : memref<1x32x768xf32, #tpu.memory_space<vmem>> -> memref<32x768xf32, #tpu.memory_space<vmem>>
      tpu.enqueue_dma source(%dma_start3A_942 : memref<32x768xf32, #tpu.memory_space<vmem>>) target(%dma_start3A_938 : memref<32x768xf32, #tpu.memory_space<hbm>>) target_semaphore(%dma_start3A_936 : memref<!tpu.dma_semaphore, #tpu.memory_space<semaphore_mem>>)
      %add3A_943 = arith.constant 4 : i32
      %add3A_944 = arith.addi %mul3A_420, %add3A_943 : i32
      %min3A = arith.constant 31 : i32
      %min3A_945 = arith.minsi %add3A_944, %min3A : i32
      %jit3A_946 = arith.constant 4 : i32
      %eq3A_947 = arith.constant 0 : i32
      %eq3A_948 = arith.cmpi eq, %jit3A_946, %eq3A_947 : i32
      %jit3A_949 = arith.constant 1 : i32
      %select_n3A_950 = arith.select %eq3A_948, %jit3A_949, %jit3A_946 : i32
      %rem3A_951 = arith.remsi %min3A_945, %select_n3A_950 : i32
      %ne3A_952 = arith.constant 0 : i32
      %ne3A_953 = arith.cmpi ne, %rem3A_951, %ne3A_952 : i32
      %lt3A_954 = arith.constant 0 : i32
      %lt3A_955 = arith.cmpi slt, %rem3A_951, %lt3A_954 : i32
      %lt3A_956 = arith.constant 0 : i32
      %lt3A_957 = arith.cmpi slt, %select_n3A_950, %lt3A_956 : i32
      %ne3A_958 = arith.xori %lt3A_955, %lt3A_957 : i1
      %and3A_959 = arith.andi %ne3A_958, %ne3A_953 : i1
      %add3A_960 = arith.addi %rem3A_951, %select_n3A_950 : i32
      %select_n3A_961 = arith.select %and3A_959, %add3A_960, %rem3A_951 : i32
      %jit3A_962 = arith.constant 4 : i32
      %div3A_963 = arith.divsi %min3A_945, %jit3A_962 : i32
      %sign3A_964 = arith.constant 0 : i32
      %sign3A_965 = arith.cmpi sgt, %min3A_945, %sign3A_964 : i32
      %sign3A_966 = arith.extui %sign3A_965 : i1 to i32
      %sign3A_967 = arith.constant 0 : i32
      %sign3A_968 = arith.cmpi slt, %min3A_945, %sign3A_967 : i32
      %sign3A_969 = arith.extui %sign3A_968 : i1 to i32
      %sign3A_970 = arith.subi %sign3A_966, %sign3A_969 : i32
      %sign3A_971 = arith.constant 0 : i32
      %sign3A_972 = arith.cmpi sgt, %jit3A_962, %sign3A_971 : i32
      %sign3A_973 = arith.extui %sign3A_972 : i1 to i32
      %sign3A_974 = arith.constant 0 : i32
      %sign3A_975 = arith.cmpi slt, %jit3A_962, %sign3A_974 : i32
      %sign3A_976 = arith.extui %sign3A_975 : i1 to i32
      %sign3A_977 = arith.subi %sign3A_973, %sign3A_976 : i32
      %ne3A_978 = arith.cmpi ne, %sign3A_970, %sign3A_977 : i32
      %rem3A_979 = arith.remsi %min3A_945, %jit3A_962 : i32
      %ne3A_980 = arith.constant 0 : i32
      %ne3A_981 = arith.cmpi ne, %rem3A_979, %ne3A_980 : i32
      %and3A_982 = arith.andi %ne3A_978, %ne3A_981 : i1
      %sub3A_983 = arith.constant 1 : i32
      %sub3A_984 = arith.subi %div3A_963, %sub3A_983 : i32
      %select_n3A_985 = arith.select %and3A_982, %sub3A_984, %div3A_963 : i32
      %broadcast_in_dim3A_986 = arith.constant 0 : i32
      %broadcast_in_dim3A_987 = vector.broadcast %broadcast_in_dim3A_986 : i32 to vector<16xi32>
      %mul3A_988 = arith.constant 32 : i32
      %mul3A_989 = arith.muli %select_n3A_985, %mul3A_988 : i32
      %add3A_990 = arith.constant 0 : i32
      %add3A_991 = arith.addi %mul3A_989, %add3A_990 : i32
      %get3A_992 = arith.index_cast %select_n3A_961 : i32 to index
      %get3A_993 = arith.index_cast %add3A_991 : i32 to index
      %get3A_994 = tpu.vector_load %arg6[%get3A_992, %get3A_993] {strides = array<i32>} : memref<4x256xi32, #tpu.memory_space<vmem>>, vector<1x16xi32>,
      %get3A_995 = vector.shape_cast %get3A_994 : vector<1x16xi32> to vector<16xi32>
      %eq3A_996 = arith.constant 100000 : i32
      %eq3A_997 = vector.broadcast %eq3A_996 : i32 to vector<16xi32>
      %eq3A_998 = arith.cmpi eq, %get3A_995, %eq3A_997 : vector<16xi32>
      %jit3A_999 = arith.constant 0 : i32
      %broadcast_in_dim3A_1000 = vector.broadcast %jit3A_999 : i32 to vector<16xi32>
      %select_n3A_1001 = arith.select %eq3A_998, %broadcast_in_dim3A_1000, %get3A_995 : vector<16xi1>, vector<16xi32>
      %swap3A_1002 = arith.constant 0 : i32
      %swap3A_1003 = arith.index_cast %swap3A_1002 : i32 to index
      %swap3A_1004 = arith.constant 0 : index
      %swap3A_1005 = tpu.vector_load %arg7[%swap3A_1003, %swap3A_1004] {strides = array<i32>} : memref<4x32xi32, #tpu.memory_space<vmem>>, vector<1x16xi32>,
      %swap3A_1006 = vector.shape_cast %swap3A_1005 : vector<1x16xi32> to vector<16xi32>
      %swap3A_1007 = vector.shape_cast %select_n3A_1001 : vector<16xi32> to vector<1x16xi32>
      tpu.vector_store %arg7[%swap3A_1003, %swap3A_1004], %swap3A_1007 {strides = array<i32>} : memref<4x32xi32, #tpu.memory_space<vmem>>, vector<1x16xi32>,
      %jit3A_1008 = arith.constant 1.000000e+00 : f32
      %jit3A_1009 = arith.constant 0.000000e+00 : f32
      %broadcast_in_dim3A_1010 = vector.broadcast %jit3A_1008 : f32 to vector<16xf32>
      %broadcast_in_dim3A_1011 = vector.broadcast %jit3A_1009 : f32 to vector<16xf32>
      %select_n3A_1012 = arith.select %eq3A_998, %broadcast_in_dim3A_1010, %broadcast_in_dim3A_1011 : vector<16xi1>, vector<16xf32>
      %swap3A_1013 = arith.constant 0 : i32
      %swap3A_1014 = arith.index_cast %swap3A_1013 : i32 to index
      %swap3A_1015 = arith.constant 0 : index
      %swap3A_1016 = tpu.vector_load %arg8[%swap3A_1014, %swap3A_1015] {strides = array<i32>} : memref<4x32xf32, #tpu.memory_space<vmem>>, vector<1x16xf32>,
      %swap3A_1017 = vector.shape_cast %swap3A_1016 : vector<1x16xf32> to vector<16xf32>
      %swap3A_1018 = vector.shape_cast %select_n3A_1012 : vector<16xf32> to vector<1x16xf32>
      tpu.vector_store %arg8[%swap3A_1014, %swap3A_1015], %swap3A_1018 {strides = array<i32>} : memref<4x32xf32, #tpu.memory_space<vmem>>, vector<1x16xf32>,
      %jit3A_1019 = arith.constant 1 : i32
      %jit3A_1020 = arith.constant 0 : i32
      %broadcast_in_dim3A_1021 = vector.broadcast %jit3A_1019 : i32 to vector<16xi32>
      %broadcast_in_dim3A_1022 = vector.broadcast %jit3A_1020 : i32 to vector<16xi32>
      %select_n3A_1023 = arith.select %eq3A_998, %broadcast_in_dim3A_1021, %broadcast_in_dim3A_1022 : vector<16xi1>, vector<16xi32>
      %or3A_1024 = arith.ori %broadcast_in_dim3A_987, %select_n3A_1023 : vector<16xi32>
      %mul3A_1025 = arith.constant 32 : i32
      %mul3A_1026 = arith.muli %select_n3A_985, %mul3A_1025 : i32
      %add3A_1027 = arith.constant 16 : i32
      %add3A_1028 = arith.addi %mul3A_1026, %add3A_1027 : i32
      %get3A_1029 = arith.index_cast %select_n3A_961 : i32 to index
      %get3A_1030 = arith.index_cast %add3A_1028 : i32 to index
      %get3A_1031 = tpu.vector_load %arg6[%get3A_1029, %get3A_1030] {strides = array<i32>} : memref<4x256xi32, #tpu.memory_space<vmem>>, vector<1x16xi32>,
      %get3A_1032 = vector.shape_cast %get3A_1031 : vector<1x16xi32> to vector<16xi32>
      %eq3A_1033 = arith.constant 100000 : i32
      %eq3A_1034 = vector.broadcast %eq3A_1033 : i32 to vector<16xi32>
      %eq3A_1035 = arith.cmpi eq, %get3A_1032, %eq3A_1034 : vector<16xi32>
      %jit3A_1036 = arith.constant 0 : i32
      %broadcast_in_dim3A_1037 = vector.broadcast %jit3A_1036 : i32 to vector<16xi32>
      %select_n3A_1038 = arith.select %eq3A_1035, %broadcast_in_dim3A_1037, %get3A_1032 : vector<16xi1>, vector<16xi32>
      %swap3A_1039 = arith.constant 0 : i32
      %swap3A_1040 = arith.index_cast %swap3A_1039 : i32 to index
      %swap3A_1041 = arith.constant 16 : index
      %swap3A_1042 = tpu.vector_load %arg7[%swap3A_1040, %swap3A_1041] {strides = array<i32>} : memref<4x32xi32, #tpu.memory_space<vmem>>, vector<1x16xi32>,
      %swap3A_1043 = vector.shape_cast %swap3A_1042 : vector<1x16xi32> to vector<16xi32>
      %swap3A_1044 = vector.shape_cast %select_n3A_1038 : vector<16xi32> to vector<1x16xi32>
      tpu.vector_store %arg7[%swap3A_1040, %swap3A_1041], %swap3A_1044 {strides = array<i32>} : memref<4x32xi32, #tpu.memory_space<vmem>>, vector<1x16xi32>,
      %jit3A_1045 = arith.constant 1.000000e+00 : f32
      %jit3A_1046 = arith.constant 0.000000e+00 : f32
      %broadcast_in_dim3A_1047 = vector.broadcast %jit3A_1045 : f32 to vector<16xf32>
      %broadcast_in_dim3A_1048 = vector.broadcast %jit3A_1046 : f32 to vector<16xf32>
      %select_n3A_1049 = arith.select %eq3A_1035, %broadcast_in_dim3A_1047, %broadcast_in_dim3A_1048 : vector<16xi1>, vector<16xf32>
      %swap3A_1050 = arith.constant 0 : i32
      %swap3A_1051 = arith.index_cast %swap3A_1050 : i32 to index
      %swap3A_1052 = arith.constant 16 : index
      %swap3A_1053 = tpu.vector_load %arg8[%swap3A_1051, %swap3A_1052] {strides = array<i32>} : memref<4x32xf32, #tpu.memory_space<vmem>>, vector<1x16xf32>,
      %swap3A_1054 = vector.shape_cast %swap3A_1053 : vector<1x16xf32> to vector<16xf32>
      %swap3A_1055 = vector.shape_cast %select_n3A_1049 : vector<16xf32> to vector<1x16xf32>
      tpu.vector_store %arg8[%swap3A_1051, %swap3A_1052], %swap3A_1055 {strides = array<i32>} : memref<4x32xf32, #tpu.memory_space<vmem>>, vector<1x16xf32>,
      %jit3A_1056 = arith.constant 1 : i32
      %jit3A_1057 = arith.constant 0 : i32
      %broadcast_in_dim3A_1058 = vector.broadcast %jit3A_1056 : i32 to vector<16xi32>
      %broadcast_in_dim3A_1059 = vector.broadcast %jit3A_1057 : i32 to vector<16xi32>
      %select_n3A_1060 = arith.select %eq3A_1035, %broadcast_in_dim3A_1058, %broadcast_in_dim3A_1059 : vector<16xi1>, vector<16xi32>
      %or3A_1061 = arith.ori %or3A_1024, %select_n3A_1060 : vector<16xi32>
      %iota3A_1062 = tpu.iota {dimensions = array<i32: 0>} : vector<16xi32>
      %add3A_1063 = arith.constant 8 : i32
      %add3A_1064 = vector.broadcast %add3A_1063 : i32 to vector<16xi32>
      %add3A_1065 = arith.addi %iota3A_1062, %add3A_1064 : vector<16xi32>
      %and3A_1066 = arith.constant 15 : i32
      %and3A_1067 = vector.broadcast %and3A_1066 : i32 to vector<16xi32>
      %and3A_1068 = arith.andi %add3A_1065, %and3A_1067 : vector<16xi32>
      %broadcast_in_dim3A_1069 = vector.shape_cast %and3A_1068 : vector<16xi32> to vector<16x1xi32>
      %gather3A_1070 = vector.shape_cast %broadcast_in_dim3A_1069 : vector<16x1xi32> to vector<16xi32>
      %gather3A_1071 = tpu.dynamic_gather %or3A_1061[%gather3A_1070] in [0] : vector<16xi32>, vector<16xi32> -> vector<16xi32>
      %or3A_1072 = arith.ori %or3A_1061, %gather3A_1071 : vector<16xi32>
      %add3A_1073 = arith.constant 4 : i32
      %add3A_1074 = vector.broadcast %add3A_1073 : i32 to vector<16xi32>
      %add3A_1075 = arith.addi %iota3A_1062, %add3A_1074 : vector<16xi32>
      %and3A_1076 = arith.constant 15 : i32
      %and3A_1077 = vector.broadcast %and3A_1076 : i32 to vector<16xi32>
      %and3A_1078 = arith.andi %add3A_1075, %and3A_1077 : vector<16xi32>
      %broadcast_in_dim3A_1079 = vector.shape_cast %and3A_1078 : vector<16xi32> to vector<16x1xi32>
      %gather3A_1080 = vector.shape_cast %broadcast_in_dim3A_1079 : vector<16x1xi32> to vector<16xi32>
      %gather3A_1081 = tpu.dynamic_gather %or3A_1072[%gather3A_1080] in [0] : vector<16xi32>, vector<16xi32> -> vector<16xi32>
      %or3A_1082 = arith.ori %or3A_1072, %gather3A_1081 : vector<16xi32>
      %add3A_1083 = arith.constant 2 : i32
      %add3A_1084 = vector.broadcast %add3A_1083 : i32 to vector<16xi32>
      %add3A_1085 = arith.addi %iota3A_1062, %add3A_1084 : vector<16xi32>
      %and3A_1086 = arith.constant 15 : i32
      %and3A_1087 = vector.broadcast %and3A_1086 : i32 to vector<16xi32>
      %and3A_1088 = arith.andi %add3A_1085, %and3A_1087 : vector<16xi32>
      %broadcast_in_dim3A_1089 = vector.shape_cast %and3A_1088 : vector<16xi32> to vector<16x1xi32>
      %gather3A_1090 = vector.shape_cast %broadcast_in_dim3A_1089 : vector<16x1xi32> to vector<16xi32>
      %gather3A_1091 = tpu.dynamic_gather %or3A_1082[%gather3A_1090] in [0] : vector<16xi32>, vector<16xi32> -> vector<16xi32>
      %or3A_1092 = arith.ori %or3A_1082, %gather3A_1091 : vector<16xi32>
      %add3A_1093 = arith.constant 1 : i32
      %add3A_1094 = vector.broadcast %add3A_1093 : i32 to vector<16xi32>
      %add3A_1095 = arith.addi %iota3A_1062, %add3A_1094 : vector<16xi32>
      %and3A_1096 = arith.constant 15 : i32
      %and3A_1097 = vector.broadcast %and3A_1096 : i32 to vector<16xi32>
      %and3A_1098 = arith.andi %add3A_1095, %and3A_1097 : vector<16xi32>
      %broadcast_in_dim3A_1099 = vector.shape_cast %and3A_1098 : vector<16xi32> to vector<16x1xi32>
      %gather3A_1100 = vector.shape_cast %broadcast_in_dim3A_1099 : vector<16x1xi32> to vector<16xi32>
      %gather3A_1101 = tpu.dynamic_gather %or3A_1092[%gather3A_1100] in [0] : vector<16xi32>, vector<16xi32> -> vector<16xi32>
      %or3A_1102 = arith.ori %or3A_1092, %gather3A_1101 : vector<16xi32>
      %slice3A_1103 = vector.extract_strided_slice %or3A_1102 {offsets = [0], sizes = [1], strides = [1]} : vector<16xi32> to vector<1xi32>
      %squeeze3A_1104 = vector.extract %slice3A_1103[0] : i32 from vector<1xi32>
      %add3A_1105 = arith.constant 5 : i32
      %add3A_1106 = arith.addi %mul3A_420, %add3A_1105 : i32
      %min3A_1107 = arith.constant 31 : i32
      %min3A_1108 = arith.minsi %add3A_1106, %min3A_1107 : i32
      %jit3A_1109 = arith.constant 4 : i32
      %eq3A_1110 = arith.constant 0 : i32
      %eq3A_1111 = arith.cmpi eq, %jit3A_1109, %eq3A_1110 : i32
      %jit3A_1112 = arith.constant 1 : i32
      %select_n3A_1113 = arith.select %eq3A_1111, %jit3A_1112, %jit3A_1109 : i32
      %rem3A_1114 = arith.remsi %min3A_1108, %select_n3A_1113 : i32
      %ne3A_1115 = arith.constant 0 : i32
      %ne3A_1116 = arith.cmpi ne, %rem3A_1114, %ne3A_1115 : i32
      %lt3A_1117 = arith.constant 0 : i32
      %lt3A_1118 = arith.cmpi slt, %rem3A_1114, %lt3A_1117 : i32
      %lt3A_1119 = arith.constant 0 : i32
      %lt3A_1120 = arith.cmpi slt, %select_n3A_1113, %lt3A_1119 : i32
      %ne3A_1121 = arith.xori %lt3A_1118, %lt3A_1120 : i1
      %and3A_1122 = arith.andi %ne3A_1121, %ne3A_1116 : i1
      %add3A_1123 = arith.addi %rem3A_1114, %select_n3A_1113 : i32
      %select_n3A_1124 = arith.select %and3A_1122, %add3A_1123, %rem3A_1114 : i32
      %jit3A_1125 = arith.constant 4 : i32
      %div3A_1126 = arith.divsi %min3A_1108, %jit3A_1125 : i32
      %sign3A_1127 = arith.constant 0 : i32
      %sign3A_1128 = arith.cmpi sgt, %min3A_1108, %sign3A_1127 : i32
      %sign3A_1129 = arith.extui %sign3A_1128 : i1 to i32
      %sign3A_1130 = arith.constant 0 : i32
      %sign3A_1131 = arith.cmpi slt, %min3A_1108, %sign3A_1130 : i32
      %sign3A_1132 = arith.extui %sign3A_1131 : i1 to i32
      %sign3A_1133 = arith.subi %sign3A_1129, %sign3A_1132 : i32
      %sign3A_1134 = arith.constant 0 : i32
      %sign3A_1135 = arith.cmpi sgt, %jit3A_1125, %sign3A_1134 : i32
      %sign3A_1136 = arith.extui %sign3A_1135 : i1 to i32
      %sign3A_1137 = arith.constant 0 : i32
      %sign3A_1138 = arith.cmpi slt, %jit3A_1125, %sign3A_1137 : i32
      %sign3A_1139 = arith.extui %sign3A_1138 : i1 to i32
      %sign3A_1140 = arith.subi %sign3A_1136, %sign3A_1139 : i32
      %ne3A_1141 = arith.cmpi ne, %sign3A_1133, %sign3A_1140 : i32
      %rem3A_1142 = arith.remsi %min3A_1108, %jit3A_1125 : i32
      %ne3A_1143 = arith.constant 0 : i32
      %ne3A_1144 = arith.cmpi ne, %rem3A_1142, %ne3A_1143 : i32
      %and3A_1145 = arith.andi %ne3A_1141, %ne3A_1144 : i1
      %sub3A_1146 = arith.constant 1 : i32
      %sub3A_1147 = arith.subi %div3A_1126, %sub3A_1146 : i32
      %select_n3A_1148 = arith.select %and3A_1145, %sub3A_1147, %div3A_1126 : i32
      %broadcast_in_dim3A_1149 = arith.constant 0 : i32
      %broadcast_in_dim3A_1150 = vector.broadcast %broadcast_in_dim3A_1149 : i32 to vector<16xi32>
      %mul3A_1151 = arith.constant 32 : i32
      %mul3A_1152 = arith.muli %select_n3A_1148, %mul3A_1151 : i32
      %add3A_1153 = arith.constant 0 : i32
      %add3A_1154 = arith.addi %mul3A_1152, %add3A_1153 : i32
      %get3A_1155 = arith.index_cast %select_n3A_1124 : i32 to index
      %get3A_1156 = arith.index_cast %add3A_1154 : i32 to index
      %get3A_1157 = tpu.vector_load %arg6[%get3A_1155, %get3A_1156] {strides = array<i32>} : memref<4x256xi32, #tpu.memory_space<vmem>>, vector<1x16xi32>,
      %get3A_1158 = vector.shape_cast %get3A_1157 : vector<1x16xi32> to vector<16xi32>
      %eq3A_1159 = arith.constant 100000 : i32
      %eq3A_1160 = vector.broadcast %eq3A_1159 : i32 to vector<16xi32>
      %eq3A_1161 = arith.cmpi eq, %get3A_1158, %eq3A_1160 : vector<16xi32>
      %jit3A_1162 = arith.constant 0 : i32
      %broadcast_in_dim3A_1163 = vector.broadcast %jit3A_1162 : i32 to vector<16xi32>
      %select_n3A_1164 = arith.select %eq3A_1161, %broadcast_in_dim3A_1163, %get3A_1158 : vector<16xi1>, vector<16xi32>
      %swap3A_1165 = arith.constant 1 : i32
      %swap3A_1166 = arith.index_cast %swap3A_1165 : i32 to index
      %swap3A_1167 = arith.constant 0 : index
      %swap3A_1168 = tpu.vector_load %arg7[%swap3A_1166, %swap3A_1167] {strides = array<i32>} : memref<4x32xi32, #tpu.memory_space<vmem>>, vector<1x16xi32>,
      %swap3A_1169 = vector.shape_cast %swap3A_1168 : vector<1x16xi32> to vector<16xi32>
      %swap3A_1170 = vector.shape_cast %select_n3A_1164 : vector<16xi32> to vector<1x16xi32>
      tpu.vector_store %arg7[%swap3A_1166, %swap3A_1167], %swap3A_1170 {strides = array<i32>} : memref<4x32xi32, #tpu.memory_space<vmem>>, vector<1x16xi32>,
      %jit3A_1171 = arith.constant 1.000000e+00 : f32
      %jit3A_1172 = arith.constant 0.000000e+00 : f32
      %broadcast_in_dim3A_1173 = vector.broadcast %jit3A_1171 : f32 to vector<16xf32>
      %broadcast_in_dim3A_1174 = vector.broadcast %jit3A_1172 : f32 to vector<16xf32>
      %select_n3A_1175 = arith.select %eq3A_1161, %broadcast_in_dim3A_1173, %broadcast_in_dim3A_1174 : vector<16xi1>, vector<16xf32>
      %swap3A_1176 = arith.constant 1 : i32
      %swap3A_1177 = arith.index_cast %swap3A_1176 : i32 to index
      %swap3A_1178 = arith.constant 0 : index
      %swap3A_1179 = tpu.vector_load %arg8[%swap3A_1177, %swap3A_1178] {strides = array<i32>} : memref<4x32xf32, #tpu.memory_space<vmem>>, vector<1x16xf32>,
      %swap3A_1180 = vector.shape_cast %swap3A_1179 : vector<1x16xf32> to vector<16xf32>
      %swap3A_1181 = vector.shape_cast %select_n3A_1175 : vector<16xf32> to vector<1x16xf32>
      tpu.vector_store %arg8[%swap3A_1177, %swap3A_1178], %swap3A_1181 {strides = array<i32>} : memref<4x32xf32, #tpu.memory_space<vmem>>, vector<1x16xf32>,
      %jit3A_1182 = arith.constant 1 : i32
      %jit3A_1183 = arith.constant 0 : i32
      %broadcast_in_dim3A_1184 = vector.broadcast %jit3A_1182 : i32 to vector<16xi32>
      %broadcast_in_dim3A_1185 = vector.broadcast %jit3A_1183 : i32 to vector<16xi32>
      %select_n3A_1186 = arith.select %eq3A_1161, %broadcast_in_dim3A_1184, %broadcast_in_dim3A_1185 : vector<16xi1>, vector<16xi32>
      %or3A_1187 = arith.ori %broadcast_in_dim3A_1150, %select_n3A_1186 : vector<16xi32>
      %mul3A_1188 = arith.constant 32 : i32
      %mul3A_1189 = arith.muli %select_n3A_1148, %mul3A_1188 : i32
      %add3A_1190 = arith.constant 16 : i32
      %add3A_1191 = arith.addi %mul3A_1189, %add3A_1190 : i32
      %get3A_1192 = arith.index_cast %select_n3A_1124 : i32 to index
      %get3A_1193 = arith.index_cast %add3A_1191 : i32 to index
      %get3A_1194 = tpu.vector_load %arg6[%get3A_1192, %get3A_1193] {strides = array<i32>} : memref<4x256xi32, #tpu.memory_space<vmem>>, vector<1x16xi32>,
      %get3A_1195 = vector.shape_cast %get3A_1194 : vector<1x16xi32> to vector<16xi32>
      %eq3A_1196 = arith.constant 100000 : i32
      %eq3A_1197 = vector.broadcast %eq3A_1196 : i32 to vector<16xi32>
      %eq3A_1198 = arith.cmpi eq, %get3A_1195, %eq3A_1197 : vector<16xi32>
      %jit3A_1199 = arith.constant 0 : i32
      %broadcast_in_dim3A_1200 = vector.broadcast %jit3A_1199 : i32 to vector<16xi32>
      %select_n3A_1201 = arith.select %eq3A_1198, %broadcast_in_dim3A_1200, %get3A_1195 : vector<16xi1>, vector<16xi32>
      %swap3A_1202 = arith.constant 1 : i32
      %swap3A_1203 = arith.index_cast %swap3A_1202 : i32 to index
      %swap3A_1204 = arith.constant 16 : index
      %swap3A_1205 = tpu.vector_load %arg7[%swap3A_1203, %swap3A_1204] {strides = array<i32>} : memref<4x32xi32, #tpu.memory_space<vmem>>, vector<1x16xi32>,
      %swap3A_1206 = vector.shape_cast %swap3A_1205 : vector<1x16xi32> to vector<16xi32>
      %swap3A_1207 = vector.shape_cast %select_n3A_1201 : vector<16xi32> to vector<1x16xi32>
      tpu.vector_store %arg7[%swap3A_1203, %swap3A_1204], %swap3A_1207 {strides = array<i32>} : memref<4x32xi32, #tpu.memory_space<vmem>>, vector<1x16xi32>,
      %jit3A_1208 = arith.constant 1.000000e+00 : f32
      %jit3A_1209 = arith.constant 0.000000e+00 : f32
      %broadcast_in_dim3A_1210 = vector.broadcast %jit3A_1208 : f32 to vector<16xf32>
      %broadcast_in_dim3A_1211 = vector.broadcast %jit3A_1209 : f32 to vector<16xf32>
      %select_n3A_1212 = arith.select %eq3A_1198, %broadcast_in_dim3A_1210, %broadcast_in_dim3A_1211 : vector<16xi1>, vector<16xf32>
      %swap3A_1213 = arith.constant 1 : i32
      %swap3A_1214 = arith.index_cast %swap3A_1213 : i32 to index
      %swap3A_1215 = arith.constant 16 : index
      %swap3A_1216 = tpu.vector_load %arg8[%swap3A_1214, %swap3A_1215] {strides = array<i32>} : memref<4x32xf32, #tpu.memory_space<vmem>>, vector<1x16xf32>,
      %swap3A_1217 = vector.shape_cast %swap3A_1216 : vector<1x16xf32> to vector<16xf32>
      %swap3A_1218 = vector.shape_cast %select_n3A_1212 : vector<16xf32> to vector<1x16xf32>
      tpu.vector_store %arg8[%swap3A_1214, %swap3A_1215], %swap3A_1218 {strides = array<i32>} : memref<4x32xf32, #tpu.memory_space<vmem>>, vector<1x16xf32>,
      %jit3A_1219 = arith.constant 1 : i32
      %jit3A_1220 = arith.constant 0 : i32
      %broadcast_in_dim3A_1221 = vector.broadcast %jit3A_1219 : i32 to vector<16xi32>
      %broadcast_in_dim3A_1222 = vector.broadcast %jit3A_1220 : i32 to vector<16xi32>
      %select_n3A_1223 = arith.select %eq3A_1198, %broadcast_in_dim3A_1221, %broadcast_in_dim3A_1222 : vector<16xi1>, vector<16xi32>
      %or3A_1224 = arith.ori %or3A_1187, %select_n3A_1223 : vector<16xi32>
      %iota3A_1225 = tpu.iota {dimensions = array<i32: 0>} : vector<16xi32>
      %add3A_1226 = arith.constant 8 : i32
      %add3A_1227 = vector.broadcast %add3A_1226 : i32 to vector<16xi32>
      %add3A_1228 = arith.addi %iota3A_1225, %add3A_1227 : vector<16xi32>
      %and3A_1229 = arith.constant 15 : i32
      %and3A_1230 = vector.broadcast %and3A_1229 : i32 to vector<16xi32>
      %and3A_1231 = arith.andi %add3A_1228, %and3A_1230 : vector<16xi32>
      %broadcast_in_dim3A_1232 = vector.shape_cast %and3A_1231 : vector<16xi32> to vector<16x1xi32>
      %gather3A_1233 = vector.shape_cast %broadcast_in_dim3A_1232 : vector<16x1xi32> to vector<16xi32>
      %gather3A_1234 = tpu.dynamic_gather %or3A_1224[%gather3A_1233] in [0] : vector<16xi32>, vector<16xi32> -> vector<16xi32>
      %or3A_1235 = arith.ori %or3A_1224, %gather3A_1234 : vector<16xi32>
      %add3A_1236 = arith.constant 4 : i32
      %add3A_1237 = vector.broadcast %add3A_1236 : i32 to vector<16xi32>
      %add3A_1238 = arith.addi %iota3A_1225, %add3A_1237 : vector<16xi32>
      %and3A_1239 = arith.constant 15 : i32
      %and3A_1240 = vector.broadcast %and3A_1239 : i32 to vector<16xi32>
      %and3A_1241 = arith.andi %add3A_1238, %and3A_1240 : vector<16xi32>
      %broadcast_in_dim3A_1242 = vector.shape_cast %and3A_1241 : vector<16xi32> to vector<16x1xi32>
      %gather3A_1243 = vector.shape_cast %broadcast_in_dim3A_1242 : vector<16x1xi32> to vector<16xi32>
      %gather3A_1244 = tpu.dynamic_gather %or3A_1235[%gather3A_1243] in [0] : vector<16xi32>, vector<16xi32> -> vector<16xi32>
      %or3A_1245 = arith.ori %or3A_1235, %gather3A_1244 : vector<16xi32>
      %add3A_1246 = arith.constant 2 : i32
      %add3A_1247 = vector.broadcast %add3A_1246 : i32 to vector<16xi32>
      %add3A_1248 = arith.addi %iota3A_1225, %add3A_1247 : vector<16xi32>
      %and3A_1249 = arith.constant 15 : i32
      %and3A_1250 = vector.broadcast %and3A_1249 : i32 to vector<16xi32>
      %and3A_1251 = arith.andi %add3A_1248, %and3A_1250 : vector<16xi32>
      %broadcast_in_dim3A_1252 = vector.shape_cast %and3A_1251 : vector<16xi32> to vector<16x1xi32>
      %gather3A_1253 = vector.shape_cast %broadcast_in_dim3A_1252 : vector<16x1xi32> to vector<16xi32>
      %gather3A_1254 = tpu.dynamic_gather %or3A_1245[%gather3A_1253] in [0] : vector<16xi32>, vector<16xi32> -> vector<16xi32>
      %or3A_1255 = arith.ori %or3A_1245, %gather3A_1254 : vector<16xi32>
      %add3A_1256 = arith.constant 1 : i32
      %add3A_1257 = vector.broadcast %add3A_1256 : i32 to vector<16xi32>
      %add3A_1258 = arith.addi %iota3A_1225, %add3A_1257 : vector<16xi32>
      %and3A_1259 = arith.constant 15 : i32
      %and3A_1260 = vector.broadcast %and3A_1259 : i32 to vector<16xi32>
      %and3A_1261 = arith.andi %add3A_1258, %and3A_1260 : vector<16xi32>
      %broadcast_in_dim3A_1262 = vector.shape_cast %and3A_1261 : vector<16xi32> to vector<16x1xi32>
      %gather3A_1263 = vector.shape_cast %broadcast_in_dim3A_1262 : vector<16x1xi32> to vector<16xi32>
      %gather3A_1264 = tpu.dynamic_gather %or3A_1255[%gather3A_1263] in [0] : vector<16xi32>, vector<16xi32> -> vector<16xi32>
      %or3A_1265 = arith.ori %or3A_1255, %gather3A_1264 : vector<16xi32>
      %slice3A_1266 = vector.extract_strided_slice %or3A_1265 {offsets = [0], sizes = [1], strides = [1]} : vector<16xi32> to vector<1xi32>
      %squeeze3A_1267 = vector.extract %slice3A_1266[0] : i32 from vector<1xi32>
      %lt3A_1268 = arith.constant 7 : i32
      %lt3A_1269 = arith.cmpi slt, %scan3A_416, %lt3A_1268 : i32
      %convert_element_type3A_1270 = arith.extui %lt3A_1269 : i1 to i32
      %cond3A_1271 = arith.constant 0 : i32
      %cond3A_1272 = arith.cmpi ne, %convert_element_type3A_1270, %cond3A_1271 : i32
      scf.if %cond3A_1272 {
        %dma_wait3A_1449 = arith.constant 0 : i32
        %dma_wait3A_1450 = arith.constant 0 : i32
        %dma_wait3A_1451 = arith.constant 0 : i32
        %dma_wait3A_1452 = arith.constant 0 : i32
        %dma_wait3A_1453 = tpu.memref_slice %arg10[%dma_wait3A_1449, %dma_wait3A_1451, %dma_wait3A_1452] : memref<4x32x768xf32, #tpu.memory_space<vmem>> -> memref<1x32x768xf32, #tpu.memory_space<vmem>>
        %dma_wait3A_1454 = tpu.memref_squeeze %dma_wait3A_1453 : memref<1x32x768xf32, #tpu.memory_space<vmem>> -> memref<32x768xf32, #tpu.memory_space<vmem>>
        %dma_wait3A_1455 = arith.constant 0 : i32
        %dma_wait3A_1456 = arith.constant 0 : i32
        %dma_wait3A_1457 = tpu.memref_slice %arg5[%dma_wait3A_1455, %dma_wait3A_1456] : memref<32768x768xf32, #tpu.memory_space<hbm>> -> memref<32x768xf32, #tpu.memory_space<hbm>>
        %dma_wait3A_1458 = tpu.memref_slice %arg13[%dma_wait3A_1450] : memref<4x!tpu.dma_semaphore, #tpu.memory_space<semaphore_mem>> -> memref<1x!tpu.dma_semaphore, #tpu.memory_space<semaphore_mem>>
        %dma_wait3A_1459 = tpu.memref_squeeze %dma_wait3A_1458 : memref<1x!tpu.dma_semaphore, #tpu.memory_space<semaphore_mem>> -> memref<!tpu.dma_semaphore, #tpu.memory_space<semaphore_mem>>
        %dma_wait3A_1460 = arith.constant 0 : i32
        %dma_wait3A_1461 = arith.constant 0 : i32
        %dma_wait3A_1462 = tpu.memref_slice %arg5[%dma_wait3A_1460, %dma_wait3A_1461] : memref<32768x768xf32, #tpu.memory_space<hbm>> -> memref<32x768xf32, #tpu.memory_space<hbm>>
        %dma_wait3A_1463 = arith.constant 0 : i32
        %dma_wait3A_1464 = arith.constant 0 : i32
        %dma_wait3A_1465 = tpu.memref_slice %arg10[%dma_wait3A_1449, %dma_wait3A_1463, %dma_wait3A_1464] : memref<4x32x768xf32, #tpu.memory_space<vmem>> -> memref<1x32x768xf32, #tpu.memory_space<vmem>>
        %dma_wait3A_1466 = tpu.memref_squeeze %dma_wait3A_1465 : memref<1x32x768xf32, #tpu.memory_space<vmem>> -> memref<32x768xf32, #tpu.memory_space<vmem>>
        tpu.wait_dma2 semaphore(%dma_wait3A_1459 : memref<!tpu.dma_semaphore, #tpu.memory_space<semaphore_mem>>) src(%dma_wait3A_1466 : memref<32x768xf32, #tpu.memory_space<vmem>>) dst(%dma_wait3A_1462 : memref<32x768xf32, #tpu.memory_space<hbm>>)
        %dma_wait3A_1467 = arith.constant 1 : i32
        %dma_wait3A_1468 = arith.constant 1 : i32
        %dma_wait3A_1469 = arith.constant 0 : i32
        %dma_wait3A_1470 = arith.constant 0 : i32
        %dma_wait3A_1471 = tpu.memref_slice %arg10[%dma_wait3A_1467, %dma_wait3A_1469, %dma_wait3A_1470] : memref<4x32x768xf32, #tpu.memory_space<vmem>> -> memref<1x32x768xf32, #tpu.memory_space<vmem>>
        %dma_wait3A_1472 = tpu.memref_squeeze %dma_wait3A_1471 : memref<1x32x768xf32, #tpu.memory_space<vmem>> -> memref<32x768xf32, #tpu.memory_space<vmem>>
        %dma_wait3A_1473 = arith.constant 0 : i32
        %dma_wait3A_1474 = arith.constant 0 : i32
        %dma_wait3A_1475 = tpu.memref_slice %arg5[%dma_wait3A_1473, %dma_wait3A_1474] : memref<32768x768xf32, #tpu.memory_space<hbm>> -> memref<32x768xf32, #tpu.memory_space<hbm>>
        %dma_wait3A_1476 = tpu.memref_slice %arg13[%dma_wait3A_1468] : memref<4x!tpu.dma_semaphore, #tpu.memory_space<semaphore_mem>> -> memref<1x!tpu.dma_semaphore, #tpu.memory_space<semaphore_mem>>
        %dma_wait3A_1477 = tpu.memref_squeeze %dma_wait3A_1476 : memref<1x!tpu.dma_semaphore, #tpu.memory_space<semaphore_mem>> -> memref<!tpu.dma_semaphore, #tpu.memory_space<semaphore_mem>>
        %dma_wait3A_1478 = arith.constant 0 : i32
        %dma_wait3A_1479 = arith.constant 0 : i32
        %dma_wait3A_1480 = tpu.memref_slice %arg5[%dma_wait3A_1478, %dma_wait3A_1479] : memref<32768x768xf32, #tpu.memory_space<hbm>> -> memref<32x768xf32, #tpu.memory_space<hbm>>
        %dma_wait3A_1481 = arith.constant 0 : i32
        %dma_wait3A_1482 = arith.constant 0 : i32
        %dma_wait3A_1483 = tpu.memref_slice %arg10[%dma_wait3A_1467, %dma_wait3A_1481, %dma_wait3A_1482] : memref<4x32x768xf32, #tpu.memory_space<vmem>> -> memref<1x32x768xf32, #tpu.memory_space<vmem>>
        %dma_wait3A_1484 = tpu.memref_squeeze %dma_wait3A_1483 : memref<1x32x768xf32, #tpu.memory_space<vmem>> -> memref<32x768xf32, #tpu.memory_space<vmem>>
        tpu.wait_dma2 semaphore(%dma_wait3A_1477 : memref<!tpu.dma_semaphore, #tpu.memory_space<semaphore_mem>>) src(%dma_wait3A_1484 : memref<32x768xf32, #tpu.memory_space<vmem>>) dst(%dma_wait3A_1480 : memref<32x768xf32, #tpu.memory_space<hbm>>)
        %dma_start3A_1485 = arith.constant 0 : i32
        %dma_start3A_1486 = arith.constant 0 : i32
        %dma_start3A_1487 = arith.constant 0 : i32
        %dma_start3A_1488 = arith.constant 0 : i32
        %dma_start3A_1489 = arith.constant 0 : i32
        %dma_start3A_1490 = tpu.memref_slice %arg10[%dma_start3A_1486, %dma_start3A_1488, %dma_start3A_1489] : memref<4x32x768xf32, #tpu.memory_space<vmem>> -> memref<1x32x768xf32, #tpu.memory_space<vmem>>
        %dma_start3A_1491 = tpu.memref_squeeze %dma_start3A_1490 : memref<1x32x768xf32, #tpu.memory_space<vmem>> -> memref<32x768xf32, #tpu.memory_space<vmem>>
        %dma_start3A_1492 = arith.constant 0 : i32
        %dma_start3A_1493 = tpu.memref_slice %arg7[%dma_start3A_1485, %dma_start3A_1492] : memref<4x32xi32, #tpu.memory_space<vmem>> -> memref<1x32xi32, #tpu.memory_space<vmem>>
        %dma_start3A_1494 = tpu.memref_squeeze %dma_start3A_1493 : memref<1x32xi32, #tpu.memory_space<vmem>> -> memref<32xi32, #tpu.memory_space<vmem>>
        %dma_start3A_1495 = arith.constant 0 : i32
        %dma_start3A_1496 = arith.constant 0 : i32
        %dma_start3A_1497 = tpu.memref_slice %arg3[%dma_start3A_1495, %dma_start3A_1496] : memref<100000x768xf32, #tpu.memory_space<hbm>> -> memref<100000x768xf32, #tpu.memory_space<hbm>>
        %dma_start3A_1498 = tpu.memref_slice %arg12[%dma_start3A_1487] : memref<4x!tpu.dma_semaphore, #tpu.memory_space<semaphore_mem>> -> memref<1x!tpu.dma_semaphore, #tpu.memory_space<semaphore_mem>>
        %dma_start3A_1499 = tpu.memref_squeeze %dma_start3A_1498 : memref<1x!tpu.dma_semaphore, #tpu.memory_space<semaphore_mem>> -> memref<!tpu.dma_semaphore, #tpu.memory_space<semaphore_mem>>
        tpu.enqueue_indirect_dma source(%dma_start3A_1497 : memref<100000x768xf32, #tpu.memory_space<hbm>>) target(%dma_start3A_1491 : memref<32x768xf32, #tpu.memory_space<vmem>>) offsets(%dma_start3A_1494 : memref<32xi32, #tpu.memory_space<vmem>>) semaphore(%dma_start3A_1499 : memref<!tpu.dma_semaphore, #tpu.memory_space<semaphore_mem>>)
        %dma_start3A_1500 = arith.constant 1 : i32
        %dma_start3A_1501 = arith.constant 1 : i32
        %dma_start3A_1502 = arith.constant 1 : i32
        %dma_start3A_1503 = arith.constant 0 : i32
        %dma_start3A_1504 = arith.constant 0 : i32
        %dma_start3A_1505 = tpu.memref_slice %arg10[%dma_start3A_1501, %dma_start3A_1503, %dma_start3A_1504] : memref<4x32x768xf32, #tpu.memory_space<vmem>> -> memref<1x32x768xf32, #tpu.memory_space<vmem>>
        %dma_start3A_1506 = tpu.memref_squeeze %dma_start3A_1505 : memref<1x32x768xf32, #tpu.memory_space<vmem>> -> memref<32x768xf32, #tpu.memory_space<vmem>>
        %dma_start3A_1507 = arith.constant 0 : i32
        %dma_start3A_1508 = tpu.memref_slice %arg7[%dma_start3A_1500, %dma_start3A_1507] : memref<4x32xi32, #tpu.memory_space<vmem>> -> memref<1x32xi32, #tpu.memory_space<vmem>>
        %dma_start3A_1509 = tpu.memref_squeeze %dma_start3A_1508 : memref<1x32xi32, #tpu.memory_space<vmem>> -> memref<32xi32, #tpu.memory_space<vmem>>
        %dma_start3A_1510 = arith.constant 0 : i32
        %dma_start3A_1511 = arith.constant 0 : i32
        %dma_start3A_1512 = tpu.memref_slice %arg3[%dma_start3A_1510, %dma_start3A_1511] : memref<100000x768xf32, #tpu.memory_space<hbm>> -> memref<100000x768xf32, #tpu.memory_space<hbm>>
        %dma_start3A_1513 = tpu.memref_slice %arg12[%dma_start3A_1502] : memref<4x!tpu.dma_semaphore, #tpu.memory_space<semaphore_mem>> -> memref<1x!tpu.dma_semaphore, #tpu.memory_space<semaphore_mem>>
        %dma_start3A_1514 = tpu.memref_squeeze %dma_start3A_1513 : memref<1x!tpu.dma_semaphore, #tpu.memory_space<semaphore_mem>> -> memref<!tpu.dma_semaphore, #tpu.memory_space<semaphore_mem>>
        tpu.enqueue_indirect_dma source(%dma_start3A_1512 : memref<100000x768xf32, #tpu.memory_space<hbm>>) target(%dma_start3A_1506 : memref<32x768xf32, #tpu.memory_space<vmem>>) offsets(%dma_start3A_1509 : memref<32xi32, #tpu.memory_space<vmem>>) semaphore(%dma_start3A_1514 : memref<!tpu.dma_semaphore, #tpu.memory_space<semaphore_mem>>)
      } else {
      }
      %dma_wait3A_1273 = arith.constant 2 : i32
      %dma_wait3A_1274 = arith.constant 2 : i32
      %dma_wait3A_1275 = arith.constant 2 : i32
      %dma_wait3A_1276 = arith.constant 0 : i32
      %dma_wait3A_1277 = arith.constant 0 : i32
      %dma_wait3A_1278 = tpu.memref_slice %arg10[%dma_wait3A_1274, %dma_wait3A_1276, %dma_wait3A_1277] : memref<4x32x768xf32, #tpu.memory_space<vmem>> -> memref<1x32x768xf32, #tpu.memory_space<vmem>>
      %dma_wait3A_1279 = tpu.memref_squeeze %dma_wait3A_1278 : memref<1x32x768xf32, #tpu.memory_space<vmem>> -> memref<32x768xf32, #tpu.memory_space<vmem>>
      %dma_wait3A_1280 = arith.constant 0 : i32
      %dma_wait3A_1281 = tpu.memref_slice %arg7[%dma_wait3A_1273, %dma_wait3A_1280] : memref<4x32xi32, #tpu.memory_space<vmem>> -> memref<1x32xi32, #tpu.memory_space<vmem>>
      %dma_wait3A_1282 = tpu.memref_squeeze %dma_wait3A_1281 : memref<1x32xi32, #tpu.memory_space<vmem>> -> memref<32xi32, #tpu.memory_space<vmem>>
      %dma_wait3A_1283 = arith.constant 0 : i32
      %dma_wait3A_1284 = arith.constant 0 : i32
      %dma_wait3A_1285 = tpu.memref_slice %arg3[%dma_wait3A_1283, %dma_wait3A_1284] : memref<100000x768xf32, #tpu.memory_space<hbm>> -> memref<100000x768xf32, #tpu.memory_space<hbm>>
      %dma_wait3A_1286 = tpu.memref_slice %arg12[%dma_wait3A_1275] : memref<4x!tpu.dma_semaphore, #tpu.memory_space<semaphore_mem>> -> memref<1x!tpu.dma_semaphore, #tpu.memory_space<semaphore_mem>>
      %dma_wait3A_1287 = tpu.memref_squeeze %dma_wait3A_1286 : memref<1x!tpu.dma_semaphore, #tpu.memory_space<semaphore_mem>> -> memref<!tpu.dma_semaphore, #tpu.memory_space<semaphore_mem>>
      tpu.wait_indirect_dma semaphore(%dma_wait3A_1287 : memref<!tpu.dma_semaphore, #tpu.memory_space<semaphore_mem>>) src(%dma_wait3A_1285 : memref<100000x768xf32, #tpu.memory_space<hbm>>) dst(%dma_wait3A_1279 : memref<32x768xf32, #tpu.memory_space<vmem>>)
      %dma_wait3A_1288 = arith.constant 3 : i32
      %dma_wait3A_1289 = arith.constant 3 : i32
      %dma_wait3A_1290 = arith.constant 3 : i32
      %dma_wait3A_1291 = arith.constant 0 : i32
      %dma_wait3A_1292 = arith.constant 0 : i32
      %dma_wait3A_1293 = tpu.memref_slice %arg10[%dma_wait3A_1289, %dma_wait3A_1291, %dma_wait3A_1292] : memref<4x32x768xf32, #tpu.memory_space<vmem>> -> memref<1x32x768xf32, #tpu.memory_space<vmem>>
      %dma_wait3A_1294 = tpu.memref_squeeze %dma_wait3A_1293 : memref<1x32x768xf32, #tpu.memory_space<vmem>> -> memref<32x768xf32, #tpu.memory_space<vmem>>
      %dma_wait3A_1295 = arith.constant 0 : i32
      %dma_wait3A_1296 = tpu.memref_slice %arg7[%dma_wait3A_1288, %dma_wait3A_1295] : memref<4x32xi32, #tpu.memory_space<vmem>> -> memref<1x32xi32, #tpu.memory_space<vmem>>
      %dma_wait3A_1297 = tpu.memref_squeeze %dma_wait3A_1296 : memref<1x32xi32, #tpu.memory_space<vmem>> -> memref<32xi32, #tpu.memory_space<vmem>>
      %dma_wait3A_1298 = arith.constant 0 : i32
      %dma_wait3A_1299 = arith.constant 0 : i32
      %dma_wait3A_1300 = tpu.memref_slice %arg3[%dma_wait3A_1298, %dma_wait3A_1299] : memref<100000x768xf32, #tpu.memory_space<hbm>> -> memref<100000x768xf32, #tpu.memory_space<hbm>>
      %dma_wait3A_1301 = tpu.memref_slice %arg12[%dma_wait3A_1290] : memref<4x!tpu.dma_semaphore, #tpu.memory_space<semaphore_mem>> -> memref<1x!tpu.dma_semaphore, #tpu.memory_space<semaphore_mem>>
      %dma_wait3A_1302 = tpu.memref_squeeze %dma_wait3A_1301 : memref<1x!tpu.dma_semaphore, #tpu.memory_space<semaphore_mem>> -> memref<!tpu.dma_semaphore, #tpu.memory_space<semaphore_mem>>
      tpu.wait_indirect_dma semaphore(%dma_wait3A_1302 : memref<!tpu.dma_semaphore, #tpu.memory_space<semaphore_mem>>) src(%dma_wait3A_1300 : memref<100000x768xf32, #tpu.memory_space<hbm>>) dst(%dma_wait3A_1294 : memref<32x768xf32, #tpu.memory_space<vmem>>)
      %parallel_loop3A_1303 = arith.constant 0 : i32
      %parallel_loop3A_1304 = arith.constant 32 : i32
      %parallel_loop3A_1305 = arith.constant 1 : i32
      scf.for %parallel_loop3A_1449 = %parallel_loop3A_1303 to %parallel_loop3A_1304 step %parallel_loop3A_1305  : i32 {
        %parallel_loop3A_1450 = arith.index_cast %parallel_loop3A_1449 : i32 to index
        %parallel_loop3A_1451 = arith.constant 0 : index
        %parallel_loop3A_1452 = tpu.vector_load %arg9[%parallel_loop3A_1450, %parallel_loop3A_1451] {strides = array<i32>} : memref<32x768xf32, #tpu.memory_space<vmem>>, vector<1x16xf32>,
        %parallel_loop3A_1453 = vector.shape_cast %parallel_loop3A_1452 : vector<1x16xf32> to vector<16xf32>
        %parallel_loop3A_1454 = arith.constant 2 : i32
        %parallel_loop3A_1455 = arith.index_cast %parallel_loop3A_1454 : i32 to index
        %parallel_loop3A_1456 = arith.index_cast %parallel_loop3A_1449 : i32 to index
        %parallel_loop3A_1457 = arith.constant 0 : index
        %parallel_loop3A_1458 = tpu.vector_load %arg10[%parallel_loop3A_1455, %parallel_loop3A_1456, %parallel_loop3A_1457] {strides = array<i32>} : memref<4x32x768xf32, #tpu.memory_space<vmem>>, vector<1x1x16xf32>,
        %parallel_loop3A_1459 = vector.shape_cast %parallel_loop3A_1458 : vector<1x1x16xf32> to vector<16xf32>
        %parallel_loop3A_1460 = vector.shape_cast %parallel_loop3A_1453 : vector<16xf32> to vector<1x1x16xf32>
        tpu.vector_store %arg10[%parallel_loop3A_1455, %parallel_loop3A_1456, %parallel_loop3A_1457], %parallel_loop3A_1460 {add = true, strides = array<i32>} : memref<4x32x768xf32, #tpu.memory_space<vmem>>, vector<1x1x16xf32>,
        %parallel_loop3A_1461 = arith.constant 3 : i32
        %parallel_loop3A_1462 = arith.index_cast %parallel_loop3A_1461 : i32 to index
        %parallel_loop3A_1463 = arith.index_cast %parallel_loop3A_1449 : i32 to index
        %parallel_loop3A_1464 = arith.constant 0 : index
        %parallel_loop3A_1465 = tpu.vector_load %arg10[%parallel_loop3A_1462, %parallel_loop3A_1463, %parallel_loop3A_1464] {strides = array<i32>} : memref<4x32x768xf32, #tpu.memory_space<vmem>>, vector<1x1x16xf32>,
        %parallel_loop3A_1466 = vector.shape_cast %parallel_loop3A_1465 : vector<1x1x16xf32> to vector<16xf32>
        %parallel_loop3A_1467 = vector.shape_cast %parallel_loop3A_1453 : vector<16xf32> to vector<1x1x16xf32>
        tpu.vector_store %arg10[%parallel_loop3A_1462, %parallel_loop3A_1463, %parallel_loop3A_1464], %parallel_loop3A_1467 {add = true, strides = array<i32>} : memref<4x32x768xf32, #tpu.memory_space<vmem>>, vector<1x1x16xf32>,
        %parallel_loop3A_1468 = arith.index_cast %parallel_loop3A_1449 : i32 to index
        %parallel_loop3A_1469 = arith.constant 16 : index
        %parallel_loop3A_1470 = tpu.vector_load %arg9[%parallel_loop3A_1468, %parallel_loop3A_1469] {strides = array<i32>} : memref<32x768xf32, #tpu.memory_space<vmem>>, vector<1x16xf32>,
        %parallel_loop3A_1471 = vector.shape_cast %parallel_loop3A_1470 : vector<1x16xf32> to vector<16xf32>
        %parallel_loop3A_1472 = arith.constant 2 : i32
        %parallel_loop3A_1473 = arith.index_cast %parallel_loop3A_1472 : i32 to index
        %parallel_loop3A_1474 = arith.index_cast %parallel_loop3A_1449 : i32 to index
        %parallel_loop3A_1475 = arith.constant 16 : index
        %parallel_loop3A_1476 = tpu.vector_load %arg10[%parallel_loop3A_1473, %parallel_loop3A_1474, %parallel_loop3A_1475] {strides = array<i32>} : memref<4x32x768xf32, #tpu.memory_space<vmem>>, vector<1x1x16xf32>,
        %parallel_loop3A_1477 = vector.shape_cast %parallel_loop3A_1476 : vector<1x1x16xf32> to vector<16xf32>
        %parallel_loop3A_1478 = vector.shape_cast %parallel_loop3A_1471 : vector<16xf32> to vector<1x1x16xf32>
        tpu.vector_store %arg10[%parallel_loop3A_1473, %parallel_loop3A_1474, %parallel_loop3A_1475], %parallel_loop3A_1478 {add = true, strides = array<i32>} : memref<4x32x768xf32, #tpu.memory_space<vmem>>, vector<1x1x16xf32>,
        %parallel_loop3A_1479 = arith.constant 3 : i32
        %parallel_loop3A_1480 = arith.index_cast %parallel_loop3A_1479 : i32 to index
        %parallel_loop3A_1481 = arith.index_cast %parallel_loop3A_1449 : i32 to index
        %parallel_loop3A_1482 = arith.constant 16 : index
        %parallel_loop3A_1483 = tpu.vector_load %arg10[%parallel_loop3A_1480, %parallel_loop3A_1481, %parallel_loop3A_1482] {strides = array<i32>} : memref<4x32x768xf32, #tpu.memory_space<vmem>>, vector<1x1x16xf32>,
        %parallel_loop3A_1484 = vector.shape_cast %parallel_loop3A_1483 : vector<1x1x16xf32> to vector<16xf32>
        %parallel_loop3A_1485 = vector.shape_cast %parallel_loop3A_1471 : vector<16xf32> to vector<1x1x16xf32>
        tpu.vector_store %arg10[%parallel_loop3A_1480, %parallel_loop3A_1481, %parallel_loop3A_1482], %parallel_loop3A_1485 {add = true, strides = array<i32>} : memref<4x32x768xf32, #tpu.memory_space<vmem>>, vector<1x1x16xf32>,
        %parallel_loop3A_1486 = arith.index_cast %parallel_loop3A_1449 : i32 to index
        %parallel_loop3A_1487 = arith.constant 32 : index
        %parallel_loop3A_1488 = tpu.vector_load %arg9[%parallel_loop3A_1486, %parallel_loop3A_1487] {strides = array<i32>} : memref<32x768xf32, #tpu.memory_space<vmem>>, vector<1x16xf32>,
        %parallel_loop3A_1489 = vector.shape_cast %parallel_loop3A_1488 : vector<1x16xf32> to vector<16xf32>
        %parallel_loop3A_1490 = arith.constant 2 : i32
        %parallel_loop3A_1491 = arith.index_cast %parallel_loop3A_1490 : i32 to index
        %parallel_loop3A_1492 = arith.index_cast %parallel_loop3A_1449 : i32 to index
        %parallel_loop3A_1493 = arith.constant 32 : index
        %parallel_loop3A_1494 = tpu.vector_load %arg10[%parallel_loop3A_1491, %parallel_loop3A_1492, %parallel_loop3A_1493] {strides = array<i32>} : memref<4x32x768xf32, #tpu.memory_space<vmem>>, vector<1x1x16xf32>,
        %parallel_loop3A_1495 = vector.shape_cast %parallel_loop3A_1494 : vector<1x1x16xf32> to vector<16xf32>
        %parallel_loop3A_1496 = vector.shape_cast %parallel_loop3A_1489 : vector<16xf32> to vector<1x1x16xf32>
        tpu.vector_store %arg10[%parallel_loop3A_1491, %parallel_loop3A_1492, %parallel_loop3A_1493], %parallel_loop3A_1496 {add = true, strides = array<i32>} : memref<4x32x768xf32, #tpu.memory_space<vmem>>, vector<1x1x16xf32>,
        %parallel_loop3A_1497 = arith.constant 3 : i32
        %parallel_loop3A_1498 = arith.index_cast %parallel_loop3A_1497 : i32 to index
        %parallel_loop3A_1499 = arith.index_cast %parallel_loop3A_1449 : i32 to index
        %parallel_loop3A_1500 = arith.constant 32 : index
        %parallel_loop3A_1501 = tpu.vector_load %arg10[%parallel_loop3A_1498, %parallel_loop3A_1499, %parallel_loop3A_1500] {strides = array<i32>} : memref<4x32x768xf32, #tpu.memory_space<vmem>>, vector<1x1x16xf32>,
        %parallel_loop3A_1502 = vector.shape_cast %parallel_loop3A_1501 : vector<1x1x16xf32> to vector<16xf32>
        %parallel_loop3A_1503 = vector.shape_cast %parallel_loop3A_1489 : vector<16xf32> to vector<1x1x16xf32>
        tpu.vector_store %arg10[%parallel_loop3A_1498, %parallel_loop3A_1499, %parallel_loop3A_1500], %parallel_loop3A_1503 {add = true, strides = array<i32>} : memref<4x32x768xf32, #tpu.memory_space<vmem>>, vector<1x1x16xf32>,
        %parallel_loop3A_1504 = arith.index_cast %parallel_loop3A_1449 : i32 to index
        %parallel_loop3A_1505 = arith.constant 48 : index
        %parallel_loop3A_1506 = tpu.vector_load %arg9[%parallel_loop3A_1504, %parallel_loop3A_1505] {strides = array<i32>} : memref<32x768xf32, #tpu.memory_space<vmem>>, vector<1x16xf32>,
        %parallel_loop3A_1507 = vector.shape_cast %parallel_loop3A_1506 : vector<1x16xf32> to vector<16xf32>
        %parallel_loop3A_1508 = arith.constant 2 : i32
        %parallel_loop3A_1509 = arith.index_cast %parallel_loop3A_1508 : i32 to index
        %parallel_loop3A_1510 = arith.index_cast %parallel_loop3A_1449 : i32 to index
        %parallel_loop3A_1511 = arith.constant 48 : index
        %parallel_loop3A_1512 = tpu.vector_load %arg10[%parallel_loop3A_1509, %parallel_loop3A_1510, %parallel_loop3A_1511] {strides = array<i32>} : memref<4x32x768xf32, #tpu.memory_space<vmem>>, vector<1x1x16xf32>,
        %parallel_loop3A_1513 = vector.shape_cast %parallel_loop3A_1512 : vector<1x1x16xf32> to vector<16xf32>
        %parallel_loop3A_1514 = vector.shape_cast %parallel_loop3A_1507 : vector<16xf32> to vector<1x1x16xf32>
        tpu.vector_store %arg10[%parallel_loop3A_1509, %parallel_loop3A_1510, %parallel_loop3A_1511], %parallel_loop3A_1514 {add = true, strides = array<i32>} : memref<4x32x768xf32, #tpu.memory_space<vmem>>, vector<1x1x16xf32>,
        %parallel_loop3A_1515 = arith.constant 3 : i32
        %parallel_loop3A_1516 = arith.index_cast %parallel_loop3A_1515 : i32 to index
        %parallel_loop3A_1517 = arith.index_cast %parallel_loop3A_1449 : i32 to index
        %parallel_loop3A_1518 = arith.constant 48 : index
        %parallel_loop3A_1519 = tpu.vector_load %arg10[%parallel_loop3A_1516, %parallel_loop3A_1517, %parallel_loop3A_1518] {strides = array<i32>} : memref<4x32x768xf32, #tpu.memory_space<vmem>>, vector<1x1x16xf32>,
        %parallel_loop3A_1520 = vector.shape_cast %parallel_loop3A_1519 : vector<1x1x16xf32> to vector<16xf32>
        %parallel_loop3A_1521 = vector.shape_cast %parallel_loop3A_1507 : vector<16xf32> to vector<1x1x16xf32>
        tpu.vector_store %arg10[%parallel_loop3A_1516, %parallel_loop3A_1517, %parallel_loop3A_1518], %parallel_loop3A_1521 {add = true, strides = array<i32>} : memref<4x32x768xf32, #tpu.memory_space<vmem>>, vector<1x1x16xf32>,
        %parallel_loop3A_1522 = arith.index_cast %parallel_loop3A_1449 : i32 to index
        %parallel_loop3A_1523 = arith.constant 64 : index
        %parallel_loop3A_1524 = tpu.vector_load %arg9[%parallel_loop3A_1522, %parallel_loop3A_1523] {strides = array<i32>} : memref<32x768xf32, #tpu.memory_space<vmem>>, vector<1x16xf32>,
        %parallel_loop3A_1525 = vector.shape_cast %parallel_loop3A_1524 : vector<1x16xf32> to vector<16xf32>
        %parallel_loop3A_1526 = arith.constant 2 : i32
        %parallel_loop3A_1527 = arith.index_cast %parallel_loop3A_1526 : i32 to index
        %parallel_loop3A_1528 = arith.index_cast %parallel_loop3A_1449 : i32 to index
        %parallel_loop3A_1529 = arith.constant 64 : index
        %parallel_loop3A_1530 = tpu.vector_load %arg10[%parallel_loop3A_1527, %parallel_loop3A_1528, %parallel_loop3A_1529] {strides = array<i32>} : memref<4x32x768xf32, #tpu.memory_space<vmem>>, vector<1x1x16xf32>,
        %parallel_loop3A_1531 = vector.shape_cast %parallel_loop3A_1530 : vector<1x1x16xf32> to vector<16xf32>
        %parallel_loop3A_1532 = vector.shape_cast %parallel_loop3A_1525 : vector<16xf32> to vector<1x1x16xf32>
        tpu.vector_store %arg10[%parallel_loop3A_1527, %parallel_loop3A_1528, %parallel_loop3A_1529], %parallel_loop3A_1532 {add = true, strides = array<i32>} : memref<4x32x768xf32, #tpu.memory_space<vmem>>, vector<1x1x16xf32>,
        %parallel_loop3A_1533 = arith.constant 3 : i32
        %parallel_loop3A_1534 = arith.index_cast %parallel_loop3A_1533 : i32 to index
        %parallel_loop3A_1535 = arith.index_cast %parallel_loop3A_1449 : i32 to index
        %parallel_loop3A_1536 = arith.constant 64 : index
        %parallel_loop3A_1537 = tpu.vector_load %arg10[%parallel_loop3A_1534, %parallel_loop3A_1535, %parallel_loop3A_1536] {strides = array<i32>} : memref<4x32x768xf32, #tpu.memory_space<vmem>>, vector<1x1x16xf32>,
        %parallel_loop3A_1538 = vector.shape_cast %parallel_loop3A_1537 : vector<1x1x16xf32> to vector<16xf32>
        %parallel_loop3A_1539 = vector.shape_cast %parallel_loop3A_1525 : vector<16xf32> to vector<1x1x16xf32>
        tpu.vector_store %arg10[%parallel_loop3A_1534, %parallel_loop3A_1535, %parallel_loop3A_1536], %parallel_loop3A_1539 {add = true, strides = array<i32>} : memref<4x32x768xf32, #tpu.memory_space<vmem>>, vector<1x1x16xf32>,
        %parallel_loop3A_1540 = arith.index_cast %parallel_loop3A_1449 : i32 to index
        %parallel_loop3A_1541 = arith.constant 80 : index
        %parallel_loop3A_1542 = tpu.vector_load %arg9[%parallel_loop3A_1540, %parallel_loop3A_1541] {strides = array<i32>} : memref<32x768xf32, #tpu.memory_space<vmem>>, vector<1x16xf32>,
        %parallel_loop3A_1543 = vector.shape_cast %parallel_loop3A_1542 : vector<1x16xf32> to vector<16xf32>
        %parallel_loop3A_1544 = arith.constant 2 : i32
        %parallel_loop3A_1545 = arith.index_cast %parallel_loop3A_1544 : i32 to index
        %parallel_loop3A_1546 = arith.index_cast %parallel_loop3A_1449 : i32 to index
        %parallel_loop3A_1547 = arith.constant 80 : index
        %parallel_loop3A_1548 = tpu.vector_load %arg10[%parallel_loop3A_1545, %parallel_loop3A_1546, %parallel_loop3A_1547] {strides = array<i32>} : memref<4x32x768xf32, #tpu.memory_space<vmem>>, vector<1x1x16xf32>,
        %parallel_loop3A_1549 = vector.shape_cast %parallel_loop3A_1548 : vector<1x1x16xf32> to vector<16xf32>
        %parallel_loop3A_1550 = vector.shape_cast %parallel_loop3A_1543 : vector<16xf32> to vector<1x1x16xf32>
        tpu.vector_store %arg10[%parallel_loop3A_1545, %parallel_loop3A_1546, %parallel_loop3A_1547], %parallel_loop3A_1550 {add = true, strides = array<i32>} : memref<4x32x768xf32, #tpu.memory_space<vmem>>, vector<1x1x16xf32>,
        %parallel_loop3A_1551 = arith.constant 3 : i32
        %parallel_loop3A_1552 = arith.index_cast %parallel_loop3A_1551 : i32 to index
        %parallel_loop3A_1553 = arith.index_cast %parallel_loop3A_1449 : i32 to index
        %parallel_loop3A_1554 = arith.constant 80 : index
        %parallel_loop3A_1555 = tpu.vector_load %arg10[%parallel_loop3A_1552, %parallel_loop3A_1553, %parallel_loop3A_1554] {strides = array<i32>} : memref<4x32x768xf32, #tpu.memory_space<vmem>>, vector<1x1x16xf32>,
        %parallel_loop3A_1556 = vector.shape_cast %parallel_loop3A_1555 : vector<1x1x16xf32> to vector<16xf32>
        %parallel_loop3A_1557 = vector.shape_cast %parallel_loop3A_1543 : vector<16xf32> to vector<1x1x16xf32>
        tpu.vector_store %arg10[%parallel_loop3A_1552, %parallel_loop3A_1553, %parallel_loop3A_1554], %parallel_loop3A_1557 {add = true, strides = array<i32>} : memref<4x32x768xf32, #tpu.memory_space<vmem>>, vector<1x1x16xf32>,
        %parallel_loop3A_1558 = arith.index_cast %parallel_loop3A_1449 : i32 to index
        %parallel_loop3A_1559 = arith.constant 96 : index
        %parallel_loop3A_1560 = tpu.vector_load %arg9[%parallel_loop3A_1558, %parallel_loop3A_1559] {strides = array<i32>} : memref<32x768xf32, #tpu.memory_space<vmem>>, vector<1x16xf32>,
        %parallel_loop3A_1561 = vector.shape_cast %parallel_loop3A_1560 : vector<1x16xf32> to vector<16xf32>
        %parallel_loop3A_1562 = arith.constant 2 : i32
        %parallel_loop3A_1563 = arith.index_cast %parallel_loop3A_1562 : i32 to index
        %parallel_loop3A_1564 = arith.index_cast %parallel_loop3A_1449 : i32 to index
        %parallel_loop3A_1565 = arith.constant 96 : index
        %parallel_loop3A_1566 = tpu.vector_load %arg10[%parallel_loop3A_1563, %parallel_loop3A_1564, %parallel_loop3A_1565] {strides = array<i32>} : memref<4x32x768xf32, #tpu.memory_space<vmem>>, vector<1x1x16xf32>,
        %parallel_loop3A_1567 = vector.shape_cast %parallel_loop3A_1566 : vector<1x1x16xf32> to vector<16xf32>
        %parallel_loop3A_1568 = vector.shape_cast %parallel_loop3A_1561 : vector<16xf32> to vector<1x1x16xf32>
        tpu.vector_store %arg10[%parallel_loop3A_1563, %parallel_loop3A_1564, %parallel_loop3A_1565], %parallel_loop3A_1568 {add = true, strides = array<i32>} : memref<4x32x768xf32, #tpu.memory_space<vmem>>, vector<1x1x16xf32>,
        %parallel_loop3A_1569 = arith.constant 3 : i32
        %parallel_loop3A_1570 = arith.index_cast %parallel_loop3A_1569 : i32 to index
        %parallel_loop3A_1571 = arith.index_cast %parallel_loop3A_1449 : i32 to index
        %parallel_loop3A_1572 = arith.constant 96 : index
        %parallel_loop3A_1573 = tpu.vector_load %arg10[%parallel_loop3A_1570, %parallel_loop3A_1571, %parallel_loop3A_1572] {strides = array<i32>} : memref<4x32x768xf32, #tpu.memory_space<vmem>>, vector<1x1x16xf32>,
        %parallel_loop3A_1574 = vector.shape_cast %parallel_loop3A_1573 : vector<1x1x16xf32> to vector<16xf32>
        %parallel_loop3A_1575 = vector.shape_cast %parallel_loop3A_1561 : vector<16xf32> to vector<1x1x16xf32>
        tpu.vector_store %arg10[%parallel_loop3A_1570, %parallel_loop3A_1571, %parallel_loop3A_1572], %parallel_loop3A_1575 {add = true, strides = array<i32>} : memref<4x32x768xf32, #tpu.memory_space<vmem>>, vector<1x1x16xf32>,
        %parallel_loop3A_1576 = arith.index_cast %parallel_loop3A_1449 : i32 to index
        %parallel_loop3A_1577 = arith.constant 112 : index
        %parallel_loop3A_1578 = tpu.vector_load %arg9[%parallel_loop3A_1576, %parallel_loop3A_1577] {strides = array<i32>} : memref<32x768xf32, #tpu.memory_space<vmem>>, vector<1x16xf32>,
        %parallel_loop3A_1579 = vector.shape_cast %parallel_loop3A_1578 : vector<1x16xf32> to vector<16xf32>
        %parallel_loop3A_1580 = arith.constant 2 : i32
        %parallel_loop3A_1581 = arith.index_cast %parallel_loop3A_1580 : i32 to index
        %parallel_loop3A_1582 = arith.index_cast %parallel_loop3A_1449 : i32 to index
        %parallel_loop3A_1583 = arith.constant 112 : index
        %parallel_loop3A_1584 = tpu.vector_load %arg10[%parallel_loop3A_1581, %parallel_loop3A_1582, %parallel_loop3A_1583] {strides = array<i32>} : memref<4x32x768xf32, #tpu.memory_space<vmem>>, vector<1x1x16xf32>,
        %parallel_loop3A_1585 = vector.shape_cast %parallel_loop3A_1584 : vector<1x1x16xf32> to vector<16xf32>
        %parallel_loop3A_1586 = vector.shape_cast %parallel_loop3A_1579 : vector<16xf32> to vector<1x1x16xf32>
        tpu.vector_store %arg10[%parallel_loop3A_1581, %parallel_loop3A_1582, %parallel_loop3A_1583], %parallel_loop3A_1586 {add = true, strides = array<i32>} : memref<4x32x768xf32, #tpu.memory_space<vmem>>, vector<1x1x16xf32>,
        %parallel_loop3A_1587 = arith.constant 3 : i32
        %parallel_loop3A_1588 = arith.index_cast %parallel_loop3A_1587 : i32 to index
        %parallel_loop3A_1589 = arith.index_cast %parallel_loop3A_1449 : i32 to index
        %parallel_loop3A_1590 = arith.constant 112 : index
        %parallel_loop3A_1591 = tpu.vector_load %arg10[%parallel_loop3A_1588, %parallel_loop3A_1589, %parallel_loop3A_1590] {strides = array<i32>} : memref<4x32x768xf32, #tpu.memory_space<vmem>>, vector<1x1x16xf32>,
        %parallel_loop3A_1592 = vector.shape_cast %parallel_loop3A_1591 : vector<1x1x16xf32> to vector<16xf32>
        %parallel_loop3A_1593 = vector.shape_cast %parallel_loop3A_1579 : vector<16xf32> to vector<1x1x16xf32>
        tpu.vector_store %arg10[%parallel_loop3A_1588, %parallel_loop3A_1589, %parallel_loop3A_1590], %parallel_loop3A_1593 {add = true, strides = array<i32>} : memref<4x32x768xf32, #tpu.memory_space<vmem>>, vector<1x1x16xf32>,
        %parallel_loop3A_1594 = arith.index_cast %parallel_loop3A_1449 : i32 to index
        %parallel_loop3A_1595 = arith.constant 128 : index
        %parallel_loop3A_1596 = tpu.vector_load %arg9[%parallel_loop3A_1594, %parallel_loop3A_1595] {strides = array<i32>} : memref<32x768xf32, #tpu.memory_space<vmem>>, vector<1x16xf32>,
        %parallel_loop3A_1597 = vector.shape_cast %parallel_loop3A_1596 : vector<1x16xf32> to vector<16xf32>
        %parallel_loop3A_1598 = arith.constant 2 : i32
        %parallel_loop3A_1599 = arith.index_cast %parallel_loop3A_1598 : i32 to index
        %parallel_loop3A_1600 = arith.index_cast %parallel_loop3A_1449 : i32 to index
        %parallel_loop3A_1601 = arith.constant 128 : index
        %parallel_loop3A_1602 = tpu.vector_load %arg10[%parallel_loop3A_1599, %parallel_loop3A_1600, %parallel_loop3A_1601] {strides = array<i32>} : memref<4x32x768xf32, #tpu.memory_space<vmem>>, vector<1x1x16xf32>,
        %parallel_loop3A_1603 = vector.shape_cast %parallel_loop3A_1602 : vector<1x1x16xf32> to vector<16xf32>
        %parallel_loop3A_1604 = vector.shape_cast %parallel_loop3A_1597 : vector<16xf32> to vector<1x1x16xf32>
        tpu.vector_store %arg10[%parallel_loop3A_1599, %parallel_loop3A_1600, %parallel_loop3A_1601], %parallel_loop3A_1604 {add = true, strides = array<i32>} : memref<4x32x768xf32, #tpu.memory_space<vmem>>, vector<1x1x16xf32>,
        %parallel_loop3A_1605 = arith.constant 3 : i32
        %parallel_loop3A_1606 = arith.index_cast %parallel_loop3A_1605 : i32 to index
        %parallel_loop3A_1607 = arith.index_cast %parallel_loop3A_1449 : i32 to index
        %parallel_loop3A_1608 = arith.constant 128 : index
        %parallel_loop3A_1609 = tpu.vector_load %arg10[%parallel_loop3A_1606, %parallel_loop3A_1607, %parallel_loop3A_1608] {strides = array<i32>} : memref<4x32x768xf32, #tpu.memory_space<vmem>>, vector<1x1x16xf32>,
        %parallel_loop3A_1610 = vector.shape_cast %parallel_loop3A_1609 : vector<1x1x16xf32> to vector<16xf32>
        %parallel_loop3A_1611 = vector.shape_cast %parallel_loop3A_1597 : vector<16xf32> to vector<1x1x16xf32>
        tpu.vector_store %arg10[%parallel_loop3A_1606, %parallel_loop3A_1607, %parallel_loop3A_1608], %parallel_loop3A_1611 {add = true, strides = array<i32>} : memref<4x32x768xf32, #tpu.memory_space<vmem>>, vector<1x1x16xf32>,
        %parallel_loop3A_1612 = arith.index_cast %parallel_loop3A_1449 : i32 to index
        %parallel_loop3A_1613 = arith.constant 144 : index
        %parallel_loop3A_1614 = tpu.vector_load %arg9[%parallel_loop3A_1612, %parallel_loop3A_1613] {strides = array<i32>} : memref<32x768xf32, #tpu.memory_space<vmem>>, vector<1x16xf32>,
        %parallel_loop3A_1615 = vector.shape_cast %parallel_loop3A_1614 : vector<1x16xf32> to vector<16xf32>
        %parallel_loop3A_1616 = arith.constant 2 : i32
        %parallel_loop3A_1617 = arith.index_cast %parallel_loop3A_1616 : i32 to index
        %parallel_loop3A_1618 = arith.index_cast %parallel_loop3A_1449 : i32 to index
        %parallel_loop3A_1619 = arith.constant 144 : index
        %parallel_loop3A_1620 = tpu.vector_load %arg10[%parallel_loop3A_1617, %parallel_loop3A_1618, %parallel_loop3A_1619] {strides = array<i32>} : memref<4x32x768xf32, #tpu.memory_space<vmem>>, vector<1x1x16xf32>,
        %parallel_loop3A_1621 = vector.shape_cast %parallel_loop3A_1620 : vector<1x1x16xf32> to vector<16xf32>
        %parallel_loop3A_1622 = vector.shape_cast %parallel_loop3A_1615 : vector<16xf32> to vector<1x1x16xf32>
        tpu.vector_store %arg10[%parallel_loop3A_1617, %parallel_loop3A_1618, %parallel_loop3A_1619], %parallel_loop3A_1622 {add = true, strides = array<i32>} : memref<4x32x768xf32, #tpu.memory_space<vmem>>, vector<1x1x16xf32>,
        %parallel_loop3A_1623 = arith.constant 3 : i32
        %parallel_loop3A_1624 = arith.index_cast %parallel_loop3A_1623 : i32 to index
        %parallel_loop3A_1625 = arith.index_cast %parallel_loop3A_1449 : i32 to index
        %parallel_loop3A_1626 = arith.constant 144 : index
        %parallel_loop3A_1627 = tpu.vector_load %arg10[%parallel_loop3A_1624, %parallel_loop3A_1625, %parallel_loop3A_1626] {strides = array<i32>} : memref<4x32x768xf32, #tpu.memory_space<vmem>>, vector<1x1x16xf32>,
        %parallel_loop3A_1628 = vector.shape_cast %parallel_loop3A_1627 : vector<1x1x16xf32> to vector<16xf32>
        %parallel_loop3A_1629 = vector.shape_cast %parallel_loop3A_1615 : vector<16xf32> to vector<1x1x16xf32>
        tpu.vector_store %arg10[%parallel_loop3A_1624, %parallel_loop3A_1625, %parallel_loop3A_1626], %parallel_loop3A_1629 {add = true, strides = array<i32>} : memref<4x32x768xf32, #tpu.memory_space<vmem>>, vector<1x1x16xf32>,
        %parallel_loop3A_1630 = arith.index_cast %parallel_loop3A_1449 : i32 to index
        %parallel_loop3A_1631 = arith.constant 160 : index
        %parallel_loop3A_1632 = tpu.vector_load %arg9[%parallel_loop3A_1630, %parallel_loop3A_1631] {strides = array<i32>} : memref<32x768xf32, #tpu.memory_space<vmem>>, vector<1x16xf32>,
        %parallel_loop3A_1633 = vector.shape_cast %parallel_loop3A_1632 : vector<1x16xf32> to vector<16xf32>
        %parallel_loop3A_1634 = arith.constant 2 : i32
        %parallel_loop3A_1635 = arith.index_cast %parallel_loop3A_1634 : i32 to index
        %parallel_loop3A_1636 = arith.index_cast %parallel_loop3A_1449 : i32 to index
        %parallel_loop3A_1637 = arith.constant 160 : index
        %parallel_loop3A_1638 = tpu.vector_load %arg10[%parallel_loop3A_1635, %parallel_loop3A_1636, %parallel_loop3A_1637] {strides = array<i32>} : memref<4x32x768xf32, #tpu.memory_space<vmem>>, vector<1x1x16xf32>,
        %parallel_loop3A_1639 = vector.shape_cast %parallel_loop3A_1638 : vector<1x1x16xf32> to vector<16xf32>
        %parallel_loop3A_1640 = vector.shape_cast %parallel_loop3A_1633 : vector<16xf32> to vector<1x1x16xf32>
        tpu.vector_store %arg10[%parallel_loop3A_1635, %parallel_loop3A_1636, %parallel_loop3A_1637], %parallel_loop3A_1640 {add = true, strides = array<i32>} : memref<4x32x768xf32, #tpu.memory_space<vmem>>, vector<1x1x16xf32>,
        %parallel_loop3A_1641 = arith.constant 3 : i32
        %parallel_loop3A_1642 = arith.index_cast %parallel_loop3A_1641 : i32 to index
        %parallel_loop3A_1643 = arith.index_cast %parallel_loop3A_1449 : i32 to index
        %parallel_loop3A_1644 = arith.constant 160 : index
        %parallel_loop3A_1645 = tpu.vector_load %arg10[%parallel_loop3A_1642, %parallel_loop3A_1643, %parallel_loop3A_1644] {strides = array<i32>} : memref<4x32x768xf32, #tpu.memory_space<vmem>>, vector<1x1x16xf32>,
        %parallel_loop3A_1646 = vector.shape_cast %parallel_loop3A_1645 : vector<1x1x16xf32> to vector<16xf32>
        %parallel_loop3A_1647 = vector.shape_cast %parallel_loop3A_1633 : vector<16xf32> to vector<1x1x16xf32>
        tpu.vector_store %arg10[%parallel_loop3A_1642, %parallel_loop3A_1643, %parallel_loop3A_1644], %parallel_loop3A_1647 {add = true, strides = array<i32>} : memref<4x32x768xf32, #tpu.memory_space<vmem>>, vector<1x1x16xf32>,
        %parallel_loop3A_1648 = arith.index_cast %parallel_loop3A_1449 : i32 to index
        %parallel_loop3A_1649 = arith.constant 176 : index
        %parallel_loop3A_1650 = tpu.vector_load %arg9[%parallel_loop3A_1648, %parallel_loop3A_1649] {strides = array<i32>} : memref<32x768xf32, #tpu.memory_space<vmem>>, vector<1x16xf32>,
        %parallel_loop3A_1651 = vector.shape_cast %parallel_loop3A_1650 : vector<1x16xf32> to vector<16xf32>
        %parallel_loop3A_1652 = arith.constant 2 : i32
        %parallel_loop3A_1653 = arith.index_cast %parallel_loop3A_1652 : i32 to index
        %parallel_loop3A_1654 = arith.index_cast %parallel_loop3A_1449 : i32 to index
        %parallel_loop3A_1655 = arith.constant 176 : index
        %parallel_loop3A_1656 = tpu.vector_load %arg10[%parallel_loop3A_1653, %parallel_loop3A_1654, %parallel_loop3A_1655] {strides = array<i32>} : memref<4x32x768xf32, #tpu.memory_space<vmem>>, vector<1x1x16xf32>,
        %parallel_loop3A_1657 = vector.shape_cast %parallel_loop3A_1656 : vector<1x1x16xf32> to vector<16xf32>
        %parallel_loop3A_1658 = vector.shape_cast %parallel_loop3A_1651 : vector<16xf32> to vector<1x1x16xf32>
        tpu.vector_store %arg10[%parallel_loop3A_1653, %parallel_loop3A_1654, %parallel_loop3A_1655], %parallel_loop3A_1658 {add = true, strides = array<i32>} : memref<4x32x768xf32, #tpu.memory_space<vmem>>, vector<1x1x16xf32>,
        %parallel_loop3A_1659 = arith.constant 3 : i32
        %parallel_loop3A_1660 = arith.index_cast %parallel_loop3A_1659 : i32 to index
        %parallel_loop3A_1661 = arith.index_cast %parallel_loop3A_1449 : i32 to index
        %parallel_loop3A_1662 = arith.constant 176 : index
        %parallel_loop3A_1663 = tpu.vector_load %arg10[%parallel_loop3A_1660, %parallel_loop3A_1661, %parallel_loop3A_1662] {strides = array<i32>} : memref<4x32x768xf32, #tpu.memory_space<vmem>>, vector<1x1x16xf32>,
        %parallel_loop3A_1664 = vector.shape_cast %parallel_loop3A_1663 : vector<1x1x16xf32> to vector<16xf32>
        %parallel_loop3A_1665 = vector.shape_cast %parallel_loop3A_1651 : vector<16xf32> to vector<1x1x16xf32>
        tpu.vector_store %arg10[%parallel_loop3A_1660, %parallel_loop3A_1661, %parallel_loop3A_1662], %parallel_loop3A_1665 {add = true, strides = array<i32>} : memref<4x32x768xf32, #tpu.memory_space<vmem>>, vector<1x1x16xf32>,
        %parallel_loop3A_1666 = arith.index_cast %parallel_loop3A_1449 : i32 to index
        %parallel_loop3A_1667 = arith.constant 192 : index
        %parallel_loop3A_1668 = tpu.vector_load %arg9[%parallel_loop3A_1666, %parallel_loop3A_1667] {strides = array<i32>} : memref<32x768xf32, #tpu.memory_space<vmem>>, vector<1x16xf32>,
        %parallel_loop3A_1669 = vector.shape_cast %parallel_loop3A_1668 : vector<1x16xf32> to vector<16xf32>
        %parallel_loop3A_1670 = arith.constant 2 : i32
        %parallel_loop3A_1671 = arith.index_cast %parallel_loop3A_1670 : i32 to index
        %parallel_loop3A_1672 = arith.index_cast %parallel_loop3A_1449 : i32 to index
        %parallel_loop3A_1673 = arith.constant 192 : index
        %parallel_loop3A_1674 = tpu.vector_load %arg10[%parallel_loop3A_1671, %parallel_loop3A_1672, %parallel_loop3A_1673] {strides = array<i32>} : memref<4x32x768xf32, #tpu.memory_space<vmem>>, vector<1x1x16xf32>,
        %parallel_loop3A_1675 = vector.shape_cast %parallel_loop3A_1674 : vector<1x1x16xf32> to vector<16xf32>
        %parallel_loop3A_1676 = vector.shape_cast %parallel_loop3A_1669 : vector<16xf32> to vector<1x1x16xf32>
        tpu.vector_store %arg10[%parallel_loop3A_1671, %parallel_loop3A_1672, %parallel_loop3A_1673], %parallel_loop3A_1676 {add = true, strides = array<i32>} : memref<4x32x768xf32, #tpu.memory_space<vmem>>, vector<1x1x16xf32>,
        %parallel_loop3A_1677 = arith.constant 3 : i32
        %parallel_loop3A_1678 = arith.index_cast %parallel_loop3A_1677 : i32 to index
        %parallel_loop3A_1679 = arith.index_cast %parallel_loop3A_1449 : i32 to index
        %parallel_loop3A_1680 = arith.constant 192 : index
        %parallel_loop3A_1681 = tpu.vector_load %arg10[%parallel_loop3A_1678, %parallel_loop3A_1679, %parallel_loop3A_1680] {strides = array<i32>} : memref<4x32x768xf32, #tpu.memory_space<vmem>>, vector<1x1x16xf32>,
        %parallel_loop3A_1682 = vector.shape_cast %parallel_loop3A_1681 : vector<1x1x16xf32> to vector<16xf32>
        %parallel_loop3A_1683 = vector.shape_cast %parallel_loop3A_1669 : vector<16xf32> to vector<1x1x16xf32>
        tpu.vector_store %arg10[%parallel_loop3A_1678, %parallel_loop3A_1679, %parallel_loop3A_1680], %parallel_loop3A_1683 {add = true, strides = array<i32>} : memref<4x32x768xf32, #tpu.memory_space<vmem>>, vector<1x1x16xf32>,
        %parallel_loop3A_1684 = arith.index_cast %parallel_loop3A_1449 : i32 to index
        %parallel_loop3A_1685 = arith.constant 208 : index
        %parallel_loop3A_1686 = tpu.vector_load %arg9[%parallel_loop3A_1684, %parallel_loop3A_1685] {strides = array<i32>} : memref<32x768xf32, #tpu.memory_space<vmem>>, vector<1x16xf32>,
        %parallel_loop3A_1687 = vector.shape_cast %parallel_loop3A_1686 : vector<1x16xf32> to vector<16xf32>
        %parallel_loop3A_1688 = arith.constant 2 : i32
        %parallel_loop3A_1689 = arith.index_cast %parallel_loop3A_1688 : i32 to index
        %parallel_loop3A_1690 = arith.index_cast %parallel_loop3A_1449 : i32 to index
        %parallel_loop3A_1691 = arith.constant 208 : index
        %parallel_loop3A_1692 = tpu.vector_load %arg10[%parallel_loop3A_1689, %parallel_loop3A_1690, %parallel_loop3A_1691] {strides = array<i32>} : memref<4x32x768xf32, #tpu.memory_space<vmem>>, vector<1x1x16xf32>,
        %parallel_loop3A_1693 = vector.shape_cast %parallel_loop3A_1692 : vector<1x1x16xf32> to vector<16xf32>
        %parallel_loop3A_1694 = vector.shape_cast %parallel_loop3A_1687 : vector<16xf32> to vector<1x1x16xf32>
        tpu.vector_store %arg10[%parallel_loop3A_1689, %parallel_loop3A_1690, %parallel_loop3A_1691], %parallel_loop3A_1694 {add = true, strides = array<i32>} : memref<4x32x768xf32, #tpu.memory_space<vmem>>, vector<1x1x16xf32>,
        %parallel_loop3A_1695 = arith.constant 3 : i32
        %parallel_loop3A_1696 = arith.index_cast %parallel_loop3A_1695 : i32 to index
        %parallel_loop3A_1697 = arith.index_cast %parallel_loop3A_1449 : i32 to index
        %parallel_loop3A_1698 = arith.constant 208 : index
        %parallel_loop3A_1699 = tpu.vector_load %arg10[%parallel_loop3A_1696, %parallel_loop3A_1697, %parallel_loop3A_1698] {strides = array<i32>} : memref<4x32x768xf32, #tpu.memory_space<vmem>>, vector<1x1x16xf32>,
        %parallel_loop3A_1700 = vector.shape_cast %parallel_loop3A_1699 : vector<1x1x16xf32> to vector<16xf32>
        %parallel_loop3A_1701 = vector.shape_cast %parallel_loop3A_1687 : vector<16xf32> to vector<1x1x16xf32>
        tpu.vector_store %arg10[%parallel_loop3A_1696, %parallel_loop3A_1697, %parallel_loop3A_1698], %parallel_loop3A_1701 {add = true, strides = array<i32>} : memref<4x32x768xf32, #tpu.memory_space<vmem>>, vector<1x1x16xf32>,
        %parallel_loop3A_1702 = arith.index_cast %parallel_loop3A_1449 : i32 to index
        %parallel_loop3A_1703 = arith.constant 224 : index
        %parallel_loop3A_1704 = tpu.vector_load %arg9[%parallel_loop3A_1702, %parallel_loop3A_1703] {strides = array<i32>} : memref<32x768xf32, #tpu.memory_space<vmem>>, vector<1x16xf32>,
        %parallel_loop3A_1705 = vector.shape_cast %parallel_loop3A_1704 : vector<1x16xf32> to vector<16xf32>
        %parallel_loop3A_1706 = arith.constant 2 : i32
        %parallel_loop3A_1707 = arith.index_cast %parallel_loop3A_1706 : i32 to index
        %parallel_loop3A_1708 = arith.index_cast %parallel_loop3A_1449 : i32 to index
        %parallel_loop3A_1709 = arith.constant 224 : index
        %parallel_loop3A_1710 = tpu.vector_load %arg10[%parallel_loop3A_1707, %parallel_loop3A_1708, %parallel_loop3A_1709] {strides = array<i32>} : memref<4x32x768xf32, #tpu.memory_space<vmem>>, vector<1x1x16xf32>,
        %parallel_loop3A_1711 = vector.shape_cast %parallel_loop3A_1710 : vector<1x1x16xf32> to vector<16xf32>
        %parallel_loop3A_1712 = vector.shape_cast %parallel_loop3A_1705 : vector<16xf32> to vector<1x1x16xf32>
        tpu.vector_store %arg10[%parallel_loop3A_1707, %parallel_loop3A_1708, %parallel_loop3A_1709], %parallel_loop3A_1712 {add = true, strides = array<i32>} : memref<4x32x768xf32, #tpu.memory_space<vmem>>, vector<1x1x16xf32>,
        %parallel_loop3A_1713 = arith.constant 3 : i32
        %parallel_loop3A_1714 = arith.index_cast %parallel_loop3A_1713 : i32 to index
        %parallel_loop3A_1715 = arith.index_cast %parallel_loop3A_1449 : i32 to index
        %parallel_loop3A_1716 = arith.constant 224 : index
        %parallel_loop3A_1717 = tpu.vector_load %arg10[%parallel_loop3A_1714, %parallel_loop3A_1715, %parallel_loop3A_1716] {strides = array<i32>} : memref<4x32x768xf32, #tpu.memory_space<vmem>>, vector<1x1x16xf32>,
        %parallel_loop3A_1718 = vector.shape_cast %parallel_loop3A_1717 : vector<1x1x16xf32> to vector<16xf32>
        %parallel_loop3A_1719 = vector.shape_cast %parallel_loop3A_1705 : vector<16xf32> to vector<1x1x16xf32>
        tpu.vector_store %arg10[%parallel_loop3A_1714, %parallel_loop3A_1715, %parallel_loop3A_1716], %parallel_loop3A_1719 {add = true, strides = array<i32>} : memref<4x32x768xf32, #tpu.memory_space<vmem>>, vector<1x1x16xf32>,
        %parallel_loop3A_1720 = arith.index_cast %parallel_loop3A_1449 : i32 to index
        %parallel_loop3A_1721 = arith.constant 240 : index
        %parallel_loop3A_1722 = tpu.vector_load %arg9[%parallel_loop3A_1720, %parallel_loop3A_1721] {strides = array<i32>} : memref<32x768xf32, #tpu.memory_space<vmem>>, vector<1x16xf32>,
        %parallel_loop3A_1723 = vector.shape_cast %parallel_loop3A_1722 : vector<1x16xf32> to vector<16xf32>
        %parallel_loop3A_1724 = arith.constant 2 : i32
        %parallel_loop3A_1725 = arith.index_cast %parallel_loop3A_1724 : i32 to index
        %parallel_loop3A_1726 = arith.index_cast %parallel_loop3A_1449 : i32 to index
        %parallel_loop3A_1727 = arith.constant 240 : index
        %parallel_loop3A_1728 = tpu.vector_load %arg10[%parallel_loop3A_1725, %parallel_loop3A_1726, %parallel_loop3A_1727] {strides = array<i32>} : memref<4x32x768xf32, #tpu.memory_space<vmem>>, vector<1x1x16xf32>,
        %parallel_loop3A_1729 = vector.shape_cast %parallel_loop3A_1728 : vector<1x1x16xf32> to vector<16xf32>
        %parallel_loop3A_1730 = vector.shape_cast %parallel_loop3A_1723 : vector<16xf32> to vector<1x1x16xf32>
        tpu.vector_store %arg10[%parallel_loop3A_1725, %parallel_loop3A_1726, %parallel_loop3A_1727], %parallel_loop3A_1730 {add = true, strides = array<i32>} : memref<4x32x768xf32, #tpu.memory_space<vmem>>, vector<1x1x16xf32>,
        %parallel_loop3A_1731 = arith.constant 3 : i32
        %parallel_loop3A_1732 = arith.index_cast %parallel_loop3A_1731 : i32 to index
        %parallel_loop3A_1733 = arith.index_cast %parallel_loop3A_1449 : i32 to index
        %parallel_loop3A_1734 = arith.constant 240 : index
        %parallel_loop3A_1735 = tpu.vector_load %arg10[%parallel_loop3A_1732, %parallel_loop3A_1733, %parallel_loop3A_1734] {strides = array<i32>} : memref<4x32x768xf32, #tpu.memory_space<vmem>>, vector<1x1x16xf32>,
        %parallel_loop3A_1736 = vector.shape_cast %parallel_loop3A_1735 : vector<1x1x16xf32> to vector<16xf32>
        %parallel_loop3A_1737 = vector.shape_cast %parallel_loop3A_1723 : vector<16xf32> to vector<1x1x16xf32>
        tpu.vector_store %arg10[%parallel_loop3A_1732, %parallel_loop3A_1733, %parallel_loop3A_1734], %parallel_loop3A_1737 {add = true, strides = array<i32>} : memref<4x32x768xf32, #tpu.memory_space<vmem>>, vector<1x1x16xf32>,
        %parallel_loop3A_1738 = arith.index_cast %parallel_loop3A_1449 : i32 to index
        %parallel_loop3A_1739 = arith.constant 256 : index
        %parallel_loop3A_1740 = tpu.vector_load %arg9[%parallel_loop3A_1738, %parallel_loop3A_1739] {strides = array<i32>} : memref<32x768xf32, #tpu.memory_space<vmem>>, vector<1x16xf32>,
        %parallel_loop3A_1741 = vector.shape_cast %parallel_loop3A_1740 : vector<1x16xf32> to vector<16xf32>
        %parallel_loop3A_1742 = arith.constant 2 : i32
        %parallel_loop3A_1743 = arith.index_cast %parallel_loop3A_1742 : i32 to index
        %parallel_loop3A_1744 = arith.index_cast %parallel_loop3A_1449 : i32 to index
        %parallel_loop3A_1745 = arith.constant 256 : index
        %parallel_loop3A_1746 = tpu.vector_load %arg10[%parallel_loop3A_1743, %parallel_loop3A_1744, %parallel_loop3A_1745] {strides = array<i32>} : memref<4x32x768xf32, #tpu.memory_space<vmem>>, vector<1x1x16xf32>,
        %parallel_loop3A_1747 = vector.shape_cast %parallel_loop3A_1746 : vector<1x1x16xf32> to vector<16xf32>
        %parallel_loop3A_1748 = vector.shape_cast %parallel_loop3A_1741 : vector<16xf32> to vector<1x1x16xf32>
        tpu.vector_store %arg10[%parallel_loop3A_1743, %parallel_loop3A_1744, %parallel_loop3A_1745], %parallel_loop3A_1748 {add = true, strides = array<i32>} : memref<4x32x768xf32, #tpu.memory_space<vmem>>, vector<1x1x16xf32>,
        %parallel_loop3A_1749 = arith.constant 3 : i32
        %parallel_loop3A_1750 = arith.index_cast %parallel_loop3A_1749 : i32 to index
        %parallel_loop3A_1751 = arith.index_cast %parallel_loop3A_1449 : i32 to index
        %parallel_loop3A_1752 = arith.constant 256 : index
        %parallel_loop3A_1753 = tpu.vector_load %arg10[%parallel_loop3A_1750, %parallel_loop3A_1751, %parallel_loop3A_1752] {strides = array<i32>} : memref<4x32x768xf32, #tpu.memory_space<vmem>>, vector<1x1x16xf32>,
        %parallel_loop3A_1754 = vector.shape_cast %parallel_loop3A_1753 : vector<1x1x16xf32> to vector<16xf32>
        %parallel_loop3A_1755 = vector.shape_cast %parallel_loop3A_1741 : vector<16xf32> to vector<1x1x16xf32>
        tpu.vector_store %arg10[%parallel_loop3A_1750, %parallel_loop3A_1751, %parallel_loop3A_1752], %parallel_loop3A_1755 {add = true, strides = array<i32>} : memref<4x32x768xf32, #tpu.memory_space<vmem>>, vector<1x1x16xf32>,
        %parallel_loop3A_1756 = arith.index_cast %parallel_loop3A_1449 : i32 to index
        %parallel_loop3A_1757 = arith.constant 272 : index
        %parallel_loop3A_1758 = tpu.vector_load %arg9[%parallel_loop3A_1756, %parallel_loop3A_1757] {strides = array<i32>} : memref<32x768xf32, #tpu.memory_space<vmem>>, vector<1x16xf32>,
        %parallel_loop3A_1759 = vector.shape_cast %parallel_loop3A_1758 : vector<1x16xf32> to vector<16xf32>
        %parallel_loop3A_1760 = arith.constant 2 : i32
        %parallel_loop3A_1761 = arith.index_cast %parallel_loop3A_1760 : i32 to index
        %parallel_loop3A_1762 = arith.index_cast %parallel_loop3A_1449 : i32 to index
        %parallel_loop3A_1763 = arith.constant 272 : index
        %parallel_loop3A_1764 = tpu.vector_load %arg10[%parallel_loop3A_1761, %parallel_loop3A_1762, %parallel_loop3A_1763] {strides = array<i32>} : memref<4x32x768xf32, #tpu.memory_space<vmem>>, vector<1x1x16xf32>,
        %parallel_loop3A_1765 = vector.shape_cast %parallel_loop3A_1764 : vector<1x1x16xf32> to vector<16xf32>
        %parallel_loop3A_1766 = vector.shape_cast %parallel_loop3A_1759 : vector<16xf32> to vector<1x1x16xf32>
        tpu.vector_store %arg10[%parallel_loop3A_1761, %parallel_loop3A_1762, %parallel_loop3A_1763], %parallel_loop3A_1766 {add = true, strides = array<i32>} : memref<4x32x768xf32, #tpu.memory_space<vmem>>, vector<1x1x16xf32>,
        %parallel_loop3A_1767 = arith.constant 3 : i32
        %parallel_loop3A_1768 = arith.index_cast %parallel_loop3A_1767 : i32 to index
        %parallel_loop3A_1769 = arith.index_cast %parallel_loop3A_1449 : i32 to index
        %parallel_loop3A_1770 = arith.constant 272 : index
        %parallel_loop3A_1771 = tpu.vector_load %arg10[%parallel_loop3A_1768, %parallel_loop3A_1769, %parallel_loop3A_1770] {strides = array<i32>} : memref<4x32x768xf32, #tpu.memory_space<vmem>>, vector<1x1x16xf32>,
        %parallel_loop3A_1772 = vector.shape_cast %parallel_loop3A_1771 : vector<1x1x16xf32> to vector<16xf32>
        %parallel_loop3A_1773 = vector.shape_cast %parallel_loop3A_1759 : vector<16xf32> to vector<1x1x16xf32>
        tpu.vector_store %arg10[%parallel_loop3A_1768, %parallel_loop3A_1769, %parallel_loop3A_1770], %parallel_loop3A_1773 {add = true, strides = array<i32>} : memref<4x32x768xf32, #tpu.memory_space<vmem>>, vector<1x1x16xf32>,
        %parallel_loop3A_1774 = arith.index_cast %parallel_loop3A_1449 : i32 to index
        %parallel_loop3A_1775 = arith.constant 288 : index
        %parallel_loop3A_1776 = tpu.vector_load %arg9[%parallel_loop3A_1774, %parallel_loop3A_1775] {strides = array<i32>} : memref<32x768xf32, #tpu.memory_space<vmem>>, vector<1x16xf32>,
        %parallel_loop3A_1777 = vector.shape_cast %parallel_loop3A_1776 : vector<1x16xf32> to vector<16xf32>
        %parallel_loop3A_1778 = arith.constant 2 : i32
        %parallel_loop3A_1779 = arith.index_cast %parallel_loop3A_1778 : i32 to index
        %parallel_loop3A_1780 = arith.index_cast %parallel_loop3A_1449 : i32 to index
        %parallel_loop3A_1781 = arith.constant 288 : index
        %parallel_loop3A_1782 = tpu.vector_load %arg10[%parallel_loop3A_1779, %parallel_loop3A_1780, %parallel_loop3A_1781] {strides = array<i32>} : memref<4x32x768xf32, #tpu.memory_space<vmem>>, vector<1x1x16xf32>,
        %parallel_loop3A_1783 = vector.shape_cast %parallel_loop3A_1782 : vector<1x1x16xf32> to vector<16xf32>
        %parallel_loop3A_1784 = vector.shape_cast %parallel_loop3A_1777 : vector<16xf32> to vector<1x1x16xf32>
        tpu.vector_store %arg10[%parallel_loop3A_1779, %parallel_loop3A_1780, %parallel_loop3A_1781], %parallel_loop3A_1784 {add = true, strides = array<i32>} : memref<4x32x768xf32, #tpu.memory_space<vmem>>, vector<1x1x16xf32>,
        %parallel_loop3A_1785 = arith.constant 3 : i32
        %parallel_loop3A_1786 = arith.index_cast %parallel_loop3A_1785 : i32 to index
        %parallel_loop3A_1787 = arith.index_cast %parallel_loop3A_1449 : i32 to index
        %parallel_loop3A_1788 = arith.constant 288 : index
        %parallel_loop3A_1789 = tpu.vector_load %arg10[%parallel_loop3A_1786, %parallel_loop3A_1787, %parallel_loop3A_1788] {strides = array<i32>} : memref<4x32x768xf32, #tpu.memory_space<vmem>>, vector<1x1x16xf32>,
        %parallel_loop3A_1790 = vector.shape_cast %parallel_loop3A_1789 : vector<1x1x16xf32> to vector<16xf32>
        %parallel_loop3A_1791 = vector.shape_cast %parallel_loop3A_1777 : vector<16xf32> to vector<1x1x16xf32>
        tpu.vector_store %arg10[%parallel_loop3A_1786, %parallel_loop3A_1787, %parallel_loop3A_1788], %parallel_loop3A_1791 {add = true, strides = array<i32>} : memref<4x32x768xf32, #tpu.memory_space<vmem>>, vector<1x1x16xf32>,
        %parallel_loop3A_1792 = arith.index_cast %parallel_loop3A_1449 : i32 to index
        %parallel_loop3A_1793 = arith.constant 304 : index
        %parallel_loop3A_1794 = tpu.vector_load %arg9[%parallel_loop3A_1792, %parallel_loop3A_1793] {strides = array<i32>} : memref<32x768xf32, #tpu.memory_space<vmem>>, vector<1x16xf32>,
        %parallel_loop3A_1795 = vector.shape_cast %parallel_loop3A_1794 : vector<1x16xf32> to vector<16xf32>
        %parallel_loop3A_1796 = arith.constant 2 : i32
        %parallel_loop3A_1797 = arith.index_cast %parallel_loop3A_1796 : i32 to index
        %parallel_loop3A_1798 = arith.index_cast %parallel_loop3A_1449 : i32 to index
        %parallel_loop3A_1799 = arith.constant 304 : index
        %parallel_loop3A_1800 = tpu.vector_load %arg10[%parallel_loop3A_1797, %parallel_loop3A_1798, %parallel_loop3A_1799] {strides = array<i32>} : memref<4x32x768xf32, #tpu.memory_space<vmem>>, vector<1x1x16xf32>,
        %parallel_loop3A_1801 = vector.shape_cast %parallel_loop3A_1800 : vector<1x1x16xf32> to vector<16xf32>
        %parallel_loop3A_1802 = vector.shape_cast %parallel_loop3A_1795 : vector<16xf32> to vector<1x1x16xf32>
        tpu.vector_store %arg10[%parallel_loop3A_1797, %parallel_loop3A_1798, %parallel_loop3A_1799], %parallel_loop3A_1802 {add = true, strides = array<i32>} : memref<4x32x768xf32, #tpu.memory_space<vmem>>, vector<1x1x16xf32>,
        %parallel_loop3A_1803 = arith.constant 3 : i32
        %parallel_loop3A_1804 = arith.index_cast %parallel_loop3A_1803 : i32 to index
        %parallel_loop3A_1805 = arith.index_cast %parallel_loop3A_1449 : i32 to index
        %parallel_loop3A_1806 = arith.constant 304 : index
        %parallel_loop3A_1807 = tpu.vector_load %arg10[%parallel_loop3A_1804, %parallel_loop3A_1805, %parallel_loop3A_1806] {strides = array<i32>} : memref<4x32x768xf32, #tpu.memory_space<vmem>>, vector<1x1x16xf32>,
        %parallel_loop3A_1808 = vector.shape_cast %parallel_loop3A_1807 : vector<1x1x16xf32> to vector<16xf32>
        %parallel_loop3A_1809 = vector.shape_cast %parallel_loop3A_1795 : vector<16xf32> to vector<1x1x16xf32>
        tpu.vector_store %arg10[%parallel_loop3A_1804, %parallel_loop3A_1805, %parallel_loop3A_1806], %parallel_loop3A_1809 {add = true, strides = array<i32>} : memref<4x32x768xf32, #tpu.memory_space<vmem>>, vector<1x1x16xf32>,
        %parallel_loop3A_1810 = arith.index_cast %parallel_loop3A_1449 : i32 to index
        %parallel_loop3A_1811 = arith.constant 320 : index
        %parallel_loop3A_1812 = tpu.vector_load %arg9[%parallel_loop3A_1810, %parallel_loop3A_1811] {strides = array<i32>} : memref<32x768xf32, #tpu.memory_space<vmem>>, vector<1x16xf32>,
        %parallel_loop3A_1813 = vector.shape_cast %parallel_loop3A_1812 : vector<1x16xf32> to vector<16xf32>
        %parallel_loop3A_1814 = arith.constant 2 : i32
        %parallel_loop3A_1815 = arith.index_cast %parallel_loop3A_1814 : i32 to index
        %parallel_loop3A_1816 = arith.index_cast %parallel_loop3A_1449 : i32 to index
        %parallel_loop3A_1817 = arith.constant 320 : index
        %parallel_loop3A_1818 = tpu.vector_load %arg10[%parallel_loop3A_1815, %parallel_loop3A_1816, %parallel_loop3A_1817] {strides = array<i32>} : memref<4x32x768xf32, #tpu.memory_space<vmem>>, vector<1x1x16xf32>,
        %parallel_loop3A_1819 = vector.shape_cast %parallel_loop3A_1818 : vector<1x1x16xf32> to vector<16xf32>
        %parallel_loop3A_1820 = vector.shape_cast %parallel_loop3A_1813 : vector<16xf32> to vector<1x1x16xf32>
        tpu.vector_store %arg10[%parallel_loop3A_1815, %parallel_loop3A_1816, %parallel_loop3A_1817], %parallel_loop3A_1820 {add = true, strides = array<i32>} : memref<4x32x768xf32, #tpu.memory_space<vmem>>, vector<1x1x16xf32>,
        %parallel_loop3A_1821 = arith.constant 3 : i32
        %parallel_loop3A_1822 = arith.index_cast %parallel_loop3A_1821 : i32 to index
        %parallel_loop3A_1823 = arith.index_cast %parallel_loop3A_1449 : i32 to index
        %parallel_loop3A_1824 = arith.constant 320 : index
        %parallel_loop3A_1825 = tpu.vector_load %arg10[%parallel_loop3A_1822, %parallel_loop3A_1823, %parallel_loop3A_1824] {strides = array<i32>} : memref<4x32x768xf32, #tpu.memory_space<vmem>>, vector<1x1x16xf32>,
        %parallel_loop3A_1826 = vector.shape_cast %parallel_loop3A_1825 : vector<1x1x16xf32> to vector<16xf32>
        %parallel_loop3A_1827 = vector.shape_cast %parallel_loop3A_1813 : vector<16xf32> to vector<1x1x16xf32>
        tpu.vector_store %arg10[%parallel_loop3A_1822, %parallel_loop3A_1823, %parallel_loop3A_1824], %parallel_loop3A_1827 {add = true, strides = array<i32>} : memref<4x32x768xf32, #tpu.memory_space<vmem>>, vector<1x1x16xf32>,
        %parallel_loop3A_1828 = arith.index_cast %parallel_loop3A_1449 : i32 to index
        %parallel_loop3A_1829 = arith.constant 336 : index
        %parallel_loop3A_1830 = tpu.vector_load %arg9[%parallel_loop3A_1828, %parallel_loop3A_1829] {strides = array<i32>} : memref<32x768xf32, #tpu.memory_space<vmem>>, vector<1x16xf32>,
        %parallel_loop3A_1831 = vector.shape_cast %parallel_loop3A_1830 : vector<1x16xf32> to vector<16xf32>
        %parallel_loop3A_1832 = arith.constant 2 : i32
        %parallel_loop3A_1833 = arith.index_cast %parallel_loop3A_1832 : i32 to index
        %parallel_loop3A_1834 = arith.index_cast %parallel_loop3A_1449 : i32 to index
        %parallel_loop3A_1835 = arith.constant 336 : index
        %parallel_loop3A_1836 = tpu.vector_load %arg10[%parallel_loop3A_1833, %parallel_loop3A_1834, %parallel_loop3A_1835] {strides = array<i32>} : memref<4x32x768xf32, #tpu.memory_space<vmem>>, vector<1x1x16xf32>,
        %parallel_loop3A_1837 = vector.shape_cast %parallel_loop3A_1836 : vector<1x1x16xf32> to vector<16xf32>
        %parallel_loop3A_1838 = vector.shape_cast %parallel_loop3A_1831 : vector<16xf32> to vector<1x1x16xf32>
        tpu.vector_store %arg10[%parallel_loop3A_1833, %parallel_loop3A_1834, %parallel_loop3A_1835], %parallel_loop3A_1838 {add = true, strides = array<i32>} : memref<4x32x768xf32, #tpu.memory_space<vmem>>, vector<1x1x16xf32>,
        %parallel_loop3A_1839 = arith.constant 3 : i32
        %parallel_loop3A_1840 = arith.index_cast %parallel_loop3A_1839 : i32 to index
        %parallel_loop3A_1841 = arith.index_cast %parallel_loop3A_1449 : i32 to index
        %parallel_loop3A_1842 = arith.constant 336 : index
        %parallel_loop3A_1843 = tpu.vector_load %arg10[%parallel_loop3A_1840, %parallel_loop3A_1841, %parallel_loop3A_1842] {strides = array<i32>} : memref<4x32x768xf32, #tpu.memory_space<vmem>>, vector<1x1x16xf32>,
        %parallel_loop3A_1844 = vector.shape_cast %parallel_loop3A_1843 : vector<1x1x16xf32> to vector<16xf32>
        %parallel_loop3A_1845 = vector.shape_cast %parallel_loop3A_1831 : vector<16xf32> to vector<1x1x16xf32>
        tpu.vector_store %arg10[%parallel_loop3A_1840, %parallel_loop3A_1841, %parallel_loop3A_1842], %parallel_loop3A_1845 {add = true, strides = array<i32>} : memref<4x32x768xf32, #tpu.memory_space<vmem>>, vector<1x1x16xf32>,
        %parallel_loop3A_1846 = arith.index_cast %parallel_loop3A_1449 : i32 to index
        %parallel_loop3A_1847 = arith.constant 352 : index
        %parallel_loop3A_1848 = tpu.vector_load %arg9[%parallel_loop3A_1846, %parallel_loop3A_1847] {strides = array<i32>} : memref<32x768xf32, #tpu.memory_space<vmem>>, vector<1x16xf32>,
        %parallel_loop3A_1849 = vector.shape_cast %parallel_loop3A_1848 : vector<1x16xf32> to vector<16xf32>
        %parallel_loop3A_1850 = arith.constant 2 : i32
        %parallel_loop3A_1851 = arith.index_cast %parallel_loop3A_1850 : i32 to index
        %parallel_loop3A_1852 = arith.index_cast %parallel_loop3A_1449 : i32 to index
        %parallel_loop3A_1853 = arith.constant 352 : index
        %parallel_loop3A_1854 = tpu.vector_load %arg10[%parallel_loop3A_1851, %parallel_loop3A_1852, %parallel_loop3A_1853] {strides = array<i32>} : memref<4x32x768xf32, #tpu.memory_space<vmem>>, vector<1x1x16xf32>,
        %parallel_loop3A_1855 = vector.shape_cast %parallel_loop3A_1854 : vector<1x1x16xf32> to vector<16xf32>
        %parallel_loop3A_1856 = vector.shape_cast %parallel_loop3A_1849 : vector<16xf32> to vector<1x1x16xf32>
        tpu.vector_store %arg10[%parallel_loop3A_1851, %parallel_loop3A_1852, %parallel_loop3A_1853], %parallel_loop3A_1856 {add = true, strides = array<i32>} : memref<4x32x768xf32, #tpu.memory_space<vmem>>, vector<1x1x16xf32>,
        %parallel_loop3A_1857 = arith.constant 3 : i32
        %parallel_loop3A_1858 = arith.index_cast %parallel_loop3A_1857 : i32 to index
        %parallel_loop3A_1859 = arith.index_cast %parallel_loop3A_1449 : i32 to index
        %parallel_loop3A_1860 = arith.constant 352 : index
        %parallel_loop3A_1861 = tpu.vector_load %arg10[%parallel_loop3A_1858, %parallel_loop3A_1859, %parallel_loop3A_1860] {strides = array<i32>} : memref<4x32x768xf32, #tpu.memory_space<vmem>>, vector<1x1x16xf32>,
        %parallel_loop3A_1862 = vector.shape_cast %parallel_loop3A_1861 : vector<1x1x16xf32> to vector<16xf32>
        %parallel_loop3A_1863 = vector.shape_cast %parallel_loop3A_1849 : vector<16xf32> to vector<1x1x16xf32>
        tpu.vector_store %arg10[%parallel_loop3A_1858, %parallel_loop3A_1859, %parallel_loop3A_1860], %parallel_loop3A_1863 {add = true, strides = array<i32>} : memref<4x32x768xf32, #tpu.memory_space<vmem>>, vector<1x1x16xf32>,
        %parallel_loop3A_1864 = arith.index_cast %parallel_loop3A_1449 : i32 to index
        %parallel_loop3A_1865 = arith.constant 368 : index
        %parallel_loop3A_1866 = tpu.vector_load %arg9[%parallel_loop3A_1864, %parallel_loop3A_1865] {strides = array<i32>} : memref<32x768xf32, #tpu.memory_space<vmem>>, vector<1x16xf32>,
        %parallel_loop3A_1867 = vector.shape_cast %parallel_loop3A_1866 : vector<1x16xf32> to vector<16xf32>
        %parallel_loop3A_1868 = arith.constant 2 : i32
        %parallel_loop3A_1869 = arith.index_cast %parallel_loop3A_1868 : i32 to index
        %parallel_loop3A_1870 = arith.index_cast %parallel_loop3A_1449 : i32 to index
        %parallel_loop3A_1871 = arith.constant 368 : index
        %parallel_loop3A_1872 = tpu.vector_load %arg10[%parallel_loop3A_1869, %parallel_loop3A_1870, %parallel_loop3A_1871] {strides = array<i32>} : memref<4x32x768xf32, #tpu.memory_space<vmem>>, vector<1x1x16xf32>,
        %parallel_loop3A_1873 = vector.shape_cast %parallel_loop3A_1872 : vector<1x1x16xf32> to vector<16xf32>
        %parallel_loop3A_1874 = vector.shape_cast %parallel_loop3A_1867 : vector<16xf32> to vector<1x1x16xf32>
        tpu.vector_store %arg10[%parallel_loop3A_1869, %parallel_loop3A_1870, %parallel_loop3A_1871], %parallel_loop3A_1874 {add = true, strides = array<i32>} : memref<4x32x768xf32, #tpu.memory_space<vmem>>, vector<1x1x16xf32>,
        %parallel_loop3A_1875 = arith.constant 3 : i32
        %parallel_loop3A_1876 = arith.index_cast %parallel_loop3A_1875 : i32 to index
        %parallel_loop3A_1877 = arith.index_cast %parallel_loop3A_1449 : i32 to index
        %parallel_loop3A_1878 = arith.constant 368 : index
        %parallel_loop3A_1879 = tpu.vector_load %arg10[%parallel_loop3A_1876, %parallel_loop3A_1877, %parallel_loop3A_1878] {strides = array<i32>} : memref<4x32x768xf32, #tpu.memory_space<vmem>>, vector<1x1x16xf32>,
        %parallel_loop3A_1880 = vector.shape_cast %parallel_loop3A_1879 : vector<1x1x16xf32> to vector<16xf32>
        %parallel_loop3A_1881 = vector.shape_cast %parallel_loop3A_1867 : vector<16xf32> to vector<1x1x16xf32>
        tpu.vector_store %arg10[%parallel_loop3A_1876, %parallel_loop3A_1877, %parallel_loop3A_1878], %parallel_loop3A_1881 {add = true, strides = array<i32>} : memref<4x32x768xf32, #tpu.memory_space<vmem>>, vector<1x1x16xf32>,
        %parallel_loop3A_1882 = arith.index_cast %parallel_loop3A_1449 : i32 to index
        %parallel_loop3A_1883 = arith.constant 384 : index
        %parallel_loop3A_1884 = tpu.vector_load %arg9[%parallel_loop3A_1882, %parallel_loop3A_1883] {strides = array<i32>} : memref<32x768xf32, #tpu.memory_space<vmem>>, vector<1x16xf32>,
        %parallel_loop3A_1885 = vector.shape_cast %parallel_loop3A_1884 : vector<1x16xf32> to vector<16xf32>
        %parallel_loop3A_1886 = arith.constant 2 : i32
        %parallel_loop3A_1887 = arith.index_cast %parallel_loop3A_1886 : i32 to index
        %parallel_loop3A_1888 = arith.index_cast %parallel_loop3A_1449 : i32 to index
        %parallel_loop3A_1889 = arith.constant 384 : index
        %parallel_loop3A_1890 = tpu.vector_load %arg10[%parallel_loop3A_1887, %parallel_loop3A_1888, %parallel_loop3A_1889] {strides = array<i32>} : memref<4x32x768xf32, #tpu.memory_space<vmem>>, vector<1x1x16xf32>,
        %parallel_loop3A_1891 = vector.shape_cast %parallel_loop3A_1890 : vector<1x1x16xf32> to vector<16xf32>
        %parallel_loop3A_1892 = vector.shape_cast %parallel_loop3A_1885 : vector<16xf32> to vector<1x1x16xf32>
        tpu.vector_store %arg10[%parallel_loop3A_1887, %parallel_loop3A_1888, %parallel_loop3A_1889], %parallel_loop3A_1892 {add = true, strides = array<i32>} : memref<4x32x768xf32, #tpu.memory_space<vmem>>, vector<1x1x16xf32>,
        %parallel_loop3A_1893 = arith.constant 3 : i32
        %parallel_loop3A_1894 = arith.index_cast %parallel_loop3A_1893 : i32 to index
        %parallel_loop3A_1895 = arith.index_cast %parallel_loop3A_1449 : i32 to index
        %parallel_loop3A_1896 = arith.constant 384 : index
        %parallel_loop3A_1897 = tpu.vector_load %arg10[%parallel_loop3A_1894, %parallel_loop3A_1895, %parallel_loop3A_1896] {strides = array<i32>} : memref<4x32x768xf32, #tpu.memory_space<vmem>>, vector<1x1x16xf32>,
        %parallel_loop3A_1898 = vector.shape_cast %parallel_loop3A_1897 : vector<1x1x16xf32> to vector<16xf32>
        %parallel_loop3A_1899 = vector.shape_cast %parallel_loop3A_1885 : vector<16xf32> to vector<1x1x16xf32>
        tpu.vector_store %arg10[%parallel_loop3A_1894, %parallel_loop3A_1895, %parallel_loop3A_1896], %parallel_loop3A_1899 {add = true, strides = array<i32>} : memref<4x32x768xf32, #tpu.memory_space<vmem>>, vector<1x1x16xf32>,
        %parallel_loop3A_1900 = arith.index_cast %parallel_loop3A_1449 : i32 to index
        %parallel_loop3A_1901 = arith.constant 400 : index
        %parallel_loop3A_1902 = tpu.vector_load %arg9[%parallel_loop3A_1900, %parallel_loop3A_1901] {strides = array<i32>} : memref<32x768xf32, #tpu.memory_space<vmem>>, vector<1x16xf32>,
        %parallel_loop3A_1903 = vector.shape_cast %parallel_loop3A_1902 : vector<1x16xf32> to vector<16xf32>
        %parallel_loop3A_1904 = arith.constant 2 : i32
        %parallel_loop3A_1905 = arith.index_cast %parallel_loop3A_1904 : i32 to index
        %parallel_loop3A_1906 = arith.index_cast %parallel_loop3A_1449 : i32 to index
        %parallel_loop3A_1907 = arith.constant 400 : index
        %parallel_loop3A_1908 = tpu.vector_load %arg10[%parallel_loop3A_1905, %parallel_loop3A_1906, %parallel_loop3A_1907] {strides = array<i32>} : memref<4x32x768xf32, #tpu.memory_space<vmem>>, vector<1x1x16xf32>,
        %parallel_loop3A_1909 = vector.shape_cast %parallel_loop3A_1908 : vector<1x1x16xf32> to vector<16xf32>
        %parallel_loop3A_1910 = vector.shape_cast %parallel_loop3A_1903 : vector<16xf32> to vector<1x1x16xf32>
        tpu.vector_store %arg10[%parallel_loop3A_1905, %parallel_loop3A_1906, %parallel_loop3A_1907], %parallel_loop3A_1910 {add = true, strides = array<i32>} : memref<4x32x768xf32, #tpu.memory_space<vmem>>, vector<1x1x16xf32>,
        %parallel_loop3A_1911 = arith.constant 3 : i32
        %parallel_loop3A_1912 = arith.index_cast %parallel_loop3A_1911 : i32 to index
        %parallel_loop3A_1913 = arith.index_cast %parallel_loop3A_1449 : i32 to index
        %parallel_loop3A_1914 = arith.constant 400 : index
        %parallel_loop3A_1915 = tpu.vector_load %arg10[%parallel_loop3A_1912, %parallel_loop3A_1913, %parallel_loop3A_1914] {strides = array<i32>} : memref<4x32x768xf32, #tpu.memory_space<vmem>>, vector<1x1x16xf32>,
        %parallel_loop3A_1916 = vector.shape_cast %parallel_loop3A_1915 : vector<1x1x16xf32> to vector<16xf32>
        %parallel_loop3A_1917 = vector.shape_cast %parallel_loop3A_1903 : vector<16xf32> to vector<1x1x16xf32>
        tpu.vector_store %arg10[%parallel_loop3A_1912, %parallel_loop3A_1913, %parallel_loop3A_1914], %parallel_loop3A_1917 {add = true, strides = array<i32>} : memref<4x32x768xf32, #tpu.memory_space<vmem>>, vector<1x1x16xf32>,
        %parallel_loop3A_1918 = arith.index_cast %parallel_loop3A_1449 : i32 to index
        %parallel_loop3A_1919 = arith.constant 416 : index
        %parallel_loop3A_1920 = tpu.vector_load %arg9[%parallel_loop3A_1918, %parallel_loop3A_1919] {strides = array<i32>} : memref<32x768xf32, #tpu.memory_space<vmem>>, vector<1x16xf32>,
        %parallel_loop3A_1921 = vector.shape_cast %parallel_loop3A_1920 : vector<1x16xf32> to vector<16xf32>
        %parallel_loop3A_1922 = arith.constant 2 : i32
        %parallel_loop3A_1923 = arith.index_cast %parallel_loop3A_1922 : i32 to index
        %parallel_loop3A_1924 = arith.index_cast %parallel_loop3A_1449 : i32 to index
        %parallel_loop3A_1925 = arith.constant 416 : index
        %parallel_loop3A_1926 = tpu.vector_load %arg10[%parallel_loop3A_1923, %parallel_loop3A_1924, %parallel_loop3A_1925] {strides = array<i32>} : memref<4x32x768xf32, #tpu.memory_space<vmem>>, vector<1x1x16xf32>,
        %parallel_loop3A_1927 = vector.shape_cast %parallel_loop3A_1926 : vector<1x1x16xf32> to vector<16xf32>
        %parallel_loop3A_1928 = vector.shape_cast %parallel_loop3A_1921 : vector<16xf32> to vector<1x1x16xf32>
        tpu.vector_store %arg10[%parallel_loop3A_1923, %parallel_loop3A_1924, %parallel_loop3A_1925], %parallel_loop3A_1928 {add = true, strides = array<i32>} : memref<4x32x768xf32, #tpu.memory_space<vmem>>, vector<1x1x16xf32>,
        %parallel_loop3A_1929 = arith.constant 3 : i32
        %parallel_loop3A_1930 = arith.index_cast %parallel_loop3A_1929 : i32 to index
        %parallel_loop3A_1931 = arith.index_cast %parallel_loop3A_1449 : i32 to index
        %parallel_loop3A_1932 = arith.constant 416 : index
        %parallel_loop3A_1933 = tpu.vector_load %arg10[%parallel_loop3A_1930, %parallel_loop3A_1931, %parallel_loop3A_1932] {strides = array<i32>} : memref<4x32x768xf32, #tpu.memory_space<vmem>>, vector<1x1x16xf32>,
        %parallel_loop3A_1934 = vector.shape_cast %parallel_loop3A_1933 : vector<1x1x16xf32> to vector<16xf32>
        %parallel_loop3A_1935 = vector.shape_cast %parallel_loop3A_1921 : vector<16xf32> to vector<1x1x16xf32>
        tpu.vector_store %arg10[%parallel_loop3A_1930, %parallel_loop3A_1931, %parallel_loop3A_1932], %parallel_loop3A_1935 {add = true, strides = array<i32>} : memref<4x32x768xf32, #tpu.memory_space<vmem>>, vector<1x1x16xf32>,
        %parallel_loop3A_1936 = arith.index_cast %parallel_loop3A_1449 : i32 to index
        %parallel_loop3A_1937 = arith.constant 432 : index
        %parallel_loop3A_1938 = tpu.vector_load %arg9[%parallel_loop3A_1936, %parallel_loop3A_1937] {strides = array<i32>} : memref<32x768xf32, #tpu.memory_space<vmem>>, vector<1x16xf32>,
        %parallel_loop3A_1939 = vector.shape_cast %parallel_loop3A_1938 : vector<1x16xf32> to vector<16xf32>
        %parallel_loop3A_1940 = arith.constant 2 : i32
        %parallel_loop3A_1941 = arith.index_cast %parallel_loop3A_1940 : i32 to index
        %parallel_loop3A_1942 = arith.index_cast %parallel_loop3A_1449 : i32 to index
        %parallel_loop3A_1943 = arith.constant 432 : index
        %parallel_loop3A_1944 = tpu.vector_load %arg10[%parallel_loop3A_1941, %parallel_loop3A_1942, %parallel_loop3A_1943] {strides = array<i32>} : memref<4x32x768xf32, #tpu.memory_space<vmem>>, vector<1x1x16xf32>,
        %parallel_loop3A_1945 = vector.shape_cast %parallel_loop3A_1944 : vector<1x1x16xf32> to vector<16xf32>
        %parallel_loop3A_1946 = vector.shape_cast %parallel_loop3A_1939 : vector<16xf32> to vector<1x1x16xf32>
        tpu.vector_store %arg10[%parallel_loop3A_1941, %parallel_loop3A_1942, %parallel_loop3A_1943], %parallel_loop3A_1946 {add = true, strides = array<i32>} : memref<4x32x768xf32, #tpu.memory_space<vmem>>, vector<1x1x16xf32>,
        %parallel_loop3A_1947 = arith.constant 3 : i32
        %parallel_loop3A_1948 = arith.index_cast %parallel_loop3A_1947 : i32 to index
        %parallel_loop3A_1949 = arith.index_cast %parallel_loop3A_1449 : i32 to index
        %parallel_loop3A_1950 = arith.constant 432 : index
        %parallel_loop3A_1951 = tpu.vector_load %arg10[%parallel_loop3A_1948, %parallel_loop3A_1949, %parallel_loop3A_1950] {strides = array<i32>} : memref<4x32x768xf32, #tpu.memory_space<vmem>>, vector<1x1x16xf32>,
        %parallel_loop3A_1952 = vector.shape_cast %parallel_loop3A_1951 : vector<1x1x16xf32> to vector<16xf32>
        %parallel_loop3A_1953 = vector.shape_cast %parallel_loop3A_1939 : vector<16xf32> to vector<1x1x16xf32>
        tpu.vector_store %arg10[%parallel_loop3A_1948, %parallel_loop3A_1949, %parallel_loop3A_1950], %parallel_loop3A_1953 {add = true, strides = array<i32>} : memref<4x32x768xf32, #tpu.memory_space<vmem>>, vector<1x1x16xf32>,
        %parallel_loop3A_1954 = arith.index_cast %parallel_loop3A_1449 : i32 to index
        %parallel_loop3A_1955 = arith.constant 448 : index
        %parallel_loop3A_1956 = tpu.vector_load %arg9[%parallel_loop3A_1954, %parallel_loop3A_1955] {strides = array<i32>} : memref<32x768xf32, #tpu.memory_space<vmem>>, vector<1x16xf32>,
        %parallel_loop3A_1957 = vector.shape_cast %parallel_loop3A_1956 : vector<1x16xf32> to vector<16xf32>
        %parallel_loop3A_1958 = arith.constant 2 : i32
        %parallel_loop3A_1959 = arith.index_cast %parallel_loop3A_1958 : i32 to index
        %parallel_loop3A_1960 = arith.index_cast %parallel_loop3A_1449 : i32 to index
        %parallel_loop3A_1961 = arith.constant 448 : index
        %parallel_loop3A_1962 = tpu.vector_load %arg10[%parallel_loop3A_1959, %parallel_loop3A_1960, %parallel_loop3A_1961] {strides = array<i32>} : memref<4x32x768xf32, #tpu.memory_space<vmem>>, vector<1x1x16xf32>,
        %parallel_loop3A_1963 = vector.shape_cast %parallel_loop3A_1962 : vector<1x1x16xf32> to vector<16xf32>
        %parallel_loop3A_1964 = vector.shape_cast %parallel_loop3A_1957 : vector<16xf32> to vector<1x1x16xf32>
        tpu.vector_store %arg10[%parallel_loop3A_1959, %parallel_loop3A_1960, %parallel_loop3A_1961], %parallel_loop3A_1964 {add = true, strides = array<i32>} : memref<4x32x768xf32, #tpu.memory_space<vmem>>, vector<1x1x16xf32>,
        %parallel_loop3A_1965 = arith.constant 3 : i32
        %parallel_loop3A_1966 = arith.index_cast %parallel_loop3A_1965 : i32 to index
        %parallel_loop3A_1967 = arith.index_cast %parallel_loop3A_1449 : i32 to index
        %parallel_loop3A_1968 = arith.constant 448 : index
        %parallel_loop3A_1969 = tpu.vector_load %arg10[%parallel_loop3A_1966, %parallel_loop3A_1967, %parallel_loop3A_1968] {strides = array<i32>} : memref<4x32x768xf32, #tpu.memory_space<vmem>>, vector<1x1x16xf32>,
        %parallel_loop3A_1970 = vector.shape_cast %parallel_loop3A_1969 : vector<1x1x16xf32> to vector<16xf32>
        %parallel_loop3A_1971 = vector.shape_cast %parallel_loop3A_1957 : vector<16xf32> to vector<1x1x16xf32>
        tpu.vector_store %arg10[%parallel_loop3A_1966, %parallel_loop3A_1967, %parallel_loop3A_1968], %parallel_loop3A_1971 {add = true, strides = array<i32>} : memref<4x32x768xf32, #tpu.memory_space<vmem>>, vector<1x1x16xf32>,
        %parallel_loop3A_1972 = arith.index_cast %parallel_loop3A_1449 : i32 to index
        %parallel_loop3A_1973 = arith.constant 464 : index
        %parallel_loop3A_1974 = tpu.vector_load %arg9[%parallel_loop3A_1972, %parallel_loop3A_1973] {strides = array<i32>} : memref<32x768xf32, #tpu.memory_space<vmem>>, vector<1x16xf32>,
        %parallel_loop3A_1975 = vector.shape_cast %parallel_loop3A_1974 : vector<1x16xf32> to vector<16xf32>
        %parallel_loop3A_1976 = arith.constant 2 : i32
        %parallel_loop3A_1977 = arith.index_cast %parallel_loop3A_1976 : i32 to index
        %parallel_loop3A_1978 = arith.index_cast %parallel_loop3A_1449 : i32 to index
        %parallel_loop3A_1979 = arith.constant 464 : index
        %parallel_loop3A_1980 = tpu.vector_load %arg10[%parallel_loop3A_1977, %parallel_loop3A_1978, %parallel_loop3A_1979] {strides = array<i32>} : memref<4x32x768xf32, #tpu.memory_space<vmem>>, vector<1x1x16xf32>,
        %parallel_loop3A_1981 = vector.shape_cast %parallel_loop3A_1980 : vector<1x1x16xf32> to vector<16xf32>
        %parallel_loop3A_1982 = vector.shape_cast %parallel_loop3A_1975 : vector<16xf32> to vector<1x1x16xf32>
        tpu.vector_store %arg10[%parallel_loop3A_1977, %parallel_loop3A_1978, %parallel_loop3A_1979], %parallel_loop3A_1982 {add = true, strides = array<i32>} : memref<4x32x768xf32, #tpu.memory_space<vmem>>, vector<1x1x16xf32>,
        %parallel_loop3A_1983 = arith.constant 3 : i32
        %parallel_loop3A_1984 = arith.index_cast %parallel_loop3A_1983 : i32 to index
        %parallel_loop3A_1985 = arith.index_cast %parallel_loop3A_1449 : i32 to index
        %parallel_loop3A_1986 = arith.constant 464 : index
        %parallel_loop3A_1987 = tpu.vector_load %arg10[%parallel_loop3A_1984, %parallel_loop3A_1985, %parallel_loop3A_1986] {strides = array<i32>} : memref<4x32x768xf32, #tpu.memory_space<vmem>>, vector<1x1x16xf32>,
        %parallel_loop3A_1988 = vector.shape_cast %parallel_loop3A_1987 : vector<1x1x16xf32> to vector<16xf32>
        %parallel_loop3A_1989 = vector.shape_cast %parallel_loop3A_1975 : vector<16xf32> to vector<1x1x16xf32>
        tpu.vector_store %arg10[%parallel_loop3A_1984, %parallel_loop3A_1985, %parallel_loop3A_1986], %parallel_loop3A_1989 {add = true, strides = array<i32>} : memref<4x32x768xf32, #tpu.memory_space<vmem>>, vector<1x1x16xf32>,
        %parallel_loop3A_1990 = arith.index_cast %parallel_loop3A_1449 : i32 to index
        %parallel_loop3A_1991 = arith.constant 480 : index
        %parallel_loop3A_1992 = tpu.vector_load %arg9[%parallel_loop3A_1990, %parallel_loop3A_1991] {strides = array<i32>} : memref<32x768xf32, #tpu.memory_space<vmem>>, vector<1x16xf32>,
        %parallel_loop3A_1993 = vector.shape_cast %parallel_loop3A_1992 : vector<1x16xf32> to vector<16xf32>
        %parallel_loop3A_1994 = arith.constant 2 : i32
        %parallel_loop3A_1995 = arith.index_cast %parallel_loop3A_1994 : i32 to index
        %parallel_loop3A_1996 = arith.index_cast %parallel_loop3A_1449 : i32 to index
        %parallel_loop3A_1997 = arith.constant 480 : index
        %parallel_loop3A_1998 = tpu.vector_load %arg10[%parallel_loop3A_1995, %parallel_loop3A_1996, %parallel_loop3A_1997] {strides = array<i32>} : memref<4x32x768xf32, #tpu.memory_space<vmem>>, vector<1x1x16xf32>,
        %parallel_loop3A_1999 = vector.shape_cast %parallel_loop3A_1998 : vector<1x1x16xf32> to vector<16xf32>
        %parallel_loop3A_2000 = vector.shape_cast %parallel_loop3A_1993 : vector<16xf32> to vector<1x1x16xf32>
        tpu.vector_store %arg10[%parallel_loop3A_1995, %parallel_loop3A_1996, %parallel_loop3A_1997], %parallel_loop3A_2000 {add = true, strides = array<i32>} : memref<4x32x768xf32, #tpu.memory_space<vmem>>, vector<1x1x16xf32>,
        %parallel_loop3A_2001 = arith.constant 3 : i32
        %parallel_loop3A_2002 = arith.index_cast %parallel_loop3A_2001 : i32 to index
        %parallel_loop3A_2003 = arith.index_cast %parallel_loop3A_1449 : i32 to index
        %parallel_loop3A_2004 = arith.constant 480 : index
        %parallel_loop3A_2005 = tpu.vector_load %arg10[%parallel_loop3A_2002, %parallel_loop3A_2003, %parallel_loop3A_2004] {strides = array<i32>} : memref<4x32x768xf32, #tpu.memory_space<vmem>>, vector<1x1x16xf32>,
        %parallel_loop3A_2006 = vector.shape_cast %parallel_loop3A_2005 : vector<1x1x16xf32> to vector<16xf32>
        %parallel_loop3A_2007 = vector.shape_cast %parallel_loop3A_1993 : vector<16xf32> to vector<1x1x16xf32>
        tpu.vector_store %arg10[%parallel_loop3A_2002, %parallel_loop3A_2003, %parallel_loop3A_2004], %parallel_loop3A_2007 {add = true, strides = array<i32>} : memref<4x32x768xf32, #tpu.memory_space<vmem>>, vector<1x1x16xf32>,
        %parallel_loop3A_2008 = arith.index_cast %parallel_loop3A_1449 : i32 to index
        %parallel_loop3A_2009 = arith.constant 496 : index
        %parallel_loop3A_2010 = tpu.vector_load %arg9[%parallel_loop3A_2008, %parallel_loop3A_2009] {strides = array<i32>} : memref<32x768xf32, #tpu.memory_space<vmem>>, vector<1x16xf32>,
        %parallel_loop3A_2011 = vector.shape_cast %parallel_loop3A_2010 : vector<1x16xf32> to vector<16xf32>
        %parallel_loop3A_2012 = arith.constant 2 : i32
        %parallel_loop3A_2013 = arith.index_cast %parallel_loop3A_2012 : i32 to index
        %parallel_loop3A_2014 = arith.index_cast %parallel_loop3A_1449 : i32 to index
        %parallel_loop3A_2015 = arith.constant 496 : index
        %parallel_loop3A_2016 = tpu.vector_load %arg10[%parallel_loop3A_2013, %parallel_loop3A_2014, %parallel_loop3A_2015] {strides = array<i32>} : memref<4x32x768xf32, #tpu.memory_space<vmem>>, vector<1x1x16xf32>,
        %parallel_loop3A_2017 = vector.shape_cast %parallel_loop3A_2016 : vector<1x1x16xf32> to vector<16xf32>
        %parallel_loop3A_2018 = vector.shape_cast %parallel_loop3A_2011 : vector<16xf32> to vector<1x1x16xf32>
        tpu.vector_store %arg10[%parallel_loop3A_2013, %parallel_loop3A_2014, %parallel_loop3A_2015], %parallel_loop3A_2018 {add = true, strides = array<i32>} : memref<4x32x768xf32, #tpu.memory_space<vmem>>, vector<1x1x16xf32>,
        %parallel_loop3A_2019 = arith.constant 3 : i32
        %parallel_loop3A_2020 = arith.index_cast %parallel_loop3A_2019 : i32 to index
        %parallel_loop3A_2021 = arith.index_cast %parallel_loop3A_1449 : i32 to index
        %parallel_loop3A_2022 = arith.constant 496 : index
        %parallel_loop3A_2023 = tpu.vector_load %arg10[%parallel_loop3A_2020, %parallel_loop3A_2021, %parallel_loop3A_2022] {strides = array<i32>} : memref<4x32x768xf32, #tpu.memory_space<vmem>>, vector<1x1x16xf32>,
        %parallel_loop3A_2024 = vector.shape_cast %parallel_loop3A_2023 : vector<1x1x16xf32> to vector<16xf32>
        %parallel_loop3A_2025 = vector.shape_cast %parallel_loop3A_2011 : vector<16xf32> to vector<1x1x16xf32>
        tpu.vector_store %arg10[%parallel_loop3A_2020, %parallel_loop3A_2021, %parallel_loop3A_2022], %parallel_loop3A_2025 {add = true, strides = array<i32>} : memref<4x32x768xf32, #tpu.memory_space<vmem>>, vector<1x1x16xf32>,
        %parallel_loop3A_2026 = arith.index_cast %parallel_loop3A_1449 : i32 to index
        %parallel_loop3A_2027 = arith.constant 512 : index
        %parallel_loop3A_2028 = tpu.vector_load %arg9[%parallel_loop3A_2026, %parallel_loop3A_2027] {strides = array<i32>} : memref<32x768xf32, #tpu.memory_space<vmem>>, vector<1x16xf32>,
        %parallel_loop3A_2029 = vector.shape_cast %parallel_loop3A_2028 : vector<1x16xf32> to vector<16xf32>
        %parallel_loop3A_2030 = arith.constant 2 : i32
        %parallel_loop3A_2031 = arith.index_cast %parallel_loop3A_2030 : i32 to index
        %parallel_loop3A_2032 = arith.index_cast %parallel_loop3A_1449 : i32 to index
        %parallel_loop3A_2033 = arith.constant 512 : index
        %parallel_loop3A_2034 = tpu.vector_load %arg10[%parallel_loop3A_2031, %parallel_loop3A_2032, %parallel_loop3A_2033] {strides = array<i32>} : memref<4x32x768xf32, #tpu.memory_space<vmem>>, vector<1x1x16xf32>,
        %parallel_loop3A_2035 = vector.shape_cast %parallel_loop3A_2034 : vector<1x1x16xf32> to vector<16xf32>
        %parallel_loop3A_2036 = vector.shape_cast %parallel_loop3A_2029 : vector<16xf32> to vector<1x1x16xf32>
        tpu.vector_store %arg10[%parallel_loop3A_2031, %parallel_loop3A_2032, %parallel_loop3A_2033], %parallel_loop3A_2036 {add = true, strides = array<i32>} : memref<4x32x768xf32, #tpu.memory_space<vmem>>, vector<1x1x16xf32>,
        %parallel_loop3A_2037 = arith.constant 3 : i32
        %parallel_loop3A_2038 = arith.index_cast %parallel_loop3A_2037 : i32 to index
        %parallel_loop3A_2039 = arith.index_cast %parallel_loop3A_1449 : i32 to index
        %parallel_loop3A_2040 = arith.constant 512 : index
        %parallel_loop3A_2041 = tpu.vector_load %arg10[%parallel_loop3A_2038, %parallel_loop3A_2039, %parallel_loop3A_2040] {strides = array<i32>} : memref<4x32x768xf32, #tpu.memory_space<vmem>>, vector<1x1x16xf32>,
        %parallel_loop3A_2042 = vector.shape_cast %parallel_loop3A_2041 : vector<1x1x16xf32> to vector<16xf32>
        %parallel_loop3A_2043 = vector.shape_cast %parallel_loop3A_2029 : vector<16xf32> to vector<1x1x16xf32>
        tpu.vector_store %arg10[%parallel_loop3A_2038, %parallel_loop3A_2039, %parallel_loop3A_2040], %parallel_loop3A_2043 {add = true, strides = array<i32>} : memref<4x32x768xf32, #tpu.memory_space<vmem>>, vector<1x1x16xf32>,
        %parallel_loop3A_2044 = arith.index_cast %parallel_loop3A_1449 : i32 to index
        %parallel_loop3A_2045 = arith.constant 528 : index
        %parallel_loop3A_2046 = tpu.vector_load %arg9[%parallel_loop3A_2044, %parallel_loop3A_2045] {strides = array<i32>} : memref<32x768xf32, #tpu.memory_space<vmem>>, vector<1x16xf32>,
        %parallel_loop3A_2047 = vector.shape_cast %parallel_loop3A_2046 : vector<1x16xf32> to vector<16xf32>
        %parallel_loop3A_2048 = arith.constant 2 : i32
        %parallel_loop3A_2049 = arith.index_cast %parallel_loop3A_2048 : i32 to index
        %parallel_loop3A_2050 = arith.index_cast %parallel_loop3A_1449 : i32 to index
        %parallel_loop3A_2051 = arith.constant 528 : index
        %parallel_loop3A_2052 = tpu.vector_load %arg10[%parallel_loop3A_2049, %parallel_loop3A_2050, %parallel_loop3A_2051] {strides = array<i32>} : memref<4x32x768xf32, #tpu.memory_space<vmem>>, vector<1x1x16xf32>,
        %parallel_loop3A_2053 = vector.shape_cast %parallel_loop3A_2052 : vector<1x1x16xf32> to vector<16xf32>
        %parallel_loop3A_2054 = vector.shape_cast %parallel_loop3A_2047 : vector<16xf32> to vector<1x1x16xf32>
        tpu.vector_store %arg10[%parallel_loop3A_2049, %parallel_loop3A_2050, %parallel_loop3A_2051], %parallel_loop3A_2054 {add = true, strides = array<i32>} : memref<4x32x768xf32, #tpu.memory_space<vmem>>, vector<1x1x16xf32>,
        %parallel_loop3A_2055 = arith.constant 3 : i32
        %parallel_loop3A_2056 = arith.index_cast %parallel_loop3A_2055 : i32 to index
        %parallel_loop3A_2057 = arith.index_cast %parallel_loop3A_1449 : i32 to index
        %parallel_loop3A_2058 = arith.constant 528 : index
        %parallel_loop3A_2059 = tpu.vector_load %arg10[%parallel_loop3A_2056, %parallel_loop3A_2057, %parallel_loop3A_2058] {strides = array<i32>} : memref<4x32x768xf32, #tpu.memory_space<vmem>>, vector<1x1x16xf32>,
        %parallel_loop3A_2060 = vector.shape_cast %parallel_loop3A_2059 : vector<1x1x16xf32> to vector<16xf32>
        %parallel_loop3A_2061 = vector.shape_cast %parallel_loop3A_2047 : vector<16xf32> to vector<1x1x16xf32>
        tpu.vector_store %arg10[%parallel_loop3A_2056, %parallel_loop3A_2057, %parallel_loop3A_2058], %parallel_loop3A_2061 {add = true, strides = array<i32>} : memref<4x32x768xf32, #tpu.memory_space<vmem>>, vector<1x1x16xf32>,
        %parallel_loop3A_2062 = arith.index_cast %parallel_loop3A_1449 : i32 to index
        %parallel_loop3A_2063 = arith.constant 544 : index
        %parallel_loop3A_2064 = tpu.vector_load %arg9[%parallel_loop3A_2062, %parallel_loop3A_2063] {strides = array<i32>} : memref<32x768xf32, #tpu.memory_space<vmem>>, vector<1x16xf32>,
        %parallel_loop3A_2065 = vector.shape_cast %parallel_loop3A_2064 : vector<1x16xf32> to vector<16xf32>
        %parallel_loop3A_2066 = arith.constant 2 : i32
        %parallel_loop3A_2067 = arith.index_cast %parallel_loop3A_2066 : i32 to index
        %parallel_loop3A_2068 = arith.index_cast %parallel_loop3A_1449 : i32 to index
        %parallel_loop3A_2069 = arith.constant 544 : index
        %parallel_loop3A_2070 = tpu.vector_load %arg10[%parallel_loop3A_2067, %parallel_loop3A_2068, %parallel_loop3A_2069] {strides = array<i32>} : memref<4x32x768xf32, #tpu.memory_space<vmem>>, vector<1x1x16xf32>,
        %parallel_loop3A_2071 = vector.shape_cast %parallel_loop3A_2070 : vector<1x1x16xf32> to vector<16xf32>
        %parallel_loop3A_2072 = vector.shape_cast %parallel_loop3A_2065 : vector<16xf32> to vector<1x1x16xf32>
        tpu.vector_store %arg10[%parallel_loop3A_2067, %parallel_loop3A_2068, %parallel_loop3A_2069], %parallel_loop3A_2072 {add = true, strides = array<i32>} : memref<4x32x768xf32, #tpu.memory_space<vmem>>, vector<1x1x16xf32>,
        %parallel_loop3A_2073 = arith.constant 3 : i32
        %parallel_loop3A_2074 = arith.index_cast %parallel_loop3A_2073 : i32 to index
        %parallel_loop3A_2075 = arith.index_cast %parallel_loop3A_1449 : i32 to index
        %parallel_loop3A_2076 = arith.constant 544 : index
        %parallel_loop3A_2077 = tpu.vector_load %arg10[%parallel_loop3A_2074, %parallel_loop3A_2075, %parallel_loop3A_2076] {strides = array<i32>} : memref<4x32x768xf32, #tpu.memory_space<vmem>>, vector<1x1x16xf32>,
        %parallel_loop3A_2078 = vector.shape_cast %parallel_loop3A_2077 : vector<1x1x16xf32> to vector<16xf32>
        %parallel_loop3A_2079 = vector.shape_cast %parallel_loop3A_2065 : vector<16xf32> to vector<1x1x16xf32>
        tpu.vector_store %arg10[%parallel_loop3A_2074, %parallel_loop3A_2075, %parallel_loop3A_2076], %parallel_loop3A_2079 {add = true, strides = array<i32>} : memref<4x32x768xf32, #tpu.memory_space<vmem>>, vector<1x1x16xf32>,
        %parallel_loop3A_2080 = arith.index_cast %parallel_loop3A_1449 : i32 to index
        %parallel_loop3A_2081 = arith.constant 560 : index
        %parallel_loop3A_2082 = tpu.vector_load %arg9[%parallel_loop3A_2080, %parallel_loop3A_2081] {strides = array<i32>} : memref<32x768xf32, #tpu.memory_space<vmem>>, vector<1x16xf32>,
        %parallel_loop3A_2083 = vector.shape_cast %parallel_loop3A_2082 : vector<1x16xf32> to vector<16xf32>
        %parallel_loop3A_2084 = arith.constant 2 : i32
        %parallel_loop3A_2085 = arith.index_cast %parallel_loop3A_2084 : i32 to index
        %parallel_loop3A_2086 = arith.index_cast %parallel_loop3A_1449 : i32 to index
        %parallel_loop3A_2087 = arith.constant 560 : index
        %parallel_loop3A_2088 = tpu.vector_load %arg10[%parallel_loop3A_2085, %parallel_loop3A_2086, %parallel_loop3A_2087] {strides = array<i32>} : memref<4x32x768xf32, #tpu.memory_space<vmem>>, vector<1x1x16xf32>,
        %parallel_loop3A_2089 = vector.shape_cast %parallel_loop3A_2088 : vector<1x1x16xf32> to vector<16xf32>
        %parallel_loop3A_2090 = vector.shape_cast %parallel_loop3A_2083 : vector<16xf32> to vector<1x1x16xf32>
        tpu.vector_store %arg10[%parallel_loop3A_2085, %parallel_loop3A_2086, %parallel_loop3A_2087], %parallel_loop3A_2090 {add = true, strides = array<i32>} : memref<4x32x768xf32, #tpu.memory_space<vmem>>, vector<1x1x16xf32>,
        %parallel_loop3A_2091 = arith.constant 3 : i32
        %parallel_loop3A_2092 = arith.index_cast %parallel_loop3A_2091 : i32 to index
        %parallel_loop3A_2093 = arith.index_cast %parallel_loop3A_1449 : i32 to index
        %parallel_loop3A_2094 = arith.constant 560 : index
        %parallel_loop3A_2095 = tpu.vector_load %arg10[%parallel_loop3A_2092, %parallel_loop3A_2093, %parallel_loop3A_2094] {strides = array<i32>} : memref<4x32x768xf32, #tpu.memory_space<vmem>>, vector<1x1x16xf32>,
        %parallel_loop3A_2096 = vector.shape_cast %parallel_loop3A_2095 : vector<1x1x16xf32> to vector<16xf32>
        %parallel_loop3A_2097 = vector.shape_cast %parallel_loop3A_2083 : vector<16xf32> to vector<1x1x16xf32>
        tpu.vector_store %arg10[%parallel_loop3A_2092, %parallel_loop3A_2093, %parallel_loop3A_2094], %parallel_loop3A_2097 {add = true, strides = array<i32>} : memref<4x32x768xf32, #tpu.memory_space<vmem>>, vector<1x1x16xf32>,
        %parallel_loop3A_2098 = arith.index_cast %parallel_loop3A_1449 : i32 to index
        %parallel_loop3A_2099 = arith.constant 576 : index
        %parallel_loop3A_2100 = tpu.vector_load %arg9[%parallel_loop3A_2098, %parallel_loop3A_2099] {strides = array<i32>} : memref<32x768xf32, #tpu.memory_space<vmem>>, vector<1x16xf32>,
        %parallel_loop3A_2101 = vector.shape_cast %parallel_loop3A_2100 : vector<1x16xf32> to vector<16xf32>
        %parallel_loop3A_2102 = arith.constant 2 : i32
        %parallel_loop3A_2103 = arith.index_cast %parallel_loop3A_2102 : i32 to index
        %parallel_loop3A_2104 = arith.index_cast %parallel_loop3A_1449 : i32 to index
        %parallel_loop3A_2105 = arith.constant 576 : index
        %parallel_loop3A_2106 = tpu.vector_load %arg10[%parallel_loop3A_2103, %parallel_loop3A_2104, %parallel_loop3A_2105] {strides = array<i32>} : memref<4x32x768xf32, #tpu.memory_space<vmem>>, vector<1x1x16xf32>,
        %parallel_loop3A_2107 = vector.shape_cast %parallel_loop3A_2106 : vector<1x1x16xf32> to vector<16xf32>
        %parallel_loop3A_2108 = vector.shape_cast %parallel_loop3A_2101 : vector<16xf32> to vector<1x1x16xf32>
        tpu.vector_store %arg10[%parallel_loop3A_2103, %parallel_loop3A_2104, %parallel_loop3A_2105], %parallel_loop3A_2108 {add = true, strides = array<i32>} : memref<4x32x768xf32, #tpu.memory_space<vmem>>, vector<1x1x16xf32>,
        %parallel_loop3A_2109 = arith.constant 3 : i32
        %parallel_loop3A_2110 = arith.index_cast %parallel_loop3A_2109 : i32 to index
        %parallel_loop3A_2111 = arith.index_cast %parallel_loop3A_1449 : i32 to index
        %parallel_loop3A_2112 = arith.constant 576 : index
        %parallel_loop3A_2113 = tpu.vector_load %arg10[%parallel_loop3A_2110, %parallel_loop3A_2111, %parallel_loop3A_2112] {strides = array<i32>} : memref<4x32x768xf32, #tpu.memory_space<vmem>>, vector<1x1x16xf32>,
        %parallel_loop3A_2114 = vector.shape_cast %parallel_loop3A_2113 : vector<1x1x16xf32> to vector<16xf32>
        %parallel_loop3A_2115 = vector.shape_cast %parallel_loop3A_2101 : vector<16xf32> to vector<1x1x16xf32>
        tpu.vector_store %arg10[%parallel_loop3A_2110, %parallel_loop3A_2111, %parallel_loop3A_2112], %parallel_loop3A_2115 {add = true, strides = array<i32>} : memref<4x32x768xf32, #tpu.memory_space<vmem>>, vector<1x1x16xf32>,
        %parallel_loop3A_2116 = arith.index_cast %parallel_loop3A_1449 : i32 to index
        %parallel_loop3A_2117 = arith.constant 592 : index
        %parallel_loop3A_2118 = tpu.vector_load %arg9[%parallel_loop3A_2116, %parallel_loop3A_2117] {strides = array<i32>} : memref<32x768xf32, #tpu.memory_space<vmem>>, vector<1x16xf32>,
        %parallel_loop3A_2119 = vector.shape_cast %parallel_loop3A_2118 : vector<1x16xf32> to vector<16xf32>
        %parallel_loop3A_2120 = arith.constant 2 : i32
        %parallel_loop3A_2121 = arith.index_cast %parallel_loop3A_2120 : i32 to index
        %parallel_loop3A_2122 = arith.index_cast %parallel_loop3A_1449 : i32 to index
        %parallel_loop3A_2123 = arith.constant 592 : index
        %parallel_loop3A_2124 = tpu.vector_load %arg10[%parallel_loop3A_2121, %parallel_loop3A_2122, %parallel_loop3A_2123] {strides = array<i32>} : memref<4x32x768xf32, #tpu.memory_space<vmem>>, vector<1x1x16xf32>,
        %parallel_loop3A_2125 = vector.shape_cast %parallel_loop3A_2124 : vector<1x1x16xf32> to vector<16xf32>
        %parallel_loop3A_2126 = vector.shape_cast %parallel_loop3A_2119 : vector<16xf32> to vector<1x1x16xf32>
        tpu.vector_store %arg10[%parallel_loop3A_2121, %parallel_loop3A_2122, %parallel_loop3A_2123], %parallel_loop3A_2126 {add = true, strides = array<i32>} : memref<4x32x768xf32, #tpu.memory_space<vmem>>, vector<1x1x16xf32>,
        %parallel_loop3A_2127 = arith.constant 3 : i32
        %parallel_loop3A_2128 = arith.index_cast %parallel_loop3A_2127 : i32 to index
        %parallel_loop3A_2129 = arith.index_cast %parallel_loop3A_1449 : i32 to index
        %parallel_loop3A_2130 = arith.constant 592 : index
        %parallel_loop3A_2131 = tpu.vector_load %arg10[%parallel_loop3A_2128, %parallel_loop3A_2129, %parallel_loop3A_2130] {strides = array<i32>} : memref<4x32x768xf32, #tpu.memory_space<vmem>>, vector<1x1x16xf32>,
        %parallel_loop3A_2132 = vector.shape_cast %parallel_loop3A_2131 : vector<1x1x16xf32> to vector<16xf32>
        %parallel_loop3A_2133 = vector.shape_cast %parallel_loop3A_2119 : vector<16xf32> to vector<1x1x16xf32>
        tpu.vector_store %arg10[%parallel_loop3A_2128, %parallel_loop3A_2129, %parallel_loop3A_2130], %parallel_loop3A_2133 {add = true, strides = array<i32>} : memref<4x32x768xf32, #tpu.memory_space<vmem>>, vector<1x1x16xf32>,
        %parallel_loop3A_2134 = arith.index_cast %parallel_loop3A_1449 : i32 to index
        %parallel_loop3A_2135 = arith.constant 608 : index
        %parallel_loop3A_2136 = tpu.vector_load %arg9[%parallel_loop3A_2134, %parallel_loop3A_2135] {strides = array<i32>} : memref<32x768xf32, #tpu.memory_space<vmem>>, vector<1x16xf32>,
        %parallel_loop3A_2137 = vector.shape_cast %parallel_loop3A_2136 : vector<1x16xf32> to vector<16xf32>
        %parallel_loop3A_2138 = arith.constant 2 : i32
        %parallel_loop3A_2139 = arith.index_cast %parallel_loop3A_2138 : i32 to index
        %parallel_loop3A_2140 = arith.index_cast %parallel_loop3A_1449 : i32 to index
        %parallel_loop3A_2141 = arith.constant 608 : index
        %parallel_loop3A_2142 = tpu.vector_load %arg10[%parallel_loop3A_2139, %parallel_loop3A_2140, %parallel_loop3A_2141] {strides = array<i32>} : memref<4x32x768xf32, #tpu.memory_space<vmem>>, vector<1x1x16xf32>,
        %parallel_loop3A_2143 = vector.shape_cast %parallel_loop3A_2142 : vector<1x1x16xf32> to vector<16xf32>
        %parallel_loop3A_2144 = vector.shape_cast %parallel_loop3A_2137 : vector<16xf32> to vector<1x1x16xf32>
        tpu.vector_store %arg10[%parallel_loop3A_2139, %parallel_loop3A_2140, %parallel_loop3A_2141], %parallel_loop3A_2144 {add = true, strides = array<i32>} : memref<4x32x768xf32, #tpu.memory_space<vmem>>, vector<1x1x16xf32>,
        %parallel_loop3A_2145 = arith.constant 3 : i32
        %parallel_loop3A_2146 = arith.index_cast %parallel_loop3A_2145 : i32 to index
        %parallel_loop3A_2147 = arith.index_cast %parallel_loop3A_1449 : i32 to index
        %parallel_loop3A_2148 = arith.constant 608 : index
        %parallel_loop3A_2149 = tpu.vector_load %arg10[%parallel_loop3A_2146, %parallel_loop3A_2147, %parallel_loop3A_2148] {strides = array<i32>} : memref<4x32x768xf32, #tpu.memory_space<vmem>>, vector<1x1x16xf32>,
        %parallel_loop3A_2150 = vector.shape_cast %parallel_loop3A_2149 : vector<1x1x16xf32> to vector<16xf32>
        %parallel_loop3A_2151 = vector.shape_cast %parallel_loop3A_2137 : vector<16xf32> to vector<1x1x16xf32>
        tpu.vector_store %arg10[%parallel_loop3A_2146, %parallel_loop3A_2147, %parallel_loop3A_2148], %parallel_loop3A_2151 {add = true, strides = array<i32>} : memref<4x32x768xf32, #tpu.memory_space<vmem>>, vector<1x1x16xf32>,
        %parallel_loop3A_2152 = arith.index_cast %parallel_loop3A_1449 : i32 to index
        %parallel_loop3A_2153 = arith.constant 624 : index
        %parallel_loop3A_2154 = tpu.vector_load %arg9[%parallel_loop3A_2152, %parallel_loop3A_2153] {strides = array<i32>} : memref<32x768xf32, #tpu.memory_space<vmem>>, vector<1x16xf32>,
        %parallel_loop3A_2155 = vector.shape_cast %parallel_loop3A_2154 : vector<1x16xf32> to vector<16xf32>
        %parallel_loop3A_2156 = arith.constant 2 : i32
        %parallel_loop3A_2157 = arith.index_cast %parallel_loop3A_2156 : i32 to index
        %parallel_loop3A_2158 = arith.index_cast %parallel_loop3A_1449 : i32 to index
        %parallel_loop3A_2159 = arith.constant 624 : index
        %parallel_loop3A_2160 = tpu.vector_load %arg10[%parallel_loop3A_2157, %parallel_loop3A_2158, %parallel_loop3A_2159] {strides = array<i32>} : memref<4x32x768xf32, #tpu.memory_space<vmem>>, vector<1x1x16xf32>,
        %parallel_loop3A_2161 = vector.shape_cast %parallel_loop3A_2160 : vector<1x1x16xf32> to vector<16xf32>
        %parallel_loop3A_2162 = vector.shape_cast %parallel_loop3A_2155 : vector<16xf32> to vector<1x1x16xf32>
        tpu.vector_store %arg10[%parallel_loop3A_2157, %parallel_loop3A_2158, %parallel_loop3A_2159], %parallel_loop3A_2162 {add = true, strides = array<i32>} : memref<4x32x768xf32, #tpu.memory_space<vmem>>, vector<1x1x16xf32>,
        %parallel_loop3A_2163 = arith.constant 3 : i32
        %parallel_loop3A_2164 = arith.index_cast %parallel_loop3A_2163 : i32 to index
        %parallel_loop3A_2165 = arith.index_cast %parallel_loop3A_1449 : i32 to index
        %parallel_loop3A_2166 = arith.constant 624 : index
        %parallel_loop3A_2167 = tpu.vector_load %arg10[%parallel_loop3A_2164, %parallel_loop3A_2165, %parallel_loop3A_2166] {strides = array<i32>} : memref<4x32x768xf32, #tpu.memory_space<vmem>>, vector<1x1x16xf32>,
        %parallel_loop3A_2168 = vector.shape_cast %parallel_loop3A_2167 : vector<1x1x16xf32> to vector<16xf32>
        %parallel_loop3A_2169 = vector.shape_cast %parallel_loop3A_2155 : vector<16xf32> to vector<1x1x16xf32>
        tpu.vector_store %arg10[%parallel_loop3A_2164, %parallel_loop3A_2165, %parallel_loop3A_2166], %parallel_loop3A_2169 {add = true, strides = array<i32>} : memref<4x32x768xf32, #tpu.memory_space<vmem>>, vector<1x1x16xf32>,
        %parallel_loop3A_2170 = arith.index_cast %parallel_loop3A_1449 : i32 to index
        %parallel_loop3A_2171 = arith.constant 640 : index
        %parallel_loop3A_2172 = tpu.vector_load %arg9[%parallel_loop3A_2170, %parallel_loop3A_2171] {strides = array<i32>} : memref<32x768xf32, #tpu.memory_space<vmem>>, vector<1x16xf32>,
        %parallel_loop3A_2173 = vector.shape_cast %parallel_loop3A_2172 : vector<1x16xf32> to vector<16xf32>
        %parallel_loop3A_2174 = arith.constant 2 : i32
        %parallel_loop3A_2175 = arith.index_cast %parallel_loop3A_2174 : i32 to index
        %parallel_loop3A_2176 = arith.index_cast %parallel_loop3A_1449 : i32 to index
        %parallel_loop3A_2177 = arith.constant 640 : index
        %parallel_loop3A_2178 = tpu.vector_load %arg10[%parallel_loop3A_2175, %parallel_loop3A_2176, %parallel_loop3A_2177] {strides = array<i32>} : memref<4x32x768xf32, #tpu.memory_space<vmem>>, vector<1x1x16xf32>,
        %parallel_loop3A_2179 = vector.shape_cast %parallel_loop3A_2178 : vector<1x1x16xf32> to vector<16xf32>
        %parallel_loop3A_2180 = vector.shape_cast %parallel_loop3A_2173 : vector<16xf32> to vector<1x1x16xf32>
        tpu.vector_store %arg10[%parallel_loop3A_2175, %parallel_loop3A_2176, %parallel_loop3A_2177], %parallel_loop3A_2180 {add = true, strides = array<i32>} : memref<4x32x768xf32, #tpu.memory_space<vmem>>, vector<1x1x16xf32>,
        %parallel_loop3A_2181 = arith.constant 3 : i32
        %parallel_loop3A_2182 = arith.index_cast %parallel_loop3A_2181 : i32 to index
        %parallel_loop3A_2183 = arith.index_cast %parallel_loop3A_1449 : i32 to index
        %parallel_loop3A_2184 = arith.constant 640 : index
        %parallel_loop3A_2185 = tpu.vector_load %arg10[%parallel_loop3A_2182, %parallel_loop3A_2183, %parallel_loop3A_2184] {strides = array<i32>} : memref<4x32x768xf32, #tpu.memory_space<vmem>>, vector<1x1x16xf32>,
        %parallel_loop3A_2186 = vector.shape_cast %parallel_loop3A_2185 : vector<1x1x16xf32> to vector<16xf32>
        %parallel_loop3A_2187 = vector.shape_cast %parallel_loop3A_2173 : vector<16xf32> to vector<1x1x16xf32>
        tpu.vector_store %arg10[%parallel_loop3A_2182, %parallel_loop3A_2183, %parallel_loop3A_2184], %parallel_loop3A_2187 {add = true, strides = array<i32>} : memref<4x32x768xf32, #tpu.memory_space<vmem>>, vector<1x1x16xf32>,
        %parallel_loop3A_2188 = arith.index_cast %parallel_loop3A_1449 : i32 to index
        %parallel_loop3A_2189 = arith.constant 656 : index
        %parallel_loop3A_2190 = tpu.vector_load %arg9[%parallel_loop3A_2188, %parallel_loop3A_2189] {strides = array<i32>} : memref<32x768xf32, #tpu.memory_space<vmem>>, vector<1x16xf32>,
        %parallel_loop3A_2191 = vector.shape_cast %parallel_loop3A_2190 : vector<1x16xf32> to vector<16xf32>
        %parallel_loop3A_2192 = arith.constant 2 : i32
        %parallel_loop3A_2193 = arith.index_cast %parallel_loop3A_2192 : i32 to index
        %parallel_loop3A_2194 = arith.index_cast %parallel_loop3A_1449 : i32 to index
        %parallel_loop3A_2195 = arith.constant 656 : index
        %parallel_loop3A_2196 = tpu.vector_load %arg10[%parallel_loop3A_2193, %parallel_loop3A_2194, %parallel_loop3A_2195] {strides = array<i32>} : memref<4x32x768xf32, #tpu.memory_space<vmem>>, vector<1x1x16xf32>,
        %parallel_loop3A_2197 = vector.shape_cast %parallel_loop3A_2196 : vector<1x1x16xf32> to vector<16xf32>
        %parallel_loop3A_2198 = vector.shape_cast %parallel_loop3A_2191 : vector<16xf32> to vector<1x1x16xf32>
        tpu.vector_store %arg10[%parallel_loop3A_2193, %parallel_loop3A_2194, %parallel_loop3A_2195], %parallel_loop3A_2198 {add = true, strides = array<i32>} : memref<4x32x768xf32, #tpu.memory_space<vmem>>, vector<1x1x16xf32>,
        %parallel_loop3A_2199 = arith.constant 3 : i32
        %parallel_loop3A_2200 = arith.index_cast %parallel_loop3A_2199 : i32 to index
        %parallel_loop3A_2201 = arith.index_cast %parallel_loop3A_1449 : i32 to index
        %parallel_loop3A_2202 = arith.constant 656 : index
        %parallel_loop3A_2203 = tpu.vector_load %arg10[%parallel_loop3A_2200, %parallel_loop3A_2201, %parallel_loop3A_2202] {strides = array<i32>} : memref<4x32x768xf32, #tpu.memory_space<vmem>>, vector<1x1x16xf32>,
        %parallel_loop3A_2204 = vector.shape_cast %parallel_loop3A_2203 : vector<1x1x16xf32> to vector<16xf32>
        %parallel_loop3A_2205 = vector.shape_cast %parallel_loop3A_2191 : vector<16xf32> to vector<1x1x16xf32>
        tpu.vector_store %arg10[%parallel_loop3A_2200, %parallel_loop3A_2201, %parallel_loop3A_2202], %parallel_loop3A_2205 {add = true, strides = array<i32>} : memref<4x32x768xf32, #tpu.memory_space<vmem>>, vector<1x1x16xf32>,
        %parallel_loop3A_2206 = arith.index_cast %parallel_loop3A_1449 : i32 to index
        %parallel_loop3A_2207 = arith.constant 672 : index
        %parallel_loop3A_2208 = tpu.vector_load %arg9[%parallel_loop3A_2206, %parallel_loop3A_2207] {strides = array<i32>} : memref<32x768xf32, #tpu.memory_space<vmem>>, vector<1x16xf32>,
        %parallel_loop3A_2209 = vector.shape_cast %parallel_loop3A_2208 : vector<1x16xf32> to vector<16xf32>
        %parallel_loop3A_2210 = arith.constant 2 : i32
        %parallel_loop3A_2211 = arith.index_cast %parallel_loop3A_2210 : i32 to index
        %parallel_loop3A_2212 = arith.index_cast %parallel_loop3A_1449 : i32 to index
        %parallel_loop3A_2213 = arith.constant 672 : index
        %parallel_loop3A_2214 = tpu.vector_load %arg10[%parallel_loop3A_2211, %parallel_loop3A_2212, %parallel_loop3A_2213] {strides = array<i32>} : memref<4x32x768xf32, #tpu.memory_space<vmem>>, vector<1x1x16xf32>,
        %parallel_loop3A_2215 = vector.shape_cast %parallel_loop3A_2214 : vector<1x1x16xf32> to vector<16xf32>
        %parallel_loop3A_2216 = vector.shape_cast %parallel_loop3A_2209 : vector<16xf32> to vector<1x1x16xf32>
        tpu.vector_store %arg10[%parallel_loop3A_2211, %parallel_loop3A_2212, %parallel_loop3A_2213], %parallel_loop3A_2216 {add = true, strides = array<i32>} : memref<4x32x768xf32, #tpu.memory_space<vmem>>, vector<1x1x16xf32>,
        %parallel_loop3A_2217 = arith.constant 3 : i32
        %parallel_loop3A_2218 = arith.index_cast %parallel_loop3A_2217 : i32 to index
        %parallel_loop3A_2219 = arith.index_cast %parallel_loop3A_1449 : i32 to index
        %parallel_loop3A_2220 = arith.constant 672 : index
        %parallel_loop3A_2221 = tpu.vector_load %arg10[%parallel_loop3A_2218, %parallel_loop3A_2219, %parallel_loop3A_2220] {strides = array<i32>} : memref<4x32x768xf32, #tpu.memory_space<vmem>>, vector<1x1x16xf32>,
        %parallel_loop3A_2222 = vector.shape_cast %parallel_loop3A_2221 : vector<1x1x16xf32> to vector<16xf32>
        %parallel_loop3A_2223 = vector.shape_cast %parallel_loop3A_2209 : vector<16xf32> to vector<1x1x16xf32>
        tpu.vector_store %arg10[%parallel_loop3A_2218, %parallel_loop3A_2219, %parallel_loop3A_2220], %parallel_loop3A_2223 {add = true, strides = array<i32>} : memref<4x32x768xf32, #tpu.memory_space<vmem>>, vector<1x1x16xf32>,
        %parallel_loop3A_2224 = arith.index_cast %parallel_loop3A_1449 : i32 to index
        %parallel_loop3A_2225 = arith.constant 688 : index
        %parallel_loop3A_2226 = tpu.vector_load %arg9[%parallel_loop3A_2224, %parallel_loop3A_2225] {strides = array<i32>} : memref<32x768xf32, #tpu.memory_space<vmem>>, vector<1x16xf32>,
        %parallel_loop3A_2227 = vector.shape_cast %parallel_loop3A_2226 : vector<1x16xf32> to vector<16xf32>
        %parallel_loop3A_2228 = arith.constant 2 : i32
        %parallel_loop3A_2229 = arith.index_cast %parallel_loop3A_2228 : i32 to index
        %parallel_loop3A_2230 = arith.index_cast %parallel_loop3A_1449 : i32 to index
        %parallel_loop3A_2231 = arith.constant 688 : index
        %parallel_loop3A_2232 = tpu.vector_load %arg10[%parallel_loop3A_2229, %parallel_loop3A_2230, %parallel_loop3A_2231] {strides = array<i32>} : memref<4x32x768xf32, #tpu.memory_space<vmem>>, vector<1x1x16xf32>,
        %parallel_loop3A_2233 = vector.shape_cast %parallel_loop3A_2232 : vector<1x1x16xf32> to vector<16xf32>
        %parallel_loop3A_2234 = vector.shape_cast %parallel_loop3A_2227 : vector<16xf32> to vector<1x1x16xf32>
        tpu.vector_store %arg10[%parallel_loop3A_2229, %parallel_loop3A_2230, %parallel_loop3A_2231], %parallel_loop3A_2234 {add = true, strides = array<i32>} : memref<4x32x768xf32, #tpu.memory_space<vmem>>, vector<1x1x16xf32>,
        %parallel_loop3A_2235 = arith.constant 3 : i32
        %parallel_loop3A_2236 = arith.index_cast %parallel_loop3A_2235 : i32 to index
        %parallel_loop3A_2237 = arith.index_cast %parallel_loop3A_1449 : i32 to index
        %parallel_loop3A_2238 = arith.constant 688 : index
        %parallel_loop3A_2239 = tpu.vector_load %arg10[%parallel_loop3A_2236, %parallel_loop3A_2237, %parallel_loop3A_2238] {strides = array<i32>} : memref<4x32x768xf32, #tpu.memory_space<vmem>>, vector<1x1x16xf32>,
        %parallel_loop3A_2240 = vector.shape_cast %parallel_loop3A_2239 : vector<1x1x16xf32> to vector<16xf32>
        %parallel_loop3A_2241 = vector.shape_cast %parallel_loop3A_2227 : vector<16xf32> to vector<1x1x16xf32>
        tpu.vector_store %arg10[%parallel_loop3A_2236, %parallel_loop3A_2237, %parallel_loop3A_2238], %parallel_loop3A_2241 {add = true, strides = array<i32>} : memref<4x32x768xf32, #tpu.memory_space<vmem>>, vector<1x1x16xf32>,
        %parallel_loop3A_2242 = arith.index_cast %parallel_loop3A_1449 : i32 to index
        %parallel_loop3A_2243 = arith.constant 704 : index
        %parallel_loop3A_2244 = tpu.vector_load %arg9[%parallel_loop3A_2242, %parallel_loop3A_2243] {strides = array<i32>} : memref<32x768xf32, #tpu.memory_space<vmem>>, vector<1x16xf32>,
        %parallel_loop3A_2245 = vector.shape_cast %parallel_loop3A_2244 : vector<1x16xf32> to vector<16xf32>
        %parallel_loop3A_2246 = arith.constant 2 : i32
        %parallel_loop3A_2247 = arith.index_cast %parallel_loop3A_2246 : i32 to index
        %parallel_loop3A_2248 = arith.index_cast %parallel_loop3A_1449 : i32 to index
        %parallel_loop3A_2249 = arith.constant 704 : index
        %parallel_loop3A_2250 = tpu.vector_load %arg10[%parallel_loop3A_2247, %parallel_loop3A_2248, %parallel_loop3A_2249] {strides = array<i32>} : memref<4x32x768xf32, #tpu.memory_space<vmem>>, vector<1x1x16xf32>,
        %parallel_loop3A_2251 = vector.shape_cast %parallel_loop3A_2250 : vector<1x1x16xf32> to vector<16xf32>
        %parallel_loop3A_2252 = vector.shape_cast %parallel_loop3A_2245 : vector<16xf32> to vector<1x1x16xf32>
        tpu.vector_store %arg10[%parallel_loop3A_2247, %parallel_loop3A_2248, %parallel_loop3A_2249], %parallel_loop3A_2252 {add = true, strides = array<i32>} : memref<4x32x768xf32, #tpu.memory_space<vmem>>, vector<1x1x16xf32>,
        %parallel_loop3A_2253 = arith.constant 3 : i32
        %parallel_loop3A_2254 = arith.index_cast %parallel_loop3A_2253 : i32 to index
        %parallel_loop3A_2255 = arith.index_cast %parallel_loop3A_1449 : i32 to index
        %parallel_loop3A_2256 = arith.constant 704 : index
        %parallel_loop3A_2257 = tpu.vector_load %arg10[%parallel_loop3A_2254, %parallel_loop3A_2255, %parallel_loop3A_2256] {strides = array<i32>} : memref<4x32x768xf32, #tpu.memory_space<vmem>>, vector<1x1x16xf32>,
        %parallel_loop3A_2258 = vector.shape_cast %parallel_loop3A_2257 : vector<1x1x16xf32> to vector<16xf32>
        %parallel_loop3A_2259 = vector.shape_cast %parallel_loop3A_2245 : vector<16xf32> to vector<1x1x16xf32>
        tpu.vector_store %arg10[%parallel_loop3A_2254, %parallel_loop3A_2255, %parallel_loop3A_2256], %parallel_loop3A_2259 {add = true, strides = array<i32>} : memref<4x32x768xf32, #tpu.memory_space<vmem>>, vector<1x1x16xf32>,
        %parallel_loop3A_2260 = arith.index_cast %parallel_loop3A_1449 : i32 to index
        %parallel_loop3A_2261 = arith.constant 720 : index
        %parallel_loop3A_2262 = tpu.vector_load %arg9[%parallel_loop3A_2260, %parallel_loop3A_2261] {strides = array<i32>} : memref<32x768xf32, #tpu.memory_space<vmem>>, vector<1x16xf32>,
        %parallel_loop3A_2263 = vector.shape_cast %parallel_loop3A_2262 : vector<1x16xf32> to vector<16xf32>
        %parallel_loop3A_2264 = arith.constant 2 : i32
        %parallel_loop3A_2265 = arith.index_cast %parallel_loop3A_2264 : i32 to index
        %parallel_loop3A_2266 = arith.index_cast %parallel_loop3A_1449 : i32 to index
        %parallel_loop3A_2267 = arith.constant 720 : index
        %parallel_loop3A_2268 = tpu.vector_load %arg10[%parallel_loop3A_2265, %parallel_loop3A_2266, %parallel_loop3A_2267] {strides = array<i32>} : memref<4x32x768xf32, #tpu.memory_space<vmem>>, vector<1x1x16xf32>,
        %parallel_loop3A_2269 = vector.shape_cast %parallel_loop3A_2268 : vector<1x1x16xf32> to vector<16xf32>
        %parallel_loop3A_2270 = vector.shape_cast %parallel_loop3A_2263 : vector<16xf32> to vector<1x1x16xf32>
        tpu.vector_store %arg10[%parallel_loop3A_2265, %parallel_loop3A_2266, %parallel_loop3A_2267], %parallel_loop3A_2270 {add = true, strides = array<i32>} : memref<4x32x768xf32, #tpu.memory_space<vmem>>, vector<1x1x16xf32>,
        %parallel_loop3A_2271 = arith.constant 3 : i32
        %parallel_loop3A_2272 = arith.index_cast %parallel_loop3A_2271 : i32 to index
        %parallel_loop3A_2273 = arith.index_cast %parallel_loop3A_1449 : i32 to index
        %parallel_loop3A_2274 = arith.constant 720 : index
        %parallel_loop3A_2275 = tpu.vector_load %arg10[%parallel_loop3A_2272, %parallel_loop3A_2273, %parallel_loop3A_2274] {strides = array<i32>} : memref<4x32x768xf32, #tpu.memory_space<vmem>>, vector<1x1x16xf32>,
        %parallel_loop3A_2276 = vector.shape_cast %parallel_loop3A_2275 : vector<1x1x16xf32> to vector<16xf32>
        %parallel_loop3A_2277 = vector.shape_cast %parallel_loop3A_2263 : vector<16xf32> to vector<1x1x16xf32>
        tpu.vector_store %arg10[%parallel_loop3A_2272, %parallel_loop3A_2273, %parallel_loop3A_2274], %parallel_loop3A_2277 {add = true, strides = array<i32>} : memref<4x32x768xf32, #tpu.memory_space<vmem>>, vector<1x1x16xf32>,
        %parallel_loop3A_2278 = arith.index_cast %parallel_loop3A_1449 : i32 to index
        %parallel_loop3A_2279 = arith.constant 736 : index
        %parallel_loop3A_2280 = tpu.vector_load %arg9[%parallel_loop3A_2278, %parallel_loop3A_2279] {strides = array<i32>} : memref<32x768xf32, #tpu.memory_space<vmem>>, vector<1x16xf32>,
        %parallel_loop3A_2281 = vector.shape_cast %parallel_loop3A_2280 : vector<1x16xf32> to vector<16xf32>
        %parallel_loop3A_2282 = arith.constant 2 : i32
        %parallel_loop3A_2283 = arith.index_cast %parallel_loop3A_2282 : i32 to index
        %parallel_loop3A_2284 = arith.index_cast %parallel_loop3A_1449 : i32 to index
        %parallel_loop3A_2285 = arith.constant 736 : index
        %parallel_loop3A_2286 = tpu.vector_load %arg10[%parallel_loop3A_2283, %parallel_loop3A_2284, %parallel_loop3A_2285] {strides = array<i32>} : memref<4x32x768xf32, #tpu.memory_space<vmem>>, vector<1x1x16xf32>,
        %parallel_loop3A_2287 = vector.shape_cast %parallel_loop3A_2286 : vector<1x1x16xf32> to vector<16xf32>
        %parallel_loop3A_2288 = vector.shape_cast %parallel_loop3A_2281 : vector<16xf32> to vector<1x1x16xf32>
        tpu.vector_store %arg10[%parallel_loop3A_2283, %parallel_loop3A_2284, %parallel_loop3A_2285], %parallel_loop3A_2288 {add = true, strides = array<i32>} : memref<4x32x768xf32, #tpu.memory_space<vmem>>, vector<1x1x16xf32>,
        %parallel_loop3A_2289 = arith.constant 3 : i32
        %parallel_loop3A_2290 = arith.index_cast %parallel_loop3A_2289 : i32 to index
        %parallel_loop3A_2291 = arith.index_cast %parallel_loop3A_1449 : i32 to index
        %parallel_loop3A_2292 = arith.constant 736 : index
        %parallel_loop3A_2293 = tpu.vector_load %arg10[%parallel_loop3A_2290, %parallel_loop3A_2291, %parallel_loop3A_2292] {strides = array<i32>} : memref<4x32x768xf32, #tpu.memory_space<vmem>>, vector<1x1x16xf32>,
        %parallel_loop3A_2294 = vector.shape_cast %parallel_loop3A_2293 : vector<1x1x16xf32> to vector<16xf32>
        %parallel_loop3A_2295 = vector.shape_cast %parallel_loop3A_2281 : vector<16xf32> to vector<1x1x16xf32>
        tpu.vector_store %arg10[%parallel_loop3A_2290, %parallel_loop3A_2291, %parallel_loop3A_2292], %parallel_loop3A_2295 {add = true, strides = array<i32>} : memref<4x32x768xf32, #tpu.memory_space<vmem>>, vector<1x1x16xf32>,
        %parallel_loop3A_2296 = arith.index_cast %parallel_loop3A_1449 : i32 to index
        %parallel_loop3A_2297 = arith.constant 752 : index
        %parallel_loop3A_2298 = tpu.vector_load %arg9[%parallel_loop3A_2296, %parallel_loop3A_2297] {strides = array<i32>} : memref<32x768xf32, #tpu.memory_space<vmem>>, vector<1x16xf32>,
        %parallel_loop3A_2299 = vector.shape_cast %parallel_loop3A_2298 : vector<1x16xf32> to vector<16xf32>
        %parallel_loop3A_2300 = arith.constant 2 : i32
        %parallel_loop3A_2301 = arith.index_cast %parallel_loop3A_2300 : i32 to index
        %parallel_loop3A_2302 = arith.index_cast %parallel_loop3A_1449 : i32 to index
        %parallel_loop3A_2303 = arith.constant 752 : index
        %parallel_loop3A_2304 = tpu.vector_load %arg10[%parallel_loop3A_2301, %parallel_loop3A_2302, %parallel_loop3A_2303] {strides = array<i32>} : memref<4x32x768xf32, #tpu.memory_space<vmem>>, vector<1x1x16xf32>,
        %parallel_loop3A_2305 = vector.shape_cast %parallel_loop3A_2304 : vector<1x1x16xf32> to vector<16xf32>
        %parallel_loop3A_2306 = vector.shape_cast %parallel_loop3A_2299 : vector<16xf32> to vector<1x1x16xf32>
        tpu.vector_store %arg10[%parallel_loop3A_2301, %parallel_loop3A_2302, %parallel_loop3A_2303], %parallel_loop3A_2306 {add = true, strides = array<i32>} : memref<4x32x768xf32, #tpu.memory_space<vmem>>, vector<1x1x16xf32>,
        %parallel_loop3A_2307 = arith.constant 3 : i32
        %parallel_loop3A_2308 = arith.index_cast %parallel_loop3A_2307 : i32 to index
        %parallel_loop3A_2309 = arith.index_cast %parallel_loop3A_1449 : i32 to index
        %parallel_loop3A_2310 = arith.constant 752 : index
        %parallel_loop3A_2311 = tpu.vector_load %arg10[%parallel_loop3A_2308, %parallel_loop3A_2309, %parallel_loop3A_2310] {strides = array<i32>} : memref<4x32x768xf32, #tpu.memory_space<vmem>>, vector<1x1x16xf32>,
        %parallel_loop3A_2312 = vector.shape_cast %parallel_loop3A_2311 : vector<1x1x16xf32> to vector<16xf32>
        %parallel_loop3A_2313 = vector.shape_cast %parallel_loop3A_2299 : vector<16xf32> to vector<1x1x16xf32>
        tpu.vector_store %arg10[%parallel_loop3A_2308, %parallel_loop3A_2309, %parallel_loop3A_2310], %parallel_loop3A_2313 {add = true, strides = array<i32>} : memref<4x32x768xf32, #tpu.memory_space<vmem>>, vector<1x1x16xf32>,
      } {sc.loop_unroll_factor = 1 : i64, sc.parallel_access}
      %ne3A_1306 = arith.constant 0 : i32
      %ne3A_1307 = arith.cmpi ne, %squeeze3A_613, %ne3A_1306 : i32
      %convert_element_type3A_1308 = arith.extui %ne3A_1307 : i1 to i32
      %cond3A_1309 = arith.constant 0 : i32
      %cond3A_1310 = arith.cmpi ne, %convert_element_type3A_1308, %cond3A_1309 : i32
      scf.if %cond3A_1310 {
        %scan3A_1449 = arith.constant 0 : i32
        %scan3A_1450 = arith.constant 0 : i32
        %scan3A_1451 = arith.constant 32 : i32
        %scan3A_1452 = arith.addi %scan3A_1450, %scan3A_1451 : i32
        %scan3A_1453 = arith.constant 1 : i32
        scf.for %scan3A_1455 = %scan3A_1450 to %scan3A_1452 step %scan3A_1453  : i32 {
          %jit3A_1456 = arith.constant 16 : i32
          %div3A_1457 = arith.divsi %scan3A_1455, %jit3A_1456 : i32
          %sign3A_1458 = arith.constant 0 : i32
          %sign3A_1459 = arith.cmpi sgt, %scan3A_1455, %sign3A_1458 : i32
          %sign3A_1460 = arith.extui %sign3A_1459 : i1 to i32
          %sign3A_1461 = arith.constant 0 : i32
          %sign3A_1462 = arith.cmpi slt, %scan3A_1455, %sign3A_1461 : i32
          %sign3A_1463 = arith.extui %sign3A_1462 : i1 to i32
          %sign3A_1464 = arith.subi %sign3A_1460, %sign3A_1463 : i32
          %sign3A_1465 = arith.constant 0 : i32
          %sign3A_1466 = arith.cmpi sgt, %jit3A_1456, %sign3A_1465 : i32
          %sign3A_1467 = arith.extui %sign3A_1466 : i1 to i32
          %sign3A_1468 = arith.constant 0 : i32
          %sign3A_1469 = arith.cmpi slt, %jit3A_1456, %sign3A_1468 : i32
          %sign3A_1470 = arith.extui %sign3A_1469 : i1 to i32
          %sign3A_1471 = arith.subi %sign3A_1467, %sign3A_1470 : i32
          %ne3A_1472 = arith.cmpi ne, %sign3A_1464, %sign3A_1471 : i32
          %rem3A_1473 = arith.remsi %scan3A_1455, %jit3A_1456 : i32
          %ne3A_1474 = arith.constant 0 : i32
          %ne3A_1475 = arith.cmpi ne, %rem3A_1473, %ne3A_1474 : i32
          %and3A_1476 = arith.andi %ne3A_1472, %ne3A_1475 : i1
          %sub3A_1477 = arith.constant 1 : i32
          %sub3A_1478 = arith.subi %div3A_1457, %sub3A_1477 : i32
          %select_n3A_1479 = arith.select %and3A_1476, %sub3A_1478, %div3A_1457 : i32
          %mul3A_1480 = arith.constant 16 : i32
          %mul3A_1481 = arith.muli %select_n3A_1479, %mul3A_1480 : i32
          %multiple_of3A = tpu.assume_multiple %mul3A_1481, 16 : i32
          %get3A_1482 = arith.constant 2 : i32
          %get3A_1483 = arith.index_cast %get3A_1482 : i32 to index
          %get3A_1484 = arith.index_cast %multiple_of3A : i32 to index
          %get3A_1485 = tpu.vector_load %arg8[%get3A_1483, %get3A_1484] {strides = array<i32>} : memref<4x32xf32, #tpu.memory_space<vmem>>, vector<1x16xf32>,
          %get3A_1486 = vector.shape_cast %get3A_1485 : vector<1x16xf32> to vector<16xf32>
          %jit3A_1487 = arith.constant 16 : i32
          %eq3A_1488 = arith.constant 0 : i32
          %eq3A_1489 = arith.cmpi eq, %jit3A_1487, %eq3A_1488 : i32
          %jit3A_1490 = arith.constant 1 : i32
          %select_n3A_1491 = arith.select %eq3A_1489, %jit3A_1490, %jit3A_1487 : i32
          %rem3A_1492 = arith.remsi %scan3A_1455, %select_n3A_1491 : i32
          %ne3A_1493 = arith.constant 0 : i32
          %ne3A_1494 = arith.cmpi ne, %rem3A_1492, %ne3A_1493 : i32
          %lt3A_1495 = arith.constant 0 : i32
          %lt3A_1496 = arith.cmpi slt, %rem3A_1492, %lt3A_1495 : i32
          %lt3A_1497 = arith.constant 0 : i32
          %lt3A_1498 = arith.cmpi slt, %select_n3A_1491, %lt3A_1497 : i32
          %ne3A_1499 = arith.xori %lt3A_1496, %lt3A_1498 : i1
          %and3A_1500 = arith.andi %ne3A_1499, %ne3A_1494 : i1
          %add3A_1501 = arith.addi %rem3A_1492, %select_n3A_1491 : i32
          %select_n3A_1502 = arith.select %and3A_1500, %add3A_1501, %rem3A_1492 : i32
          %broadcast_in_dim3A_1503 = vector.broadcast %select_n3A_1502 : i32 to vector<16x1xi32>
          %gather3A_1504 = vector.shape_cast %broadcast_in_dim3A_1503 : vector<16x1xi32> to vector<16xi32>
          %gather3A_1505 = tpu.dynamic_gather %get3A_1486[%gather3A_1504] in [0] : vector<16xf32>, vector<16xi32> -> vector<16xf32>
          %sub3A_1506 = arith.constant 1.000000e+00 : f32
          %sub3A_1507 = vector.broadcast %sub3A_1506 : f32 to vector<16xf32>
          %sub3A_1508 = arith.subf %sub3A_1507, %gather3A_1505 : vector<16xf32>
          %scan3A_1509 = arith.constant 0 : i32
          %scan3A_1510 = arith.constant 0 : i32
          %scan3A_1511 = arith.constant 48 : i32
          %scan3A_1512 = arith.addi %scan3A_1510, %scan3A_1511 : i32
          %scan3A_1513 = arith.constant 1 : i32
          scf.for %scan3A_1515 = %scan3A_1510 to %scan3A_1512 step %scan3A_1513  : i32 {
            %mul3A_1516 = arith.constant 16 : i32
            %mul3A_1517 = arith.muli %scan3A_1515, %mul3A_1516 : i32
            %multiple_of3A_1518 = tpu.assume_multiple %mul3A_1517, 16 : i32
            %get3A_1519 = arith.constant 2 : i32
            %get3A_1520 = arith.index_cast %get3A_1519 : i32 to index
            %get3A_1521 = arith.index_cast %scan3A_1455 : i32 to index
            %get3A_1522 = arith.index_cast %multiple_of3A_1518 : i32 to index
            %get3A_1523 = tpu.vector_load %arg10[%get3A_1520, %get3A_1521, %get3A_1522] {strides = array<i32>} : memref<4x32x768xf32, #tpu.memory_space<vmem>>, vector<1x1x16xf32>,
            %get3A_1524 = vector.shape_cast %get3A_1523 : vector<1x1x16xf32> to vector<16xf32>
            %mul3A_1525 = arith.mulf %sub3A_1508, %get3A_1524 : vector<16xf32>
            %get3A_1526 = arith.index_cast %scan3A_1455 : i32 to index
            %get3A_1527 = arith.index_cast %multiple_of3A_1518 : i32 to index
            %get3A_1528 = tpu.vector_load %arg9[%get3A_1526, %get3A_1527] {strides = array<i32>} : memref<32x768xf32, #tpu.memory_space<vmem>>, vector<1x16xf32>,
            %get3A_1529 = vector.shape_cast %get3A_1528 : vector<1x16xf32> to vector<16xf32>
            %mul3A_1530 = arith.mulf %gather3A_1505, %get3A_1529 : vector<16xf32>
            %add3A_1531 = arith.addf %mul3A_1525, %mul3A_1530 : vector<16xf32>
            %swap3A_1532 = arith.constant 2 : i32
            %swap3A_1533 = arith.index_cast %swap3A_1532 : i32 to index
            %swap3A_1534 = arith.index_cast %scan3A_1455 : i32 to index
            %swap3A_1535 = arith.index_cast %multiple_of3A_1518 : i32 to index
            %swap3A_1536 = tpu.vector_load %arg10[%swap3A_1533, %swap3A_1534, %swap3A_1535] {strides = array<i32>} : memref<4x32x768xf32, #tpu.memory_space<vmem>>, vector<1x1x16xf32>,
            %swap3A_1537 = vector.shape_cast %swap3A_1536 : vector<1x1x16xf32> to vector<16xf32>
            %swap3A_1538 = vector.shape_cast %add3A_1531 : vector<16xf32> to vector<1x1x16xf32>
            tpu.vector_store %arg10[%swap3A_1533, %swap3A_1534, %swap3A_1535], %swap3A_1538 {strides = array<i32>} : memref<4x32x768xf32, #tpu.memory_space<vmem>>, vector<1x1x16xf32>,
          }
          %scan3A_1514 = arith.constant 48 : i32
        }
        %scan3A_1454 = arith.constant 32 : i32
      } else {
      }
      %ne3A_1311 = arith.constant 0 : i32
      %ne3A_1312 = arith.cmpi ne, %squeeze3A_774, %ne3A_1311 : i32
      %convert_element_type3A_1313 = arith.extui %ne3A_1312 : i1 to i32
      %cond3A_1314 = arith.constant 0 : i32
      %cond3A_1315 = arith.cmpi ne, %convert_element_type3A_1313, %cond3A_1314 : i32
      scf.if %cond3A_1315 {
        %scan3A_1449 = arith.constant 0 : i32
        %scan3A_1450 = arith.constant 0 : i32
        %scan3A_1451 = arith.constant 32 : i32
        %scan3A_1452 = arith.addi %scan3A_1450, %scan3A_1451 : i32
        %scan3A_1453 = arith.constant 1 : i32
        scf.for %scan3A_1455 = %scan3A_1450 to %scan3A_1452 step %scan3A_1453  : i32 {
          %jit3A_1456 = arith.constant 16 : i32
          %div3A_1457 = arith.divsi %scan3A_1455, %jit3A_1456 : i32
          %sign3A_1458 = arith.constant 0 : i32
          %sign3A_1459 = arith.cmpi sgt, %scan3A_1455, %sign3A_1458 : i32
          %sign3A_1460 = arith.extui %sign3A_1459 : i1 to i32
          %sign3A_1461 = arith.constant 0 : i32
          %sign3A_1462 = arith.cmpi slt, %scan3A_1455, %sign3A_1461 : i32
          %sign3A_1463 = arith.extui %sign3A_1462 : i1 to i32
          %sign3A_1464 = arith.subi %sign3A_1460, %sign3A_1463 : i32
          %sign3A_1465 = arith.constant 0 : i32
          %sign3A_1466 = arith.cmpi sgt, %jit3A_1456, %sign3A_1465 : i32
          %sign3A_1467 = arith.extui %sign3A_1466 : i1 to i32
          %sign3A_1468 = arith.constant 0 : i32
          %sign3A_1469 = arith.cmpi slt, %jit3A_1456, %sign3A_1468 : i32
          %sign3A_1470 = arith.extui %sign3A_1469 : i1 to i32
          %sign3A_1471 = arith.subi %sign3A_1467, %sign3A_1470 : i32
          %ne3A_1472 = arith.cmpi ne, %sign3A_1464, %sign3A_1471 : i32
          %rem3A_1473 = arith.remsi %scan3A_1455, %jit3A_1456 : i32
          %ne3A_1474 = arith.constant 0 : i32
          %ne3A_1475 = arith.cmpi ne, %rem3A_1473, %ne3A_1474 : i32
          %and3A_1476 = arith.andi %ne3A_1472, %ne3A_1475 : i1
          %sub3A_1477 = arith.constant 1 : i32
          %sub3A_1478 = arith.subi %div3A_1457, %sub3A_1477 : i32
          %select_n3A_1479 = arith.select %and3A_1476, %sub3A_1478, %div3A_1457 : i32
          %mul3A_1480 = arith.constant 16 : i32
          %mul3A_1481 = arith.muli %select_n3A_1479, %mul3A_1480 : i32
          %multiple_of3A = tpu.assume_multiple %mul3A_1481, 16 : i32
          %get3A_1482 = arith.constant 3 : i32
          %get3A_1483 = arith.index_cast %get3A_1482 : i32 to index
          %get3A_1484 = arith.index_cast %multiple_of3A : i32 to index
          %get3A_1485 = tpu.vector_load %arg8[%get3A_1483, %get3A_1484] {strides = array<i32>} : memref<4x32xf32, #tpu.memory_space<vmem>>, vector<1x16xf32>,
          %get3A_1486 = vector.shape_cast %get3A_1485 : vector<1x16xf32> to vector<16xf32>
          %jit3A_1487 = arith.constant 16 : i32
          %eq3A_1488 = arith.constant 0 : i32
          %eq3A_1489 = arith.cmpi eq, %jit3A_1487, %eq3A_1488 : i32
          %jit3A_1490 = arith.constant 1 : i32
          %select_n3A_1491 = arith.select %eq3A_1489, %jit3A_1490, %jit3A_1487 : i32
          %rem3A_1492 = arith.remsi %scan3A_1455, %select_n3A_1491 : i32
          %ne3A_1493 = arith.constant 0 : i32
          %ne3A_1494 = arith.cmpi ne, %rem3A_1492, %ne3A_1493 : i32
          %lt3A_1495 = arith.constant 0 : i32
          %lt3A_1496 = arith.cmpi slt, %rem3A_1492, %lt3A_1495 : i32
          %lt3A_1497 = arith.constant 0 : i32
          %lt3A_1498 = arith.cmpi slt, %select_n3A_1491, %lt3A_1497 : i32
          %ne3A_1499 = arith.xori %lt3A_1496, %lt3A_1498 : i1
          %and3A_1500 = arith.andi %ne3A_1499, %ne3A_1494 : i1
          %add3A_1501 = arith.addi %rem3A_1492, %select_n3A_1491 : i32
          %select_n3A_1502 = arith.select %and3A_1500, %add3A_1501, %rem3A_1492 : i32
          %broadcast_in_dim3A_1503 = vector.broadcast %select_n3A_1502 : i32 to vector<16x1xi32>
          %gather3A_1504 = vector.shape_cast %broadcast_in_dim3A_1503 : vector<16x1xi32> to vector<16xi32>
          %gather3A_1505 = tpu.dynamic_gather %get3A_1486[%gather3A_1504] in [0] : vector<16xf32>, vector<16xi32> -> vector<16xf32>
          %sub3A_1506 = arith.constant 1.000000e+00 : f32
          %sub3A_1507 = vector.broadcast %sub3A_1506 : f32 to vector<16xf32>
          %sub3A_1508 = arith.subf %sub3A_1507, %gather3A_1505 : vector<16xf32>
          %scan3A_1509 = arith.constant 0 : i32
          %scan3A_1510 = arith.constant 0 : i32
          %scan3A_1511 = arith.constant 48 : i32
          %scan3A_1512 = arith.addi %scan3A_1510, %scan3A_1511 : i32
          %scan3A_1513 = arith.constant 1 : i32
          scf.for %scan3A_1515 = %scan3A_1510 to %scan3A_1512 step %scan3A_1513  : i32 {
            %mul3A_1516 = arith.constant 16 : i32
            %mul3A_1517 = arith.muli %scan3A_1515, %mul3A_1516 : i32
            %multiple_of3A_1518 = tpu.assume_multiple %mul3A_1517, 16 : i32
            %get3A_1519 = arith.constant 3 : i32
            %get3A_1520 = arith.index_cast %get3A_1519 : i32 to index
            %get3A_1521 = arith.index_cast %scan3A_1455 : i32 to index
            %get3A_1522 = arith.index_cast %multiple_of3A_1518 : i32 to index
            %get3A_1523 = tpu.vector_load %arg10[%get3A_1520, %get3A_1521, %get3A_1522] {strides = array<i32>} : memref<4x32x768xf32, #tpu.memory_space<vmem>>, vector<1x1x16xf32>,
            %get3A_1524 = vector.shape_cast %get3A_1523 : vector<1x1x16xf32> to vector<16xf32>
            %mul3A_1525 = arith.mulf %sub3A_1508, %get3A_1524 : vector<16xf32>
            %get3A_1526 = arith.index_cast %scan3A_1455 : i32 to index
            %get3A_1527 = arith.index_cast %multiple_of3A_1518 : i32 to index
            %get3A_1528 = tpu.vector_load %arg9[%get3A_1526, %get3A_1527] {strides = array<i32>} : memref<32x768xf32, #tpu.memory_space<vmem>>, vector<1x16xf32>,
            %get3A_1529 = vector.shape_cast %get3A_1528 : vector<1x16xf32> to vector<16xf32>
            %mul3A_1530 = arith.mulf %gather3A_1505, %get3A_1529 : vector<16xf32>
            %add3A_1531 = arith.addf %mul3A_1525, %mul3A_1530 : vector<16xf32>
            %swap3A_1532 = arith.constant 3 : i32
            %swap3A_1533 = arith.index_cast %swap3A_1532 : i32 to index
            %swap3A_1534 = arith.index_cast %scan3A_1455 : i32 to index
            %swap3A_1535 = arith.index_cast %multiple_of3A_1518 : i32 to index
            %swap3A_1536 = tpu.vector_load %arg10[%swap3A_1533, %swap3A_1534, %swap3A_1535] {strides = array<i32>} : memref<4x32x768xf32, #tpu.memory_space<vmem>>, vector<1x1x16xf32>,
            %swap3A_1537 = vector.shape_cast %swap3A_1536 : vector<1x1x16xf32> to vector<16xf32>
            %swap3A_1538 = vector.shape_cast %add3A_1531 : vector<16xf32> to vector<1x1x16xf32>
            tpu.vector_store %arg10[%swap3A_1533, %swap3A_1534, %swap3A_1535], %swap3A_1538 {strides = array<i32>} : memref<4x32x768xf32, #tpu.memory_space<vmem>>, vector<1x1x16xf32>,
          }
          %scan3A_1514 = arith.constant 48 : i32
        }
        %scan3A_1454 = arith.constant 32 : i32
      } else {
      }
      %add3A_1316 = arith.constant 2 : i32
      %add3A_1317 = arith.addi %mul3A_420, %add3A_1316 : i32
      %jit3A_1318 = arith.constant 4 : i32
      %eq3A_1319 = arith.constant 0 : i32
      %eq3A_1320 = arith.cmpi eq, %jit3A_1318, %eq3A_1319 : i32
      %jit3A_1321 = arith.constant 1 : i32
      %select_n3A_1322 = arith.select %eq3A_1320, %jit3A_1321, %jit3A_1318 : i32
      %rem3A_1323 = arith.remsi %add3A_1317, %select_n3A_1322 : i32
      %ne3A_1324 = arith.constant 0 : i32
      %ne3A_1325 = arith.cmpi ne, %rem3A_1323, %ne3A_1324 : i32
      %lt3A_1326 = arith.constant 0 : i32
      %lt3A_1327 = arith.cmpi slt, %rem3A_1323, %lt3A_1326 : i32
      %lt3A_1328 = arith.constant 0 : i32
      %lt3A_1329 = arith.cmpi slt, %select_n3A_1322, %lt3A_1328 : i32
      %ne3A_1330 = arith.xori %lt3A_1327, %lt3A_1329 : i1
      %and3A_1331 = arith.andi %ne3A_1330, %ne3A_1325 : i1
      %add3A_1332 = arith.addi %rem3A_1323, %select_n3A_1322 : i32
      %select_n3A_1333 = arith.select %and3A_1331, %add3A_1332, %rem3A_1323 : i32
      %mul3A_1334 = arith.constant 8192 : i32
      %mul3A_1335 = arith.muli %select_n3A_1333, %mul3A_1334 : i32
      %add3A_1336 = arith.addi %mul3A_1335, %mul3A_2 : i32
      %jit3A_1337 = arith.constant 4 : i32
      %div3A_1338 = arith.divsi %add3A_1317, %jit3A_1337 : i32
      %sign3A_1339 = arith.constant 0 : i32
      %sign3A_1340 = arith.cmpi sgt, %add3A_1317, %sign3A_1339 : i32
      %sign3A_1341 = arith.extui %sign3A_1340 : i1 to i32
      %sign3A_1342 = arith.constant 0 : i32
      %sign3A_1343 = arith.cmpi slt, %add3A_1317, %sign3A_1342 : i32
      %sign3A_1344 = arith.extui %sign3A_1343 : i1 to i32
      %sign3A_1345 = arith.subi %sign3A_1341, %sign3A_1344 : i32
      %sign3A_1346 = arith.constant 0 : i32
      %sign3A_1347 = arith.cmpi sgt, %jit3A_1337, %sign3A_1346 : i32
      %sign3A_1348 = arith.extui %sign3A_1347 : i1 to i32
      %sign3A_1349 = arith.constant 0 : i32
      %sign3A_1350 = arith.cmpi slt, %jit3A_1337, %sign3A_1349 : i32
      %sign3A_1351 = arith.extui %sign3A_1350 : i1 to i32
      %sign3A_1352 = arith.subi %sign3A_1348, %sign3A_1351 : i32
      %ne3A_1353 = arith.cmpi ne, %sign3A_1345, %sign3A_1352 : i32
      %rem3A_1354 = arith.remsi %add3A_1317, %jit3A_1337 : i32
      %ne3A_1355 = arith.constant 0 : i32
      %ne3A_1356 = arith.cmpi ne, %rem3A_1354, %ne3A_1355 : i32
      %and3A_1357 = arith.andi %ne3A_1353, %ne3A_1356 : i1
      %sub3A_1358 = arith.constant 1 : i32
      %sub3A_1359 = arith.subi %div3A_1338, %sub3A_1358 : i32
      %select_n3A_1360 = arith.select %and3A_1357, %sub3A_1359, %div3A_1338 : i32
      %mul3A_1361 = arith.constant 32 : i32
      %mul3A_1362 = arith.muli %select_n3A_1360, %mul3A_1361 : i32
      %add3A_1363 = arith.addi %add3A_1336, %mul3A_1362 : i32
      %dma_start3A_1364 = arith.constant 2 : i32
      %dma_start3A_1365 = arith.constant 2 : i32
      %dma_start3A_1366 = arith.constant 0 : i32
      %dma_start3A_1367 = arith.constant 0 : i32
      %dma_start3A_1368 = tpu.memref_slice %arg10[%dma_start3A_1364, %dma_start3A_1366, %dma_start3A_1367] : memref<4x32x768xf32, #tpu.memory_space<vmem>> -> memref<1x32x768xf32, #tpu.memory_space<vmem>>
      %dma_start3A_1369 = tpu.memref_squeeze %dma_start3A_1368 : memref<1x32x768xf32, #tpu.memory_space<vmem>> -> memref<32x768xf32, #tpu.memory_space<vmem>>
      %dma_start3A_1370 = arith.constant 0 : i32
      %dma_start3A_1371 = tpu.memref_slice %arg5[%add3A_1363, %dma_start3A_1370] : memref<32768x768xf32, #tpu.memory_space<hbm>> -> memref<32x768xf32, #tpu.memory_space<hbm>>
      %dma_start3A_1372 = tpu.memref_slice %arg13[%dma_start3A_1365] : memref<4x!tpu.dma_semaphore, #tpu.memory_space<semaphore_mem>> -> memref<1x!tpu.dma_semaphore, #tpu.memory_space<semaphore_mem>>
      %dma_start3A_1373 = tpu.memref_squeeze %dma_start3A_1372 : memref<1x!tpu.dma_semaphore, #tpu.memory_space<semaphore_mem>> -> memref<!tpu.dma_semaphore, #tpu.memory_space<semaphore_mem>>
      %dma_start3A_1374 = arith.constant 0 : i32
      %dma_start3A_1375 = tpu.memref_slice %arg5[%add3A_1363, %dma_start3A_1374] : memref<32768x768xf32, #tpu.memory_space<hbm>> -> memref<32x768xf32, #tpu.memory_space<hbm>>
      %dma_start3A_1376 = arith.constant 0 : i32
      %dma_start3A_1377 = arith.constant 0 : i32
      %dma_start3A_1378 = tpu.memref_slice %arg10[%dma_start3A_1364, %dma_start3A_1376, %dma_start3A_1377] : memref<4x32x768xf32, #tpu.memory_space<vmem>> -> memref<1x32x768xf32, #tpu.memory_space<vmem>>
      %dma_start3A_1379 = tpu.memref_squeeze %dma_start3A_1378 : memref<1x32x768xf32, #tpu.memory_space<vmem>> -> memref<32x768xf32, #tpu.memory_space<vmem>>
      tpu.enqueue_dma source(%dma_start3A_1379 : memref<32x768xf32, #tpu.memory_space<vmem>>) target(%dma_start3A_1375 : memref<32x768xf32, #tpu.memory_space<hbm>>) target_semaphore(%dma_start3A_1373 : memref<!tpu.dma_semaphore, #tpu.memory_space<semaphore_mem>>)
      %add3A_1380 = arith.constant 3 : i32
      %add3A_1381 = arith.addi %mul3A_420, %add3A_1380 : i32
      %jit3A_1382 = arith.constant 4 : i32
      %eq3A_1383 = arith.constant 0 : i32
      %eq3A_1384 = arith.cmpi eq, %jit3A_1382, %eq3A_1383 : i32
      %jit3A_1385 = arith.constant 1 : i32
      %select_n3A_1386 = arith.select %eq3A_1384, %jit3A_1385, %jit3A_1382 : i32
      %rem3A_1387 = arith.remsi %add3A_1381, %select_n3A_1386 : i32
      %ne3A_1388 = arith.constant 0 : i32
      %ne3A_1389 = arith.cmpi ne, %rem3A_1387, %ne3A_1388 : i32
      %lt3A_1390 = arith.constant 0 : i32
      %lt3A_1391 = arith.cmpi slt, %rem3A_1387, %lt3A_1390 : i32
      %lt3A_1392 = arith.constant 0 : i32
      %lt3A_1393 = arith.cmpi slt, %select_n3A_1386, %lt3A_1392 : i32
      %ne3A_1394 = arith.xori %lt3A_1391, %lt3A_1393 : i1
      %and3A_1395 = arith.andi %ne3A_1394, %ne3A_1389 : i1
      %add3A_1396 = arith.addi %rem3A_1387, %select_n3A_1386 : i32
      %select_n3A_1397 = arith.select %and3A_1395, %add3A_1396, %rem3A_1387 : i32
      %mul3A_1398 = arith.constant 8192 : i32
      %mul3A_1399 = arith.muli %select_n3A_1397, %mul3A_1398 : i32
      %add3A_1400 = arith.addi %mul3A_1399, %mul3A_2 : i32
      %jit3A_1401 = arith.constant 4 : i32
      %div3A_1402 = arith.divsi %add3A_1381, %jit3A_1401 : i32
      %sign3A_1403 = arith.constant 0 : i32
      %sign3A_1404 = arith.cmpi sgt, %add3A_1381, %sign3A_1403 : i32
      %sign3A_1405 = arith.extui %sign3A_1404 : i1 to i32
      %sign3A_1406 = arith.constant 0 : i32
      %sign3A_1407 = arith.cmpi slt, %add3A_1381, %sign3A_1406 : i32
      %sign3A_1408 = arith.extui %sign3A_1407 : i1 to i32
      %sign3A_1409 = arith.subi %sign3A_1405, %sign3A_1408 : i32
      %sign3A_1410 = arith.constant 0 : i32
      %sign3A_1411 = arith.cmpi sgt, %jit3A_1401, %sign3A_1410 : i32
      %sign3A_1412 = arith.extui %sign3A_1411 : i1 to i32
      %sign3A_1413 = arith.constant 0 : i32
      %sign3A_1414 = arith.cmpi slt, %jit3A_1401, %sign3A_1413 : i32
      %sign3A_1415 = arith.extui %sign3A_1414 : i1 to i32
      %sign3A_1416 = arith.subi %sign3A_1412, %sign3A_1415 : i32
      %ne3A_1417 = arith.cmpi ne, %sign3A_1409, %sign3A_1416 : i32
      %rem3A_1418 = arith.remsi %add3A_1381, %jit3A_1401 : i32
      %ne3A_1419 = arith.constant 0 : i32
      %ne3A_1420 = arith.cmpi ne, %rem3A_1418, %ne3A_1419 : i32
      %and3A_1421 = arith.andi %ne3A_1417, %ne3A_1420 : i1
      %sub3A_1422 = arith.constant 1 : i32
      %sub3A_1423 = arith.subi %div3A_1402, %sub3A_1422 : i32
      %select_n3A_1424 = arith.select %and3A_1421, %sub3A_1423, %div3A_1402 : i32
      %mul3A_1425 = arith.constant 32 : i32
      %mul3A_1426 = arith.muli %select_n3A_1424, %mul3A_1425 : i32
      %add3A_1427 = arith.addi %add3A_1400, %mul3A_1426 : i32
      %dma_start3A_1428 = arith.constant 3 : i32
      %dma_start3A_1429 = arith.constant 3 : i32
      %dma_start3A_1430 = arith.constant 0 : i32
      %dma_start3A_1431 = arith.constant 0 : i32
      %dma_start3A_1432 = tpu.memref_slice %arg10[%dma_start3A_1428, %dma_start3A_1430, %dma_start3A_1431] : memref<4x32x768xf32, #tpu.memory_space<vmem>> -> memref<1x32x768xf32, #tpu.memory_space<vmem>>
      %dma_start3A_1433 = tpu.memref_squeeze %dma_start3A_1432 : memref<1x32x768xf32, #tpu.memory_space<vmem>> -> memref<32x768xf32, #tpu.memory_space<vmem>>
      %dma_start3A_1434 = arith.constant 0 : i32
      %dma_start3A_1435 = tpu.memref_slice %arg5[%add3A_1427, %dma_start3A_1434] : memref<32768x768xf32, #tpu.memory_space<hbm>> -> memref<32x768xf32, #tpu.memory_space<hbm>>
      %dma_start3A_1436 = tpu.memref_slice %arg13[%dma_start3A_1429] : memref<4x!tpu.dma_semaphore, #tpu.memory_space<semaphore_mem>> -> memref<1x!tpu.dma_semaphore, #tpu.memory_space<semaphore_mem>>
      %dma_start3A_1437 = tpu.memref_squeeze %dma_start3A_1436 : memref<1x!tpu.dma_semaphore, #tpu.memory_space<semaphore_mem>> -> memref<!tpu.dma_semaphore, #tpu.memory_space<semaphore_mem>>
      %dma_start3A_1438 = arith.constant 0 : i32
      %dma_start3A_1439 = tpu.memref_slice %arg5[%add3A_1427, %dma_start3A_1438] : memref<32768x768xf32, #tpu.memory_space<hbm>> -> memref<32x768xf32, #tpu.memory_space<hbm>>
      %dma_start3A_1440 = arith.constant 0 : i32
      %dma_start3A_1441 = arith.constant 0 : i32
      %dma_start3A_1442 = tpu.memref_slice %arg10[%dma_start3A_1428, %dma_start3A_1440, %dma_start3A_1441] : memref<4x32x768xf32, #tpu.memory_space<vmem>> -> memref<1x32x768xf32, #tpu.memory_space<vmem>>
      %dma_start3A_1443 = tpu.memref_squeeze %dma_start3A_1442 : memref<1x32x768xf32, #tpu.memory_space<vmem>> -> memref<32x768xf32, #tpu.memory_space<vmem>>
      tpu.enqueue_dma source(%dma_start3A_1443 : memref<32x768xf32, #tpu.memory_space<vmem>>) target(%dma_start3A_1439 : memref<32x768xf32, #tpu.memory_space<hbm>>) target_semaphore(%dma_start3A_1437 : memref<!tpu.dma_semaphore, #tpu.memory_space<semaphore_mem>>)
      %lt3A_1444 = arith.constant 7 : i32
      %lt3A_1445 = arith.cmpi slt, %scan3A_416, %lt3A_1444 : i32
      %convert_element_type3A_1446 = arith.extui %lt3A_1445 : i1 to i32
      %cond3A_1447 = arith.constant 0 : i32
      %cond3A_1448 = arith.cmpi ne, %convert_element_type3A_1446, %cond3A_1447 : i32
      scf.if %cond3A_1448 {
        %add3A_1449 = arith.constant 1 : i32
        %add3A_1450 = arith.addi %scan3A_416, %add3A_1449 : i32
        %mul3A_1451 = arith.constant 32 : i32
        %mul3A_1452 = arith.muli %add3A_1450, %mul3A_1451 : i32
        %add3A_1453 = arith.addi %mul3A_2, %mul3A_1452 : i32
        %dma_start3A_1454 = arith.constant 0 : i32
        %dma_start3A_1455 = tpu.memref_slice %arg4[%add3A_1453, %dma_start3A_1454] : memref<8192x768xf32, #tpu.memory_space<hbm>> -> memref<32x768xf32, #tpu.memory_space<hbm>>
        %dma_start3A_1456 = arith.constant 0 : i32
        %dma_start3A_1457 = tpu.memref_slice %arg4[%add3A_1453, %dma_start3A_1456] : memref<8192x768xf32, #tpu.memory_space<hbm>> -> memref<32x768xf32, #tpu.memory_space<hbm>>
        tpu.enqueue_dma source(%dma_start3A_1457 : memref<32x768xf32, #tpu.memory_space<hbm>>) target(%arg9 : memref<32x768xf32, #tpu.memory_space<vmem>>) target_semaphore(%arg14 : memref<!tpu.dma_semaphore, #tpu.memory_space<semaphore_mem>>)
      } else {
      }
      scf.yield %squeeze3A_1104, %squeeze3A_1267 : i32, i32
    }
    %scan3A_343 = arith.constant 8 : i32
    %dma_wait3A_344 = arith.constant 0 : i32
    %dma_wait3A_345 = arith.constant 0 : i32
    %dma_wait3A_346 = arith.constant 0 : i32
    %dma_wait3A_347 = arith.constant 0 : i32
    %dma_wait3A_348 = tpu.memref_slice %arg10[%dma_wait3A_344, %dma_wait3A_346, %dma_wait3A_347] : memref<4x32x768xf32, #tpu.memory_space<vmem>> -> memref<1x32x768xf32, #tpu.memory_space<vmem>>
    %dma_wait3A_349 = tpu.memref_squeeze %dma_wait3A_348 : memref<1x32x768xf32, #tpu.memory_space<vmem>> -> memref<32x768xf32, #tpu.memory_space<vmem>>
    %dma_wait3A_350 = arith.constant 0 : i32
    %dma_wait3A_351 = arith.constant 0 : i32
    %dma_wait3A_352 = tpu.memref_slice %arg5[%dma_wait3A_350, %dma_wait3A_351] : memref<32768x768xf32, #tpu.memory_space<hbm>> -> memref<32x768xf32, #tpu.memory_space<hbm>>
    %dma_wait3A_353 = tpu.memref_slice %arg13[%dma_wait3A_345] : memref<4x!tpu.dma_semaphore, #tpu.memory_space<semaphore_mem>> -> memref<1x!tpu.dma_semaphore, #tpu.memory_space<semaphore_mem>>
    %dma_wait3A_354 = tpu.memref_squeeze %dma_wait3A_353 : memref<1x!tpu.dma_semaphore, #tpu.memory_space<semaphore_mem>> -> memref<!tpu.dma_semaphore, #tpu.memory_space<semaphore_mem>>
    %dma_wait3A_355 = arith.constant 0 : i32
    %dma_wait3A_356 = arith.constant 0 : i32
    %dma_wait3A_357 = tpu.memref_slice %arg5[%dma_wait3A_355, %dma_wait3A_356] : memref<32768x768xf32, #tpu.memory_space<hbm>> -> memref<32x768xf32, #tpu.memory_space<hbm>>
    %dma_wait3A_358 = arith.constant 0 : i32
    %dma_wait3A_359 = arith.constant 0 : i32
    %dma_wait3A_360 = tpu.memref_slice %arg10[%dma_wait3A_344, %dma_wait3A_358, %dma_wait3A_359] : memref<4x32x768xf32, #tpu.memory_space<vmem>> -> memref<1x32x768xf32, #tpu.memory_space<vmem>>
    %dma_wait3A_361 = tpu.memref_squeeze %dma_wait3A_360 : memref<1x32x768xf32, #tpu.memory_space<vmem>> -> memref<32x768xf32, #tpu.memory_space<vmem>>
    tpu.wait_dma2 semaphore(%dma_wait3A_354 : memref<!tpu.dma_semaphore, #tpu.memory_space<semaphore_mem>>) src(%dma_wait3A_361 : memref<32x768xf32, #tpu.memory_space<vmem>>) dst(%dma_wait3A_357 : memref<32x768xf32, #tpu.memory_space<hbm>>)
    %dma_wait3A_362 = arith.constant 1 : i32
    %dma_wait3A_363 = arith.constant 1 : i32
    %dma_wait3A_364 = arith.constant 0 : i32
    %dma_wait3A_365 = arith.constant 0 : i32
    %dma_wait3A_366 = tpu.memref_slice %arg10[%dma_wait3A_362, %dma_wait3A_364, %dma_wait3A_365] : memref<4x32x768xf32, #tpu.memory_space<vmem>> -> memref<1x32x768xf32, #tpu.memory_space<vmem>>
    %dma_wait3A_367 = tpu.memref_squeeze %dma_wait3A_366 : memref<1x32x768xf32, #tpu.memory_space<vmem>> -> memref<32x768xf32, #tpu.memory_space<vmem>>
    %dma_wait3A_368 = arith.constant 0 : i32
    %dma_wait3A_369 = arith.constant 0 : i32
    %dma_wait3A_370 = tpu.memref_slice %arg5[%dma_wait3A_368, %dma_wait3A_369] : memref<32768x768xf32, #tpu.memory_space<hbm>> -> memref<32x768xf32, #tpu.memory_space<hbm>>
    %dma_wait3A_371 = tpu.memref_slice %arg13[%dma_wait3A_363] : memref<4x!tpu.dma_semaphore, #tpu.memory_space<semaphore_mem>> -> memref<1x!tpu.dma_semaphore, #tpu.memory_space<semaphore_mem>>
    %dma_wait3A_372 = tpu.memref_squeeze %dma_wait3A_371 : memref<1x!tpu.dma_semaphore, #tpu.memory_space<semaphore_mem>> -> memref<!tpu.dma_semaphore, #tpu.memory_space<semaphore_mem>>
    %dma_wait3A_373 = arith.constant 0 : i32
    %dma_wait3A_374 = arith.constant 0 : i32
    %dma_wait3A_375 = tpu.memref_slice %arg5[%dma_wait3A_373, %dma_wait3A_374] : memref<32768x768xf32, #tpu.memory_space<hbm>> -> memref<32x768xf32, #tpu.memory_space<hbm>>
    %dma_wait3A_376 = arith.constant 0 : i32
    %dma_wait3A_377 = arith.constant 0 : i32
    %dma_wait3A_378 = tpu.memref_slice %arg10[%dma_wait3A_362, %dma_wait3A_376, %dma_wait3A_377] : memref<4x32x768xf32, #tpu.memory_space<vmem>> -> memref<1x32x768xf32, #tpu.memory_space<vmem>>
    %dma_wait3A_379 = tpu.memref_squeeze %dma_wait3A_378 : memref<1x32x768xf32, #tpu.memory_space<vmem>> -> memref<32x768xf32, #tpu.memory_space<vmem>>
    tpu.wait_dma2 semaphore(%dma_wait3A_372 : memref<!tpu.dma_semaphore, #tpu.memory_space<semaphore_mem>>) src(%dma_wait3A_379 : memref<32x768xf32, #tpu.memory_space<vmem>>) dst(%dma_wait3A_375 : memref<32x768xf32, #tpu.memory_space<hbm>>)
    %dma_wait3A_380 = arith.constant 2 : i32
    %dma_wait3A_381 = arith.constant 2 : i32
    %dma_wait3A_382 = arith.constant 0 : i32
    %dma_wait3A_383 = arith.constant 0 : i32
    %dma_wait3A_384 = tpu.memref_slice %arg10[%dma_wait3A_380, %dma_wait3A_382, %dma_wait3A_383] : memref<4x32x768xf32, #tpu.memory_space<vmem>> -> memref<1x32x768xf32, #tpu.memory_space<vmem>>
    %dma_wait3A_385 = tpu.memref_squeeze %dma_wait3A_384 : memref<1x32x768xf32, #tpu.memory_space<vmem>> -> memref<32x768xf32, #tpu.memory_space<vmem>>
    %dma_wait3A_386 = arith.constant 0 : i32
    %dma_wait3A_387 = arith.constant 0 : i32
    %dma_wait3A_388 = tpu.memref_slice %arg5[%dma_wait3A_386, %dma_wait3A_387] : memref<32768x768xf32, #tpu.memory_space<hbm>> -> memref<32x768xf32, #tpu.memory_space<hbm>>
    %dma_wait3A_389 = tpu.memref_slice %arg13[%dma_wait3A_381] : memref<4x!tpu.dma_semaphore, #tpu.memory_space<semaphore_mem>> -> memref<1x!tpu.dma_semaphore, #tpu.memory_space<semaphore_mem>>
    %dma_wait3A_390 = tpu.memref_squeeze %dma_wait3A_389 : memref<1x!tpu.dma_semaphore, #tpu.memory_space<semaphore_mem>> -> memref<!tpu.dma_semaphore, #tpu.memory_space<semaphore_mem>>
    %dma_wait3A_391 = arith.constant 0 : i32
    %dma_wait3A_392 = arith.constant 0 : i32
    %dma_wait3A_393 = tpu.memref_slice %arg5[%dma_wait3A_391, %dma_wait3A_392] : memref<32768x768xf32, #tpu.memory_space<hbm>> -> memref<32x768xf32, #tpu.memory_space<hbm>>
    %dma_wait3A_394 = arith.constant 0 : i32
    %dma_wait3A_395 = arith.constant 0 : i32
    %dma_wait3A_396 = tpu.memref_slice %arg10[%dma_wait3A_380, %dma_wait3A_394, %dma_wait3A_395] : memref<4x32x768xf32, #tpu.memory_space<vmem>> -> memref<1x32x768xf32, #tpu.memory_space<vmem>>
    %dma_wait3A_397 = tpu.memref_squeeze %dma_wait3A_396 : memref<1x32x768xf32, #tpu.memory_space<vmem>> -> memref<32x768xf32, #tpu.memory_space<vmem>>
    tpu.wait_dma2 semaphore(%dma_wait3A_390 : memref<!tpu.dma_semaphore, #tpu.memory_space<semaphore_mem>>) src(%dma_wait3A_397 : memref<32x768xf32, #tpu.memory_space<vmem>>) dst(%dma_wait3A_393 : memref<32x768xf32, #tpu.memory_space<hbm>>)
    %dma_wait3A_398 = arith.constant 3 : i32
    %dma_wait3A_399 = arith.constant 3 : i32
    %dma_wait3A_400 = arith.constant 0 : i32
    %dma_wait3A_401 = arith.constant 0 : i32
    %dma_wait3A_402 = tpu.memref_slice %arg10[%dma_wait3A_398, %dma_wait3A_400, %dma_wait3A_401] : memref<4x32x768xf32, #tpu.memory_space<vmem>> -> memref<1x32x768xf32, #tpu.memory_space<vmem>>
    %dma_wait3A_403 = tpu.memref_squeeze %dma_wait3A_402 : memref<1x32x768xf32, #tpu.memory_space<vmem>> -> memref<32x768xf32, #tpu.memory_space<vmem>>
    %dma_wait3A_404 = arith.constant 0 : i32
    %dma_wait3A_405 = arith.constant 0 : i32
    %dma_wait3A_406 = tpu.memref_slice %arg5[%dma_wait3A_404, %dma_wait3A_405] : memref<32768x768xf32, #tpu.memory_space<hbm>> -> memref<32x768xf32, #tpu.memory_space<hbm>>
    %dma_wait3A_407 = tpu.memref_slice %arg13[%dma_wait3A_399] : memref<4x!tpu.dma_semaphore, #tpu.memory_space<semaphore_mem>> -> memref<1x!tpu.dma_semaphore, #tpu.memory_space<semaphore_mem>>
    %dma_wait3A_408 = tpu.memref_squeeze %dma_wait3A_407 : memref<1x!tpu.dma_semaphore, #tpu.memory_space<semaphore_mem>> -> memref<!tpu.dma_semaphore, #tpu.memory_space<semaphore_mem>>
    %dma_wait3A_409 = arith.constant 0 : i32
    %dma_wait3A_410 = arith.constant 0 : i32
    %dma_wait3A_411 = tpu.memref_slice %arg5[%dma_wait3A_409, %dma_wait3A_410] : memref<32768x768xf32, #tpu.memory_space<hbm>> -> memref<32x768xf32, #tpu.memory_space<hbm>>
    %dma_wait3A_412 = arith.constant 0 : i32
    %dma_wait3A_413 = arith.constant 0 : i32
    %dma_wait3A_414 = tpu.memref_slice %arg10[%dma_wait3A_398, %dma_wait3A_412, %dma_wait3A_413] : memref<4x32x768xf32, #tpu.memory_space<vmem>> -> memref<1x32x768xf32, #tpu.memory_space<vmem>>
    %dma_wait3A_415 = tpu.memref_squeeze %dma_wait3A_414 : memref<1x32x768xf32, #tpu.memory_space<vmem>> -> memref<32x768xf32, #tpu.memory_space<vmem>>
    tpu.wait_dma2 semaphore(%dma_wait3A_408 : memref<!tpu.dma_semaphore, #tpu.memory_space<semaphore_mem>>) src(%dma_wait3A_415 : memref<32x768xf32, #tpu.memory_space<vmem>>) dst(%dma_wait3A_411 : memref<32x768xf32, #tpu.memory_space<hbm>>)
    return
  }
}

</mosaic_0001>

<sc_bundles>
// kernel: kernel.3.cloned.1.call-start
scs
__scs_entry_jumppad:
0x0: {  	(pc) =	sbr.rel $0x88, $3  }
0x1: {  	(tag) =	ssettag $0x0;
	lr =	simm.s32 $0x1  }
0x2: {  	[smem:$0x3F9E] =	sst lr;
	_ =	strace $0xD0000000  }
0x3: {  	_ = 	snop  }
0x4: {  	_ = 	snop  }
0x5: {  	_ = 	snop  }
0x6: {  	_ = 	snop  }
0x7: {  	_ = 	snop  }
__scs_overlays_trampoline_lowered:
0x8: {  	[smem:$0x3FAD] =	sst s0  }
0x9: {  	[smem:$0x3FAE] =	sst s1  }
0xa: {  	[smem:$0x3FAF] =	sst s2  }
0xb: {  	[smem:$0x3FB0] =	sst s3  }
0xc: {  	[smem:$0x3FB1] =	sst s4  }
0xd: {  	[smem:$0x3FB2] =	sst s5  }
0xe: {  	[smem:$0x3FB3] =	sst s6  }
0xf: {  	[smem:$0x3FB4] =	sst s7  }
0x10: {  	[smem:$0x3FB5] =	sst s8  }
0x11: {  	[smem:$0x3FB6] =	sst s9;
	s0 =	simm.s32 @!p0 $0x0  }
0x12: {  	s1 =	sld [smem:$0x3F9C];
	s0 =	simm.s32 @p0 $0x1  }
0x13: {  	[smem:$0x3FB7] =	sst s0;
	s0 =	simm.s32 @!p1 $0x0  }
0x14: {  	s2 =	sld [smem:$0x3F9B];
	s0 =	simm.s32 @p1 $0x1  }
0x15: {  	[smem:$0x3FB8] =	sst s0;
	s0 =	simm.s32 @!p2 $0x0  }
0x16: {  	s3 =	sld [smem:$0x3FDB];
	s0 =	simm.s32 @p2 $0x1  }
0x17: {  	s4 =	simm.s32 $0x1BF5;
	[smem:$0x3FBA] =	sst s0  }
0x18: {  	s0 =	sld [smem:$0x3F9D];
	_ =	swait.ge [sflag:s4], $0x0  }
0x19: {  	s7 =	sld [smem:$0x3F9E]  }
0x1a: {  	s8 =	sadd.s32 $0xFFFFE003, lr  }
0x1b: {  	s9 =	sadd.s32 $0xFFFFFEF7, lr;
	s5 =	simm.s32 $0xFFFFFFFF;
	p2 =	slt.u32 s8, $0xFFFFF086  }
0x1c: {  	p1 =	slt.u32 s9, $0xF7A;
	s5 =	simm.s32 @!p2 $0x0  }
0x1d: {  	s5 =	simm.s32 @p1 $0x1;
	p0 =	seq.s32 s7, s2  }
0x1e: {  	s7 =	smul.u32 @!p0 $0xF7A, s2;
	p2 =	seq.s32 @!p0 s5, $0x0  }
0x1f: {  	s9 =	smul.u32 $0xF7A, s1;
	s8 =	simm.s32 @!p0 $0x1BF5;
	p2 =	por !p2, p0  }
0x20: {  	[sflag:s8] =	ssyncset.s32 @!p0 $0xFFFFF086;
	s6 =	sadd.s32 @!p0 s3, s7;
	s7 =	simm.s32 @!p0 $0x108  }
0x21: {  	s3 =	sadd.s32 s3, s9;
	s6 =	sadd.s32 @!p0 $0x88, s6;
	s7 =	simm.s32 @p2 $0x1082  }
0x22: {  	[simem:s7], [sflag:s8] =	dma.local @!p0 [hbm:s6], $0xF7A  }
0x23: {  	s9 =	sor.u32 $0xD0000000, s2;
	s6 =	simm.s32 $0x108;
	_ =	swait.ge @!p0 [sflag:s8], $0x0  }
0x24: {  	s3 =	sadd.s32 $0x88, s3;
	s6 =	simm.s32 @!p1 $0x1082;
	[sflag:s4] =	ssyncset.s32 $0xFFFFF086  }
0x25: {  	[simem:s6], [sflag:s4] =	dma.local [hbm:s3], $0xF7A  }
0x26: {  	[smem:$0x3F9E] =	sst s1;
	(tag) =	ssettag s2;
	_ =	strace s9  }
0x27: {  	s1 =	sld [smem:$0x3FAE]  }
0x28: {  	s2 =	sld [smem:$0x3FAF]  }
0x29: {  	s4 =	sld [smem:$0x3FB1]  }
0x2a: {  	p0 =	seq.s32 s5, $0x0;
	s5 =	sld [smem:$0x3FB2]  }
0x2b: {  	s6 =	sld [smem:$0x3FB3]  }
0x2c: {  	s7 =	sld [smem:$0x3FB4]  }
0x2d: {  	s3 =	simm.s32 $0x108;
	s8 =	sld [smem:$0x3FB5]  }
0x2e: {  	s3 =	simm.s32 @!p0 $0x1082;
	s9 =	sld [smem:$0x3FB6]  }
0x2f: {  	lr =	sadd.s32 s0, s3;
	s0 =	sld [smem:$0x3FAD]  }
0x30: {  	s3 =	sld [smem:$0x3FB0]  }
0x31: {  	[smem:$0x3FB9] =	sst s10  }
0x32: {  	s10 =	sld [smem:$0x3FB7];
	_ =	sdelay $0x3  }
0x33: {  	p0 =	seq.s32 s10, $0x1;
	s10 =	sld [smem:$0x3FB9];
	_ =	sdelay $0x3  }
0x34: {  	[smem:$0x3FB9] =	sst s10  }
0x35: {  	s10 =	sld [smem:$0x3FB8];
	_ =	sdelay $0x3  }
0x36: {  	p1 =	seq.s32 s10, $0x1;
	s10 =	sld [smem:$0x3FB9];
	_ =	sdelay $0x3  }
0x37: {  	[smem:$0x3FB9] =	sst s10  }
0x38: {  	s10 =	sld [smem:$0x3FBA]  }
0x39: {  	_ = 	snop;
	(pc) =	sbr.ind lr, $3  }
0x3a: {  	_ = 	snop  }
0x3b: {  	_ = 	snop  }
0x3c: {  	p2 =	seq.s32 s10, $0x1;
	s10 =	sld [smem:$0x3FB9]  }
0x3d: {  	_ =	shalt  }
0x3e: {  	_ =	shalt  }
0x3f: {  	_ =	shalt  }
0x40: {  	_ =	shalt  }
0x41: {  	_ =	shalt  }
0x42: {  	_ =	shalt  }
0x43: {  	_ =	shalt  }
0x44: {  	_ =	shalt  }
0x45: {  	_ =	shalt  }
0x46: {  	_ =	shalt  }
0x47: {  	_ =	shalt  }
0x48: {  	_ =	shalt  }
0x49: {  	_ =	shalt  }
0x4a: {  	_ =	shalt  }
0x4b: {  	_ =	shalt  }
0x4c: {  	_ =	shalt  }
0x4d: {  	_ =	shalt  }
0x4e: {  	_ =	shalt  }
0x4f: {  	_ =	shalt  }
0x50: {  	_ =	shalt  }
0x51: {  	_ =	shalt  }
0x52: {  	_ =	shalt  }
0x53: {  	_ =	shalt  }
0x54: {  	_ =	shalt  }
0x55: {  	_ =	shalt  }
0x56: {  	_ =	shalt  }
0x57: {  	_ =	shalt  }
0x58: {  	_ =	shalt  }
0x59: {  	_ =	shalt  }
0x5a: {  	_ =	shalt  }
0x5b: {  	_ =	shalt  }
0x5c: {  	_ =	shalt  }
0x5d: {  	_ =	shalt  }
0x5e: {  	_ =	shalt  }
0x5f: {  	_ =	shalt  }
0x60: {  	_ =	shalt  }
0x61: {  	_ =	shalt  }
0x62: {  	_ =	shalt  }
0x63: {  	_ =	shalt  }
0x64: {  	_ =	shalt  }
0x65: {  	_ =	shalt  }
0x66: {  	_ =	shalt  }
0x67: {  	_ =	shalt  }
0x68: {  	_ =	shalt  }
0x69: {  	_ =	shalt  }
0x6a: {  	_ =	shalt  }
0x6b: {  	_ =	shalt  }
0x6c: {  	_ =	shalt  }
0x6d: {  	_ =	shalt  }
0x6e: {  	_ =	shalt  }
0x6f: {  	_ =	shalt  }
0x70: {  	_ =	shalt  }
0x71: {  	_ =	shalt  }
0x72: {  	_ =	shalt  }
0x73: {  	_ =	shalt  }
0x74: {  	_ =	shalt  }
0x75: {  	_ =	shalt  }
0x76: {  	_ =	shalt  }
0x77: {  	_ =	shalt  }
0x78: {  	_ =	shalt  }
0x79: {  	_ =	shalt  }
0x7a: {  	_ =	shalt  }
0x7b: {  	_ =	shalt  }
0x7c: {  	_ =	shalt  }
0x7d: {  	_ =	shalt  }
0x7e: {  	_ =	shalt  }
0x7f: {  	_ =	shalt  }
0x80: {  	_ =	shalt  }
0x81: {  	_ =	shalt  }
0x82: {  	_ =	shalt  }
0x83: {  	_ =	shalt  }
0x84: {  	_ =	shalt  }
0x85: {  	_ =	shalt  }
0x86: {  	_ =	shalt  }
0x87: {  	_ =	shalt  }
.Lfunc_end0:
.L_simem_size_0:
called_computation_lowered:
.L_overlay_start_0:
0x88: {  	s2 =	sld [smem:$0x3FD9]  }
0x89: {  	s3 =	sld [smem:$0x3FFE];
	_ =	sdelay $0x1  }
0x8a: {  	s1 =	srdreg.scid  }
0x8b: {  	s0 =	sand.u32 $0x1, s1  }
0x8c: {  	s17 =	sshll.u32 s0, $0xA;
	s2 =	sadd.s32 s3, s2  }
0x8d: {  	s2 =	sadd.s32 s2, s17  }
0x8e: {  	[smem:$0x3FC5] =	sst s2  }
0x8f: {  	_ = 	snop  }
0x90: {  	s2 =	sld [smem:$0x3FC8]  }
0x91: {  	s18 =	sld [smem:$0x3FC7]  }
0x92: {  	s4 =	sld [smem:$0x3FD0];
	(tm) =	ssettm $0x1  }
0x93: {  	s5 =	sld [smem:$0x3FFB];
	_ =	sdelay $0x3  }
0x94: {  	_ =	strace s5  }
0x95: {  	s5 =	sld [smem:$0x3FFC];
	_ =	sdelay $0x3  }
0x96: {  	_ =	strace s5  }
0x97: {  	s5 =	sld [smem:$0x3FFD];
	_ =	sdelay $0x3  }
0x98: {  	_ =	strace s5  }
0x99: {  	_ =	strace $0x8FFFFFFF  }
0x9a: {  	s19 =	sld [smem:$0x3FDB];
	_ =	sdelay $0x1  }
0x9b: {  	s6 =	simm.s32 $_scs_section_size  }
0x9c: {  	s7 =	simm.s32 $_size__tile_overlayer_lowered;
	s8 =	simm.s32 $_tile_overlayer_lowered  }
0x9d: {  	s22 =	simm.s32 $0x1BFF;
	s21 =	sshll.u32 s8, $0x1;
	s5 =	sadd.s32 s6, s19  }
0x9e: {  	s9 =	simm.s32 $0x0;
	s20 =	sshll.u32 s7, $0x1;
	s7 =	sadd.s32 s21, s5  }
0x9f: {  	[timem:s9], [sflag:s22] =	dma.local [hbm:s7], s20  }
0xa0: {  	_ =	swait.ge [sflag:s22], s20  }
0xa1: {  	s6 =	ssub.s32 $0x0, s20;
	[sflag:s22] =	ssyncset.done $0x0  }
0xa2: {  	[sflag:s22] =	ssyncadd.s32 s6;
	_ =	sdelay $0x1  }
0xa3: {  	s23 =	simm.s32 $0x1B8B  }
0xa4: {  	_ =	swait.ge [sflag:s23], $0x1  }
0xa5: {  	[sflag:s23] =	ssyncset.done $0x0  }
0xa6: {  	s25 =	simm.s32 $0x1B8E;
	s24 =	sld [smem:$0x3FFE];
	[sflag:s23] =	ssyncadd.s32 $0xFFFFFFFF  }
0xa7: {  	s26 =	simm.s32 $execute0_lowered;
	[smem:$0x3FD2] =	sst s25  }
0xa8: {  	s7 =	sshll.u32 s26, $0x1;
	_ =	strace $0x80000046;
	[dreg:$0x1] =	wrdreg $0xFFFFFFFF  }
0xa9: {  	s28 =	simm.s32 $_size_execute0_lowered;
	s5 =	sadd.s32 s5, s7;
	[dreg:$0x0] =	wrdreg $0x0  }
0xaa: {  	s7 =	sshll.u32 s28, $0x1;
	[dreg:$0x2] =	wrdreg s5  }
0xab: {  	[dreg:$0x3] =	wrdreg s7  }
0xac: {  	[dreg:$0x4] =	wrdreg $0xC0  }
0xad: {  	_ =	task [dreg:s9], $0x5FFFF  }
0xae: {  	[dreg:$0x1] =	wrdreg $0xFFFFFFFF  }
0xaf: {  	[dreg:$0x0] =	wrdreg $0x60  }
0xb0: {  	[dreg:$0x2] =	wrdreg s24  }
0xb1: {  	[dreg:$0x3] =	wrdreg s2  }
0xb2: {  	[dreg:$0x4] =	wrdreg s18  }
0xb3: {  	[dreg:$0x5] =	wrdreg s4  }
0xb4: {  	[dreg:$0x6] =	wrdreg $0x9  }
0xb5: {  	_ =	task.clear_ibuf [dreg:s9], $0x7FFFF;
	_ =	strace $0x90000046  }
0xb6: {  	s29 =	simm.s32 $0x9;
	_ =	strace $0x80000048  }
0xb7: {  	_ =	swait.ge [sflag:s29], $0x1  }
0xb8: {  	[sflag:s29] =	ssyncadd.s32 $0xFFFFFFFF  }
0xb9: {  	_ =	strace $0x90000048  }
0xba: {  	_ =	sfence  }
0xbb: {  	s30 =	sld [smem:$0x0];
	_ =	sdelay $0x2  }
0xbc: {  	s31 =	sshll.u32 s1, $0xD;
	s1 =	sshrl.u32 s1, $0x2  }
0xbd: {  	s3 =	sand.u32 $0x4000, s31;
	s1 =	sadd.s32 s1, s30  }
0xbe: {  	s0 =	sor.u32 s3, s0;
	s1 =	sshll.u32 s1, $0x11  }
0xbf: {  	s0 =	sor.u32 s1, s0  }
0xc0: {  	s0 =	sadd.s32 $0x8F2B, s0  }
0xc1: {  	[sflag:s0] =	ssyncadd.remote.s32 $0x1  }
0xc2: {  	_ =	sfence.sel $0xFFFF  }
0xc3: {  	[dreg:$0x0] =	wrdreg $0xFFFFFFFF;
	(pc) =	sbr.abs _section_cstart, $3  }
0xc4: {  	[dreg:$0x1] =	wrdreg $0xFFFFFFFF  }
0xc5: {  	_ =	task.clear_ibuf [dreg:s9], $0x2FFFF;
	_ =	strace $0x9FFFFFFF  }
0xc6: {  	(tm) =	ssettm $0x7FFFFFFF  }
0xc7: {  	_ =	shalt  }
tec
execute0_lowered:
.L_overlay_start_1:
0x0: {  	(tag) =	ssettag $0x1  }
0x1: {  	s0 =	rddreg [dreg:$0x0]  }
0x2: {  	s4 =	rddreg [dreg:$0x1]  }
0x3: {  	s5 =	rddreg [dreg:$0x2]  }
0x4: {  	s6 =	rddreg [dreg:$0x3];
	s1 =	srdreg.scid  }
0x5: {  	s2 =	stileid.u32;
	s12 =	simm.s32 $0x0;
	s1 =	sand.u32 $0x1, s1  }
0x6: {  	s2 =	sshll.u32 s2, $0x9;
	[smem:$0x7FF] =	sst s12;
	s22 =	sadd.s32 $0x100, s4  }
0x7: {  	s23 =	sadd.s32 $0x200, s4;
	_ =	strace $0x80000047;
	[dreg:$0xd] =	wrdreg s22  }
0x8: {  	s24 =	sadd.s32 $0xC0000, s6;
	s25 =	sadd.s32 $0x180000, s6;
	[dreg:$0xe] =	wrdreg s23  }
0x9: {  	s26 =	sadd.s32 $0x240000, s6;
	s3 =	sshll.u32 s1, $0x8;
	[dreg:$0xf] =	wrdreg s24  }
0xa: {  	v1 =	vimm.s32 $0x76543210;
	s1 =	ssub.s32 $0x2, s1;
	[dreg:$0x10] =	wrdreg s25;
	s7 =	sor.u32 s3, s2  }
0xb: {  	v0 =	vimm.s32 $0xFEDCBA98;
	v3 =	vimm.s32 $0x3210FEDC;
	v4 =	vimm.s32 $0xBA987654;
	[dreg:$0x11] =	wrdreg s26;
	s17 =	sshrl.u32 s1, $0x1;
	s2 =	sshrl.u32 s7, $0x3  }
0xc: {  	v5 =	vimm.s32 $0x10FEDCBA;
	v6 =	vimm.s32 $0x98765432;
	v7 =	vimm.s32 $0xFEDCBA9;
	s1 =	ssub.s32 s1, s17;
	[dreg:$0x7] =	wrdreg s7;
	s28 =	sor.u32 $0x20, s7  }
0xd: {  	v8 =	vimm.s32 $0x87654321;
	vm0 =	vmmov $0xffff;
	v2 =	vunpack.c.l.s4.s8 v0;
	s0 =	sadd.s32 s2, s0;
	[dreg:$0x12] =	wrdreg s28;
	s1 =	smax.u32 s1, $0x1  }
0xe: {  	v0 =	vimm.f32 $0.0e+00;
	v1 =	vunpack.c.l.s4.s8 v1;
	v3 =	vunpack.c.l.s4.s8 v3;
	s18 =	sadd.s32 $0x400, s0;
	[dreg:$0x13] =	wrdreg s1  }
0xf: {  	v4 =	vunpack.c.l.s4.s8 v4;
	v5 =	vunpack.c.l.s4.s8 v5;
	v6 =	vunpack.c.l.s4.s8 v6;
	s19 =	sadd.s32 $0x800, s0;
	[dreg:$0x8] =	wrdreg s18  }
0x10: {  	v7 =	vunpack.c.l.s4.s8 v7;
	v8 =	vunpack.c.l.s4.s8 v8;
	v2 =	vunpack.c.0.s8.s32 v2;
	s20 =	sadd.s32 $0xC00, s0;
	[dreg:$0x9] =	wrdreg s19  }
0x11: {  	v3 =	vunpack.c.0.s8.s32 v3;
	v4 =	vunpack.c.0.s8.s32 v4;
	v5 =	vunpack.c.0.s8.s32 v5;
	s21 =	sadd.s32 $0x1000, s0;
	[dreg:$0xa] =	wrdreg s20  }
0x12: {  	v6 =	vunpack.c.0.s8.s32 v6;
	v7 =	vunpack.c.0.s8.s32 v7;
	v8 =	vunpack.c.0.s8.s32 v8;
	s29 =	sadd.s32 $0x410, s0;
	[dreg:$0xb] =	wrdreg s21  }
.Ltmp0:
0x13: {  	v9 =	vunpack.c.0.s8.s32 v1;
	v2 =	vand.u32 $0xF, v2;
	v3 =	vcombine.low v4, v3;
	s30 =	sadd.s32 $0x810, s0;
	[dreg:$0x14] =	wrdreg s29;
	(pc) =	sbr.rel .LBB2_1-.Ltmp0, $4  }
0x14: {  	s2 =	smul.u32 $0x300, s2;
	v4 =	vcombine.low v6, v5;
	v5 =	vcombine.low v8, v7;
	v8 =	vlaneseq.u32;
	s31 =	sadd.s32 $0xC10, s0;
	[dreg:$0x15] =	wrdreg s30  }
0x15: {  	v1 =	vimm.s32 $0x0;
	s0 =	sadd.s32 $0x1010, s0;
	v2 =	vcombine.low v2, v9;
	v6 =	vand.u32 $0x7, v8;
	[dreg:$0x16] =	wrdreg s31  }
0x16: {  	s4 =	simm.s32 $0x12800;
	v7 =	vshrl.u32 v8, $0x3;
	v8 =	vor.u32 $0x8, v8;
	s2 =	sadd.s32 s5, s2;
	[dreg:$0x17] =	wrdreg s0;
	v3 =	vand.u32 $0xF, v3  }
0x17: {  	s5 =	simm.s32 $0x18800;
	v4 =	vand.u32 $0xF, v4;
	v5 =	vand.u32 $0xF, v5;
	v7 =	vmul.u32 $0x8, v7;
	[dreg:$0xc] =	wrdreg s2;
	s2 =	simm.s32 $0x0  }
.LBB2_26:
0x18: {  	s0 =	simm.s32 $0x6  }
0x19: {  	_ =	swait.ge [sflag:s0], $0x6000  }
0x1a: {  	[sflag:s0] =	ssyncset.done $0x0  }
0x1b: {  	s29 =	simm.s32 $0x7;
	[sflag:s0] =	ssyncadd.s32 $0xFFFFA000  }
0x1c: {  	_ =	swait.ge [sflag:s29], $0x6000  }
0x1d: {  	[sflag:s29] =	ssyncset.done $0x0  }
0x1e: {  	s30 =	simm.s32 $0x8;
	[sflag:s29] =	ssyncadd.s32 $0xFFFFA000  }
0x1f: {  	_ =	swait.ge [sflag:s30], $0x6000  }
0x20: {  	[sflag:s30] =	ssyncset.done $0x0  }
0x21: {  	s1 =	simm.s32 $0x9;
	[sflag:s30] =	ssyncadd.s32 $0xFFFFA000  }
0x22: {  	_ =	swait.ge [sflag:s1], $0x6000  }
0x23: {  	s2 =	rddreg [dreg:$0x18]  }
0x24: {  	s31 =	rddreg [dreg:$0x13];
	s2 =	sadd.s32 $0x1, s2  }
0x25: {  	p0 =	sne.s32 s2, s31  }
.Ltmp1:
0x26: {  	_ = 	snop;
	(pc) =	sbr.rel @!p0 .LBB2_27-.Ltmp1, $3  }
0x27: {  	_ =	sdelay $0x1  }
0x28: {  	[sflag:s1] =	ssyncset.done $0x0  }
0x29: {  	[sflag:s1] =	ssyncadd.s32 $0xFFFFA000  }
.LBB2_1:
0x2a: {  	[dreg:$0x18] =	wrdreg s2  }
0x2b: {  	s0 =	rddreg [dreg:$0x8]  }
0x2c: {  	[tilespmem:s12], [sflag:$0x1] =	stream.linear.gather [hbm4b:s0+s12], $0x80, $0x38;
	[tilespmem:$0x1E800] =	vst v63  }
0x2d: {  	s14 =	rddreg [dreg:$0x14];
	s1 =	simm.s32 $0x200  }
0x2e: {  	[tilespmem:s1], [sflag:$0x1] =	stream.linear.gather [hbm4b:s14+s12], $0x80, $0x38;
	[tilespmem:$0x1E800] =	vst v63  }
0x2f: {  	s15 =	rddreg [dreg:$0x9];
	s16 =	simm.s32 $0x80  }
0x30: {  	[tilespmem:s16], [sflag:$0x1] =	stream.linear.gather [hbm4b:s15+s12], $0x80, $0x38;
	[tilespmem:$0x1E800] =	vst v63  }
0x31: {  	s17 =	rddreg [dreg:$0x15];
	s18 =	simm.s32 $0x280  }
0x32: {  	[tilespmem:s18], [sflag:$0x1] =	stream.linear.gather [hbm4b:s17+s12], $0x80, $0x38;
	[tilespmem:$0x1E800] =	vst v63  }
0x33: {  	s19 =	rddreg [dreg:$0xa];
	s20 =	simm.s32 $0x100  }
0x34: {  	[tilespmem:s20], [sflag:$0x1] =	stream.linear.gather [hbm4b:s19+s12], $0x80, $0x38;
	[tilespmem:$0x1E800] =	vst v63  }
0x35: {  	s21 =	rddreg [dreg:$0x16];
	s22 =	simm.s32 $0x300  }
0x36: {  	[tilespmem:s22], [sflag:$0x1] =	stream.linear.gather [hbm4b:s21+s12], $0x80, $0x38;
	[tilespmem:$0x1E800] =	vst v63  }
0x37: {  	s23 =	rddreg [dreg:$0xb];
	s24 =	simm.s32 $0x180  }
0x38: {  	[tilespmem:s24], [sflag:$0x1] =	stream.linear.gather [hbm4b:s23+s12], $0x80, $0x38;
	[tilespmem:$0x1E800] =	vst v63  }
0x39: {  	s25 =	rddreg [dreg:$0x17];
	s26 =	simm.s32 $0x380;
	s28 =	simm.s32 $0x1  }
0x3a: {  	[tilespmem:s26], [sflag:$0x1] =	stream.linear.gather [hbm4b:s25+s12], $0x80, $0x38;
	[tilespmem:$0x1E800] =	vst v63  }
0x3b: {  	_ =	swait.ge [sflag:s28], $0x100  }
0x3c: {  	[sflag:s28] =	ssyncset.done $0x0  }
0x3d: {  	[sflag:s28] =	ssyncadd.s32 $0xFFFFFF00  }
0x3e: {  	_ =	swait.ge [sflag:s28], $0x100  }
0x3f: {  	[sflag:s28] =	ssyncset.done $0x0  }
0x40: {  	[sflag:s28] =	ssyncadd.s32 $0xFFFFFF00  }
0x41: {  	_ =	swait.ge [sflag:s28], $0x100  }
0x42: {  	[sflag:s28] =	ssyncset.done $0x0  }
0x43: {  	[sflag:s28] =	ssyncadd.s32 $0xFFFFFF00  }
0x44: {  	_ =	swait.ge [sflag:s28], $0x100  }
0x45: {  	[sflag:s28] =	ssyncset.done $0x0  }
0x46: {  	s30 =	simm.s32 $0x800;
	s29 =	rddreg [dreg:$0xc];
	[sflag:s28] =	ssyncadd.s32 $0xFFFFFF00  }
0x47: {  	[tilespmem:s30], [sflag:$0xA] =	stream.linear.gather [hbm4b:s29+s12], $0x6000, $0x38;
	[tilespmem:$0x1E800] =	vst v63  }
0x48: {  	v9 =	vld [tilespmem:$0x0];
	_ =	sdelay $0x4  }
0x49: {  	vm1 =	veq.s32 v9, $0x186A0  }
0x4a: {  	v9 =	vsel vm1, $0x0, v9  }
0x4b: {  	[tilespmem:$0x400] =	vst v9  }
0x4c: {  	v9 =	vld [tilespmem:$0x400];
	_ =	sdelay $0x4  }
0x4d: {  	v10 =	vshrl.u32 v9, $0x3  }
0x4e: {  	v10 =	vmul.u32 $0x30, v10  }
0x4f: {  	v11 =	vld [tilespmem:$0x10];
	v9 =	vand.u32 $0x7, v9  }
0x50: {  	v9 =	vor.u32 v9, v10  }
0x51: {  	v10 =	vperm.xlane v9, v6;
	_ =	sdelay $0x1  }
0x52: {  	v10 =	vadd.s32 v7, v10  }
0x53: {  	vm2 =	veq.s32 v11, $0x186A0;
	v12 =	vsel vm1, $0x3F800000, v0  }
0x54: {  	v11 =	vsel vm2, $0x0, v11;
	[tilespmem:$0x600] =	vst v12  }
0x55: {  	[tilespmem:$0x410] =	vst v11;
	v11 =	vsel vm2, $0x3F800000, v0  }
0x56: {  	s3 =	simm.s32 $0x6800;
	s31 =	rddreg [dreg:$0x1];
	[tilespmem:$0x610] =	vst v11;
	v9 =	vperm.xlane v9, v8  }
0x57: {  	[tilespmem:s3], [sflag:$0x2] =	stream.indirect_vreg.gather [hbm4b:s31+s12], $0x80, v10, vm0, $0xb8;
	[tilespmem:$0x1E800] =	vst v63  }
0x58: {  	s7 =	simm.s32 $0x7000;
	s6 =	rddreg [dreg:$0xd];
	v9 =	vadd.s32 v7, v9  }
0x59: {  	[tilespmem:s7], [sflag:$0x2] =	stream.indirect_vreg.gather [hbm4b:s6+s12], $0x80, v10, vm0, $0xb8;
	[tilespmem:$0x1E800] =	vst v63  }
0x5a: {  	s8 =	rddreg [dreg:$0xe];
	s3 =	simm.s32 $0x7800  }
0x5b: {  	[tilespmem:s3], [sflag:$0x2] =	stream.indirect_vreg.gather [hbm4b:s8+s12], $0x80, v10, vm0, $0xb8;
	[tilespmem:$0x1E800] =	vst v63  }
0x5c: {  	s9 =	simm.s32 $0x8000  }
0x5d: {  	[tilespmem:s9], [sflag:$0x2] =	stream.indirect_vreg.gather [hbm4b:s31+s12], $0x80, v9, vm0, $0xb8;
	[tilespmem:$0x1E800] =	vst v63  }
0x5e: {  	s10 =	simm.s32 $0x8800  }
0x5f: {  	[tilespmem:s10], [sflag:$0x2] =	stream.indirect_vreg.gather [hbm4b:s6+s12], $0x80, v9, vm0, $0xb8;
	[tilespmem:$0x1E800] =	vst v63  }
0x60: {  	s11 =	simm.s32 $0x9000  }
0x61: {  	[tilespmem:s11], [sflag:$0x2] =	stream.indirect_vreg.gather [hbm4b:s8+s12], $0x80, v9, vm0, $0xb8;
	[tilespmem:$0x1E800] =	vst v63  }
0x62: {  	v9 =	vld [tilespmem:$0x410];
	_ =	sdelay $0x4  }
0x63: {  	v10 =	vshrl.u32 v9, $0x3  }
0x64: {  	v10 =	vmul.u32 $0x30, v10  }
0x65: {  	v9 =	vand.u32 $0x7, v9  }
0x66: {  	v9 =	vor.u32 v9, v10  }
0x67: {  	v10 =	vperm.xlane v9, v6;
	_ =	sdelay $0x1  }
0x68: {  	v10 =	vadd.s32 v7, v10;
	_ =	sdelay $0x3  }
0x69: {  	s13 =	simm.s32 $0x9800;
	v9 =	vperm.xlane v9, v8  }
0x6a: {  	[tilespmem:s13], [sflag:$0x2] =	stream.indirect_vreg.gather [hbm4b:s31+s12], $0x80, v10, vm0, $0xb8;
	[tilespmem:$0x1E800] =	vst v63  }
0x6b: {  	s14 =	simm.s32 $0xA000;
	v9 =	vadd.s32 v7, v9  }
0x6c: {  	[tilespmem:s14], [sflag:$0x2] =	stream.indirect_vreg.gather [hbm4b:s6+s12], $0x80, v10, vm0, $0xb8;
	[tilespmem:$0x1E800] =	vst v63  }
0x6d: {  	s15 =	simm.s32 $0xA800  }
0x6e: {  	[tilespmem:s15], [sflag:$0x2] =	stream.indirect_vreg.gather [hbm4b:s8+s12], $0x80, v10, vm0, $0xb8;
	[tilespmem:$0x1E800] =	vst v63  }
0x6f: {  	s16 =	simm.s32 $0xB000  }
0x70: {  	[tilespmem:s16], [sflag:$0x2] =	stream.indirect_vreg.gather [hbm4b:s31+s12], $0x80, v9, vm0, $0xb8;
	[tilespmem:$0x1E800] =	vst v63  }
0x71: {  	s17 =	simm.s32 $0xB800  }
0x72: {  	[tilespmem:s17], [sflag:$0x2] =	stream.indirect_vreg.gather [hbm4b:s6+s12], $0x80, v9, vm0, $0xb8;
	[tilespmem:$0x1E800] =	vst v63  }
0x73: {  	s18 =	simm.s32 $0xC000  }
0x74: {  	[tilespmem:s18], [sflag:$0x2] =	stream.indirect_vreg.gather [hbm4b:s8+s12], $0x80, v9, vm0, $0xb8;
	[tilespmem:$0x1E800] =	vst v63  }
0x75: {  	v9 =	vld [tilespmem:$0x80];
	_ =	sdelay $0x4  }
0x76: {  	vm3 =	veq.s32 v9, $0x186A0  }
0x77: {  	v9 =	vsel vm3, $0x0, v9  }
0x78: {  	[tilespmem:$0x480] =	vst v9  }
0x79: {  	v9 =	vld [tilespmem:$0x480];
	_ =	sdelay $0x4  }
0x7a: {  	v10 =	vshrl.u32 v9, $0x3  }
0x7b: {  	v10 =	vmul.u32 $0x30, v10  }
0x7c: {  	v11 =	vld [tilespmem:$0x90];
	v9 =	vand.u32 $0x7, v9  }
0x7d: {  	v9 =	vor.u32 v9, v10  }
0x7e: {  	v10 =	vperm.xlane v9, v6;
	_ =	sdelay $0x1  }
0x7f: {  	v10 =	vadd.s32 v7, v10  }
0x80: {  	vm4 =	veq.s32 v11, $0x186A0;
	v58 =	vsel vm3, $0x3F800000, v0  }
0x81: {  	v11 =	vsel vm4, $0x0, v11;
	[tilespmem:$0x680] =	vst v58  }
0x82: {  	[tilespmem:$0x490] =	vst v11;
	v11 =	vsel vm4, $0x3F800000, v0  }
0x83: {  	s19 =	simm.s32 $0xC800;
	[tilespmem:$0x690] =	vst v11;
	v9 =	vperm.xlane v9, v8  }
0x84: {  	[tilespmem:s19], [sflag:$0x3] =	stream.indirect_vreg.gather [hbm4b:s31+s12], $0x80, v10, vm0, $0xb8;
	[tilespmem:$0x1E800] =	vst v63  }
0x85: {  	s20 =	simm.s32 $0xD000;
	v9 =	vadd.s32 v7, v9  }
0x86: {  	[tilespmem:s20], [sflag:$0x3] =	stream.indirect_vreg.gather [hbm4b:s6+s12], $0x80, v10, vm0, $0xb8;
	[tilespmem:$0x1E800] =	vst v63  }
0x87: {  	s21 =	simm.s32 $0xD800  }
0x88: {  	[tilespmem:s21], [sflag:$0x3] =	stream.indirect_vreg.gather [hbm4b:s8+s12], $0x80, v10, vm0, $0xb8;
	[tilespmem:$0x1E800] =	vst v63  }
0x89: {  	s22 =	simm.s32 $0xE000  }
0x8a: {  	[tilespmem:s22], [sflag:$0x3] =	stream.indirect_vreg.gather [hbm4b:s31+s12], $0x80, v9, vm0, $0xb8;
	[tilespmem:$0x1E800] =	vst v63  }
0x8b: {  	s23 =	simm.s32 $0xE800  }
0x8c: {  	[tilespmem:s23], [sflag:$0x3] =	stream.indirect_vreg.gather [hbm4b:s6+s12], $0x80, v9, vm0, $0xb8;
	[tilespmem:$0x1E800] =	vst v63  }
0x8d: {  	s24 =	simm.s32 $0xF000;
	vm1 =	vmor vm1, vm2  }
0x8e: {  	v10 =	vsel vm1, $0x1, v1;
	vm1 =	vmor vm3, vm4;
	[tilespmem:s24], [sflag:$0x3] =	stream.indirect_vreg.gather [hbm4b:s8+s12], $0x80, v9, vm0, $0xb8;
	[tilespmem:$0x1E800] =	vst v63  }
0x8f: {  	v11 =	vsel vm1, $0x1, v1;
	v9 =	vperm.xlane v10, v2;
	v59 =	vld [tilespmem:$0x490]  }
0x90: {  	v13 =	vperm.xlane v11, v2  }
0x91: {  	v9 =	vor.u32 v10, v9  }
0x92: {  	v11 =	vor.u32 v11, v13;
	v10 =	vperm.xlane v9, v3  }
0x93: {  	v13 =	vperm.xlane v11, v3  }
0x94: {  	v9 =	vor.u32 v10, v9;
	v10 =	vshrl.u32 v59, $0x3  }
0x95: {  	v11 =	vor.u32 v13, v11;
	v14 =	vperm.xlane v9, v4;
	v10 =	vmul.u32 $0x30, v10  }
0x96: {  	v13 =	vperm.xlane v11, v4;
	v12 =	vand.u32 $0x7, v59  }
0x97: {  	v9 =	vor.u32 v14, v9;
	v10 =	vor.u32 v12, v10  }
0x98: {  	v11 =	vor.u32 v13, v11;
	v60 =	vperm.xlane v9, v5;
	v61 =	vperm.xlane v10, v6  }
0x99: {  	v62 =	vperm.xlane v11, v5  }
0x9a: {  	v9 =	vor.u32 v60, v9;
	v63 =	vadd.s32 v7, v61  }
0x9b: {  	(v2sf) =	vpush v9, $0x0;
	v9 =	vor.u32 v62, v11  }
0x9c: {  	(v2sf) =	vpush v9, $0x0;
	_ =	sdelay $0x1  }
0x9d: {  	s25 =	simm.s32 $0xF800;
	v9 =	vperm.xlane v10, v8  }
0x9e: {  	[tilespmem:s25], [sflag:$0x3] =	stream.indirect_vreg.gather [hbm4b:s31+s12], $0x80, v63, vm0, $0xb8;
	[tilespmem:$0x1E800] =	vst v63  }
0x9f: {  	s26 =	simm.s32 $0x10000;
	v9 =	vadd.s32 v7, v9  }
0xa0: {  	[tilespmem:s26], [sflag:$0x3] =	stream.indirect_vreg.gather [hbm4b:s6+s12], $0x80, v63, vm0, $0xb8;
	[tilespmem:$0x1E800] =	vst v63  }
0xa1: {  	s28 =	simm.s32 $0x10800  }
0xa2: {  	[tilespmem:s28], [sflag:$0x3] =	stream.indirect_vreg.gather [hbm4b:s8+s12], $0x80, v63, vm0, $0xb8;
	[tilespmem:$0x1E800] =	vst v63  }
0xa3: {  	s29 =	simm.s32 $0x11000  }
0xa4: {  	[tilespmem:s29], [sflag:$0x3] =	stream.indirect_vreg.gather [hbm4b:s31+s12], $0x80, v9, vm0, $0xb8;
	[tilespmem:$0x1E800] =	vst v63  }
0xa5: {  	s30 =	simm.s32 $0x11800  }
0xa6: {  	[tilespmem:s30], [sflag:$0x3] =	stream.indirect_vreg.gather [hbm4b:s6+s12], $0x80, v9, vm0, $0xb8;
	[tilespmem:$0x1E800] =	vst v63  }
0xa7: {  	s31 =	simm.s32 $0x12000  }
0xa8: {  	[tilespmem:s31], [sflag:$0x3] =	stream.indirect_vreg.gather [hbm4b:s8+s12], $0x80, v9, vm0, $0xb8;
	[tilespmem:$0x1E800] =	vst v63  }
0xa9: {  	s8 =	spop (v2sf)  }
0xaa: {  	s13 =	simm.s32 $0x0;
	s10 =	spop (v2sf)  }
.LBB2_2:
0xab: {  	s0 =	simm.s32 $0xA  }
0xac: {  	_ =	swait.ge [sflag:s0], $0x6000  }
0xad: {  	[sflag:s0] =	ssyncset.done $0x0  }
0xae: {  	s23 =	simm.s32 $0x2;
	[sflag:s0] =	ssyncadd.s32 $0xFFFFA000  }
0xaf: {  	_ =	swait.ge [sflag:s23], $0x6000  }
0xb0: {  	[sflag:s23] =	ssyncset.done $0x0  }
0xb1: {  	s24 =	simm.s32 $0x3;
	[sflag:s23] =	ssyncadd.s32 $0xFFFFA000  }
0xb2: {  	_ =	swait.ge [sflag:s24], $0x6000  }
0xb3: {  	p0 =	seq.s32 s13, $0x0;
	[sflag:s24] =	ssyncset.done $0x0  }
0xb4: {  	s0 =	simm.s32 @!p0 $0x8;
	[sflag:s24] =	ssyncadd.s32 $0xFFFFA000  }
0xb5: {  	_ =	swait.ge @!p0 [sflag:s0], $0x6000  }
0xb6: {  	[sflag:s0] =	ssyncset.done @!p0 $0x0  }
0xb7: {  	[sflag:s0] =	ssyncadd.s32 @!p0 $0xFFFFA000;
	s0 =	simm.s32 @!p0 $0x9  }
0xb8: {  	s14 =	sshll.u32 s13, $0x5;
	s1 =	sshll.u32 s13, $0x7;
	_ =	swait.ge @!p0 [sflag:s0], $0x6000  }
0xb9: {  	s2 =	sand.u32 $0x60, s14;
	s3 =	sand.u32 $0x200, s1;
	[sflag:s0] =	ssyncset.done @!p0 $0x0  }
0xba: {  	s25 =	sor.u32 s2, s3;
	[sflag:s0] =	ssyncadd.s32 @!p0 $0xFFFFA000  }
0xbb: {  	v9 =	vld [tilespmem:s25+$0x100];
	_ =	sdelay $0x4  }
0xbc: {  	vm1 =	veq.s32 v9, $0x186A0  }
0xbd: {  	v9 =	vsel vm1, $0x0, v9  }
0xbe: {  	[tilespmem:$0x500] =	vst v9;
	v9 =	vsel vm1, $0x3F800000, v0  }
0xbf: {  	[tilespmem:$0x700] =	vst v9  }
0xc0: {  	v9 =	vld [tilespmem:s25+$0x110];
	_ =	sdelay $0x4  }
0xc1: {  	vm2 =	veq.s32 v9, $0x186A0  }
0xc2: {  	v9 =	vsel vm2, $0x0, v9  }
0xc3: {  	s26 =	sor.u32 s14, s1;
	[tilespmem:$0x510] =	vst v9;
	v9 =	vsel vm2, $0x3F800000, v0  }
0xc4: {  	s1 =	sor.u32 $0x180, s26;
	[tilespmem:$0x710] =	vst v9  }
0xc5: {  	v9 =	vld [tilespmem:s1+$0x0];
	_ =	sdelay $0x1  }
0xc6: {  	v10 =	vld [tilespmem:$0x500];
	_ =	sdelay $0x2  }
0xc7: {  	vm3 =	veq.s32 v9, $0x186A0  }
0xc8: {  	v9 =	vsel vm3, $0x0, v9  }
0xc9: {  	v11 =	vshrl.u32 v10, $0x3;
	[tilespmem:$0x580] =	vst v9;
	v9 =	vsel vm3, $0x3F800000, v0  }
0xca: {  	s0 =	sor.u32 $0x190, s26;
	[tilespmem:$0x780] =	vst v9;
	v9 =	vmul.u32 $0x30, v11  }
0xcb: {  	v10 =	vand.u32 $0x7, v10;
	v11 =	vld [tilespmem:s0+$0x0]  }
0xcc: {  	v9 =	vor.u32 v10, v9  }
0xcd: {  	v10 =	vperm.xlane v9, v6;
	_ =	sdelay $0x1  }
0xce: {  	v10 =	vadd.s32 v7, v10  }
0xcf: {  	vm4 =	veq.s32 v11, $0x186A0  }
0xd0: {  	v11 =	vsel vm4, $0x0, v11  }
0xd1: {  	[tilespmem:$0x590] =	vst v11;
	v11 =	vsel vm4, $0x3F800000, v0  }
0xd2: {  	s6 =	simm.s32 $0x0;
	s0 =	rddreg [dreg:$0x1];
	v9 =	vperm.xlane v9, v8;
	[tilespmem:$0x790] =	vst v11  }
0xd3: {  	[tilespmem:s4], [sflag:$0x4] =	stream.indirect_vreg.gather [hbm4b:s0+s6], $0x80, v10, vm0, $0xb8;
	[tilespmem:$0x1E800] =	vst v63  }
0xd4: {  	s28 =	simm.s32 $0x13000;
	s1 =	rddreg [dreg:$0xd];
	v9 =	vadd.s32 v7, v9  }
0xd5: {  	[tilespmem:s28], [sflag:$0x4] =	stream.indirect_vreg.gather [hbm4b:s1+s6], $0x80, v10, vm0, $0xb8;
	[tilespmem:$0x1E800] =	vst v63  }
0xd6: {  	s29 =	simm.s32 $0x13800;
	s2 =	rddreg [dreg:$0xe]  }
0xd7: {  	[tilespmem:s29], [sflag:$0x4] =	stream.indirect_vreg.gather [hbm4b:s2+s6], $0x80, v10, vm0, $0xb8;
	[tilespmem:$0x1E800] =	vst v63  }
0xd8: {  	s30 =	simm.s32 $0x14000  }
0xd9: {  	[tilespmem:s30], [sflag:$0x4] =	stream.indirect_vreg.gather [hbm4b:s0+s6], $0x80, v9, vm0, $0xb8;
	[tilespmem:$0x1E800] =	vst v63  }
0xda: {  	s31 =	simm.s32 $0x14800  }
0xdb: {  	[tilespmem:s31], [sflag:$0x4] =	stream.indirect_vreg.gather [hbm4b:s1+s6], $0x80, v9, vm0, $0xb8;
	[tilespmem:$0x1E800] =	vst v63  }
0xdc: {  	s4 =	simm.s32 $0x15000  }
0xdd: {  	[tilespmem:s4], [sflag:$0x4] =	stream.indirect_vreg.gather [hbm4b:s2+s6], $0x80, v9, vm0, $0xb8;
	[tilespmem:$0x1E800] =	vst v63  }
0xde: {  	v9 =	vld [tilespmem:$0x510];
	_ =	sdelay $0x4  }
0xdf: {  	v10 =	vshrl.u32 v9, $0x3  }
0xe0: {  	v10 =	vmul.u32 $0x30, v10  }
0xe1: {  	v9 =	vand.u32 $0x7, v9  }
0xe2: {  	v9 =	vor.u32 v9, v10  }
0xe3: {  	v10 =	vperm.xlane v9, v6;
	_ =	sdelay $0x1  }
0xe4: {  	v10 =	vadd.s32 v7, v10;
	_ =	sdelay $0x3  }
0xe5: {  	s7 =	simm.s32 $0x15800;
	v9 =	vperm.xlane v9, v8  }
0xe6: {  	[tilespmem:s7], [sflag:$0x4] =	stream.indirect_vreg.gather [hbm4b:s0+s6], $0x80, v10, vm0, $0xb8;
	[tilespmem:$0x1E800] =	vst v63  }
0xe7: {  	s9 =	simm.s32 $0x16000;
	v9 =	vadd.s32 v7, v9  }
0xe8: {  	[tilespmem:s9], [sflag:$0x4] =	stream.indirect_vreg.gather [hbm4b:s1+s6], $0x80, v10, vm0, $0xb8;
	[tilespmem:$0x1E800] =	vst v63  }
0xe9: {  	s11 =	simm.s32 $0x16800  }
0xea: {  	[tilespmem:s11], [sflag:$0x4] =	stream.indirect_vreg.gather [hbm4b:s2+s6], $0x80, v10, vm0, $0xb8;
	[tilespmem:$0x1E800] =	vst v63  }
0xeb: {  	s15 =	simm.s32 $0x17000  }
0xec: {  	[tilespmem:s15], [sflag:$0x4] =	stream.indirect_vreg.gather [hbm4b:s0+s6], $0x80, v9, vm0, $0xb8;
	[tilespmem:$0x1E800] =	vst v63  }
0xed: {  	s16 =	simm.s32 $0x17800  }
0xee: {  	[tilespmem:s16], [sflag:$0x4] =	stream.indirect_vreg.gather [hbm4b:s1+s6], $0x80, v9, vm0, $0xb8;
	[tilespmem:$0x1E800] =	vst v63  }
0xef: {  	s17 =	simm.s32 $0x18000  }
0xf0: {  	[tilespmem:s17], [sflag:$0x4] =	stream.indirect_vreg.gather [hbm4b:s2+s6], $0x80, v9, vm0, $0xb8;
	[tilespmem:$0x1E800] =	vst v63  }
0xf1: {  	v9 =	vld [tilespmem:$0x580];
	_ =	sdelay $0x4  }
0xf2: {  	v10 =	vshrl.u32 v9, $0x3  }
0xf3: {  	v10 =	vmul.u32 $0x30, v10  }
0xf4: {  	v9 =	vand.u32 $0x7, v9  }
0xf5: {  	v9 =	vor.u32 v9, v10  }
0xf6: {  	v10 =	vperm.xlane v9, v6;
	_ =	sdelay $0x1  }
0xf7: {  	v10 =	vadd.s32 v7, v10;
	_ =	sdelay $0x3  }
0xf8: {  	v9 =	vperm.xlane v9, v8  }
0xf9: {  	[tilespmem:s5], [sflag:$0x5] =	stream.indirect_vreg.gather [hbm4b:s0+s6], $0x80, v10, vm0, $0xb8;
	[tilespmem:$0x1E800] =	vst v63  }
0xfa: {  	s18 =	simm.s32 $0x19000;
	v9 =	vadd.s32 v7, v9  }
0xfb: {  	[tilespmem:s18], [sflag:$0x5] =	stream.indirect_vreg.gather [hbm4b:s1+s6], $0x80, v10, vm0, $0xb8;
	[tilespmem:$0x1E800] =	vst v63  }
0xfc: {  	s19 =	simm.s32 $0x19800  }
0xfd: {  	[tilespmem:s19], [sflag:$0x5] =	stream.indirect_vreg.gather [hbm4b:s2+s6], $0x80, v10, vm0, $0xb8;
	[tilespmem:$0x1E800] =	vst v63  }
0xfe: {  	s20 =	simm.s32 $0x1A000  }
0xff: {  	[tilespmem:s20], [sflag:$0x5] =	stream.indirect_vreg.gather [hbm4b:s0+s6], $0x80, v9, vm0, $0xb8;
	[tilespmem:$0x1E800] =	vst v63  }
0x100: {  	s21 =	simm.s32 $0x1A800  }
0x101: {  	[tilespmem:s21], [sflag:$0x5] =	stream.indirect_vreg.gather [hbm4b:s1+s6], $0x80, v9, vm0, $0xb8;
	[tilespmem:$0x1E800] =	vst v63  }
0x102: {  	s22 =	simm.s32 $0x1B000  }
0x103: {  	[tilespmem:s22], [sflag:$0x5] =	stream.indirect_vreg.gather [hbm4b:s2+s6], $0x80, v9, vm0, $0xb8;
	[tilespmem:$0x1E800] =	vst v63  }
0x104: {  	v9 =	vld [tilespmem:$0x590];
	_ =	sdelay $0x4  }
0x105: {  	v10 =	vshrl.u32 v9, $0x3  }
0x106: {  	v10 =	vmul.u32 $0x30, v10  }
0x107: {  	v9 =	vand.u32 $0x7, v9  }
0x108: {  	v9 =	vor.u32 v9, v10  }
0x109: {  	v10 =	vperm.xlane v9, v6;
	_ =	sdelay $0x1  }
0x10a: {  	v10 =	vadd.s32 v7, v10;
	_ =	sdelay $0x3  }
0x10b: {  	s23 =	simm.s32 $0x1B800;
	v9 =	vperm.xlane v9, v8  }
0x10c: {  	[tilespmem:s23], [sflag:$0x5] =	stream.indirect_vreg.gather [hbm4b:s0+s6], $0x80, v10, vm0, $0xb8;
	[tilespmem:$0x1E800] =	vst v63  }
0x10d: {  	s24 =	simm.s32 $0x1C000;
	v9 =	vadd.s32 v7, v9  }
0x10e: {  	[tilespmem:s24], [sflag:$0x5] =	stream.indirect_vreg.gather [hbm4b:s1+s6], $0x80, v10, vm0, $0xb8;
	[tilespmem:$0x1E800] =	vst v63  }
0x10f: {  	s25 =	simm.s32 $0x1C800  }
0x110: {  	[tilespmem:s25], [sflag:$0x5] =	stream.indirect_vreg.gather [hbm4b:s2+s6], $0x80, v10, vm0, $0xb8;
	[tilespmem:$0x1E800] =	vst v63  }
0x111: {  	s26 =	simm.s32 $0x1D000;
	s30 =	simm.s32 $0x0  }
0x112: {  	[tilespmem:s26], [sflag:$0x5] =	stream.indirect_vreg.gather [hbm4b:s0+s6], $0x80, v9, vm0, $0xb8;
	[tilespmem:$0x1E800] =	vst v63  }
0x113: {  	s28 =	simm.s32 $0x1D800;
	s31 =	sand.u32 $0x380, s6;
	s0 =	smul.u32 $0x1800, s30  }
0x114: {  	[tilespmem:s28], [sflag:$0x5] =	stream.indirect_vreg.gather [hbm4b:s1+s6], $0x80, v9, vm0, $0xb8;
	[tilespmem:$0x1E800] =	vst v63  }
0x115: {  	s29 =	simm.s32 $0x1E000;
	s7 =	sor.u32 s31, s0  }
0x116: {  	[tilespmem:s29], [sflag:$0x5] =	stream.indirect_vreg.gather [hbm4b:s2+s6], $0x80, v9, vm0, $0xb8;
	[tilespmem:$0x1E800] =	vst v63  }
0x117: {  	v9 =	vld [tilespmem:s7+$0x1C70]  }
0x118: {  	v10 =	vld [tilespmem:s7+$0x800]  }
0x119: {  	v11 =	vld [tilespmem:s7+$0x810]  }
0x11a: {  	v12 =	vld [tilespmem:s7+$0x820]  }
0x11b: {  	v13 =	vld [tilespmem:s7+$0x830]  }
0x11c: {  	v15 =	vld [tilespmem:s7+$0x840]  }
0x11d: {  	v16 =	vld [tilespmem:s7+$0x850]  }
0x11e: {  	v17 =	vld [tilespmem:s7+$0x860]  }
0x11f: {  	v18 =	vld [tilespmem:s7+$0x870]  }
0x120: {  	v19 =	vld [tilespmem:s7+$0xC00]  }
0x121: {  	v20 =	vld [tilespmem:s7+$0xC10]  }
0x122: {  	v21 =	vld [tilespmem:s7+$0xC20]  }
0x123: {  	v22 =	vld [tilespmem:s7+$0xC30]  }
0x124: {  	v23 =	vld [tilespmem:s7+$0xC40]  }
0x125: {  	v24 =	vld [tilespmem:s7+$0xC50]  }
0x126: {  	v25 =	vld [tilespmem:s7+$0xC60]  }
0x127: {  	v26 =	vld [tilespmem:s7+$0xC70]  }
0x128: {  	v27 =	vld [tilespmem:s7+$0x1000]  }
0x129: {  	v28 =	vld [tilespmem:s7+$0x1010]  }
0x12a: {  	v29 =	vld [tilespmem:s7+$0x1020]  }
0x12b: {  	v30 =	vld [tilespmem:s7+$0x1030]  }
0x12c: {  	v31 =	vld [tilespmem:s7+$0x1040]  }
0x12d: {  	v32 =	vld [tilespmem:s7+$0x1050]  }
0x12e: {  	v33 =	vld [tilespmem:s7+$0x1060]  }
0x12f: {  	v34 =	vld [tilespmem:s7+$0x1070]  }
0x130: {  	v35 =	vld [tilespmem:s7+$0x1400]  }
0x131: {  	v36 =	vld [tilespmem:s7+$0x1410]  }
0x132: {  	v37 =	vld [tilespmem:s7+$0x1420]  }
0x133: {  	v38 =	vld [tilespmem:s7+$0x1430]  }
0x134: {  	v39 =	vld [tilespmem:s7+$0x1440]  }
0x135: {  	v40 =	vld [tilespmem:s7+$0x1450]  }
0x136: {  	v41 =	vld [tilespmem:s7+$0x1460]  }
0x137: {  	v42 =	vld [tilespmem:s7+$0x1470]  }
0x138: {  	v43 =	vld [tilespmem:s7+$0x1800]  }
0x139: {  	v44 =	vld [tilespmem:s7+$0x1810]  }
0x13a: {  	v45 =	vld [tilespmem:s7+$0x1820]  }
0x13b: {  	v46 =	vld [tilespmem:s7+$0x1830]  }
0x13c: {  	v47 =	vld [tilespmem:s7+$0x1840]  }
0x13d: {  	v48 =	vld [tilespmem:s7+$0x1850]  }
0x13e: {  	v49 =	vld [tilespmem:s7+$0x1860]  }
0x13f: {  	v50 =	vld [tilespmem:s7+$0x1870]  }
0x140: {  	v51 =	vld [tilespmem:s7+$0x1C00]  }
0x141: {  	v52 =	vld [tilespmem:s7+$0x1C10]  }
0x142: {  	v53 =	vld [tilespmem:s7+$0x1C20]  }
0x143: {  	v54 =	vld [tilespmem:s7+$0x1C30]  }
0x144: {  	v55 =	vld [tilespmem:s7+$0x1C40]  }
0x145: {  	v56 =	vld [tilespmem:s7+$0x1C50]  }
0x146: {  	v14 =	vld [tilespmem:s7+$0x1C60]  }
0x147: {  	[tilespmem:s7+$0xDC70] =	vst.add.f32.msk $0xffff, v9  }
0x148: {  	[tilespmem:s7+$0x6800] =	vst.add.f32.msk $0xffff, v10  }
0x149: {  	[tilespmem:s7+$0xC800] =	vst.add.f32.msk $0xffff, v10  }
0x14a: {  	[tilespmem:s7+$0x6810] =	vst.add.f32.msk $0xffff, v11  }
0x14b: {  	[tilespmem:s7+$0xC810] =	vst.add.f32.msk $0xffff, v11  }
0x14c: {  	[tilespmem:s7+$0x6820] =	vst.add.f32.msk $0xffff, v12  }
0x14d: {  	[tilespmem:s7+$0xC820] =	vst.add.f32.msk $0xffff, v12  }
0x14e: {  	[tilespmem:s7+$0x6830] =	vst.add.f32.msk $0xffff, v13  }
0x14f: {  	[tilespmem:s7+$0xC830] =	vst.add.f32.msk $0xffff, v13  }
0x150: {  	[tilespmem:s7+$0x6840] =	vst.add.f32.msk $0xffff, v15  }
0x151: {  	[tilespmem:s7+$0xC840] =	vst.add.f32.msk $0xffff, v15  }
0x152: {  	[tilespmem:s7+$0x6850] =	vst.add.f32.msk $0xffff, v16  }
0x153: {  	[tilespmem:s7+$0xC850] =	vst.add.f32.msk $0xffff, v16  }
0x154: {  	[tilespmem:s7+$0x6860] =	vst.add.f32.msk $0xffff, v17  }
0x155: {  	[tilespmem:s7+$0xC860] =	vst.add.f32.msk $0xffff, v17  }
0x156: {  	[tilespmem:s7+$0x6870] =	vst.add.f32.msk $0xffff, v18  }
0x157: {  	[tilespmem:s7+$0xC870] =	vst.add.f32.msk $0xffff, v18  }
0x158: {  	[tilespmem:s7+$0x6C00] =	vst.add.f32.msk $0xffff, v19  }
0x159: {  	[tilespmem:s7+$0xCC00] =	vst.add.f32.msk $0xffff, v19  }
0x15a: {  	[tilespmem:s7+$0x6C10] =	vst.add.f32.msk $0xffff, v20  }
0x15b: {  	[tilespmem:s7+$0xCC10] =	vst.add.f32.msk $0xffff, v20  }
0x15c: {  	[tilespmem:s7+$0x6C20] =	vst.add.f32.msk $0xffff, v21  }
0x15d: {  	[tilespmem:s7+$0xCC20] =	vst.add.f32.msk $0xffff, v21  }
0x15e: {  	[tilespmem:s7+$0x6C30] =	vst.add.f32.msk $0xffff, v22  }
0x15f: {  	[tilespmem:s7+$0xCC30] =	vst.add.f32.msk $0xffff, v22  }
0x160: {  	[tilespmem:s7+$0x6C40] =	vst.add.f32.msk $0xffff, v23  }
0x161: {  	[tilespmem:s7+$0xCC40] =	vst.add.f32.msk $0xffff, v23  }
0x162: {  	[tilespmem:s7+$0x6C50] =	vst.add.f32.msk $0xffff, v24  }
0x163: {  	[tilespmem:s7+$0xCC50] =	vst.add.f32.msk $0xffff, v24  }
0x164: {  	[tilespmem:s7+$0x6C60] =	vst.add.f32.msk $0xffff, v25  }
0x165: {  	[tilespmem:s7+$0xCC60] =	vst.add.f32.msk $0xffff, v25  }
0x166: {  	[tilespmem:s7+$0x6C70] =	vst.add.f32.msk $0xffff, v26  }
0x167: {  	[tilespmem:s7+$0xCC70] =	vst.add.f32.msk $0xffff, v26  }
0x168: {  	[tilespmem:s7+$0x7000] =	vst.add.f32.msk $0xffff, v27  }
0x169: {  	[tilespmem:s7+$0xD000] =	vst.add.f32.msk $0xffff, v27  }
0x16a: {  	[tilespmem:s7+$0x7010] =	vst.add.f32.msk $0xffff, v28  }
0x16b: {  	[tilespmem:s7+$0xD010] =	vst.add.f32.msk $0xffff, v28  }
0x16c: {  	[tilespmem:s7+$0x7020] =	vst.add.f32.msk $0xffff, v29  }
0x16d: {  	[tilespmem:s7+$0xD020] =	vst.add.f32.msk $0xffff, v29  }
0x16e: {  	[tilespmem:s7+$0x7030] =	vst.add.f32.msk $0xffff, v30  }
0x16f: {  	[tilespmem:s7+$0xD030] =	vst.add.f32.msk $0xffff, v30  }
0x170: {  	[tilespmem:s7+$0x7040] =	vst.add.f32.msk $0xffff, v31  }
0x171: {  	[tilespmem:s7+$0xD040] =	vst.add.f32.msk $0xffff, v31  }
0x172: {  	[tilespmem:s7+$0x7050] =	vst.add.f32.msk $0xffff, v32  }
0x173: {  	[tilespmem:s7+$0xD050] =	vst.add.f32.msk $0xffff, v32  }
0x174: {  	[tilespmem:s7+$0x7060] =	vst.add.f32.msk $0xffff, v33  }
0x175: {  	[tilespmem:s7+$0xD060] =	vst.add.f32.msk $0xffff, v33  }
0x176: {  	[tilespmem:s7+$0x7070] =	vst.add.f32.msk $0xffff, v34  }
0x177: {  	[tilespmem:s7+$0xD070] =	vst.add.f32.msk $0xffff, v34  }
0x178: {  	[tilespmem:s7+$0x7400] =	vst.add.f32.msk $0xffff, v35  }
0x179: {  	[tilespmem:s7+$0xD400] =	vst.add.f32.msk $0xffff, v35  }
0x17a: {  	[tilespmem:s7+$0x7410] =	vst.add.f32.msk $0xffff, v36  }
0x17b: {  	[tilespmem:s7+$0xD410] =	vst.add.f32.msk $0xffff, v36  }
0x17c: {  	[tilespmem:s7+$0x7420] =	vst.add.f32.msk $0xffff, v37  }
0x17d: {  	[tilespmem:s7+$0xD420] =	vst.add.f32.msk $0xffff, v37  }
0x17e: {  	[tilespmem:s7+$0x7430] =	vst.add.f32.msk $0xffff, v38  }
0x17f: {  	[tilespmem:s7+$0xD430] =	vst.add.f32.msk $0xffff, v38  }
0x180: {  	[tilespmem:s7+$0x7440] =	vst.add.f32.msk $0xffff, v39  }
0x181: {  	[tilespmem:s7+$0xD440] =	vst.add.f32.msk $0xffff, v39  }
0x182: {  	[tilespmem:s7+$0x7450] =	vst.add.f32.msk $0xffff, v40  }
0x183: {  	[tilespmem:s7+$0xD450] =	vst.add.f32.msk $0xffff, v40  }
0x184: {  	[tilespmem:s7+$0x7460] =	vst.add.f32.msk $0xffff, v41  }
0x185: {  	[tilespmem:s7+$0xD460] =	vst.add.f32.msk $0xffff, v41  }
0x186: {  	[tilespmem:s7+$0x7470] =	vst.add.f32.msk $0xffff, v42  }
0x187: {  	[tilespmem:s7+$0xD470] =	vst.add.f32.msk $0xffff, v42  }
0x188: {  	[tilespmem:s7+$0x7800] =	vst.add.f32.msk $0xffff, v43  }
0x189: {  	[tilespmem:s7+$0xD800] =	vst.add.f32.msk $0xffff, v43  }
0x18a: {  	[tilespmem:s7+$0x7810] =	vst.add.f32.msk $0xffff, v44  }
0x18b: {  	[tilespmem:s7+$0xD810] =	vst.add.f32.msk $0xffff, v44  }
0x18c: {  	[tilespmem:s7+$0x7820] =	vst.add.f32.msk $0xffff, v45  }
0x18d: {  	[tilespmem:s7+$0xD820] =	vst.add.f32.msk $0xffff, v45  }
0x18e: {  	[tilespmem:s7+$0x7830] =	vst.add.f32.msk $0xffff, v46  }
0x18f: {  	[tilespmem:s7+$0xD830] =	vst.add.f32.msk $0xffff, v46  }
0x190: {  	[tilespmem:s7+$0x7840] =	vst.add.f32.msk $0xffff, v47  }
0x191: {  	[tilespmem:s7+$0xD840] =	vst.add.f32.msk $0xffff, v47  }
0x192: {  	[tilespmem:s7+$0x7850] =	vst.add.f32.msk $0xffff, v48  }
0x193: {  	[tilespmem:s7+$0xD850] =	vst.add.f32.msk $0xffff, v48  }
0x194: {  	[tilespmem:s7+$0x7860] =	vst.add.f32.msk $0xffff, v49  }
0x195: {  	[tilespmem:s7+$0xD860] =	vst.add.f32.msk $0xffff, v49  }
0x196: {  	[tilespmem:s7+$0x7870] =	vst.add.f32.msk $0xffff, v50  }
0x197: {  	[tilespmem:s7+$0xD870] =	vst.add.f32.msk $0xffff, v50  }
0x198: {  	vm1 =	vmor vm1, vm2;
	vm2 =	vmor vm3, vm4;
	[tilespmem:s7+$0x7C00] =	vst.add.f32.msk $0xffff, v51  }
0x199: {  	v10 =	vsel vm1, $0x1, v1;
	v11 =	vsel vm2, $0x1, v1;
	[tilespmem:s7+$0xDC00] =	vst.add.f32.msk $0xffff, v51  }
0x19a: {  	[tilespmem:s7+$0x7C10] =	vst.add.f32.msk $0xffff, v52;
	v12 =	vperm.xlane v10, v2;
	v13 =	vperm.xlane v11, v2  }
0x19b: {  	[tilespmem:s7+$0xDC10] =	vst.add.f32.msk $0xffff, v52  }
0x19c: {  	[tilespmem:s7+$0x7C20] =	vst.add.f32.msk $0xffff, v53;
	v10 =	vor.u32 v10, v12;
	v11 =	vor.u32 v11, v13  }
0x19d: {  	[tilespmem:s7+$0xDC20] =	vst.add.f32.msk $0xffff, v53;
	v12 =	vperm.xlane v10, v3;
	v13 =	vperm.xlane v11, v3  }
0x19e: {  	[tilespmem:s7+$0x7C30] =	vst.add.f32.msk $0xffff, v54  }
0x19f: {  	[tilespmem:s7+$0xDC30] =	vst.add.f32.msk $0xffff, v54;
	v10 =	vor.u32 v12, v10;
	v12 =	vor.u32 v13, v11  }
0x1a0: {  	[tilespmem:s7+$0x7C40] =	vst.add.f32.msk $0xffff, v55;
	v11 =	vperm.xlane v10, v4;
	v13 =	vperm.xlane v12, v4  }
0x1a1: {  	[tilespmem:s7+$0xDC40] =	vst.add.f32.msk $0xffff, v55  }
0x1a2: {  	[tilespmem:s7+$0x7C50] =	vst.add.f32.msk $0xffff, v56;
	v11 =	vor.u32 v11, v10;
	v10 =	vor.u32 v13, v12  }
0x1a3: {  	s4 =	simm.s32 $0x2;
	s0 =	simm.s32 $0x0;
	s2 =	sshll.u32 s13, $0x2;
	[tilespmem:s7+$0xDC50] =	vst.add.f32.msk $0xffff, v56;
	v13 =	vperm.xlane v11, v5;
	v12 =	vperm.xlane v10, v5  }
.LBB2_3:
0x1a4: {  	p0 =	sne.s32 s4, $0x1F;
	s0 =	smul.u32 $0x1800, s0;
	[tilespmem:s7+$0x7C60] =	vst.add.f32.msk $0xffff, v14;
	s6 =	sadd.s32 $0x80, s6  }
0x1a5: {  	s1 =	sand.u32 $0x380, s6;
	[tilespmem:s7+$0xDC60] =	vst.add.f32.msk $0xffff, v14  }
0x1a6: {  	[tilespmem:s7+$0x7C70] =	vst.add.f32.msk $0xffff, v9;
	s7 =	sor.u32 s1, s0  }
0x1a7: {  	v9 =	vld [tilespmem:s7+$0x1C70]  }
0x1a8: {  	v44 =	vld [tilespmem:s7+$0x800]  }
0x1a9: {  	v45 =	vld [tilespmem:s7+$0x810]  }
0x1aa: {  	v46 =	vld [tilespmem:s7+$0x820]  }
0x1ab: {  	v47 =	vld [tilespmem:s7+$0x830]  }
0x1ac: {  	[tilespmem:s7+$0xDC70] =	vst.add.f32.msk $0xffff, v9  }
0x1ad: {  	v48 =	vld [tilespmem:s7+$0x840]  }
0x1ae: {  	v49 =	vld [tilespmem:s7+$0x850]  }
0x1af: {  	v50 =	vld [tilespmem:s7+$0x860]  }
0x1b0: {  	v51 =	vld [tilespmem:s7+$0x870]  }
0x1b1: {  	v52 =	vld [tilespmem:s7+$0xC00]  }
0x1b2: {  	v53 =	vld [tilespmem:s7+$0xC10]  }
0x1b3: {  	v54 =	vld [tilespmem:s7+$0xC20]  }
0x1b4: {  	v55 =	vld [tilespmem:s7+$0xC30]  }
0x1b5: {  	v56 =	vld [tilespmem:s7+$0xC40]  }
0x1b6: {  	v57 =	vld [tilespmem:s7+$0xC50]  }
0x1b7: {  	v58 =	vld [tilespmem:s7+$0xC60]  }
0x1b8: {  	v59 =	vld [tilespmem:s7+$0xC70]  }
0x1b9: {  	v60 =	vld [tilespmem:s7+$0x1000]  }
0x1ba: {  	v43 =	vld [tilespmem:s7+$0x1010]  }
0x1bb: {  	v42 =	vld [tilespmem:s7+$0x1020]  }
0x1bc: {  	v41 =	vld [tilespmem:s7+$0x1030]  }
0x1bd: {  	v40 =	vld [tilespmem:s7+$0x1040]  }
0x1be: {  	v39 =	vld [tilespmem:s7+$0x1050]  }
0x1bf: {  	v38 =	vld [tilespmem:s7+$0x1060]  }
0x1c0: {  	v37 =	vld [tilespmem:s7+$0x1070]  }
0x1c1: {  	v36 =	vld [tilespmem:s7+$0x1400]  }
0x1c2: {  	v35 =	vld [tilespmem:s7+$0x1410]  }
0x1c3: {  	v34 =	vld [tilespmem:s7+$0x1420]  }
0x1c4: {  	v33 =	vld [tilespmem:s7+$0x1430]  }
0x1c5: {  	v32 =	vld [tilespmem:s7+$0x1440]  }
0x1c6: {  	v31 =	vld [tilespmem:s7+$0x1450]  }
0x1c7: {  	v30 =	vld [tilespmem:s7+$0x1460]  }
0x1c8: {  	v29 =	vld [tilespmem:s7+$0x1470]  }
0x1c9: {  	v28 =	vld [tilespmem:s7+$0x1800]  }
0x1ca: {  	v27 =	vld [tilespmem:s7+$0x1810]  }
0x1cb: {  	v26 =	vld [tilespmem:s7+$0x1820]  }
0x1cc: {  	v25 =	vld [tilespmem:s7+$0x1830]  }
0x1cd: {  	v24 =	vld [tilespmem:s7+$0x1840]  }
0x1ce: {  	v23 =	vld [tilespmem:s7+$0x1850]  }
0x1cf: {  	v22 =	vld [tilespmem:s7+$0x1860]  }
0x1d0: {  	v21 =	vld [tilespmem:s7+$0x1870]  }
0x1d1: {  	v20 =	vld [tilespmem:s7+$0x1C00]  }
0x1d2: {  	v19 =	vld [tilespmem:s7+$0x1C10]  }
0x1d3: {  	v18 =	vld [tilespmem:s7+$0x1C20]  }
0x1d4: {  	v17 =	vld [tilespmem:s7+$0x1C30]  }
0x1d5: {  	v16 =	vld [tilespmem:s7+$0x1C40]  }
0x1d6: {  	v15 =	vld [tilespmem:s7+$0x1C50]  }
0x1d7: {  	v14 =	vld [tilespmem:s7+$0x1C60]  }
0x1d8: {  	[tilespmem:s7+$0x6800] =	vst.add.f32.msk $0xffff, v44  }
0x1d9: {  	[tilespmem:s7+$0xC800] =	vst.add.f32.msk $0xffff, v44  }
0x1da: {  	[tilespmem:s7+$0x6810] =	vst.add.f32.msk $0xffff, v45  }
0x1db: {  	[tilespmem:s7+$0xC810] =	vst.add.f32.msk $0xffff, v45  }
0x1dc: {  	[tilespmem:s7+$0x6820] =	vst.add.f32.msk $0xffff, v46  }
0x1dd: {  	[tilespmem:s7+$0xC820] =	vst.add.f32.msk $0xffff, v46  }
0x1de: {  	[tilespmem:s7+$0x6830] =	vst.add.f32.msk $0xffff, v47  }
0x1df: {  	[tilespmem:s7+$0xC830] =	vst.add.f32.msk $0xffff, v47  }
0x1e0: {  	[tilespmem:s7+$0x6840] =	vst.add.f32.msk $0xffff, v48  }
0x1e1: {  	[tilespmem:s7+$0xC840] =	vst.add.f32.msk $0xffff, v48  }
0x1e2: {  	[tilespmem:s7+$0x6850] =	vst.add.f32.msk $0xffff, v49  }
0x1e3: {  	[tilespmem:s7+$0xC850] =	vst.add.f32.msk $0xffff, v49  }
0x1e4: {  	[tilespmem:s7+$0x6860] =	vst.add.f32.msk $0xffff, v50  }
0x1e5: {  	[tilespmem:s7+$0xC860] =	vst.add.f32.msk $0xffff, v50  }
0x1e6: {  	[tilespmem:s7+$0x6870] =	vst.add.f32.msk $0xffff, v51  }
0x1e7: {  	[tilespmem:s7+$0xC870] =	vst.add.f32.msk $0xffff, v51  }
0x1e8: {  	[tilespmem:s7+$0x6C00] =	vst.add.f32.msk $0xffff, v52  }
0x1e9: {  	[tilespmem:s7+$0xCC00] =	vst.add.f32.msk $0xffff, v52  }
0x1ea: {  	[tilespmem:s7+$0x6C10] =	vst.add.f32.msk $0xffff, v53  }
0x1eb: {  	[tilespmem:s7+$0xCC10] =	vst.add.f32.msk $0xffff, v53  }
0x1ec: {  	[tilespmem:s7+$0x6C20] =	vst.add.f32.msk $0xffff, v54  }
0x1ed: {  	[tilespmem:s7+$0xCC20] =	vst.add.f32.msk $0xffff, v54  }
0x1ee: {  	[tilespmem:s7+$0x6C30] =	vst.add.f32.msk $0xffff, v55  }
0x1ef: {  	[tilespmem:s7+$0xCC30] =	vst.add.f32.msk $0xffff, v55  }
0x1f0: {  	[tilespmem:s7+$0x6C40] =	vst.add.f32.msk $0xffff, v56  }
0x1f1: {  	[tilespmem:s7+$0xCC40] =	vst.add.f32.msk $0xffff, v56  }
0x1f2: {  	[tilespmem:s7+$0x6C50] =	vst.add.f32.msk $0xffff, v57  }
0x1f3: {  	[tilespmem:s7+$0xCC50] =	vst.add.f32.msk $0xffff, v57  }
0x1f4: {  	[tilespmem:s7+$0x6C60] =	vst.add.f32.msk $0xffff, v58  }
0x1f5: {  	[tilespmem:s7+$0xCC60] =	vst.add.f32.msk $0xffff, v58  }
0x1f6: {  	[tilespmem:s7+$0x6C70] =	vst.add.f32.msk $0xffff, v59  }
0x1f7: {  	[tilespmem:s7+$0xCC70] =	vst.add.f32.msk $0xffff, v59  }
0x1f8: {  	[tilespmem:s7+$0x7000] =	vst.add.f32.msk $0xffff, v60  }
0x1f9: {  	[tilespmem:s7+$0xD000] =	vst.add.f32.msk $0xffff, v60  }
0x1fa: {  	[tilespmem:s7+$0x7010] =	vst.add.f32.msk $0xffff, v43  }
0x1fb: {  	[tilespmem:s7+$0xD010] =	vst.add.f32.msk $0xffff, v43  }
0x1fc: {  	[tilespmem:s7+$0x7020] =	vst.add.f32.msk $0xffff, v42  }
0x1fd: {  	[tilespmem:s7+$0xD020] =	vst.add.f32.msk $0xffff, v42  }
0x1fe: {  	[tilespmem:s7+$0x7030] =	vst.add.f32.msk $0xffff, v41  }
0x1ff: {  	[tilespmem:s7+$0xD030] =	vst.add.f32.msk $0xffff, v41  }
0x200: {  	[tilespmem:s7+$0x7040] =	vst.add.f32.msk $0xffff, v40  }
0x201: {  	[tilespmem:s7+$0xD040] =	vst.add.f32.msk $0xffff, v40  }
0x202: {  	[tilespmem:s7+$0x7050] =	vst.add.f32.msk $0xffff, v39  }
0x203: {  	[tilespmem:s7+$0xD050] =	vst.add.f32.msk $0xffff, v39  }
0x204: {  	[tilespmem:s7+$0x7060] =	vst.add.f32.msk $0xffff, v38  }
0x205: {  	[tilespmem:s7+$0xD060] =	vst.add.f32.msk $0xffff, v38  }
0x206: {  	[tilespmem:s7+$0x7070] =	vst.add.f32.msk $0xffff, v37  }
0x207: {  	[tilespmem:s7+$0xD070] =	vst.add.f32.msk $0xffff, v37  }
0x208: {  	[tilespmem:s7+$0x7400] =	vst.add.f32.msk $0xffff, v36  }
0x209: {  	[tilespmem:s7+$0xD400] =	vst.add.f32.msk $0xffff, v36  }
0x20a: {  	[tilespmem:s7+$0x7410] =	vst.add.f32.msk $0xffff, v35  }
0x20b: {  	[tilespmem:s7+$0xD410] =	vst.add.f32.msk $0xffff, v35  }
0x20c: {  	[tilespmem:s7+$0x7420] =	vst.add.f32.msk $0xffff, v34  }
0x20d: {  	[tilespmem:s7+$0xD420] =	vst.add.f32.msk $0xffff, v34  }
0x20e: {  	[tilespmem:s7+$0x7430] =	vst.add.f32.msk $0xffff, v33  }
0x20f: {  	[tilespmem:s7+$0xD430] =	vst.add.f32.msk $0xffff, v33  }
0x210: {  	[tilespmem:s7+$0x7440] =	vst.add.f32.msk $0xffff, v32  }
0x211: {  	[tilespmem:s7+$0xD440] =	vst.add.f32.msk $0xffff, v32  }
0x212: {  	[tilespmem:s7+$0x7450] =	vst.add.f32.msk $0xffff, v31  }
0x213: {  	[tilespmem:s7+$0xD450] =	vst.add.f32.msk $0xffff, v31  }
0x214: {  	[tilespmem:s7+$0x7460] =	vst.add.f32.msk $0xffff, v30  }
0x215: {  	[tilespmem:s7+$0xD460] =	vst.add.f32.msk $0xffff, v30  }
0x216: {  	[tilespmem:s7+$0x7470] =	vst.add.f32.msk $0xffff, v29  }
0x217: {  	[tilespmem:s7+$0xD470] =	vst.add.f32.msk $0xffff, v29  }
0x218: {  	[tilespmem:s7+$0x7800] =	vst.add.f32.msk $0xffff, v28  }
0x219: {  	[tilespmem:s7+$0xD800] =	vst.add.f32.msk $0xffff, v28  }
0x21a: {  	[tilespmem:s7+$0x7810] =	vst.add.f32.msk $0xffff, v27  }
0x21b: {  	[tilespmem:s7+$0xD810] =	vst.add.f32.msk $0xffff, v27  }
0x21c: {  	[tilespmem:s7+$0x7820] =	vst.add.f32.msk $0xffff, v26  }
0x21d: {  	[tilespmem:s7+$0xD820] =	vst.add.f32.msk $0xffff, v26  }
0x21e: {  	[tilespmem:s7+$0x7830] =	vst.add.f32.msk $0xffff, v25  }
0x21f: {  	[tilespmem:s7+$0xD830] =	vst.add.f32.msk $0xffff, v25  }
0x220: {  	[tilespmem:s7+$0x7840] =	vst.add.f32.msk $0xffff, v24  }
0x221: {  	[tilespmem:s7+$0xD840] =	vst.add.f32.msk $0xffff, v24  }
0x222: {  	[tilespmem:s7+$0x7850] =	vst.add.f32.msk $0xffff, v23  }
0x223: {  	[tilespmem:s7+$0xD850] =	vst.add.f32.msk $0xffff, v23  }
0x224: {  	[tilespmem:s7+$0x7860] =	vst.add.f32.msk $0xffff, v22  }
0x225: {  	[tilespmem:s7+$0xD860] =	vst.add.f32.msk $0xffff, v22  }
0x226: {  	[tilespmem:s7+$0x7870] =	vst.add.f32.msk $0xffff, v21  }
0x227: {  	[tilespmem:s7+$0xD870] =	vst.add.f32.msk $0xffff, v21  }
0x228: {  	[tilespmem:s7+$0x7C00] =	vst.add.f32.msk $0xffff, v20  }
0x229: {  	[tilespmem:s7+$0xDC00] =	vst.add.f32.msk $0xffff, v20  }
0x22a: {  	[tilespmem:s7+$0x7C10] =	vst.add.f32.msk $0xffff, v19  }
0x22b: {  	[tilespmem:s7+$0xDC10] =	vst.add.f32.msk $0xffff, v19  }
0x22c: {  	[tilespmem:s7+$0x7C20] =	vst.add.f32.msk $0xffff, v18  }
0x22d: {  	[tilespmem:s7+$0xDC20] =	vst.add.f32.msk $0xffff, v18  }
0x22e: {  	[tilespmem:s7+$0x7C30] =	vst.add.f32.msk $0xffff, v17  }
.Ltmp2:
0x22f: {  	[tilespmem:s7+$0xDC30] =	vst.add.f32.msk $0xffff, v17;
	(pc) =	sbr.rel @p0 .LBB2_3-.Ltmp2, $4  }
0x230: {  	[tilespmem:s7+$0x7C40] =	vst.add.f32.msk $0xffff, v16  }
0x231: {  	[tilespmem:s7+$0xDC40] =	vst.add.f32.msk $0xffff, v16  }
0x232: {  	[tilespmem:s7+$0x7C50] =	vst.add.f32.msk $0xffff, v15  }
0x233: {  	s0 =	sshrl.u32 s4, $0x3;
	s4 =	sadd.s32 $0x1, s4;
	[tilespmem:s7+$0xDC50] =	vst.add.f32.msk $0xffff, v15  }
0x234: {  	s0 =	smul.u32 $0x1800, s0;
	[tilespmem:s7+$0x7C60] =	vst.add.f32.msk $0xffff, v14;
	s1 =	sadd.s32 $0x80, s6  }
0x235: {  	[tilespmem:s7+$0xDC60] =	vst.add.f32.msk $0xffff, v14;
	s1 =	sand.u32 $0x380, s1  }
0x236: {  	[tilespmem:s7+$0x7C70] =	vst.add.f32.msk $0xffff, v9;
	s0 =	sor.u32 s1, s0  }
0x237: {  	v9 =	vld [tilespmem:s0+$0x1C70]  }
0x238: {  	v14 =	vld [tilespmem:s0+$0x800]  }
0x239: {  	v15 =	vld [tilespmem:s0+$0x810]  }
0x23a: {  	v16 =	vld [tilespmem:s0+$0x820]  }
0x23b: {  	v17 =	vld [tilespmem:s0+$0x830]  }
0x23c: {  	v18 =	vld [tilespmem:s0+$0x840]  }
0x23d: {  	v19 =	vld [tilespmem:s0+$0x850]  }
0x23e: {  	v20 =	vld [tilespmem:s0+$0x860]  }
0x23f: {  	v21 =	vld [tilespmem:s0+$0x870]  }
0x240: {  	v22 =	vld [tilespmem:s0+$0xC00]  }
0x241: {  	v23 =	vld [tilespmem:s0+$0xC10]  }
0x242: {  	v24 =	vld [tilespmem:s0+$0xC20]  }
0x243: {  	v25 =	vld [tilespmem:s0+$0xC30]  }
0x244: {  	v26 =	vld [tilespmem:s0+$0xC40]  }
0x245: {  	v27 =	vld [tilespmem:s0+$0xC50]  }
0x246: {  	v28 =	vld [tilespmem:s0+$0xC60]  }
0x247: {  	v29 =	vld [tilespmem:s0+$0xC70]  }
0x248: {  	v30 =	vld [tilespmem:s0+$0x1000]  }
0x249: {  	v31 =	vld [tilespmem:s0+$0x1010]  }
0x24a: {  	v32 =	vld [tilespmem:s0+$0x1020]  }
0x24b: {  	v33 =	vld [tilespmem:s0+$0x1030]  }
0x24c: {  	v34 =	vld [tilespmem:s0+$0x1040]  }
0x24d: {  	v35 =	vld [tilespmem:s0+$0x1050]  }
0x24e: {  	v36 =	vld [tilespmem:s0+$0x1060]  }
0x24f: {  	v37 =	vld [tilespmem:s0+$0x1070]  }
0x250: {  	v38 =	vld [tilespmem:s0+$0x1400]  }
0x251: {  	v39 =	vld [tilespmem:s0+$0x1410]  }
0x252: {  	v40 =	vld [tilespmem:s0+$0x1420]  }
0x253: {  	v41 =	vld [tilespmem:s0+$0x1430]  }
0x254: {  	v42 =	vld [tilespmem:s0+$0x1440]  }
0x255: {  	v43 =	vld [tilespmem:s0+$0x1450]  }
0x256: {  	v44 =	vld [tilespmem:s0+$0x1460]  }
0x257: {  	v45 =	vld [tilespmem:s0+$0x1470]  }
0x258: {  	v46 =	vld [tilespmem:s0+$0x1800]  }
0x259: {  	v47 =	vld [tilespmem:s0+$0x1810]  }
0x25a: {  	v48 =	vld [tilespmem:s0+$0x1820]  }
0x25b: {  	v49 =	vld [tilespmem:s0+$0x1830]  }
0x25c: {  	v50 =	vld [tilespmem:s0+$0x1840]  }
0x25d: {  	v51 =	vld [tilespmem:s0+$0x1850]  }
0x25e: {  	v52 =	vld [tilespmem:s0+$0x1860]  }
0x25f: {  	v53 =	vld [tilespmem:s0+$0x1870]  }
0x260: {  	v54 =	vld [tilespmem:s0+$0x1C00]  }
0x261: {  	v55 =	vld [tilespmem:s0+$0x1C10]  }
0x262: {  	v56 =	vld [tilespmem:s0+$0x1C20]  }
0x263: {  	v57 =	vld [tilespmem:s0+$0x1C30]  }
0x264: {  	v58 =	vld [tilespmem:s0+$0x1C40]  }
0x265: {  	v59 =	vld [tilespmem:s0+$0x1C50]  }
0x266: {  	v60 =	vld [tilespmem:s0+$0x1C60]  }
0x267: {  	[tilespmem:s0+$0xDC70] =	vst.add.f32.msk $0xffff, v9  }
0x268: {  	[tilespmem:s0+$0x6800] =	vst.add.f32.msk $0xffff, v14  }
0x269: {  	[tilespmem:s0+$0xC800] =	vst.add.f32.msk $0xffff, v14  }
0x26a: {  	[tilespmem:s0+$0x6810] =	vst.add.f32.msk $0xffff, v15  }
0x26b: {  	[tilespmem:s0+$0xC810] =	vst.add.f32.msk $0xffff, v15  }
0x26c: {  	[tilespmem:s0+$0x6820] =	vst.add.f32.msk $0xffff, v16  }
0x26d: {  	[tilespmem:s0+$0xC820] =	vst.add.f32.msk $0xffff, v16  }
0x26e: {  	[tilespmem:s0+$0x6830] =	vst.add.f32.msk $0xffff, v17  }
0x26f: {  	[tilespmem:s0+$0xC830] =	vst.add.f32.msk $0xffff, v17  }
0x270: {  	[tilespmem:s0+$0x6840] =	vst.add.f32.msk $0xffff, v18  }
0x271: {  	[tilespmem:s0+$0xC840] =	vst.add.f32.msk $0xffff, v18  }
0x272: {  	[tilespmem:s0+$0x6850] =	vst.add.f32.msk $0xffff, v19  }
0x273: {  	[tilespmem:s0+$0xC850] =	vst.add.f32.msk $0xffff, v19  }
0x274: {  	[tilespmem:s0+$0x6860] =	vst.add.f32.msk $0xffff, v20  }
0x275: {  	[tilespmem:s0+$0xC860] =	vst.add.f32.msk $0xffff, v20  }
0x276: {  	[tilespmem:s0+$0x6870] =	vst.add.f32.msk $0xffff, v21  }
0x277: {  	[tilespmem:s0+$0xC870] =	vst.add.f32.msk $0xffff, v21  }
0x278: {  	[tilespmem:s0+$0x6C00] =	vst.add.f32.msk $0xffff, v22  }
0x279: {  	[tilespmem:s0+$0xCC00] =	vst.add.f32.msk $0xffff, v22  }
0x27a: {  	[tilespmem:s0+$0x6C10] =	vst.add.f32.msk $0xffff, v23  }
0x27b: {  	[tilespmem:s0+$0xCC10] =	vst.add.f32.msk $0xffff, v23  }
0x27c: {  	[tilespmem:s0+$0x6C20] =	vst.add.f32.msk $0xffff, v24  }
0x27d: {  	[tilespmem:s0+$0xCC20] =	vst.add.f32.msk $0xffff, v24  }
0x27e: {  	[tilespmem:s0+$0x6C30] =	vst.add.f32.msk $0xffff, v25  }
0x27f: {  	[tilespmem:s0+$0xCC30] =	vst.add.f32.msk $0xffff, v25  }
0x280: {  	[tilespmem:s0+$0x6C40] =	vst.add.f32.msk $0xffff, v26  }
0x281: {  	[tilespmem:s0+$0xCC40] =	vst.add.f32.msk $0xffff, v26  }
0x282: {  	[tilespmem:s0+$0x6C50] =	vst.add.f32.msk $0xffff, v27  }
0x283: {  	[tilespmem:s0+$0xCC50] =	vst.add.f32.msk $0xffff, v27  }
0x284: {  	[tilespmem:s0+$0x6C60] =	vst.add.f32.msk $0xffff, v28  }
0x285: {  	[tilespmem:s0+$0xCC60] =	vst.add.f32.msk $0xffff, v28  }
0x286: {  	[tilespmem:s0+$0x6C70] =	vst.add.f32.msk $0xffff, v29  }
0x287: {  	[tilespmem:s0+$0xCC70] =	vst.add.f32.msk $0xffff, v29  }
0x288: {  	[tilespmem:s0+$0x7000] =	vst.add.f32.msk $0xffff, v30  }
0x289: {  	[tilespmem:s0+$0xD000] =	vst.add.f32.msk $0xffff, v30  }
0x28a: {  	[tilespmem:s0+$0x7010] =	vst.add.f32.msk $0xffff, v31  }
0x28b: {  	[tilespmem:s0+$0xD010] =	vst.add.f32.msk $0xffff, v31  }
0x28c: {  	[tilespmem:s0+$0x7020] =	vst.add.f32.msk $0xffff, v32  }
0x28d: {  	[tilespmem:s0+$0xD020] =	vst.add.f32.msk $0xffff, v32  }
0x28e: {  	[tilespmem:s0+$0x7030] =	vst.add.f32.msk $0xffff, v33  }
0x28f: {  	[tilespmem:s0+$0xD030] =	vst.add.f32.msk $0xffff, v33  }
0x290: {  	[tilespmem:s0+$0x7040] =	vst.add.f32.msk $0xffff, v34  }
0x291: {  	[tilespmem:s0+$0xD040] =	vst.add.f32.msk $0xffff, v34  }
0x292: {  	[tilespmem:s0+$0x7050] =	vst.add.f32.msk $0xffff, v35  }
0x293: {  	[tilespmem:s0+$0xD050] =	vst.add.f32.msk $0xffff, v35  }
0x294: {  	[tilespmem:s0+$0x7060] =	vst.add.f32.msk $0xffff, v36  }
0x295: {  	[tilespmem:s0+$0xD060] =	vst.add.f32.msk $0xffff, v36  }
0x296: {  	[tilespmem:s0+$0x7070] =	vst.add.f32.msk $0xffff, v37  }
0x297: {  	[tilespmem:s0+$0xD070] =	vst.add.f32.msk $0xffff, v37  }
0x298: {  	[tilespmem:s0+$0x7400] =	vst.add.f32.msk $0xffff, v38  }
0x299: {  	[tilespmem:s0+$0xD400] =	vst.add.f32.msk $0xffff, v38  }
0x29a: {  	[tilespmem:s0+$0x7410] =	vst.add.f32.msk $0xffff, v39  }
0x29b: {  	[tilespmem:s0+$0xD410] =	vst.add.f32.msk $0xffff, v39  }
0x29c: {  	[tilespmem:s0+$0x7420] =	vst.add.f32.msk $0xffff, v40  }
0x29d: {  	[tilespmem:s0+$0xD420] =	vst.add.f32.msk $0xffff, v40  }
0x29e: {  	[tilespmem:s0+$0x7430] =	vst.add.f32.msk $0xffff, v41  }
0x29f: {  	[tilespmem:s0+$0xD430] =	vst.add.f32.msk $0xffff, v41  }
0x2a0: {  	[tilespmem:s0+$0x7440] =	vst.add.f32.msk $0xffff, v42  }
0x2a1: {  	[tilespmem:s0+$0xD440] =	vst.add.f32.msk $0xffff, v42  }
0x2a2: {  	[tilespmem:s0+$0x7450] =	vst.add.f32.msk $0xffff, v43  }
0x2a3: {  	[tilespmem:s0+$0xD450] =	vst.add.f32.msk $0xffff, v43  }
0x2a4: {  	[tilespmem:s0+$0x7460] =	vst.add.f32.msk $0xffff, v44  }
0x2a5: {  	[tilespmem:s0+$0xD460] =	vst.add.f32.msk $0xffff, v44  }
0x2a6: {  	[tilespmem:s0+$0x7470] =	vst.add.f32.msk $0xffff, v45  }
0x2a7: {  	[tilespmem:s0+$0xD470] =	vst.add.f32.msk $0xffff, v45  }
0x2a8: {  	[tilespmem:s0+$0x7800] =	vst.add.f32.msk $0xffff, v46  }
0x2a9: {  	[tilespmem:s0+$0xD800] =	vst.add.f32.msk $0xffff, v46  }
0x2aa: {  	[tilespmem:s0+$0x7810] =	vst.add.f32.msk $0xffff, v47  }
0x2ab: {  	[tilespmem:s0+$0xD810] =	vst.add.f32.msk $0xffff, v47  }
0x2ac: {  	[tilespmem:s0+$0x7820] =	vst.add.f32.msk $0xffff, v48  }
0x2ad: {  	[tilespmem:s0+$0xD820] =	vst.add.f32.msk $0xffff, v48  }
0x2ae: {  	[tilespmem:s0+$0x7830] =	vst.add.f32.msk $0xffff, v49  }
0x2af: {  	[tilespmem:s0+$0xD830] =	vst.add.f32.msk $0xffff, v49  }
0x2b0: {  	[tilespmem:s0+$0x7840] =	vst.add.f32.msk $0xffff, v50  }
0x2b1: {  	[tilespmem:s0+$0xD840] =	vst.add.f32.msk $0xffff, v50  }
0x2b2: {  	[tilespmem:s0+$0x7850] =	vst.add.f32.msk $0xffff, v51  }
0x2b3: {  	[tilespmem:s0+$0xD850] =	vst.add.f32.msk $0xffff, v51  }
0x2b4: {  	v11 =	vor.u32 v13, v11;
	[tilespmem:s0+$0x7860] =	vst.add.f32.msk $0xffff, v52  }
0x2b5: {  	(v2sf) =	vpush v11, $0x0;
	[tilespmem:s0+$0xD860] =	vst.add.f32.msk $0xffff, v52  }
0x2b6: {  	[tilespmem:s0+$0x7870] =	vst.add.f32.msk $0xffff, v53  }
0x2b7: {  	v10 =	vor.u32 v12, v10;
	[tilespmem:s0+$0xD870] =	vst.add.f32.msk $0xffff, v53  }
0x2b8: {  	(v2sf) =	vpush v10, $0x0;
	[tilespmem:s0+$0x7C00] =	vst.add.f32.msk $0xffff, v54  }
0x2b9: {  	[tilespmem:s0+$0xDC00] =	vst.add.f32.msk $0xffff, v54  }
0x2ba: {  	[tilespmem:s0+$0x7C10] =	vst.add.f32.msk $0xffff, v55  }
0x2bb: {  	[tilespmem:s0+$0xDC10] =	vst.add.f32.msk $0xffff, v55  }
0x2bc: {  	[tilespmem:s0+$0x7C20] =	vst.add.f32.msk $0xffff, v56  }
0x2bd: {  	[tilespmem:s0+$0xDC20] =	vst.add.f32.msk $0xffff, v56  }
0x2be: {  	[tilespmem:s0+$0x7C30] =	vst.add.f32.msk $0xffff, v57  }
0x2bf: {  	[tilespmem:s0+$0xDC30] =	vst.add.f32.msk $0xffff, v57  }
0x2c0: {  	[tilespmem:s0+$0x7C40] =	vst.add.f32.msk $0xffff, v58  }
0x2c1: {  	[tilespmem:s0+$0xDC40] =	vst.add.f32.msk $0xffff, v58  }
0x2c2: {  	[tilespmem:s0+$0x7C50] =	vst.add.f32.msk $0xffff, v59  }
0x2c3: {  	p0 =	seq.s32 s8, $0x0;
	[tilespmem:s0+$0xDC50] =	vst.add.f32.msk $0xffff, v59  }
.Ltmp3:
0x2c4: {  	[tilespmem:s0+$0x7C60] =	vst.add.f32.msk $0xffff, v60;
	s30 =	spop (v2sf);
	(pc) =	sbr.rel @p0 .LBB2_8-.Ltmp3, $4  }
0x2c5: {  	[dreg:$0x1f] =	wrdreg s30  }
0x2c6: {  	[tilespmem:s0+$0xDC60] =	vst.add.f32.msk $0xffff, v60  }
0x2c7: {  	s31 =	spop (v2sf);
	[tilespmem:s0+$0x7C70] =	vst.add.f32.msk $0xffff, v9  }
0x2c8: {  	s1 =	simm.s32 $0x0;
	s0 =	simm.s32 $0x0;
	[dreg:$0x1d] =	wrdreg s31  }
.LBB2_5:
0x2c9: {  	s3 =	sshrl.u32 s1, $0x3  }
0x2ca: {  	s4 =	sshll.u32 s1, $0x7;
	s3 =	smul.u32 $0x1800, s3  }
0x2cb: {  	s6 =	sand.u32 $0x10, s1;
	s4 =	sand.u32 $0x380, s4  }
0x2cc: {  	s30 =	sand.u32 $0x1C00, s0;
	v9 =	vld [tilespmem:s6+$0x600];
	s3 =	sor.u32 s4, s3  }
0x2cd: {  	s31 =	sand.u32 $0x70, s0;
	s4 =	sadd.s32 s3, s30  }
0x2ce: {  	s4 =	sor.u32 s31, s4  }
0x2cf: {  	v11 =	vld [tilespmem:s4+$0x800]  }
0x2d0: {  	v10 =	vmov s1;
	v12 =	vld [tilespmem:s4+$0x6800]  }
0x2d1: {  	v9 =	vperm.xlane v9, v10;
	_ =	sdelay $0x1  }
0x2d2: {  	v10 =	vsub.f32 $1.000000000e+00, v9;
	_ =	sdelay $0x1  }
0x2d3: {  	s6 =	simm.s32 $0x80;
	v12 =	vmul.f32 v12, v10;
	v11 =	vmul.f32 v11, v9  }
0x2d4: {  	s7 =	simm.s32 $0x10;
	s9 =	sand.u32 $0x1C00, s6  }
0x2d5: {  	s8 =	sand.u32 $0x70, s7;
	s7 =	simm.s32 $0x20;
	s9 =	sadd.s32 s3, s9;
	v11 =	vadd.f32 v11, v12  }
.LBB2_6:
0x2d6: {  	p0 =	sne.s32 s7, $0x2F0;
	s8 =	sor.u32 s8, s9  }
0x2d7: {  	v12 =	vld [tilespmem:s8+$0x800];
	[tilespmem:s4+$0x6800] =	vst v11;
	s4 =	smov.u32 s8  }
0x2d8: {  	v11 =	vld [tilespmem:s4+$0x6800];
	_ =	sdelay $0x2  }
.Ltmp4:
0x2d9: {  	(pc) =	sbr.rel @p0 .LBB2_6-.Ltmp4, $4  }
0x2da: {  	_ = 	snop  }
0x2db: {  	s6 =	sadd.s32 $0x80, s6;
	v12 =	vmul.f32 v12, v9;
	v11 =	vmul.f32 v11, v10  }
0x2dc: {  	s9 =	sand.u32 $0x1C00, s6  }
0x2dd: {  	s8 =	sand.u32 $0x70, s7;
	s7 =	sadd.s32 $0x10, s7;
	s9 =	sadd.s32 s3, s9;
	v11 =	vadd.f32 v12, v11  }
0x2de: {  	s3 =	sor.u32 s8, s9  }
0x2df: {  	v12 =	vld [tilespmem:s3+$0x800];
	[tilespmem:s4+$0x6800] =	vst v11  }
0x2e0: {  	v11 =	vld [tilespmem:s3+$0x6800];
	_ =	sdelay $0x2  }
0x2e1: {  	s1 =	sadd.s32 $0x1, s1  }
0x2e2: {  	p0 =	sne.s32 s1, $0x20  }
.Ltmp5:
0x2e3: {  	v9 =	vmul.f32 v12, v9;
	v10 =	vmul.f32 v11, v10;
	(pc) =	sbr.rel @p0 .LBB2_5-.Ltmp5, $3  }
0x2e4: {  	_ = 	snop  }
0x2e5: {  	v9 =	vadd.f32 v9, v10;
	_ =	sdelay $0x1  }
0x2e6: {  	[tilespmem:s3+$0x6800] =	vst v9  }
.LBB2_8:
0x2e7: {  	p0 =	seq.s32 s10, $0x0  }
.Ltmp6:
0x2e8: {  	_ = 	snop;
	(pc) =	sbr.rel @p0 .LBB2_12-.Ltmp6, $2  }
0x2e9: {  	_ =	sdelay $0x2  }
0x2ea: {  	s0 =	simm.s32 $0x0;
	s1 =	simm.s32 $0x0  }
.LBB2_9:
0x2eb: {  	s3 =	sshrl.u32 s1, $0x3  }
0x2ec: {  	s4 =	sshll.u32 s1, $0x7;
	s3 =	smul.u32 $0x1800, s3  }
0x2ed: {  	s4 =	sand.u32 $0x380, s4  }
0x2ee: {  	s6 =	sand.u32 $0x10, s1;
	s3 =	sor.u32 s4, s3  }
0x2ef: {  	s7 =	sand.u32 $0x1C00, s0;
	v9 =	vld [tilespmem:s6+$0x680];
	s4 =	sadd.s32 $0xC800, s3  }
0x2f0: {  	s8 =	sand.u32 $0x70, s0;
	s3 =	sadd.s32 $0x800, s3;
	s30 =	sadd.s32 s7, s4  }
0x2f1: {  	s7 =	sadd.s32 s7, s3;
	s6 =	sadd.s32 s8, s30  }
0x2f2: {  	s7 =	sadd.s32 s8, s7;
	v11 =	vld [tilespmem:s6+$0x0]  }
0x2f3: {  	v10 =	vmov s1;
	v12 =	vld [tilespmem:s7+$0x0]  }
0x2f4: {  	v9 =	vperm.xlane v9, v10;
	_ =	sdelay $0x1  }
0x2f5: {  	v10 =	vsub.f32 $1.000000000e+00, v9;
	_ =	sdelay $0x1  }
0x2f6: {  	v11 =	vmul.f32 v11, v10;
	v12 =	vmul.f32 v12, v9  }
0x2f7: {  	s7 =	simm.s32 $0x80  }
0x2f8: {  	s31 =	simm.s32 $0x10;
	s10 =	sand.u32 $0x1C00, s7;
	v11 =	vadd.f32 v12, v11  }
0x2f9: {  	s9 =	sand.u32 $0x70, s31;
	s8 =	simm.s32 $0x20;
	s11 =	sadd.s32 s10, s4  }
.LBB2_10:
0x2fa: {  	p0 =	sne.s32 s8, $0x2F0;
	s10 =	sadd.s32 s10, s3;
	[tilespmem:s6+$0x0] =	vst v11;
	s6 =	sadd.s32 s9, s11  }
0x2fb: {  	v11 =	vld [tilespmem:s6+$0x0];
	s9 =	sadd.s32 s9, s10  }
0x2fc: {  	v12 =	vld [tilespmem:s9+$0x0];
	_ =	sdelay $0x3  }
.Ltmp7:
0x2fd: {  	(pc) =	sbr.rel @p0 .LBB2_10-.Ltmp7, $4  }
0x2fe: {  	v11 =	vmul.f32 v11, v10;
	v12 =	vmul.f32 v12, v9  }
0x2ff: {  	s7 =	sadd.s32 $0x80, s7  }
0x300: {  	s10 =	sand.u32 $0x1C00, s7;
	v11 =	vadd.f32 v12, v11  }
0x301: {  	s9 =	sand.u32 $0x70, s8;
	s11 =	sadd.s32 s10, s4;
	s8 =	sadd.s32 $0x10, s8  }
0x302: {  	s4 =	sadd.s32 s9, s11;
	s3 =	sadd.s32 s10, s3;
	[tilespmem:s6+$0x0] =	vst v11  }
0x303: {  	v11 =	vld [tilespmem:s4+$0x0];
	s3 =	sadd.s32 s9, s3  }
0x304: {  	v12 =	vld [tilespmem:s3+$0x0];
	_ =	sdelay $0x2  }
0x305: {  	s1 =	sadd.s32 $0x1, s1  }
0x306: {  	p0 =	sne.s32 s1, $0x20  }
.Ltmp8:
0x307: {  	v10 =	vmul.f32 v11, v10;
	v9 =	vmul.f32 v12, v9;
	(pc) =	sbr.rel @p0 .LBB2_9-.Ltmp8, $3  }
0x308: {  	_ = 	snop  }
0x309: {  	v9 =	vadd.f32 v9, v10;
	_ =	sdelay $0x1  }
0x30a: {  	[tilespmem:s4+$0x0] =	vst v9  }
.LBB2_12:
0x30b: {  	s0 =	rddreg [dreg:$0x7]  }
0x30c: {  	s0 =	sor.u32 s0, s14  }
0x30d: {  	s0 =	sshrl.u32 s0, $0x3  }
0x30e: {  	s20 =	rddreg [dreg:$0x3];
	s23 =	smin.u32 s2, $0x1B;
	s3 =	smul.u32 $0x300, s0  }
0x30f: {  	s1 =	simm.s32 $0x6800;
	s21 =	rddreg [dreg:$0xf];
	s24 =	sadd.s32 $0x4, s23  }
0x310: {  	s22 =	simm.s32 $0xC800;
	s25 =	sshll.u32 s24, $0x3;
	s0 =	sadd.s32 s20, s3  }
0x311: {  	[hbm4b:s0+s12] =	stream.linear.scatter [tilespmem:s1], [sflag:$0x6], $0x6000, $0x38;
	[tilespmem:$0x1E800] =	vst v63  }
0x312: {  	[dreg:$0x1e] =	wrdreg s3;
	s0 =	sadd.s32 s3, s21;
	s1 =	sshll.u32 s24, $0x5  }
0x313: {  	[hbm4b:s0+s12] =	stream.linear.scatter [tilespmem:s22], [sflag:$0x7], $0x6000, $0x38;
	[tilespmem:$0x1E800] =	vst v63  }
0x314: {  	s3 =	sand.u32 $0x60, s25;
	s1 =	sand.u32 $0x600, s1;
	s0 =	sshll.u32 s23, $0x7  }
0x315: {  	s1 =	sor.u32 s3, s1;
	s0 =	sand.u32 $0x180, s0  }
0x316: {  	s0 =	sor.u32 s0, s1  }
0x317: {  	v9 =	vld [tilespmem:s0+$0x0];
	_ =	sdelay $0x4  }
0x318: {  	vm1 =	veq.s32 v9, $0x186A0  }
0x319: {  	v9 =	vsel vm1, $0x0, v9  }
0x31a: {  	[tilespmem:$0x400] =	vst v9;
	v9 =	vsel vm1, $0x3F800000, v0  }
0x31b: {  	[tilespmem:$0x600] =	vst v9  }
0x31c: {  	v9 =	vld [tilespmem:s0+$0x10];
	_ =	sdelay $0x2  }
0x31d: {  	s26 =	smin.u32 s2, $0x1A  }
0x31e: {  	s0 =	sadd.s32 $0x5, s26  }
0x31f: {  	s28 =	sshll.u32 s0, $0x3;
	s29 =	sshll.u32 s0, $0x5;
	vm2 =	veq.s32 v9, $0x186A0  }
0x320: {  	s0 =	sshll.u32 s0, $0x7;
	s1 =	sand.u32 $0x60, s28;
	s2 =	sand.u32 $0x600, s29;
	v9 =	vsel vm2, $0x0, v9  }
0x321: {  	s0 =	sand.u32 $0x180, s0;
	s1 =	sor.u32 s1, s2;
	[tilespmem:$0x410] =	vst v9;
	v9 =	vsel vm2, $0x3F800000, v0  }
0x322: {  	s0 =	sor.u32 s0, s1;
	[tilespmem:$0x610] =	vst v9  }
0x323: {  	v9 =	vld [tilespmem:s0+$0x0];
	_ =	sdelay $0x4  }
0x324: {  	vm3 =	veq.s32 v9, $0x186A0  }
0x325: {  	v9 =	vsel vm3, $0x0, v9  }
0x326: {  	[tilespmem:$0x480] =	vst v9;
	v9 =	vsel vm3, $0x3F800000, v0  }
0x327: {  	[tilespmem:$0x680] =	vst v9  }
0x328: {  	v9 =	vld [tilespmem:s0+$0x10];
	_ =	sdelay $0x4  }
0x329: {  	vm1 =	vmor vm1, vm2;
	vm2 =	veq.s32 v9, $0x186A0  }
0x32a: {  	v10 =	vsel vm1, $0x1, v1;
	vm1 =	vmor vm3, vm2  }
0x32b: {  	v11 =	vperm.xlane v10, v2;
	v12 =	vsel vm1, $0x1, v1  }
0x32c: {  	v13 =	vperm.xlane v12, v2  }
0x32d: {  	v10 =	vor.u32 v10, v11  }
0x32e: {  	v11 =	vperm.xlane v10, v3;
	v12 =	vor.u32 v12, v13  }
0x32f: {  	v13 =	vperm.xlane v12, v3  }
0x330: {  	v10 =	vor.u32 v11, v10  }
0x331: {  	v11 =	vperm.xlane v10, v4;
	v12 =	vor.u32 v13, v12  }
0x332: {  	v13 =	vperm.xlane v12, v4  }
0x333: {  	v10 =	vor.u32 v11, v10  }
0x334: {  	v11 =	vperm.xlane v10, v5;
	v12 =	vor.u32 v13, v12  }
0x335: {  	v13 =	vperm.xlane v12, v5  }
0x336: {  	v10 =	vor.u32 v11, v10  }
0x337: {  	(v2sf) =	vpush v10, $0x0;
	v10 =	vor.u32 v13, v12  }
0x338: {  	(v2sf) =	vpush v10, $0x0;
	_ =	sdelay $0xa  }
0x339: {  	p0 =	seq.s32 s13, $0x7  }
.Ltmp9:
0x33a: {  	_ = 	snop;
	(pc) =	sbr.rel @p0 .LBB2_14-.Ltmp9, $4  }
0x33b: {  	[dreg:$0x1a] =	wrdreg s14  }
0x33c: {  	[dreg:$0x19] =	wrdreg s13;
	v9 =	vsel vm2, $0x0, v9;
	s30 =	spop (v2sf)  }
0x33d: {  	[tilespmem:$0x490] =	vst v9;
	v9 =	vsel vm2, $0x3F800000, v0;
	[dreg:$0x1c] =	wrdreg s30;
	s31 =	spop (v2sf)  }
0x33e: {  	[tilespmem:$0x690] =	vst v9;
	[dreg:$0x1b] =	wrdreg s31  }
0x33f: {  	s0 =	simm.s32 $0x6  }
0x340: {  	_ =	swait.ge [sflag:s0], $0x6000  }
0x341: {  	[sflag:s0] =	ssyncset.done $0x0  }
0x342: {  	s6 =	simm.s32 $0x7;
	[sflag:s0] =	ssyncadd.s32 $0xFFFFA000  }
0x343: {  	_ =	swait.ge [sflag:s6], $0x6000  }
0x344: {  	[sflag:s6] =	ssyncset.done $0x0  }
0x345: {  	[sflag:s6] =	ssyncadd.s32 $0xFFFFA000  }
0x346: {  	v9 =	vld [tilespmem:$0x400];
	_ =	sdelay $0x4  }
0x347: {  	v10 =	vshrl.u32 v9, $0x3  }
0x348: {  	v10 =	vmul.u32 $0x30, v10  }
0x349: {  	v9 =	vand.u32 $0x7, v9  }
0x34a: {  	v9 =	vor.u32 v9, v10  }
0x34b: {  	v10 =	vperm.xlane v9, v6;
	_ =	sdelay $0x1  }
0x34c: {  	v10 =	vadd.s32 v7, v10;
	_ =	sdelay $0x3  }
0x34d: {  	s1 =	simm.s32 $0x6800;
	s0 =	rddreg [dreg:$0x1];
	v9 =	vperm.xlane v9, v8  }
0x34e: {  	[tilespmem:s1], [sflag:$0x2] =	stream.indirect_vreg.gather [hbm4b:s0+s12], $0x80, v10, vm0, $0xb8;
	[tilespmem:$0x1E800] =	vst v63  }
0x34f: {  	s2 =	simm.s32 $0x7000;
	s7 =	rddreg [dreg:$0xd];
	v9 =	vadd.s32 v7, v9  }
0x350: {  	[tilespmem:s2], [sflag:$0x2] =	stream.indirect_vreg.gather [hbm4b:s7+s12], $0x80, v10, vm0, $0xb8;
	[tilespmem:$0x1E800] =	vst v63  }
0x351: {  	s3 =	simm.s32 $0x7800;
	s8 =	rddreg [dreg:$0xe]  }
0x352: {  	[tilespmem:s3], [sflag:$0x2] =	stream.indirect_vreg.gather [hbm4b:s8+s12], $0x80, v10, vm0, $0xb8;
	[tilespmem:$0x1E800] =	vst v63  }
0x353: {  	s9 =	simm.s32 $0x8000  }
0x354: {  	[tilespmem:s9], [sflag:$0x2] =	stream.indirect_vreg.gather [hbm4b:s0+s12], $0x80, v9, vm0, $0xb8;
	[tilespmem:$0x1E800] =	vst v63  }
0x355: {  	s10 =	simm.s32 $0x8800  }
0x356: {  	[tilespmem:s10], [sflag:$0x2] =	stream.indirect_vreg.gather [hbm4b:s7+s12], $0x80, v9, vm0, $0xb8;
	[tilespmem:$0x1E800] =	vst v63  }
0x357: {  	s11 =	simm.s32 $0x9000  }
0x358: {  	[tilespmem:s11], [sflag:$0x2] =	stream.indirect_vreg.gather [hbm4b:s8+s12], $0x80, v9, vm0, $0xb8;
	[tilespmem:$0x1E800] =	vst v63  }
0x359: {  	v9 =	vld [tilespmem:$0x410];
	_ =	sdelay $0x4  }
0x35a: {  	v10 =	vshrl.u32 v9, $0x3  }
0x35b: {  	v10 =	vmul.u32 $0x30, v10  }
0x35c: {  	v9 =	vand.u32 $0x7, v9  }
0x35d: {  	v9 =	vor.u32 v9, v10  }
0x35e: {  	v10 =	vperm.xlane v9, v6;
	_ =	sdelay $0x1  }
0x35f: {  	v10 =	vadd.s32 v7, v10;
	_ =	sdelay $0x3  }
0x360: {  	s13 =	simm.s32 $0x9800;
	v9 =	vperm.xlane v9, v8  }
0x361: {  	[tilespmem:s13], [sflag:$0x2] =	stream.indirect_vreg.gather [hbm4b:s0+s12], $0x80, v10, vm0, $0xb8;
	[tilespmem:$0x1E800] =	vst v63  }
0x362: {  	s14 =	simm.s32 $0xA000;
	v9 =	vadd.s32 v7, v9  }
0x363: {  	[tilespmem:s14], [sflag:$0x2] =	stream.indirect_vreg.gather [hbm4b:s7+s12], $0x80, v10, vm0, $0xb8;
	[tilespmem:$0x1E800] =	vst v63  }
0x364: {  	s15 =	simm.s32 $0xA800  }
0x365: {  	[tilespmem:s15], [sflag:$0x2] =	stream.indirect_vreg.gather [hbm4b:s8+s12], $0x80, v10, vm0, $0xb8;
	[tilespmem:$0x1E800] =	vst v63  }
0x366: {  	s16 =	simm.s32 $0xB000  }
0x367: {  	[tilespmem:s16], [sflag:$0x2] =	stream.indirect_vreg.gather [hbm4b:s0+s12], $0x80, v9, vm0, $0xb8;
	[tilespmem:$0x1E800] =	vst v63  }
0x368: {  	s17 =	simm.s32 $0xB800  }
0x369: {  	[tilespmem:s17], [sflag:$0x2] =	stream.indirect_vreg.gather [hbm4b:s7+s12], $0x80, v9, vm0, $0xb8;
	[tilespmem:$0x1E800] =	vst v63  }
0x36a: {  	s18 =	simm.s32 $0xC000  }
0x36b: {  	[tilespmem:s18], [sflag:$0x2] =	stream.indirect_vreg.gather [hbm4b:s8+s12], $0x80, v9, vm0, $0xb8;
	[tilespmem:$0x1E800] =	vst v63  }
0x36c: {  	v9 =	vld [tilespmem:$0x480];
	_ =	sdelay $0x4  }
0x36d: {  	v10 =	vshrl.u32 v9, $0x3  }
0x36e: {  	v10 =	vmul.u32 $0x30, v10  }
0x36f: {  	v9 =	vand.u32 $0x7, v9  }
0x370: {  	v9 =	vor.u32 v9, v10  }
0x371: {  	v10 =	vperm.xlane v9, v6;
	_ =	sdelay $0x1  }
0x372: {  	v10 =	vadd.s32 v7, v10;
	_ =	sdelay $0x3  }
0x373: {  	s19 =	simm.s32 $0xC800;
	v9 =	vperm.xlane v9, v8  }
0x374: {  	[tilespmem:s19], [sflag:$0x3] =	stream.indirect_vreg.gather [hbm4b:s0+s12], $0x80, v10, vm0, $0xb8;
	[tilespmem:$0x1E800] =	vst v63  }
0x375: {  	s20 =	simm.s32 $0xD000;
	v9 =	vadd.s32 v7, v9  }
0x376: {  	[tilespmem:s20], [sflag:$0x3] =	stream.indirect_vreg.gather [hbm4b:s7+s12], $0x80, v10, vm0, $0xb8;
	[tilespmem:$0x1E800] =	vst v63  }
0x377: {  	s21 =	simm.s32 $0xD800  }
0x378: {  	[tilespmem:s21], [sflag:$0x3] =	stream.indirect_vreg.gather [hbm4b:s8+s12], $0x80, v10, vm0, $0xb8;
	[tilespmem:$0x1E800] =	vst v63  }
0x379: {  	s22 =	simm.s32 $0xE000  }
0x37a: {  	[tilespmem:s22], [sflag:$0x3] =	stream.indirect_vreg.gather [hbm4b:s0+s12], $0x80, v9, vm0, $0xb8;
	[tilespmem:$0x1E800] =	vst v63  }
0x37b: {  	s23 =	simm.s32 $0xE800  }
0x37c: {  	[tilespmem:s23], [sflag:$0x3] =	stream.indirect_vreg.gather [hbm4b:s7+s12], $0x80, v9, vm0, $0xb8;
	[tilespmem:$0x1E800] =	vst v63  }
0x37d: {  	s24 =	simm.s32 $0xF000  }
0x37e: {  	[tilespmem:s24], [sflag:$0x3] =	stream.indirect_vreg.gather [hbm4b:s8+s12], $0x80, v9, vm0, $0xb8;
	[tilespmem:$0x1E800] =	vst v63  }
0x37f: {  	v9 =	vld [tilespmem:$0x490];
	_ =	sdelay $0x4  }
0x380: {  	v10 =	vshrl.u32 v9, $0x3  }
0x381: {  	v10 =	vmul.u32 $0x30, v10  }
0x382: {  	v9 =	vand.u32 $0x7, v9  }
0x383: {  	v9 =	vor.u32 v9, v10  }
0x384: {  	v10 =	vperm.xlane v9, v6;
	_ =	sdelay $0x1  }
0x385: {  	v10 =	vadd.s32 v7, v10;
	_ =	sdelay $0x3  }
0x386: {  	s25 =	simm.s32 $0xF800;
	v9 =	vperm.xlane v9, v8  }
0x387: {  	[tilespmem:s25], [sflag:$0x3] =	stream.indirect_vreg.gather [hbm4b:s0+s12], $0x80, v10, vm0, $0xb8;
	[tilespmem:$0x1E800] =	vst v63  }
0x388: {  	s26 =	simm.s32 $0x10000;
	v9 =	vadd.s32 v7, v9  }
0x389: {  	[tilespmem:s26], [sflag:$0x3] =	stream.indirect_vreg.gather [hbm4b:s7+s12], $0x80, v10, vm0, $0xb8;
	[tilespmem:$0x1E800] =	vst v63  }
0x38a: {  	s28 =	simm.s32 $0x10800  }
0x38b: {  	[tilespmem:s28], [sflag:$0x3] =	stream.indirect_vreg.gather [hbm4b:s8+s12], $0x80, v10, vm0, $0xb8;
	[tilespmem:$0x1E800] =	vst v63  }
0x38c: {  	s29 =	simm.s32 $0x11000  }
0x38d: {  	[tilespmem:s29], [sflag:$0x3] =	stream.indirect_vreg.gather [hbm4b:s0+s12], $0x80, v9, vm0, $0xb8;
	[tilespmem:$0x1E800] =	vst v63  }
0x38e: {  	s30 =	simm.s32 $0x11800  }
0x38f: {  	[tilespmem:s30], [sflag:$0x3] =	stream.indirect_vreg.gather [hbm4b:s7+s12], $0x80, v9, vm0, $0xb8;
	[tilespmem:$0x1E800] =	vst v63  }
0x390: {  	s31 =	simm.s32 $0x12000  }
0x391: {  	[tilespmem:s31], [sflag:$0x3] =	stream.indirect_vreg.gather [hbm4b:s8+s12], $0x80, v9, vm0, $0xb8;
	[tilespmem:$0x1E800] =	vst v63  }
.LBB2_14:
0x392: {  	s0 =	simm.s32 $0x4  }
0x393: {  	_ =	swait.ge [sflag:s0], $0x6000  }
0x394: {  	[sflag:s0] =	ssyncset.done $0x0  }
0x395: {  	s11 =	simm.s32 $0x0;
	s2 =	simm.s32 $0x5;
	[sflag:s0] =	ssyncadd.s32 $0xFFFFA000  }
0x396: {  	s1 =	simm.s32 $0x0;
	s0 =	smul.u32 $0x1800, s11;
	_ =	swait.ge [sflag:s2], $0x6000  }
0x397: {  	s1 =	sand.u32 $0x380, s1;
	[sflag:s2] =	ssyncset.done $0x0  }
0x398: {  	s19 =	sor.u32 s1, s0;
	[sflag:s2] =	ssyncadd.s32 $0xFFFFA000  }
0x399: {  	v9 =	vld [tilespmem:s19+$0x800];
	_ =	sdelay $0x1  }
0x39a: {  	v10 =	vld [tilespmem:s19+$0x810];
	_ =	sdelay $0x2  }
0x39b: {  	s0 =	sadd.s32 $0x12800, s19;
	[tilespmem:s19+$0x12800] =	vst.add.f32.msk $0xffff, v9  }
0x39c: {  	s1 =	sadd.s32 $0x18800, s19;
	s12 =	sor.u32 $0x10, s0;
	[tilespmem:s19+$0x18800] =	vst.add.f32.msk $0xffff, v9  }
0x39d: {  	s3 =	sor.u32 $0x10, s1;
	[tilespmem:s12+$0x0] =	vst.add.f32.msk $0xffff, v10  }
0x39e: {  	[tilespmem:s3+$0x0] =	vst.add.f32.msk $0xffff, v10  }
0x39f: {  	v9 =	vld [tilespmem:s19+$0x820];
	_ =	sdelay $0x3  }
0x3a0: {  	s13 =	sor.u32 $0x20, s0  }
0x3a1: {  	s14 =	sor.u32 $0x20, s1;
	[tilespmem:s13+$0x0] =	vst.add.f32.msk $0xffff, v9  }
0x3a2: {  	[tilespmem:s14+$0x0] =	vst.add.f32.msk $0xffff, v9  }
0x3a3: {  	v9 =	vld [tilespmem:s19+$0x830];
	_ =	sdelay $0x3  }
0x3a4: {  	s15 =	sor.u32 $0x30, s0  }
0x3a5: {  	s16 =	sor.u32 $0x30, s1;
	[tilespmem:s15+$0x0] =	vst.add.f32.msk $0xffff, v9  }
0x3a6: {  	[tilespmem:s16+$0x0] =	vst.add.f32.msk $0xffff, v9  }
0x3a7: {  	v9 =	vld [tilespmem:s19+$0x840];
	_ =	sdelay $0x3  }
0x3a8: {  	s17 =	sor.u32 $0x40, s0  }
0x3a9: {  	s18 =	sor.u32 $0x40, s1;
	[tilespmem:s17+$0x0] =	vst.add.f32.msk $0xffff, v9  }
0x3aa: {  	[tilespmem:s18+$0x0] =	vst.add.f32.msk $0xffff, v9  }
0x3ab: {  	v9 =	vld [tilespmem:s19+$0x850];
	_ =	sdelay $0x3  }
0x3ac: {  	s20 =	sor.u32 $0x50, s0  }
0x3ad: {  	s21 =	sor.u32 $0x50, s1;
	[tilespmem:s20+$0x0] =	vst.add.f32.msk $0xffff, v9  }
0x3ae: {  	[tilespmem:s21+$0x0] =	vst.add.f32.msk $0xffff, v9  }
0x3af: {  	v9 =	vld [tilespmem:s19+$0x860];
	_ =	sdelay $0x3  }
0x3b0: {  	s22 =	sor.u32 $0x60, s0  }
0x3b1: {  	s23 =	sor.u32 $0x60, s1;
	[tilespmem:s22+$0x0] =	vst.add.f32.msk $0xffff, v9  }
0x3b2: {  	[tilespmem:s23+$0x0] =	vst.add.f32.msk $0xffff, v9  }
0x3b3: {  	v9 =	vld [tilespmem:s19+$0x870];
	_ =	sdelay $0x3  }
0x3b4: {  	s0 =	sor.u32 $0x70, s0  }
0x3b5: {  	s1 =	sor.u32 $0x70, s1;
	[tilespmem:s0+$0x0] =	vst.add.f32.msk $0xffff, v9  }
0x3b6: {  	[tilespmem:s1+$0x0] =	vst.add.f32.msk $0xffff, v9  }
0x3b7: {  	v9 =	vld [tilespmem:s19+$0xC00];
	_ =	sdelay $0x1  }
0x3b8: {  	v10 =	vld [tilespmem:s19+$0xC10];
	_ =	sdelay $0x2  }
0x3b9: {  	s24 =	sadd.s32 $0x12C00, s19;
	[tilespmem:s19+$0x12C00] =	vst.add.f32.msk $0xffff, v9  }
0x3ba: {  	s25 =	sadd.s32 $0x18C00, s19;
	s26 =	sor.u32 $0x10, s24;
	[tilespmem:s19+$0x18C00] =	vst.add.f32.msk $0xffff, v9  }
0x3bb: {  	s28 =	sor.u32 $0x10, s25;
	[tilespmem:s26+$0x0] =	vst.add.f32.msk $0xffff, v10  }
0x3bc: {  	[tilespmem:s28+$0x0] =	vst.add.f32.msk $0xffff, v10  }
0x3bd: {  	v9 =	vld [tilespmem:s19+$0xC20];
	_ =	sdelay $0x3  }
0x3be: {  	s4 =	sor.u32 $0x20, s24  }
0x3bf: {  	s5 =	sor.u32 $0x20, s25;
	[tilespmem:s4+$0x0] =	vst.add.f32.msk $0xffff, v9  }
0x3c0: {  	[tilespmem:s5+$0x0] =	vst.add.f32.msk $0xffff, v9  }
0x3c1: {  	v9 =	vld [tilespmem:s19+$0xC30];
	_ =	sdelay $0x3  }
0x3c2: {  	s6 =	sor.u32 $0x30, s24  }
0x3c3: {  	s7 =	sor.u32 $0x30, s25;
	[tilespmem:s6+$0x0] =	vst.add.f32.msk $0xffff, v9  }
0x3c4: {  	[tilespmem:s7+$0x0] =	vst.add.f32.msk $0xffff, v9  }
0x3c5: {  	v9 =	vld [tilespmem:s19+$0xC40];
	_ =	sdelay $0x3  }
0x3c6: {  	s8 =	sor.u32 $0x40, s24  }
0x3c7: {  	s9 =	sor.u32 $0x40, s25;
	[tilespmem:s8+$0x0] =	vst.add.f32.msk $0xffff, v9  }
0x3c8: {  	[tilespmem:s9+$0x0] =	vst.add.f32.msk $0xffff, v9  }
0x3c9: {  	v9 =	vld [tilespmem:s19+$0xC50];
	_ =	sdelay $0x3  }
0x3ca: {  	s10 =	sor.u32 $0x50, s24  }
0x3cb: {  	s11 =	sor.u32 $0x50, s25;
	[tilespmem:s10+$0x0] =	vst.add.f32.msk $0xffff, v9  }
0x3cc: {  	[tilespmem:s11+$0x0] =	vst.add.f32.msk $0xffff, v9  }
0x3cd: {  	v9 =	vld [tilespmem:s19+$0xC60];
	_ =	sdelay $0x3  }
0x3ce: {  	s12 =	sor.u32 $0x60, s24  }
0x3cf: {  	s13 =	sor.u32 $0x60, s25;
	[tilespmem:s12+$0x0] =	vst.add.f32.msk $0xffff, v9  }
0x3d0: {  	[tilespmem:s13+$0x0] =	vst.add.f32.msk $0xffff, v9  }
0x3d1: {  	v9 =	vld [tilespmem:s19+$0xC70];
	_ =	sdelay $0x3  }
0x3d2: {  	s0 =	sor.u32 $0x70, s24  }
0x3d3: {  	s1 =	sor.u32 $0x70, s25;
	[tilespmem:s0+$0x0] =	vst.add.f32.msk $0xffff, v9  }
0x3d4: {  	[tilespmem:s1+$0x0] =	vst.add.f32.msk $0xffff, v9  }
0x3d5: {  	v9 =	vld [tilespmem:s19+$0x1000];
	_ =	sdelay $0x1  }
0x3d6: {  	v10 =	vld [tilespmem:s19+$0x1010];
	_ =	sdelay $0x2  }
0x3d7: {  	s14 =	sadd.s32 $0x13000, s19;
	[tilespmem:s19+$0x13000] =	vst.add.f32.msk $0xffff, v9  }
0x3d8: {  	s15 =	sadd.s32 $0x19000, s19;
	s16 =	sor.u32 $0x10, s14;
	[tilespmem:s19+$0x19000] =	vst.add.f32.msk $0xffff, v9  }
0x3d9: {  	s17 =	sor.u32 $0x10, s15;
	[tilespmem:s16+$0x0] =	vst.add.f32.msk $0xffff, v10  }
0x3da: {  	[tilespmem:s17+$0x0] =	vst.add.f32.msk $0xffff, v10  }
0x3db: {  	v9 =	vld [tilespmem:s19+$0x1020];
	_ =	sdelay $0x3  }
0x3dc: {  	s18 =	sor.u32 $0x20, s14  }
0x3dd: {  	s20 =	sor.u32 $0x20, s15;
	[tilespmem:s18+$0x0] =	vst.add.f32.msk $0xffff, v9  }
0x3de: {  	[tilespmem:s20+$0x0] =	vst.add.f32.msk $0xffff, v9  }
0x3df: {  	v9 =	vld [tilespmem:s19+$0x1030];
	_ =	sdelay $0x3  }
0x3e0: {  	s21 =	sor.u32 $0x30, s14  }
0x3e1: {  	s22 =	sor.u32 $0x30, s15;
	[tilespmem:s21+$0x0] =	vst.add.f32.msk $0xffff, v9  }
0x3e2: {  	[tilespmem:s22+$0x0] =	vst.add.f32.msk $0xffff, v9  }
0x3e3: {  	v9 =	vld [tilespmem:s19+$0x1040];
	_ =	sdelay $0x3  }
0x3e4: {  	s23 =	sor.u32 $0x40, s14  }
0x3e5: {  	s24 =	sor.u32 $0x40, s15;
	[tilespmem:s23+$0x0] =	vst.add.f32.msk $0xffff, v9  }
0x3e6: {  	s25 =	simm.s32 $0x0;
	[tilespmem:s24+$0x0] =	vst.add.f32.msk $0xffff, v9  }
0x3e7: {  	s2 =	smul.u32 $0x1800, s25;
	s26 =	simm.s32 $0x80;
	v9 =	vld [tilespmem:s19+$0x1050]  }
0x3e8: {  	s3 =	sand.u32 $0x380, s26  }
0x3e9: {  	s20 =	sor.u32 s3, s2  }
0x3ea: {  	v10 =	vld [tilespmem:s20+$0x800]  }
0x3eb: {  	s4 =	sor.u32 $0x50, s14;
	v11 =	vld [tilespmem:s20+$0x810]  }
0x3ec: {  	s28 =	sor.u32 $0x50, s15;
	[tilespmem:s4+$0x0] =	vst.add.f32.msk $0xffff, v9  }
0x3ed: {  	[tilespmem:s28+$0x0] =	vst.add.f32.msk $0xffff, v9  }
0x3ee: {  	v9 =	vld [tilespmem:s19+$0x1060];
	_ =	sdelay $0x1  }
0x3ef: {  	s2 =	sadd.s32 $0x12800, s20;
	[tilespmem:s20+$0x12800] =	vst.add.f32.msk $0xffff, v10  }
0x3f0: {  	s5 =	sor.u32 $0x10, s2;
	[tilespmem:s20+$0x18800] =	vst.add.f32.msk $0xffff, v10  }
0x3f1: {  	s3 =	sor.u32 $0x60, s14;
	[tilespmem:s5+$0x0] =	vst.add.f32.msk $0xffff, v11  }
0x3f2: {  	s4 =	sor.u32 $0x60, s15;
	[tilespmem:s3+$0x0] =	vst.add.f32.msk $0xffff, v9  }
0x3f3: {  	s3 =	sadd.s32 $0x18800, s20;
	[tilespmem:s4+$0x0] =	vst.add.f32.msk $0xffff, v9  }
0x3f4: {  	s6 =	sor.u32 $0x10, s3;
	v9 =	vld [tilespmem:s19+$0x1070]  }
0x3f5: {  	[tilespmem:s6+$0x0] =	vst.add.f32.msk $0xffff, v11  }
0x3f6: {  	v10 =	vld [tilespmem:s20+$0x820];
	_ =	sdelay $0x1  }
0x3f7: {  	s0 =	sor.u32 $0x70, s14  }
0x3f8: {  	s7 =	sor.u32 $0x70, s15;
	[tilespmem:s0+$0x0] =	vst.add.f32.msk $0xffff, v9  }
0x3f9: {  	s8 =	sor.u32 $0x20, s2;
	[tilespmem:s7+$0x0] =	vst.add.f32.msk $0xffff, v9  }
0x3fa: {  	[tilespmem:s8+$0x0] =	vst.add.f32.msk $0xffff, v10  }
0x3fb: {  	s9 =	sor.u32 $0x20, s3;
	v9 =	vld [tilespmem:s19+$0x1400]  }
0x3fc: {  	[tilespmem:s9+$0x0] =	vst.add.f32.msk $0xffff, v10  }
0x3fd: {  	v10 =	vld [tilespmem:s20+$0x830];
	_ =	sdelay $0x2  }
0x3fe: {  	v11 =	vld [tilespmem:s19+$0x1410]  }
0x3ff: {  	s10 =	sor.u32 $0x30, s2;
	[tilespmem:s19+$0x13400] =	vst.add.f32.msk $0xffff, v9  }
0x400: {  	s11 =	sor.u32 $0x30, s3;
	[tilespmem:s10+$0x0] =	vst.add.f32.msk $0xffff, v10  }
0x401: {  	[tilespmem:s11+$0x0] =	vst.add.f32.msk $0xffff, v10  }
0x402: {  	s0 =	sadd.s32 $0x13400, s19;
	v10 =	vld [tilespmem:s20+$0x840]  }
0x403: {  	s1 =	sadd.s32 $0x19400, s19;
	s12 =	sor.u32 $0x10, s0;
	[tilespmem:s19+$0x19400] =	vst.add.f32.msk $0xffff, v9  }
0x404: {  	s13 =	sor.u32 $0x10, s1;
	[tilespmem:s12+$0x0] =	vst.add.f32.msk $0xffff, v11  }
0x405: {  	[tilespmem:s13+$0x0] =	vst.add.f32.msk $0xffff, v11  }
0x406: {  	s14 =	sor.u32 $0x40, s2;
	v9 =	vld [tilespmem:s19+$0x1420]  }
0x407: {  	s15 =	sor.u32 $0x40, s3;
	[tilespmem:s14+$0x0] =	vst.add.f32.msk $0xffff, v10  }
0x408: {  	[tilespmem:s15+$0x0] =	vst.add.f32.msk $0xffff, v10  }
0x409: {  	v10 =	vld [tilespmem:s20+$0x850]  }
0x40a: {  	s16 =	sor.u32 $0x20, s0  }
0x40b: {  	s17 =	sor.u32 $0x20, s1;
	[tilespmem:s16+$0x0] =	vst.add.f32.msk $0xffff, v9  }
0x40c: {  	[tilespmem:s17+$0x0] =	vst.add.f32.msk $0xffff, v9  }
0x40d: {  	s18 =	sor.u32 $0x50, s2;
	v9 =	vld [tilespmem:s19+$0x1430]  }
0x40e: {  	s21 =	sor.u32 $0x50, s3;
	[tilespmem:s18+$0x0] =	vst.add.f32.msk $0xffff, v10  }
0x40f: {  	[tilespmem:s21+$0x0] =	vst.add.f32.msk $0xffff, v10  }
0x410: {  	v10 =	vld [tilespmem:s20+$0x860]  }
0x411: {  	s22 =	sor.u32 $0x30, s0  }
0x412: {  	s23 =	sor.u32 $0x30, s1;
	[tilespmem:s22+$0x0] =	vst.add.f32.msk $0xffff, v9  }
0x413: {  	[tilespmem:s23+$0x0] =	vst.add.f32.msk $0xffff, v9  }
0x414: {  	s24 =	sor.u32 $0x60, s2;
	v9 =	vld [tilespmem:s19+$0x1440]  }
0x415: {  	s25 =	sor.u32 $0x60, s3;
	[tilespmem:s24+$0x0] =	vst.add.f32.msk $0xffff, v10  }
0x416: {  	[tilespmem:s25+$0x0] =	vst.add.f32.msk $0xffff, v10  }
0x417: {  	v10 =	vld [tilespmem:s20+$0x870]  }
0x418: {  	s26 =	sor.u32 $0x40, s0  }
0x419: {  	s28 =	sor.u32 $0x40, s1;
	[tilespmem:s26+$0x0] =	vst.add.f32.msk $0xffff, v9  }
0x41a: {  	[tilespmem:s28+$0x0] =	vst.add.f32.msk $0xffff, v9  }
0x41b: {  	s2 =	sor.u32 $0x70, s2;
	v9 =	vld [tilespmem:s19+$0x1450]  }
0x41c: {  	s3 =	sor.u32 $0x70, s3;
	[tilespmem:s2+$0x0] =	vst.add.f32.msk $0xffff, v10  }
0x41d: {  	[tilespmem:s3+$0x0] =	vst.add.f32.msk $0xffff, v10  }
0x41e: {  	v10 =	vld [tilespmem:s20+$0xC00]  }
0x41f: {  	s3 =	sor.u32 $0x50, s0;
	v11 =	vld [tilespmem:s20+$0xC10]  }
0x420: {  	s4 =	sor.u32 $0x50, s1;
	[tilespmem:s3+$0x0] =	vst.add.f32.msk $0xffff, v9  }
0x421: {  	[tilespmem:s4+$0x0] =	vst.add.f32.msk $0xffff, v9  }
0x422: {  	v9 =	vld [tilespmem:s19+$0x1460]  }
0x423: {  	s4 =	sadd.s32 $0x12C00, s20;
	[tilespmem:s20+$0x12C00] =	vst.add.f32.msk $0xffff, v10  }
0x424: {  	s6 =	sadd.s32 $0x18C00, s20;
	s5 =	sor.u32 $0x10, s4;
	[tilespmem:s20+$0x18C00] =	vst.add.f32.msk $0xffff, v10  }
0x425: {  	s7 =	sor.u32 $0x10, s6;
	[tilespmem:s5+$0x0] =	vst.add.f32.msk $0xffff, v11  }
0x426: {  	s8 =	sor.u32 $0x60, s0;
	[tilespmem:s7+$0x0] =	vst.add.f32.msk $0xffff, v11  }
0x427: {  	[tilespmem:s8+$0x0] =	vst.add.f32.msk $0xffff, v9  }
0x428: {  	s9 =	sor.u32 $0x60, s1;
	v10 =	vld [tilespmem:s20+$0xC20]  }
0x429: {  	[tilespmem:s9+$0x0] =	vst.add.f32.msk $0xffff, v9  }
0x42a: {  	v9 =	vld [tilespmem:s19+$0x1470];
	_ =	sdelay $0x1  }
0x42b: {  	s10 =	sor.u32 $0x20, s4  }
0x42c: {  	s11 =	sor.u32 $0x20, s6;
	[tilespmem:s10+$0x0] =	vst.add.f32.msk $0xffff, v10  }
0x42d: {  	s0 =	sor.u32 $0x70, s0;
	[tilespmem:s11+$0x0] =	vst.add.f32.msk $0xffff, v10  }
0x42e: {  	[tilespmem:s0+$0x0] =	vst.add.f32.msk $0xffff, v9  }
0x42f: {  	s12 =	sor.u32 $0x70, s1;
	v10 =	vld [tilespmem:s20+$0xC30]  }
0x430: {  	[tilespmem:s12+$0x0] =	vst.add.f32.msk $0xffff, v9  }
0x431: {  	v9 =	vld [tilespmem:s19+$0x1800];
	_ =	sdelay $0x1  }
0x432: {  	s13 =	sor.u32 $0x30, s4;
	v11 =	vld [tilespmem:s19+$0x1810]  }
0x433: {  	s14 =	sor.u32 $0x30, s6;
	[tilespmem:s13+$0x0] =	vst.add.f32.msk $0xffff, v10  }
0x434: {  	[tilespmem:s14+$0x0] =	vst.add.f32.msk $0xffff, v10  }
0x435: {  	[tilespmem:s19+$0x13800] =	vst.add.f32.msk $0xffff, v9  }
0x436: {  	s2 =	sadd.s32 $0x13800, s19;
	v10 =	vld [tilespmem:s20+$0xC40]  }
0x437: {  	s17 =	sor.u32 $0x10, s2;
	s3 =	sadd.s32 $0x19800, s19;
	[tilespmem:s19+$0x19800] =	vst.add.f32.msk $0xffff, v9  }
0x438: {  	s18 =	sor.u32 $0x10, s3;
	[tilespmem:s17+$0x0] =	vst.add.f32.msk $0xffff, v11  }
0x439: {  	[tilespmem:s18+$0x0] =	vst.add.f32.msk $0xffff, v11  }
0x43a: {  	s15 =	sor.u32 $0x40, s4;
	v9 =	vld [tilespmem:s19+$0x1820]  }
0x43b: {  	s16 =	sor.u32 $0x40, s6;
	[tilespmem:s15+$0x0] =	vst.add.f32.msk $0xffff, v10  }
0x43c: {  	[tilespmem:s16+$0x0] =	vst.add.f32.msk $0xffff, v10  }
0x43d: {  	v10 =	vld [tilespmem:s20+$0xC50]  }
0x43e: {  	s23 =	sor.u32 $0x20, s2  }
0x43f: {  	s24 =	sor.u32 $0x20, s3;
	[tilespmem:s23+$0x0] =	vst.add.f32.msk $0xffff, v9  }
0x440: {  	[tilespmem:s24+$0x0] =	vst.add.f32.msk $0xffff, v9  }
0x441: {  	s21 =	sor.u32 $0x50, s4;
	v9 =	vld [tilespmem:s19+$0x1830]  }
0x442: {  	s22 =	sor.u32 $0x50, s6;
	[tilespmem:s21+$0x0] =	vst.add.f32.msk $0xffff, v10  }
0x443: {  	[tilespmem:s22+$0x0] =	vst.add.f32.msk $0xffff, v10  }
0x444: {  	v10 =	vld [tilespmem:s20+$0xC60]  }
0x445: {  	s28 =	sor.u32 $0x30, s2  }
0x446: {  	s1 =	sor.u32 $0x30, s3;
	[tilespmem:s28+$0x0] =	vst.add.f32.msk $0xffff, v9  }
0x447: {  	[tilespmem:s1+$0x0] =	vst.add.f32.msk $0xffff, v9  }
0x448: {  	s25 =	sor.u32 $0x60, s4;
	v9 =	vld [tilespmem:s19+$0x1840]  }
0x449: {  	s26 =	sor.u32 $0x60, s6;
	[tilespmem:s25+$0x0] =	vst.add.f32.msk $0xffff, v10  }
0x44a: {  	[tilespmem:s26+$0x0] =	vst.add.f32.msk $0xffff, v10  }
0x44b: {  	v10 =	vld [tilespmem:s20+$0xC70]  }
0x44c: {  	s7 =	sor.u32 $0x40, s2  }
0x44d: {  	s8 =	sor.u32 $0x40, s3;
	[tilespmem:s7+$0x0] =	vst.add.f32.msk $0xffff, v9  }
0x44e: {  	[tilespmem:s8+$0x0] =	vst.add.f32.msk $0xffff, v9  }
0x44f: {  	s5 =	sor.u32 $0x70, s4;
	v9 =	vld [tilespmem:s19+$0x1850]  }
0x450: {  	s6 =	sor.u32 $0x70, s6;
	[tilespmem:s5+$0x0] =	vst.add.f32.msk $0xffff, v10  }
0x451: {  	[tilespmem:s6+$0x0] =	vst.add.f32.msk $0xffff, v10  }
0x452: {  	v10 =	vld [tilespmem:s20+$0x1000]  }
0x453: {  	s11 =	sor.u32 $0x50, s2;
	v11 =	vld [tilespmem:s20+$0x1010]  }
0x454: {  	s12 =	sor.u32 $0x50, s3;
	[tilespmem:s11+$0x0] =	vst.add.f32.msk $0xffff, v9  }
0x455: {  	[tilespmem:s12+$0x0] =	vst.add.f32.msk $0xffff, v9  }
0x456: {  	v9 =	vld [tilespmem:s19+$0x1860]  }
0x457: {  	s0 =	sadd.s32 $0x13000, s20;
	[tilespmem:s20+$0x13000] =	vst.add.f32.msk $0xffff, v10  }
0x458: {  	s9 =	sor.u32 $0x10, s0;
	s1 =	sadd.s32 $0x19000, s20;
	[tilespmem:s20+$0x19000] =	vst.add.f32.msk $0xffff, v10  }
0x459: {  	s10 =	sor.u32 $0x10, s1;
	[tilespmem:s9+$0x0] =	vst.add.f32.msk $0xffff, v11  }
0x45a: {  	[tilespmem:s10+$0x0] =	vst.add.f32.msk $0xffff, v11  }
0x45b: {  	v10 =	vld [tilespmem:s20+$0x1020]  }
0x45c: {  	s15 =	sor.u32 $0x60, s2  }
0x45d: {  	s16 =	sor.u32 $0x60, s3;
	[tilespmem:s15+$0x0] =	vst.add.f32.msk $0xffff, v9  }
0x45e: {  	[tilespmem:s16+$0x0] =	vst.add.f32.msk $0xffff, v9  }
0x45f: {  	s13 =	sor.u32 $0x20, s0;
	v9 =	vld [tilespmem:s19+$0x1870]  }
0x460: {  	s14 =	sor.u32 $0x20, s1;
	[tilespmem:s13+$0x0] =	vst.add.f32.msk $0xffff, v10  }
0x461: {  	[tilespmem:s14+$0x0] =	vst.add.f32.msk $0xffff, v10  }
0x462: {  	v10 =	vld [tilespmem:s20+$0x1030]  }
0x463: {  	s2 =	sor.u32 $0x70, s2  }
0x464: {  	s21 =	sor.u32 $0x70, s3;
	[tilespmem:s2+$0x0] =	vst.add.f32.msk $0xffff, v9  }
0x465: {  	[tilespmem:s21+$0x0] =	vst.add.f32.msk $0xffff, v9  }
0x466: {  	s17 =	sor.u32 $0x30, s0;
	v9 =	vld [tilespmem:s19+$0x1C00]  }
0x467: {  	s18 =	sor.u32 $0x30, s1;
	[tilespmem:s17+$0x0] =	vst.add.f32.msk $0xffff, v10  }
0x468: {  	[tilespmem:s18+$0x0] =	vst.add.f32.msk $0xffff, v10  }
0x469: {  	v10 =	vld [tilespmem:s20+$0x1040];
	_ =	sdelay $0x1  }
0x46a: {  	v11 =	vld [tilespmem:s19+$0x1C10]  }
0x46b: {  	[tilespmem:s19+$0x13C00] =	vst.add.f32.msk $0xffff, v9  }
0x46c: {  	s24 =	simm.s32 $0x0;
	s22 =	sor.u32 $0x40, s0;
	[tilespmem:s19+$0x19C00] =	vst.add.f32.msk $0xffff, v9  }
0x46d: {  	s23 =	sor.u32 $0x40, s1;
	s11 =	simm.s32 $0x100;
	s2 =	smul.u32 $0x1800, s24;
	[tilespmem:s22+$0x0] =	vst.add.f32.msk $0xffff, v10  }
0x46e: {  	s25 =	sand.u32 $0x380, s11;
	[tilespmem:s23+$0x0] =	vst.add.f32.msk $0xffff, v10  }
0x46f: {  	s21 =	sor.u32 s25, s2;
	s2 =	sadd.s32 $0x13C00, s19;
	v10 =	vld [tilespmem:s20+$0x1050]  }
0x470: {  	s4 =	sor.u32 $0x10, s2;
	v9 =	vld [tilespmem:s21+$0x800];
	s22 =	sadd.s32 $0x19C00, s19  }
0x471: {  	[tilespmem:s4+$0x0] =	vst.add.f32.msk $0xffff, v11;
	s5 =	sor.u32 $0x10, s22  }
0x472: {  	[tilespmem:s5+$0x0] =	vst.add.f32.msk $0xffff, v11  }
0x473: {  	s26 =	sor.u32 $0x50, s0;
	v11 =	vld [tilespmem:s21+$0x810]  }
0x474: {  	s28 =	sor.u32 $0x50, s1;
	[tilespmem:s26+$0x0] =	vst.add.f32.msk $0xffff, v10  }
0x475: {  	[tilespmem:s28+$0x0] =	vst.add.f32.msk $0xffff, v10  }
0x476: {  	v10 =	vld [tilespmem:s20+$0x1060];
	_ =	sdelay $0x1  }
0x477: {  	s3 =	sadd.s32 $0x12800, s21;
	[tilespmem:s21+$0x12800] =	vst.add.f32.msk $0xffff, v9  }
0x478: {  	s8 =	sor.u32 $0x10, s3;
	[tilespmem:s21+$0x18800] =	vst.add.f32.msk $0xffff, v9  }
0x479: {  	s6 =	sor.u32 $0x60, s0;
	[tilespmem:s8+$0x0] =	vst.add.f32.msk $0xffff, v11  }
0x47a: {  	s7 =	sor.u32 $0x60, s1;
	[tilespmem:s6+$0x0] =	vst.add.f32.msk $0xffff, v10  }
0x47b: {  	s4 =	sadd.s32 $0x18800, s21;
	[tilespmem:s7+$0x0] =	vst.add.f32.msk $0xffff, v10  }
0x47c: {  	s7 =	sor.u32 $0x10, s4;
	v10 =	vld [tilespmem:s20+$0x1070]  }
0x47d: {  	[tilespmem:s7+$0x0] =	vst.add.f32.msk $0xffff, v11  }
0x47e: {  	v11 =	vld [tilespmem:s19+$0x1C20];
	_ =	sdelay $0x1  }
0x47f: {  	v9 =	vld [tilespmem:s21+$0x820]  }
0x480: {  	s0 =	sor.u32 $0x70, s0  }
0x481: {  	s13 =	sor.u32 $0x20, s2;
	[tilespmem:s0+$0x0] =	vst.add.f32.msk $0xffff, v10  }
0x482: {  	s9 =	sor.u32 $0x70, s1;
	[tilespmem:s13+$0x0] =	vst.add.f32.msk $0xffff, v11  }
0x483: {  	s10 =	sor.u32 $0x20, s3;
	[tilespmem:s9+$0x0] =	vst.add.f32.msk $0xffff, v10  }
0x484: {  	[tilespmem:s10+$0x0] =	vst.add.f32.msk $0xffff, v9  }
0x485: {  	s12 =	sor.u32 $0x20, s4;
	v10 =	vld [tilespmem:s20+$0x1400]  }
0x486: {  	[tilespmem:s12+$0x0] =	vst.add.f32.msk $0xffff, v9  }
0x487: {  	s14 =	sor.u32 $0x20, s22;
	v9 =	vld [tilespmem:s21+$0x830]  }
0x488: {  	[tilespmem:s14+$0x0] =	vst.add.f32.msk $0xffff, v11  }
0x489: {  	v11 =	vld [tilespmem:s20+$0x1410]  }
0x48a: {  	[tilespmem:s20+$0x13400] =	vst.add.f32.msk $0xffff, v10  }
0x48b: {  	s15 =	sor.u32 $0x30, s3;
	[tilespmem:s20+$0x19400] =	vst.add.f32.msk $0xffff, v10  }
0x48c: {  	s16 =	sor.u32 $0x30, s4;
	[tilespmem:s15+$0x0] =	vst.add.f32.msk $0xffff, v9  }
0x48d: {  	s0 =	sadd.s32 $0x13400, s20;
	[tilespmem:s16+$0x0] =	vst.add.f32.msk $0xffff, v9  }
0x48e: {  	s1 =	sadd.s32 $0x19400, s20;
	s17 =	sor.u32 $0x10, s0;
	v9 =	vld [tilespmem:s21+$0x840]  }
0x48f: {  	s18 =	sor.u32 $0x10, s1;
	[tilespmem:s17+$0x0] =	vst.add.f32.msk $0xffff, v11  }
0x490: {  	[tilespmem:s18+$0x0] =	vst.add.f32.msk $0xffff, v11  }
0x491: {  	v10 =	vld [tilespmem:s20+$0x1420]  }
0x492: {  	s23 =	sor.u32 $0x40, s3  }
0x493: {  	s24 =	sor.u32 $0x40, s4;
	[tilespmem:s23+$0x0] =	vst.add.f32.msk $0xffff, v9  }
0x494: {  	[tilespmem:s24+$0x0] =	vst.add.f32.msk $0xffff, v9  }
0x495: {  	s25 =	sor.u32 $0x20, s0;
	v9 =	vld [tilespmem:s21+$0x850]  }
0x496: {  	s26 =	sor.u32 $0x20, s1;
	[tilespmem:s25+$0x0] =	vst.add.f32.msk $0xffff, v10  }
0x497: {  	[tilespmem:s26+$0x0] =	vst.add.f32.msk $0xffff, v10  }
0x498: {  	v10 =	vld [tilespmem:s20+$0x1430]  }
0x499: {  	s28 =	sor.u32 $0x50, s3;
	v11 =	vld [tilespmem:s19+$0x1C30]  }
0x49a: {  	s5 =	sor.u32 $0x50, s4;
	[tilespmem:s28+$0x0] =	vst.add.f32.msk $0xffff, v9  }
0x49b: {  	[tilespmem:s5+$0x0] =	vst.add.f32.msk $0xffff, v9  }
0x49c: {  	s8 =	sor.u32 $0x30, s0;
	v9 =	vld [tilespmem:s21+$0x860]  }
0x49d: {  	s9 =	sor.u32 $0x30, s1;
	[tilespmem:s8+$0x0] =	vst.add.f32.msk $0xffff, v10  }
0x49e: {  	[tilespmem:s9+$0x0] =	vst.add.f32.msk $0xffff, v10  }
0x49f: {  	s7 =	sor.u32 $0x30, s2;
	v10 =	vld [tilespmem:s20+$0x1440]  }
0x4a0: {  	s10 =	sor.u32 $0x60, s3;
	[tilespmem:s7+$0x0] =	vst.add.f32.msk $0xffff, v11  }
0x4a1: {  	s12 =	sor.u32 $0x60, s4;
	[tilespmem:s10+$0x0] =	vst.add.f32.msk $0xffff, v9  }
0x4a2: {  	[tilespmem:s12+$0x0] =	vst.add.f32.msk $0xffff, v9  }
0x4a3: {  	s14 =	sor.u32 $0x40, s0;
	v9 =	vld [tilespmem:s21+$0x870]  }
0x4a4: {  	s15 =	sor.u32 $0x40, s1;
	[tilespmem:s14+$0x0] =	vst.add.f32.msk $0xffff, v10  }
0x4a5: {  	[tilespmem:s15+$0x0] =	vst.add.f32.msk $0xffff, v10  }
0x4a6: {  	s13 =	sor.u32 $0x30, s22;
	v10 =	vld [tilespmem:s20+$0x1450]  }
0x4a7: {  	s3 =	sor.u32 $0x70, s3;
	[tilespmem:s13+$0x0] =	vst.add.f32.msk $0xffff, v11  }
0x4a8: {  	s4 =	sor.u32 $0x70, s4;
	[tilespmem:s3+$0x0] =	vst.add.f32.msk $0xffff, v9  }
0x4a9: {  	[tilespmem:s4+$0x0] =	vst.add.f32.msk $0xffff, v9  }
0x4aa: {  	s16 =	sor.u32 $0x50, s0;
	v9 =	vld [tilespmem:s21+$0xC00]  }
0x4ab: {  	[tilespmem:s16+$0x0] =	vst.add.f32.msk $0xffff, v10  }
0x4ac: {  	s17 =	sor.u32 $0x50, s1;
	v11 =	vld [tilespmem:s21+$0xC10]  }
0x4ad: {  	[tilespmem:s17+$0x0] =	vst.add.f32.msk $0xffff, v10  }
0x4ae: {  	v10 =	vld [tilespmem:s20+$0x1460]  }
0x4af: {  	s3 =	sadd.s32 $0x12C00, s21;
	[tilespmem:s21+$0x12C00] =	vst.add.f32.msk $0xffff, v9  }
0x4b0: {  	s4 =	sadd.s32 $0x18C00, s21;
	s18 =	sor.u32 $0x10, s3;
	[tilespmem:s21+$0x18C00] =	vst.add.f32.msk $0xffff, v9  }
0x4b1: {  	s23 =	sor.u32 $0x10, s4;
	[tilespmem:s18+$0x0] =	vst.add.f32.msk $0xffff, v11  }
0x4b2: {  	[tilespmem:s23+$0x0] =	vst.add.f32.msk $0xffff, v11  }
0x4b3: {  	s24 =	sor.u32 $0x60, s0;
	v9 =	vld [tilespmem:s21+$0xC20]  }
0x4b4: {  	s25 =	sor.u32 $0x60, s1;
	[tilespmem:s24+$0x0] =	vst.add.f32.msk $0xffff, v10  }
0x4b5: {  	[tilespmem:s25+$0x0] =	vst.add.f32.msk $0xffff, v10  }
0x4b6: {  	v10 =	vld [tilespmem:s20+$0x1470]  }
0x4b7: {  	s26 =	sor.u32 $0x20, s3;
	v11 =	vld [tilespmem:s19+$0x1C40]  }
0x4b8: {  	s28 =	sor.u32 $0x20, s4;
	[tilespmem:s26+$0x0] =	vst.add.f32.msk $0xffff, v9  }
0x4b9: {  	[tilespmem:s28+$0x0] =	vst.add.f32.msk $0xffff, v9  }
0x4ba: {  	s0 =	sor.u32 $0x70, s0;
	v9 =	vld [tilespmem:s21+$0xC30]  }
0x4bb: {  	s7 =	sor.u32 $0x40, s2;
	[tilespmem:s0+$0x0] =	vst.add.f32.msk $0xffff, v10  }
0x4bc: {  	s1 =	sor.u32 $0x70, s1;
	[tilespmem:s7+$0x0] =	vst.add.f32.msk $0xffff, v11  }
0x4bd: {  	[tilespmem:s1+$0x0] =	vst.add.f32.msk $0xffff, v10  }
0x4be: {  	s5 =	sor.u32 $0x30, s3;
	v10 =	vld [tilespmem:s20+$0x1800]  }
0x4bf: {  	s6 =	sor.u32 $0x30, s4;
	[tilespmem:s5+$0x0] =	vst.add.f32.msk $0xffff, v9  }
0x4c0: {  	[tilespmem:s6+$0x0] =	vst.add.f32.msk $0xffff, v9  }
0x4c1: {  	s13 =	sor.u32 $0x40, s22;
	v9 =	vld [tilespmem:s21+$0xC40]  }
0x4c2: {  	[tilespmem:s13+$0x0] =	vst.add.f32.msk $0xffff, v11  }
0x4c3: {  	v12 =	vld [tilespmem:s20+$0x1810]  }
0x4c4: {  	v11 =	vld [tilespmem:s19+$0x1C50]  }
0x4c5: {  	s9 =	sor.u32 $0x40, s3;
	[tilespmem:s20+$0x13800] =	vst.add.f32.msk $0xffff, v10  }
0x4c6: {  	s10 =	sor.u32 $0x40, s4;
	[tilespmem:s9+$0x0] =	vst.add.f32.msk $0xffff, v9  }
0x4c7: {  	[tilespmem:s10+$0x0] =	vst.add.f32.msk $0xffff, v9  }
0x4c8: {  	s0 =	sadd.s32 $0x13800, s20;
	v9 =	vld [tilespmem:s21+$0xC50]  }
0x4c9: {  	s8 =	sor.u32 $0x10, s0;
	s1 =	sadd.s32 $0x19800, s20;
	[tilespmem:s20+$0x19800] =	vst.add.f32.msk $0xffff, v10  }
0x4ca: {  	s12 =	sor.u32 $0x10, s1;
	[tilespmem:s8+$0x0] =	vst.add.f32.msk $0xffff, v12  }
0x4cb: {  	[tilespmem:s12+$0x0] =	vst.add.f32.msk $0xffff, v12  }
0x4cc: {  	s14 =	sor.u32 $0x50, s3;
	v10 =	vld [tilespmem:s20+$0x1820]  }
0x4cd: {  	s15 =	sor.u32 $0x50, s4;
	[tilespmem:s14+$0x0] =	vst.add.f32.msk $0xffff, v9  }
0x4ce: {  	[tilespmem:s15+$0x0] =	vst.add.f32.msk $0xffff, v9  }
0x4cf: {  	s18 =	sor.u32 $0x50, s2;
	v9 =	vld [tilespmem:s21+$0xC60]  }
0x4d0: {  	s16 =	sor.u32 $0x20, s0;
	[tilespmem:s18+$0x0] =	vst.add.f32.msk $0xffff, v11  }
0x4d1: {  	s17 =	sor.u32 $0x20, s1;
	[tilespmem:s16+$0x0] =	vst.add.f32.msk $0xffff, v10  }
0x4d2: {  	[tilespmem:s17+$0x0] =	vst.add.f32.msk $0xffff, v10  }
0x4d3: {  	s23 =	sor.u32 $0x60, s3;
	v10 =	vld [tilespmem:s20+$0x1830]  }
0x4d4: {  	s24 =	sor.u32 $0x60, s4;
	[tilespmem:s23+$0x0] =	vst.add.f32.msk $0xffff, v9  }
0x4d5: {  	[tilespmem:s24+$0x0] =	vst.add.f32.msk $0xffff, v9  }
0x4d6: {  	s28 =	sor.u32 $0x50, s22;
	v9 =	vld [tilespmem:s21+$0xC70]  }
0x4d7: {  	s25 =	sor.u32 $0x30, s0;
	[tilespmem:s28+$0x0] =	vst.add.f32.msk $0xffff, v11  }
0x4d8: {  	s26 =	sor.u32 $0x30, s1;
	[tilespmem:s25+$0x0] =	vst.add.f32.msk $0xffff, v10  }
0x4d9: {  	[tilespmem:s26+$0x0] =	vst.add.f32.msk $0xffff, v10  }
0x4da: {  	s3 =	sor.u32 $0x70, s3;
	v10 =	vld [tilespmem:s20+$0x1840]  }
0x4db: {  	s4 =	sor.u32 $0x70, s4;
	[tilespmem:s3+$0x0] =	vst.add.f32.msk $0xffff, v9  }
0x4dc: {  	[tilespmem:s4+$0x0] =	vst.add.f32.msk $0xffff, v9  }
0x4dd: {  	v9 =	vld [tilespmem:s21+$0x1000]  }
0x4de: {  	s4 =	sor.u32 $0x40, s0;
	v11 =	vld [tilespmem:s21+$0x1010]  }
0x4df: {  	s5 =	sor.u32 $0x40, s1;
	[tilespmem:s4+$0x0] =	vst.add.f32.msk $0xffff, v10  }
0x4e0: {  	[tilespmem:s5+$0x0] =	vst.add.f32.msk $0xffff, v10  }
0x4e1: {  	v10 =	vld [tilespmem:s20+$0x1850]  }
0x4e2: {  	s26 =	sadd.s32 $0x13000, s21;
	[tilespmem:s21+$0x13000] =	vst.add.f32.msk $0xffff, v9  }
0x4e3: {  	s29 =	sadd.s32 $0x19000, s21;
	s6 =	sor.u32 $0x10, s26;
	[tilespmem:s21+$0x19000] =	vst.add.f32.msk $0xffff, v9  }
0x4e4: {  	s7 =	sor.u32 $0x10, s29;
	[tilespmem:s6+$0x0] =	vst.add.f32.msk $0xffff, v11  }
0x4e5: {  	[tilespmem:s7+$0x0] =	vst.add.f32.msk $0xffff, v11  }
0x4e6: {  	s8 =	sor.u32 $0x50, s0;
	v11 =	vld [tilespmem:s21+$0x1020]  }
0x4e7: {  	s9 =	sor.u32 $0x50, s1;
	[tilespmem:s8+$0x0] =	vst.add.f32.msk $0xffff, v10  }
0x4e8: {  	[tilespmem:s9+$0x0] =	vst.add.f32.msk $0xffff, v10  }
0x4e9: {  	v10 =	vld [tilespmem:s20+$0x1860]  }
0x4ea: {  	s10 =	sor.u32 $0x20, s26;
	v9 =	vld [tilespmem:s19+$0x1C60]  }
0x4eb: {  	s12 =	sor.u32 $0x20, s29;
	[tilespmem:s10+$0x0] =	vst.add.f32.msk $0xffff, v11  }
0x4ec: {  	[tilespmem:s12+$0x0] =	vst.add.f32.msk $0xffff, v11  }
0x4ed: {  	s13 =	sor.u32 $0x60, s0;
	v11 =	vld [tilespmem:s21+$0x1030]  }
0x4ee: {  	s14 =	sor.u32 $0x60, s1;
	[tilespmem:s13+$0x0] =	vst.add.f32.msk $0xffff, v10  }
0x4ef: {  	[tilespmem:s14+$0x0] =	vst.add.f32.msk $0xffff, v10  }
0x4f0: {  	s15 =	sor.u32 $0x60, s2;
	v10 =	vld [tilespmem:s20+$0x1870]  }
0x4f1: {  	s16 =	sor.u32 $0x30, s26;
	[tilespmem:s15+$0x0] =	vst.add.f32.msk $0xffff, v9  }
0x4f2: {  	s17 =	sor.u32 $0x30, s29;
	[tilespmem:s16+$0x0] =	vst.add.f32.msk $0xffff, v11  }
0x4f3: {  	[tilespmem:s17+$0x0] =	vst.add.f32.msk $0xffff, v11  }
0x4f4: {  	s0 =	sor.u32 $0x70, s0;
	v12 =	vld [tilespmem:s21+$0x1040]  }
0x4f5: {  	s18 =	sor.u32 $0x70, s1;
	[tilespmem:s0+$0x0] =	vst.add.f32.msk $0xffff, v10  }
0x4f6: {  	[tilespmem:s18+$0x0] =	vst.add.f32.msk $0xffff, v10  }
0x4f7: {  	v11 =	vld [tilespmem:s20+$0x1C00]  }
0x4f8: {  	s23 =	sor.u32 $0x40, s26;
	v10 =	vld [tilespmem:s20+$0x1C10]  }
0x4f9: {  	s31 =	simm.s32 $0x3;
	s28 =	sor.u32 $0x40, s29;
	s24 =	sadd.s32 $0x13C00, s20;
	[tilespmem:s23+$0x0] =	vst.add.f32.msk $0xffff, v12  }
0x4fa: {  	s30 =	sadd.s32 $0x13400, s21;
	s25 =	sadd.s32 $0x19C00, s20;
	s1 =	sor.u32 $0x10, s24;
	[tilespmem:s28+$0x0] =	vst.add.f32.msk $0xffff, v12  }
0x4fb: {  	s6 =	sadd.s32 $0x19C00, s21;
	s7 =	sadd.s32 $0x19400, s21;
	s14 =	sadd.s32 $0x13C00, s21;
	v12 =	vld [tilespmem:s21+$0x1050]  }
0x4fc: {  	s15 =	sadd.s32 $0x13800, s21;
	s8 =	sor.u32 $0x10, s14;
	s16 =	sadd.s32 $0x19800, s21;
	[tilespmem:s20+$0x13C00] =	vst.add.f32.msk $0xffff, v11  }
.LBB2_15:
0x4fd: {  	[tilespmem:s20+$0x19C00] =	vst.add.f32.msk $0xffff, v11  }
0x4fe: {  	s28 =	sor.u32 $0x10, s25;
	[tilespmem:s1+$0x0] =	vst.add.f32.msk $0xffff, v10  }
0x4ff: {  	s0 =	sshrl.u32 s31, $0x3;
	s4 =	sor.u32 $0x50, s26;
	[tilespmem:s28+$0x0] =	vst.add.f32.msk $0xffff, v10  }
0x500: {  	s11 =	sadd.s32 $0x80, s11;
	s9 =	sor.u32 $0x50, s29;
	s0 =	smul.u32 $0x1800, s0;
	[tilespmem:s4+$0x0] =	vst.add.f32.msk $0xffff, v12  }
0x501: {  	s3 =	sand.u32 $0x380, s11;
	[tilespmem:s9+$0x0] =	vst.add.f32.msk $0xffff, v12  }
0x502: {  	s10 =	sor.u32 s3, s0;
	v10 =	vld [tilespmem:s21+$0x1060]  }
0x503: {  	v11 =	vld [tilespmem:s10+$0x800]  }
0x504: {  	s17 =	sor.u32 $0x60, s22;
	v12 =	vld [tilespmem:s20+$0x1C20]  }
0x505: {  	s13 =	sadd.s32 $0x13800, s10;
	[tilespmem:s17+$0x0] =	vst.add.f32.msk $0xffff, v9  }
0x506: {  	[dreg:$0x6] =	wrdreg s13;
	s13 =	sor.u32 $0x60, s26;
	v9 =	vld [tilespmem:s19+$0x1C70]  }
0x507: {  	s19 =	smov.u32 s20;
	s20 =	smov.u32 s21;
	s21 =	smov.u32 s10;
	[tilespmem:s13+$0x0] =	vst.add.f32.msk $0xffff, v10  }
0x508: {  	[tilespmem:s21+$0x12800] =	vst.add.f32.msk $0xffff, v11  }
0x509: {  	s23 =	sor.u32 $0x60, s29;
	v13 =	vld [tilespmem:s21+$0x810]  }
0x50a: {  	s5 =	smov.u32 s8;
	[tilespmem:s23+$0x0] =	vst.add.f32.msk $0xffff, v10  }
0x50b: {  	[dreg:$0x5] =	wrdreg s5;
	s18 =	sadd.s32 $0x12800, s10;
	v10 =	vld [tilespmem:s20+$0x1070]  }
0x50c: {  	s5 =	sadd.s32 $0x13000, s10;
	s12 =	sadd.s32 $0x19000, s10;
	s23 =	sor.u32 $0x20, s24;
	[tilespmem:s21+$0x18800] =	vst.add.f32.msk $0xffff, v11  }
0x50d: {  	s0 =	sadd.s32 $0x19400, s10;
	s4 =	sadd.s32 $0x19800, s10;
	s13 =	sor.u32 $0x20, s25;
	[tilespmem:s23+$0x0] =	vst.add.f32.msk $0xffff, v12  }
0x50e: {  	s28 =	sadd.s32 $0x13C00, s10;
	s3 =	sadd.s32 $0x18800, s10;
	s17 =	sor.u32 $0x10, s18;
	[tilespmem:s13+$0x0] =	vst.add.f32.msk $0xffff, v12  }
0x50f: {  	s1 =	sadd.s32 $0x19C00, s10;
	s9 =	sadd.s32 $0x13400, s10;
	s10 =	sor.u32 $0x10, s3;
	[tilespmem:s17+$0x0] =	vst.add.f32.msk $0xffff, v13  }
0x510: {  	[tilespmem:s10+$0x0] =	vst.add.f32.msk $0xffff, v13  }
0x511: {  	s17 =	sor.u32 $0x70, s26;
	v11 =	vld [tilespmem:s21+$0x820]  }
0x512: {  	s10 =	sor.u32 $0x70, s29;
	[tilespmem:s17+$0x0] =	vst.add.f32.msk $0xffff, v10  }
0x513: {  	[tilespmem:s10+$0x0] =	vst.add.f32.msk $0xffff, v10  }
0x514: {  	v10 =	vld [tilespmem:s20+$0x1400]  }
0x515: {  	s23 =	sor.u32 $0x20, s18;
	v12 =	vld [tilespmem:s20+$0x1410]  }
0x516: {  	s13 =	sor.u32 $0x20, s3;
	[tilespmem:s23+$0x0] =	vst.add.f32.msk $0xffff, v11  }
0x517: {  	[tilespmem:s13+$0x0] =	vst.add.f32.msk $0xffff, v11  }
0x518: {  	v11 =	vld [tilespmem:s21+$0x830]  }
0x519: {  	[tilespmem:s20+$0x13400] =	vst.add.f32.msk $0xffff, v10  }
0x51a: {  	s17 =	sor.u32 $0x10, s30;
	[tilespmem:s20+$0x19400] =	vst.add.f32.msk $0xffff, v10  }
0x51b: {  	s23 =	sor.u32 $0x10, s7;
	[tilespmem:s17+$0x0] =	vst.add.f32.msk $0xffff, v12  }
0x51c: {  	s26 =	smov.u32 s5;
	s5 =	sor.u32 $0x30, s18;
	[tilespmem:s23+$0x0] =	vst.add.f32.msk $0xffff, v12  }
0x51d: {  	s10 =	sor.u32 $0x30, s3;
	[tilespmem:s5+$0x0] =	vst.add.f32.msk $0xffff, v11  }
0x51e: {  	[tilespmem:s10+$0x0] =	vst.add.f32.msk $0xffff, v11  }
0x51f: {  	v10 =	vld [tilespmem:s21+$0x840]  }
0x520: {  	v11 =	vld [tilespmem:s20+$0x1420]  }
0x521: {  	s17 =	sor.u32 $0x70, s2;
	v12 =	vld [tilespmem:s19+$0x1C30]  }
0x522: {  	s23 =	sor.u32 $0x70, s22;
	[tilespmem:s17+$0x0] =	vst.add.f32.msk $0xffff, v9  }
0x523: {  	s13 =	sor.u32 $0x40, s18;
	[tilespmem:s23+$0x0] =	vst.add.f32.msk $0xffff, v9  }
0x524: {  	s5 =	sor.u32 $0x40, s3;
	[tilespmem:s13+$0x0] =	vst.add.f32.msk $0xffff, v10  }
0x525: {  	[tilespmem:s5+$0x0] =	vst.add.f32.msk $0xffff, v10  }
0x526: {  	s17 =	sor.u32 $0x20, s30;
	v9 =	vld [tilespmem:s21+$0x850]  }
0x527: {  	s23 =	sor.u32 $0x20, s7;
	[tilespmem:s17+$0x0] =	vst.add.f32.msk $0xffff, v11  }
0x528: {  	s8 =	sor.u32 $0x10, s28;
	s2 =	smov.u32 s24;
	[tilespmem:s23+$0x0] =	vst.add.f32.msk $0xffff, v11  }
0x529: {  	s24 =	smov.u32 s14;
	s14 =	smov.u32 s28;
	s28 =	sor.u32 $0x30, s2;
	v10 =	vld [tilespmem:s20+$0x1430]  }
0x52a: {  	s29 =	smov.u32 s12;
	s12 =	sor.u32 $0x50, s18;
	[tilespmem:s28+$0x0] =	vst.add.f32.msk $0xffff, v12  }
0x52b: {  	s13 =	sor.u32 $0x50, s3;
	[tilespmem:s12+$0x0] =	vst.add.f32.msk $0xffff, v9  }
0x52c: {  	[tilespmem:s13+$0x0] =	vst.add.f32.msk $0xffff, v9  }
0x52d: {  	s13 =	sor.u32 $0x30, s30;
	v9 =	vld [tilespmem:s21+$0x860]  }
0x52e: {  	s17 =	sor.u32 $0x30, s7;
	[tilespmem:s13+$0x0] =	vst.add.f32.msk $0xffff, v10  }
0x52f: {  	s22 =	smov.u32 s25;
	[tilespmem:s17+$0x0] =	vst.add.f32.msk $0xffff, v10  }
0x530: {  	s23 =	sor.u32 $0x30, s22;
	v10 =	vld [tilespmem:s20+$0x1440]  }
0x531: {  	s10 =	sor.u32 $0x60, s18;
	[tilespmem:s23+$0x0] =	vst.add.f32.msk $0xffff, v12  }
0x532: {  	s12 =	sor.u32 $0x60, s3;
	[tilespmem:s10+$0x0] =	vst.add.f32.msk $0xffff, v9  }
0x533: {  	[tilespmem:s12+$0x0] =	vst.add.f32.msk $0xffff, v9  }
0x534: {  	s17 =	sor.u32 $0x40, s30;
	v9 =	vld [tilespmem:s21+$0x870]  }
0x535: {  	s28 =	sor.u32 $0x70, s18;
	s18 =	sor.u32 $0x40, s7;
	[tilespmem:s17+$0x0] =	vst.add.f32.msk $0xffff, v10  }
0x536: {  	[tilespmem:s18+$0x0] =	vst.add.f32.msk $0xffff, v10  }
0x537: {  	v10 =	vld [tilespmem:s20+$0x1450]  }
0x538: {  	v11 =	vld [tilespmem:s19+$0x1C40]  }
0x539: {  	s13 =	sor.u32 $0x70, s3;
	[tilespmem:s28+$0x0] =	vst.add.f32.msk $0xffff, v9  }
0x53a: {  	[tilespmem:s13+$0x0] =	vst.add.f32.msk $0xffff, v9  }
0x53b: {  	v9 =	vld [tilespmem:s21+$0xC00]  }
0x53c: {  	s12 =	sor.u32 $0x50, s30;
	v12 =	vld [tilespmem:s21+$0xC10]  }
0x53d: {  	s13 =	sor.u32 $0x50, s7;
	[tilespmem:s12+$0x0] =	vst.add.f32.msk $0xffff, v10  }
0x53e: {  	[tilespmem:s13+$0x0] =	vst.add.f32.msk $0xffff, v10  }
0x53f: {  	v10 =	vld [tilespmem:s20+$0x1460]  }
0x540: {  	s18 =	sadd.s32 $0x12C00, s21;
	[tilespmem:s21+$0x12C00] =	vst.add.f32.msk $0xffff, v9  }
0x541: {  	s3 =	sadd.s32 $0x18C00, s21;
	s23 =	sor.u32 $0x10, s18;
	[tilespmem:s21+$0x18C00] =	vst.add.f32.msk $0xffff, v9  }
0x542: {  	s28 =	sor.u32 $0x10, s3;
	[tilespmem:s23+$0x0] =	vst.add.f32.msk $0xffff, v12  }
0x543: {  	[tilespmem:s28+$0x0] =	vst.add.f32.msk $0xffff, v12  }
0x544: {  	s23 =	sor.u32 $0x60, s30;
	v9 =	vld [tilespmem:s21+$0xC20]  }
0x545: {  	s28 =	sor.u32 $0x60, s7;
	[tilespmem:s23+$0x0] =	vst.add.f32.msk $0xffff, v10  }
0x546: {  	[tilespmem:s28+$0x0] =	vst.add.f32.msk $0xffff, v10  }
0x547: {  	s12 =	sor.u32 $0x40, s2;
	v10 =	vld [tilespmem:s20+$0x1470]  }
0x548: {  	s17 =	sor.u32 $0x20, s18;
	[tilespmem:s12+$0x0] =	vst.add.f32.msk $0xffff, v11  }
0x549: {  	s25 =	smov.u32 s6;
	s6 =	smov.u32 s1;
	s1 =	sor.u32 $0x20, s3;
	[tilespmem:s17+$0x0] =	vst.add.f32.msk $0xffff, v9  }
0x54a: {  	[tilespmem:s1+$0x0] =	vst.add.f32.msk $0xffff, v9  }
0x54b: {  	s23 =	sor.u32 $0x70, s30;
	v9 =	vld [tilespmem:s21+$0xC30]  }
0x54c: {  	s28 =	sor.u32 $0x70, s7;
	[tilespmem:s23+$0x0] =	vst.add.f32.msk $0xffff, v10  }
0x54d: {  	[tilespmem:s28+$0x0] =	vst.add.f32.msk $0xffff, v10  }
0x54e: {  	v10 =	vld [tilespmem:s20+$0x1800]  }
0x54f: {  	s13 =	sor.u32 $0x30, s18;
	v12 =	vld [tilespmem:s20+$0x1810]  }
0x550: {  	s17 =	sor.u32 $0x30, s3;
	[tilespmem:s13+$0x0] =	vst.add.f32.msk $0xffff, v9  }
0x551: {  	[tilespmem:s17+$0x0] =	vst.add.f32.msk $0xffff, v9  }
0x552: {  	v9 =	vld [tilespmem:s21+$0xC40]  }
0x553: {  	[tilespmem:s20+$0x13800] =	vst.add.f32.msk $0xffff, v10  }
0x554: {  	s12 =	sor.u32 $0x10, s15;
	[tilespmem:s20+$0x19800] =	vst.add.f32.msk $0xffff, v10  }
0x555: {  	s13 =	sor.u32 $0x10, s16;
	[tilespmem:s12+$0x0] =	vst.add.f32.msk $0xffff, v12  }
0x556: {  	s30 =	smov.u32 s9;
	s9 =	sor.u32 $0x40, s18;
	[tilespmem:s13+$0x0] =	vst.add.f32.msk $0xffff, v12  }
0x557: {  	s10 =	sor.u32 $0x40, s3;
	[tilespmem:s9+$0x0] =	vst.add.f32.msk $0xffff, v9  }
0x558: {  	[tilespmem:s10+$0x0] =	vst.add.f32.msk $0xffff, v9  }
0x559: {  	v9 =	vld [tilespmem:s21+$0xC50];
	_ =	sdelay $0x1  }
0x55a: {  	s28 =	sor.u32 $0x40, s22;
	v10 =	vld [tilespmem:s20+$0x1820]  }
0x55b: {  	[tilespmem:s28+$0x0] =	vst.add.f32.msk $0xffff, v11  }
0x55c: {  	s17 =	sor.u32 $0x50, s18;
	v11 =	vld [tilespmem:s19+$0x1C50]  }
0x55d: {  	s23 =	sor.u32 $0x50, s3;
	[tilespmem:s17+$0x0] =	vst.add.f32.msk $0xffff, v9  }
0x55e: {  	[tilespmem:s23+$0x0] =	vst.add.f32.msk $0xffff, v9  }
0x55f: {  	s12 =	sor.u32 $0x20, s15;
	v9 =	vld [tilespmem:s21+$0xC60]  }
0x560: {  	s13 =	sor.u32 $0x20, s16;
	[tilespmem:s12+$0x0] =	vst.add.f32.msk $0xffff, v10  }
0x561: {  	[tilespmem:s13+$0x0] =	vst.add.f32.msk $0xffff, v10  }
0x562: {  	s17 =	sor.u32 $0x50, s2;
	v10 =	vld [tilespmem:s20+$0x1830]  }
0x563: {  	s5 =	sor.u32 $0x60, s18;
	[tilespmem:s17+$0x0] =	vst.add.f32.msk $0xffff, v11  }
0x564: {  	s10 =	sor.u32 $0x60, s3;
	[tilespmem:s5+$0x0] =	vst.add.f32.msk $0xffff, v9  }
0x565: {  	[tilespmem:s10+$0x0] =	vst.add.f32.msk $0xffff, v9  }
0x566: {  	s28 =	sor.u32 $0x30, s15;
	v9 =	vld [tilespmem:s21+$0xC70]  }
0x567: {  	s23 =	sor.u32 $0x70, s3;
	s3 =	sor.u32 $0x30, s16;
	[tilespmem:s28+$0x0] =	vst.add.f32.msk $0xffff, v10  }
0x568: {  	[tilespmem:s3+$0x0] =	vst.add.f32.msk $0xffff, v10  }
0x569: {  	s5 =	sor.u32 $0x50, s22;
	v10 =	vld [tilespmem:s20+$0x1840]  }
0x56a: {  	s18 =	sor.u32 $0x70, s18;
	[tilespmem:s5+$0x0] =	vst.add.f32.msk $0xffff, v11  }
0x56b: {  	[tilespmem:s18+$0x0] =	vst.add.f32.msk $0xffff, v9  }
0x56c: {  	[tilespmem:s23+$0x0] =	vst.add.f32.msk $0xffff, v9  }
0x56d: {  	v9 =	vld [tilespmem:s21+$0x1000]  }
0x56e: {  	s10 =	sor.u32 $0x40, s15;
	v11 =	vld [tilespmem:s21+$0x1010]  }
0x56f: {  	s12 =	sor.u32 $0x40, s16;
	[tilespmem:s10+$0x0] =	vst.add.f32.msk $0xffff, v10  }
0x570: {  	[tilespmem:s12+$0x0] =	vst.add.f32.msk $0xffff, v10  }
0x571: {  	v10 =	vld [tilespmem:s20+$0x1850]  }
0x572: {  	[tilespmem:s21+$0x13000] =	vst.add.f32.msk $0xffff, v9  }
0x573: {  	s13 =	sor.u32 $0x10, s26;
	[tilespmem:s21+$0x19000] =	vst.add.f32.msk $0xffff, v9  }
0x574: {  	s17 =	sor.u32 $0x10, s29;
	[tilespmem:s13+$0x0] =	vst.add.f32.msk $0xffff, v11  }
0x575: {  	[tilespmem:s17+$0x0] =	vst.add.f32.msk $0xffff, v11  }
0x576: {  	s18 =	sor.u32 $0x50, s15;
	v11 =	vld [tilespmem:s21+$0x1020]  }
0x577: {  	s23 =	sor.u32 $0x50, s16;
	[tilespmem:s18+$0x0] =	vst.add.f32.msk $0xffff, v10  }
0x578: {  	[tilespmem:s23+$0x0] =	vst.add.f32.msk $0xffff, v10  }
0x579: {  	v10 =	vld [tilespmem:s20+$0x1860]  }
0x57a: {  	s28 =	sor.u32 $0x20, s26;
	v9 =	vld [tilespmem:s19+$0x1C60]  }
0x57b: {  	s1 =	sor.u32 $0x20, s29;
	[tilespmem:s28+$0x0] =	vst.add.f32.msk $0xffff, v11  }
0x57c: {  	[tilespmem:s1+$0x0] =	vst.add.f32.msk $0xffff, v11  }
0x57d: {  	s3 =	sor.u32 $0x60, s15;
	v11 =	vld [tilespmem:s21+$0x1030]  }
0x57e: {  	s5 =	sor.u32 $0x60, s16;
	[tilespmem:s3+$0x0] =	vst.add.f32.msk $0xffff, v10  }
0x57f: {  	[tilespmem:s5+$0x0] =	vst.add.f32.msk $0xffff, v10  }
0x580: {  	s9 =	sor.u32 $0x60, s2;
	v10 =	vld [tilespmem:s20+$0x1870]  }
0x581: {  	s10 =	sor.u32 $0x30, s26;
	[tilespmem:s9+$0x0] =	vst.add.f32.msk $0xffff, v9  }
0x582: {  	s12 =	sor.u32 $0x30, s29;
	[tilespmem:s10+$0x0] =	vst.add.f32.msk $0xffff, v11  }
0x583: {  	[tilespmem:s12+$0x0] =	vst.add.f32.msk $0xffff, v11  }
0x584: {  	s13 =	sor.u32 $0x70, s15;
	v12 =	vld [tilespmem:s21+$0x1040]  }
0x585: {  	s18 =	sor.u32 $0x70, s16;
	[tilespmem:s13+$0x0] =	vst.add.f32.msk $0xffff, v10  }
0x586: {  	[tilespmem:s18+$0x0] =	vst.add.f32.msk $0xffff, v10  }
0x587: {  	p1 =	sne.s32 s31, $0x1F;
	v11 =	vld [tilespmem:s20+$0x1C00]  }
.Ltmp10:
0x588: {  	s23 =	sor.u32 $0x40, s26;
	v10 =	vld [tilespmem:s20+$0x1C10];
	(pc) =	sbr.rel @p1 .LBB2_15-.Ltmp10, $4  }
0x589: {  	s28 =	sor.u32 $0x40, s29;
	[tilespmem:s23+$0x0] =	vst.add.f32.msk $0xffff, v12  }
0x58a: {  	[tilespmem:s28+$0x0] =	vst.add.f32.msk $0xffff, v12  }
0x58b: {  	s31 =	sadd.s32 $0x1, s31;
	s7 =	smov.u32 s0;
	s17 =	rddreg [dreg:$0x6];
	v12 =	vld [tilespmem:s21+$0x1050]  }
0x58c: {  	s15 =	smov.u32 s17;
	s16 =	smov.u32 s4;
	s1 =	rddreg [dreg:$0x5];
	[tilespmem:s20+$0x13C00] =	vst.add.f32.msk $0xffff, v11  }
0x58d: {  	_ =	sdelay $0x1  }
0x58e: {  	s0 =	sor.u32 $0x50, s26  }
0x58f: {  	s17 =	sor.u32 $0x50, s29;
	[tilespmem:s0+$0x0] =	vst.add.f32.msk $0xffff, v12  }
0x590: {  	[tilespmem:s17+$0x0] =	vst.add.f32.msk $0xffff, v12  }
0x591: {  	v12 =	vld [tilespmem:s21+$0x1060];
	_ =	sdelay $0x3  }
0x592: {  	s18 =	sor.u32 $0x60, s26  }
0x593: {  	s23 =	sor.u32 $0x60, s29;
	[tilespmem:s18+$0x0] =	vst.add.f32.msk $0xffff, v12  }
0x594: {  	[tilespmem:s23+$0x0] =	vst.add.f32.msk $0xffff, v12  }
0x595: {  	v12 =	vld [tilespmem:s21+$0x1070];
	_ =	sdelay $0x3  }
0x596: {  	s28 =	sor.u32 $0x70, s26  }
0x597: {  	s29 =	sor.u32 $0x70, s29;
	[tilespmem:s28+$0x0] =	vst.add.f32.msk $0xffff, v12  }
0x598: {  	[tilespmem:s29+$0x0] =	vst.add.f32.msk $0xffff, v12  }
0x599: {  	v12 =	vld [tilespmem:s21+$0x1400];
	_ =	sdelay $0x1  }
0x59a: {  	v13 =	vld [tilespmem:s21+$0x1410];
	_ =	sdelay $0x2  }
0x59b: {  	[tilespmem:s21+$0x13400] =	vst.add.f32.msk $0xffff, v12  }
0x59c: {  	s31 =	sor.u32 $0x10, s30;
	[tilespmem:s21+$0x19400] =	vst.add.f32.msk $0xffff, v12  }
0x59d: {  	s3 =	sor.u32 $0x10, s7;
	[tilespmem:s31+$0x0] =	vst.add.f32.msk $0xffff, v13  }
0x59e: {  	[tilespmem:s3+$0x0] =	vst.add.f32.msk $0xffff, v13  }
0x59f: {  	v62 =	vld [tilespmem:s21+$0x1420];
	_ =	sdelay $0x3  }
0x5a0: {  	s4 =	sor.u32 $0x20, s30  }
0x5a1: {  	s5 =	sor.u32 $0x20, s7;
	[tilespmem:s4+$0x0] =	vst.add.f32.msk $0xffff, v62  }
0x5a2: {  	[tilespmem:s5+$0x0] =	vst.add.f32.msk $0xffff, v62  }
0x5a3: {  	v12 =	vld [tilespmem:s21+$0x1430];
	_ =	sdelay $0x3  }
0x5a4: {  	s9 =	sor.u32 $0x30, s30  }
0x5a5: {  	s10 =	sor.u32 $0x30, s7;
	[tilespmem:s9+$0x0] =	vst.add.f32.msk $0xffff, v12  }
0x5a6: {  	[tilespmem:s10+$0x0] =	vst.add.f32.msk $0xffff, v12  }
0x5a7: {  	v12 =	vld [tilespmem:s21+$0x1440];
	_ =	sdelay $0x3  }
0x5a8: {  	s11 =	sor.u32 $0x40, s30  }
0x5a9: {  	s12 =	sor.u32 $0x40, s7;
	[tilespmem:s11+$0x0] =	vst.add.f32.msk $0xffff, v12  }
0x5aa: {  	[tilespmem:s12+$0x0] =	vst.add.f32.msk $0xffff, v12  }
0x5ab: {  	v12 =	vld [tilespmem:s21+$0x1450];
	_ =	sdelay $0x3  }
0x5ac: {  	s13 =	sor.u32 $0x50, s30  }
0x5ad: {  	s17 =	sor.u32 $0x50, s7;
	[tilespmem:s13+$0x0] =	vst.add.f32.msk $0xffff, v12  }
0x5ae: {  	[tilespmem:s17+$0x0] =	vst.add.f32.msk $0xffff, v12  }
0x5af: {  	v12 =	vld [tilespmem:s21+$0x1460];
	_ =	sdelay $0x3  }
0x5b0: {  	s18 =	sor.u32 $0x60, s30  }
0x5b1: {  	s23 =	sor.u32 $0x60, s7;
	[tilespmem:s18+$0x0] =	vst.add.f32.msk $0xffff, v12  }
0x5b2: {  	[tilespmem:s23+$0x0] =	vst.add.f32.msk $0xffff, v12  }
0x5b3: {  	v12 =	vld [tilespmem:s21+$0x1470];
	_ =	sdelay $0x3  }
0x5b4: {  	s26 =	sor.u32 $0x70, s30  }
0x5b5: {  	s28 =	sor.u32 $0x70, s7;
	[tilespmem:s26+$0x0] =	vst.add.f32.msk $0xffff, v12  }
0x5b6: {  	[tilespmem:s28+$0x0] =	vst.add.f32.msk $0xffff, v12  }
0x5b7: {  	v12 =	vld [tilespmem:s21+$0x1800];
	_ =	sdelay $0x1  }
0x5b8: {  	v13 =	vld [tilespmem:s21+$0x1810];
	_ =	sdelay $0x2  }
0x5b9: {  	[tilespmem:s21+$0x13800] =	vst.add.f32.msk $0xffff, v12  }
0x5ba: {  	s29 =	sor.u32 $0x10, s15;
	[tilespmem:s21+$0x19800] =	vst.add.f32.msk $0xffff, v12  }
0x5bb: {  	s30 =	sor.u32 $0x10, s16;
	[tilespmem:s29+$0x0] =	vst.add.f32.msk $0xffff, v13  }
0x5bc: {  	[tilespmem:s30+$0x0] =	vst.add.f32.msk $0xffff, v13  }
0x5bd: {  	v63 =	vld [tilespmem:s21+$0x1820];
	_ =	sdelay $0x3  }
0x5be: {  	s31 =	sor.u32 $0x20, s15  }
0x5bf: {  	s3 =	sor.u32 $0x20, s16;
	[tilespmem:s31+$0x0] =	vst.add.f32.msk $0xffff, v63  }
0x5c0: {  	[tilespmem:s3+$0x0] =	vst.add.f32.msk $0xffff, v63  }
0x5c1: {  	v12 =	vld [tilespmem:s21+$0x1830];
	_ =	sdelay $0x3  }
0x5c2: {  	s4 =	sor.u32 $0x30, s15  }
0x5c3: {  	s5 =	sor.u32 $0x30, s16;
	[tilespmem:s4+$0x0] =	vst.add.f32.msk $0xffff, v12  }
0x5c4: {  	[tilespmem:s5+$0x0] =	vst.add.f32.msk $0xffff, v12  }
0x5c5: {  	v12 =	vld [tilespmem:s21+$0x1840];
	_ =	sdelay $0x3  }
0x5c6: {  	s7 =	sor.u32 $0x40, s15  }
0x5c7: {  	s9 =	sor.u32 $0x40, s16;
	[tilespmem:s7+$0x0] =	vst.add.f32.msk $0xffff, v12  }
0x5c8: {  	[tilespmem:s9+$0x0] =	vst.add.f32.msk $0xffff, v12  }
0x5c9: {  	v12 =	vld [tilespmem:s21+$0x1850];
	_ =	sdelay $0x3  }
0x5ca: {  	s10 =	sor.u32 $0x50, s15  }
0x5cb: {  	s11 =	sor.u32 $0x50, s16;
	[tilespmem:s10+$0x0] =	vst.add.f32.msk $0xffff, v12  }
0x5cc: {  	[tilespmem:s11+$0x0] =	vst.add.f32.msk $0xffff, v12  }
0x5cd: {  	v12 =	vld [tilespmem:s21+$0x1860];
	_ =	sdelay $0x3  }
0x5ce: {  	s12 =	sor.u32 $0x60, s15  }
0x5cf: {  	s13 =	sor.u32 $0x60, s16;
	[tilespmem:s12+$0x0] =	vst.add.f32.msk $0xffff, v12  }
0x5d0: {  	[tilespmem:s13+$0x0] =	vst.add.f32.msk $0xffff, v12  }
0x5d1: {  	v12 =	vld [tilespmem:s21+$0x1870];
	_ =	sdelay $0x3  }
0x5d2: {  	[tilespmem:s20+$0x19C00] =	vst.add.f32.msk $0xffff, v11;
	s17 =	sor.u32 $0x70, s15  }
0x5d3: {  	s18 =	sor.u32 $0x70, s16;
	[tilespmem:s17+$0x0] =	vst.add.f32.msk $0xffff, v12  }
0x5d4: {  	[tilespmem:s18+$0x0] =	vst.add.f32.msk $0xffff, v12  }
0x5d5: {  	v11 =	vld [tilespmem:s21+$0x1C00]  }
0x5d6: {  	[tilespmem:s1+$0x0] =	vst.add.f32.msk $0xffff, v10  }
0x5d7: {  	s23 =	sor.u32 $0x10, s25;
	v12 =	vld [tilespmem:s21+$0x1C10]  }
0x5d8: {  	[tilespmem:s23+$0x0] =	vst.add.f32.msk $0xffff, v10  }
0x5d9: {  	v10 =	vld [tilespmem:s20+$0x1C20]  }
0x5da: {  	[tilespmem:s21+$0x13C00] =	vst.add.f32.msk $0xffff, v11  }
0x5db: {  	[tilespmem:s21+$0x19C00] =	vst.add.f32.msk $0xffff, v11  }
0x5dc: {  	s26 =	sor.u32 $0x10, s6;
	[tilespmem:s8+$0x0] =	vst.add.f32.msk $0xffff, v12  }
0x5dd: {  	[tilespmem:s26+$0x0] =	vst.add.f32.msk $0xffff, v12  }
0x5de: {  	s28 =	sor.u32 $0x20, s24;
	v11 =	vld [tilespmem:s21+$0x1C20]  }
0x5df: {  	[tilespmem:s28+$0x0] =	vst.add.f32.msk $0xffff, v10;
	s29 =	sor.u32 $0x20, s25  }
0x5e0: {  	[tilespmem:s29+$0x0] =	vst.add.f32.msk $0xffff, v10  }
0x5e1: {  	v10 =	vld [tilespmem:s20+$0x1C30]  }
0x5e2: {  	s30 =	sor.u32 $0x20, s14  }
0x5e3: {  	s31 =	sor.u32 $0x20, s6;
	[tilespmem:s30+$0x0] =	vst.add.f32.msk $0xffff, v11  }
0x5e4: {  	[tilespmem:s31+$0x0] =	vst.add.f32.msk $0xffff, v11  }
0x5e5: {  	s1 =	sor.u32 $0x30, s24;
	v11 =	vld [tilespmem:s21+$0x1C30]  }
0x5e6: {  	[tilespmem:s1+$0x0] =	vst.add.f32.msk $0xffff, v10;
	s3 =	sor.u32 $0x30, s25  }
0x5e7: {  	[tilespmem:s3+$0x0] =	vst.add.f32.msk $0xffff, v10  }
0x5e8: {  	v10 =	vld [tilespmem:s20+$0x1C40]  }
0x5e9: {  	s4 =	sor.u32 $0x30, s14  }
0x5ea: {  	s5 =	sor.u32 $0x30, s6;
	[tilespmem:s4+$0x0] =	vst.add.f32.msk $0xffff, v11  }
0x5eb: {  	[tilespmem:s5+$0x0] =	vst.add.f32.msk $0xffff, v11  }
0x5ec: {  	s7 =	sor.u32 $0x40, s24;
	v11 =	vld [tilespmem:s21+$0x1C40]  }
0x5ed: {  	[tilespmem:s7+$0x0] =	vst.add.f32.msk $0xffff, v10;
	s8 =	sor.u32 $0x40, s25  }
0x5ee: {  	[tilespmem:s8+$0x0] =	vst.add.f32.msk $0xffff, v10  }
0x5ef: {  	s11 =	sor.u32 $0x60, s22;
	v10 =	vld [tilespmem:s20+$0x1C50]  }
0x5f0: {  	s9 =	sor.u32 $0x40, s14;
	[tilespmem:s11+$0x0] =	vst.add.f32.msk $0xffff, v9  }
0x5f1: {  	s10 =	sor.u32 $0x40, s6;
	[tilespmem:s9+$0x0] =	vst.add.f32.msk $0xffff, v11  }
0x5f2: {  	[tilespmem:s10+$0x0] =	vst.add.f32.msk $0xffff, v11  }
0x5f3: {  	s12 =	sor.u32 $0x50, s24;
	v11 =	vld [tilespmem:s21+$0x1C50]  }
0x5f4: {  	s13 =	sor.u32 $0x50, s25;
	[tilespmem:s12+$0x0] =	vst.add.f32.msk $0xffff, v10  }
0x5f5: {  	[tilespmem:s13+$0x0] =	vst.add.f32.msk $0xffff, v10  }
0x5f6: {  	v9 =	vld [tilespmem:s20+$0x1C60]  }
0x5f7: {  	s15 =	sor.u32 $0x50, s14  }
0x5f8: {  	s16 =	sor.u32 $0x50, s6;
	[tilespmem:s15+$0x0] =	vst.add.f32.msk $0xffff, v11  }
0x5f9: {  	[tilespmem:s16+$0x0] =	vst.add.f32.msk $0xffff, v11  }
0x5fa: {  	s17 =	sor.u32 $0x60, s24;
	v10 =	vld [tilespmem:s21+$0x1C60]  }
0x5fb: {  	s18 =	sor.u32 $0x60, s25;
	[tilespmem:s17+$0x0] =	vst.add.f32.msk $0xffff, v9  }
0x5fc: {  	[tilespmem:s18+$0x0] =	vst.add.f32.msk $0xffff, v9  }
0x5fd: {  	v9 =	vld [tilespmem:s20+$0x1C70]  }
0x5fe: {  	v11 =	vld [tilespmem:s19+$0x1C70];
	s19 =	sor.u32 $0x60, s14  }
0x5ff: {  	s20 =	sor.u32 $0x60, s6;
	[tilespmem:s19+$0x0] =	vst.add.f32.msk $0xffff, v10  }
0x600: {  	[tilespmem:s20+$0x0] =	vst.add.f32.msk $0xffff, v10  }
0x601: {  	s28 =	sor.u32 $0x70, s24;
	v10 =	vld [tilespmem:s21+$0x1C70]  }
0x602: {  	s29 =	sor.u32 $0x70, s25;
	[tilespmem:s28+$0x0] =	vst.add.f32.msk $0xffff, v9  }
0x603: {  	s23 =	sor.u32 $0x70, s2;
	[tilespmem:s29+$0x0] =	vst.add.f32.msk $0xffff, v9  }
0x604: {  	s26 =	sor.u32 $0x70, s22;
	[tilespmem:s23+$0x0] =	vst.add.f32.msk $0xffff, v11  }
0x605: {  	s30 =	sor.u32 $0x70, s14;
	[tilespmem:s26+$0x0] =	vst.add.f32.msk $0xffff, v11  }
0x606: {  	[tilespmem:s30+$0x0] =	vst.add.f32.msk $0xffff, v10  }
0x607: {  	s1 =	rddreg [dreg:$0x1f]  }
0x608: {  	p1 =	seq.s32 s1, $0x0  }
.Ltmp11:
0x609: {  	_ = 	snop;
	(pc) =	sbr.rel @p1 .LBB2_20-.Ltmp11, $4  }
0x60a: {  	_ = 	snop  }
0x60b: {  	s31 =	sor.u32 $0x70, s6  }
0x60c: {  	s0 =	simm.s32 $0x0;
	[tilespmem:s31+$0x0] =	vst.add.f32.msk $0xffff, v10  }
0x60d: {  	s12 =	simm.s32 $0x0;
	s1 =	simm.s32 $0x0;
	s10 =	rddreg [dreg:$0x1a]  }
.LBB2_17:
0x60e: {  	s2 =	sshrl.u32 s1, $0x3  }
0x60f: {  	s3 =	sshll.u32 s1, $0x7;
	s2 =	smul.u32 $0x1800, s2  }
0x610: {  	s3 =	sand.u32 $0x380, s3  }
0x611: {  	s4 =	sand.u32 $0x10, s1;
	s2 =	sor.u32 s3, s2  }
0x612: {  	s5 =	sand.u32 $0x1C00, s0;
	v9 =	vld [tilespmem:s4+$0x700];
	s3 =	sadd.s32 $0x12800, s2  }
0x613: {  	s6 =	sand.u32 $0x70, s0;
	s2 =	sadd.s32 $0x800, s2;
	s30 =	sadd.s32 s5, s3  }
0x614: {  	s5 =	sadd.s32 s5, s2;
	s4 =	sadd.s32 s6, s30  }
0x615: {  	s5 =	sadd.s32 s6, s5;
	v11 =	vld [tilespmem:s4+$0x0]  }
0x616: {  	v10 =	vmov s1;
	v12 =	vld [tilespmem:s5+$0x0]  }
0x617: {  	v9 =	vperm.xlane v9, v10;
	_ =	sdelay $0x1  }
0x618: {  	v10 =	vsub.f32 $1.000000000e+00, v9;
	_ =	sdelay $0x1  }
0x619: {  	v11 =	vmul.f32 v11, v10;
	v12 =	vmul.f32 v12, v9  }
0x61a: {  	s6 =	simm.s32 $0x80  }
0x61b: {  	s31 =	simm.s32 $0x10;
	s9 =	sand.u32 $0x1C00, s6;
	v11 =	vadd.f32 v12, v11  }
0x61c: {  	s7 =	simm.s32 $0x20;
	s8 =	sand.u32 $0x70, s31;
	s11 =	sadd.s32 s9, s3  }
.LBB2_18:
0x61d: {  	p1 =	sne.s32 s7, $0x2F0;
	s5 =	sadd.s32 s9, s2;
	[tilespmem:s4+$0x0] =	vst v11;
	s4 =	sadd.s32 s8, s11  }
0x61e: {  	v11 =	vld [tilespmem:s4+$0x0];
	s5 =	sadd.s32 s8, s5  }
0x61f: {  	v12 =	vld [tilespmem:s5+$0x0];
	_ =	sdelay $0x3  }
.Ltmp12:
0x620: {  	(pc) =	sbr.rel @p1 .LBB2_18-.Ltmp12, $4  }
0x621: {  	v11 =	vmul.f32 v11, v10;
	v12 =	vmul.f32 v12, v9  }
0x622: {  	s6 =	sadd.s32 $0x80, s6  }
0x623: {  	s9 =	sand.u32 $0x1C00, s6;
	v11 =	vadd.f32 v12, v11  }
0x624: {  	s8 =	sand.u32 $0x70, s7;
	s7 =	sadd.s32 $0x10, s7;
	s11 =	sadd.s32 s9, s3  }
0x625: {  	s3 =	sadd.s32 s8, s11;
	s2 =	sadd.s32 s9, s2;
	[tilespmem:s4+$0x0] =	vst v11  }
0x626: {  	v11 =	vld [tilespmem:s3+$0x0];
	s2 =	sadd.s32 s8, s2  }
0x627: {  	v12 =	vld [tilespmem:s2+$0x0];
	_ =	sdelay $0x2  }
0x628: {  	s1 =	sadd.s32 $0x1, s1  }
0x629: {  	p1 =	sne.s32 s1, $0x20  }
.Ltmp13:
0x62a: {  	v10 =	vmul.f32 v11, v10;
	v9 =	vmul.f32 v12, v9;
	(pc) =	sbr.rel @p1 .LBB2_17-.Ltmp13, $3  }
0x62b: {  	_ = 	snop  }
0x62c: {  	v9 =	vadd.f32 v9, v10;
	_ =	sdelay $0x1  }
0x62d: {  	[tilespmem:s3+$0x0] =	vst v9  }
.LBB2_20:
0x62e: {  	s0 =	rddreg [dreg:$0x1d]  }
0x62f: {  	p1 =	seq.s32 s0, $0x0  }
.Ltmp14:
0x630: {  	_ = 	snop;
	(pc) =	sbr.rel @p1 .LBB2_24-.Ltmp14, $2  }
0x631: {  	_ =	sdelay $0x2  }
0x632: {  	s1 =	simm.s32 $0x0;
	s13 =	rddreg [dreg:$0x19];
	s0 =	simm.s32 $0x0  }
.LBB2_21:
0x633: {  	s2 =	sshrl.u32 s1, $0x3  }
0x634: {  	s3 =	sshll.u32 s1, $0x7;
	s2 =	smul.u32 $0x1800, s2  }
0x635: {  	s3 =	sand.u32 $0x380, s3  }
0x636: {  	s4 =	sand.u32 $0x10, s1;
	s2 =	sor.u32 s3, s2  }
0x637: {  	s5 =	sand.u32 $0x1C00, s0;
	v9 =	vld [tilespmem:s4+$0x780];
	s3 =	sadd.s32 $0x18800, s2  }
0x638: {  	s6 =	sand.u32 $0x70, s0;
	s2 =	sadd.s32 $0x800, s2;
	s30 =	sadd.s32 s5, s3  }
0x639: {  	s5 =	sadd.s32 s5, s2;
	s4 =	sadd.s32 s6, s30  }
0x63a: {  	s5 =	sadd.s32 s6, s5;
	v11 =	vld [tilespmem:s4+$0x0]  }
0x63b: {  	v10 =	vmov s1;
	v12 =	vld [tilespmem:s5+$0x0]  }
0x63c: {  	v9 =	vperm.xlane v9, v10;
	_ =	sdelay $0x1  }
0x63d: {  	v10 =	vsub.f32 $1.000000000e+00, v9;
	_ =	sdelay $0x1  }
0x63e: {  	v11 =	vmul.f32 v11, v10;
	v12 =	vmul.f32 v12, v9  }
0x63f: {  	s6 =	simm.s32 $0x80  }
0x640: {  	s31 =	simm.s32 $0x10;
	s9 =	sand.u32 $0x1C00, s6;
	v11 =	vadd.f32 v12, v11  }
0x641: {  	s7 =	simm.s32 $0x20;
	s8 =	sand.u32 $0x70, s31;
	s11 =	sadd.s32 s9, s3  }
.LBB2_22:
0x642: {  	p1 =	sne.s32 s7, $0x2F0;
	s5 =	sadd.s32 s9, s2;
	[tilespmem:s4+$0x0] =	vst v11;
	s4 =	sadd.s32 s8, s11  }
0x643: {  	v11 =	vld [tilespmem:s4+$0x0];
	s5 =	sadd.s32 s8, s5  }
0x644: {  	v12 =	vld [tilespmem:s5+$0x0];
	_ =	sdelay $0x3  }
.Ltmp15:
0x645: {  	(pc) =	sbr.rel @p1 .LBB2_22-.Ltmp15, $4  }
0x646: {  	v11 =	vmul.f32 v11, v10;
	v12 =	vmul.f32 v12, v9  }
0x647: {  	s6 =	sadd.s32 $0x80, s6  }
0x648: {  	s9 =	sand.u32 $0x1C00, s6;
	v11 =	vadd.f32 v12, v11  }
0x649: {  	s8 =	sand.u32 $0x70, s7;
	s7 =	sadd.s32 $0x10, s7;
	s11 =	sadd.s32 s9, s3  }
0x64a: {  	s3 =	sadd.s32 s8, s11;
	s2 =	sadd.s32 s9, s2;
	[tilespmem:s4+$0x0] =	vst v11  }
0x64b: {  	v11 =	vld [tilespmem:s3+$0x0];
	s2 =	sadd.s32 s8, s2  }
0x64c: {  	v12 =	vld [tilespmem:s2+$0x0];
	_ =	sdelay $0x2  }
0x64d: {  	s1 =	sadd.s32 $0x1, s1  }
0x64e: {  	p1 =	sne.s32 s1, $0x20  }
.Ltmp16:
0x64f: {  	v10 =	vmul.f32 v11, v10;
	v9 =	vmul.f32 v12, v9;
	(pc) =	sbr.rel @p1 .LBB2_21-.Ltmp16, $3  }
0x650: {  	_ = 	snop  }
0x651: {  	v9 =	vadd.f32 v9, v10;
	_ =	sdelay $0x1  }
0x652: {  	[tilespmem:s3+$0x0] =	vst v9  }
.LBB2_24:
0x653: {  	s0 =	rddreg [dreg:$0x10]  }
.Ltmp17:
0x654: {  	s1 =	rddreg [dreg:$0x1e];
	(pc) =	sbr.rel @p0 .LBB2_26-.Ltmp17, $4  }
0x655: {  	s4 =	simm.s32 $0x12800;
	s31 =	rddreg [dreg:$0x11];
	s0 =	sadd.s32 s1, s0  }
0x656: {  	[hbm4b:s0+s12] =	stream.linear.scatter [tilespmem:s4], [sflag:$0x8], $0x6000, $0x38;
	[tilespmem:$0x1E800] =	vst v63  }
0x657: {  	s5 =	simm.s32 $0x18800;
	s0 =	sadd.s32 s1, s31  }
0x658: {  	[hbm4b:s0+s12] =	stream.linear.scatter [tilespmem:s5], [sflag:$0x9], $0x6000, $0x38;
	[tilespmem:$0x1E800] =	vst v63  }
0x659: {  	s0 =	rddreg [dreg:$0x12]  }
0x65a: {  	s0 =	sadd.s32 s10, s0  }
.Ltmp18:
0x65b: {  	s0 =	sshrl.u32 s0, $0x3;
	(pc) =	sbr.rel .LBB2_2-.Ltmp18, $4  }
0x65c: {  	s1 =	rddreg [dreg:$0x2];
	s0 =	smul.u32 $0x300, s0  }
0x65d: {  	s31 =	simm.s32 $0x800;
	s8 =	rddreg [dreg:$0x1c]  }
0x65e: {  	s13 =	sadd.s32 $0x1, s13;
	s10 =	rddreg [dreg:$0x1b];
	s0 =	sadd.s32 s1, s0  }
0x65f: {  	[tilespmem:s31], [sflag:$0xA] =	stream.linear.gather [hbm4b:s0+s12], $0x6000, $0x38;
	[tilespmem:$0x1E800] =	vst v63  }
.LBB2_27:
0x660: {  	_ =	sfence.sel $0x180000  }
0x661: {  	[bflag:$0x0] =	sbarrier.arrive $0xFFFF  }
0x662: {  	_ =	strace $0x90000047  }
0x663: {  	s0 =	stileid.u32;
	[bflag:$0x2] =	sbarrier.arrive $0xFFFF  }
0x664: {  	p0 =	sne.s32 s0, $0x0;
	s0 =	rddreg [dreg:$0x4]  }
0x665: {  	s0 =	sadd.s32 @!p0 $0x100000, s0  }
0x666: {  	[sflag:s0] =	ssyncadd.tile.s32 @!p0 $0x1;
	_ =	shalt  }
.Lfunc_end2:
_tile_overlayer_lowered:
.L_overlay_start_2:
0x667: {  	(tag) =	ssettag $0x2  }
0x668: {  	s0 =	rddreg [dreg:$0x0];
	s2 =	stileid.u32  }
0x669: {  	s1 =	rddreg [dreg:$0x1];
	p0 =	sne.s32 s2, $0x0  }
0x66a: {  	s3 =	rddreg [dreg:$0x2];
	[bflag:$0x3] =	sbarrier.arrive $0xFFFF;
	s2 =	simm.s32 @!p0 $0x1C0B  }
0x66b: {  	[timem:s3], [sflag:s2] =	dma.local @!p0 [hbm:s0], s1  }
0x66c: {  	s0 =	simm.s32 @!p0 $0xB  }
0x66d: {  	_ =	swait.ge @!p0 [sflag:s0], s1  }
0x66e: {  	s1 =	ssub.s32 @!p0 $0x0, s1;
	[sflag:s0] =	ssyncset.done @!p0 $0x0  }
0x66f: {  	[sflag:s0] =	ssyncadd.s32 @!p0 s1  }
0x670: {  	[bflag:$0x3] =	sbarrier.arrive $0xFFFF  }
0x671: {  	_ =	shalt  }

</sc_bundles>
